<compile_context>
chip_gen: v7x
topology: tpu7x:2x2x1
jax: 0.10.2.dev20260603
libtpu: 0.0.44.dev20260713+nightly
codegen_flags: <defaults>
</compile_context>

<pallas_src>
import functools

import jax
import jax.numpy as jnp
from jax import lax
from jax.experimental import pallas as pl
from jax.experimental.pallas import tpu as pltpu
from jax.experimental.pallas import tpu_sc as plsc

_SIGMA = 3.0
_BLK = 40
_LN2 = 0.6931471805599453
_SQRT2 = 1.4142135623730951


def _newton_sqrt(x):
  i = lax.bitcast_convert_type(x, jnp.int32)
  y = lax.bitcast_convert_type(0x5F3759DF - (i >> 1), jnp.float32)
  for _ in range(3):
    y = y * (1.5 - 0.5 * x * y * y)
  return x * y


def _log(x):
  bits = lax.bitcast_convert_type(x, jnp.int32)
  e = (bits >> 23) - 127
  m = lax.bitcast_convert_type((bits & 0x007FFFFF) | 0x3F800000, jnp.float32)
  big = m > _SQRT2
  m = jnp.where(big, 0.5 * m, m)
  ef = e.astype(jnp.float32) + jnp.where(big, 1.0, 0.0)
  u = (m - 1.0) / (m + 1.0)
  u2 = u * u
  p = 1.0 + u2 * (1.0 / 3.0 + u2 * (1.0 / 5.0 + u2 * (1.0 / 7.0 + u2 / 9.0)))
  return ef * _LN2 + 2.0 * u * p


def _sc_loss(pred, km):
  mesh = plsc.VectorSubcoreMesh(
      core_axis_name="c", subcore_axis_name="s", num_cores=1, num_subcores=16)

  @functools.partial(
      pl.kernel,
      mesh=mesh,
      out_type=[
          jax.ShapeDtypeStruct((16, 16), jnp.float32),
          jax.ShapeDtypeStruct((16,), jnp.float32),
      ],
      compiler_params=pltpu.CompilerParams(
          needs_layout_passes=False, use_tc_tiling_on_sc=False),
      scratch_types=[
          pltpu.VMEM((_BLK, _BLK), jnp.float32),
          pltpu.VMEM((_BLK, _BLK), jnp.float32),
          pltpu.VMEM((_BLK, _BLK), jnp.int32),
          pltpu.VMEM((16,), jnp.float32),
          pltpu.VMEM((16,), jnp.float32),
          pltpu.VMEM((16, 16), jnp.float32),
          pltpu.VMEM((16,), jnp.float32),
          pltpu.VMEM((16,), jnp.float32),
          pltpu.SemaphoreType.DMA,
      ],
  )
  def body(pred_hbm, km_hbm, stage_hbm, out_hbm, pbufa, pbufb, kbuf, gbuf,
           sbuf, allbuf, wbuf, tbuf, sem):
    sid = lax.axis_index("s")
    blk = sid // 2
    cha = lax.rem(sid, 2) * 2
    r0 = 64 + (blk // 4) * 256
    c0 = 32 + lax.rem(blk, 4) * 128

    cp_a = pltpu.async_copy(
        pred_hbm.at[cha, pl.ds(r0, _BLK), pl.ds(c0, _BLK)], pbufa, sem)
    cp_b = pltpu.async_copy(
        pred_hbm.at[cha + 1, pl.ds(r0, _BLK), pl.ds(c0, _BLK)], pbufb, sem)
    cp_k = pltpu.async_copy(
        km_hbm.at[pl.ds(r0, _BLK), pl.ds(c0, _BLK)], kbuf, sem)
    cp_a.wait()
    cp_b.wait()
    cp_k.wait()

    lane = jnp.arange(16, dtype=jnp.int32)
    hi8 = lane >= 8
    zero = jnp.zeros((16,), jnp.float32)
    one = jnp.ones((16,), jnp.float32)

    def lane_total(v):
      for k in (8, 4, 2, 1):
        gbuf[...] = v
        v = v + plsc.load_gather(gbuf, [jnp.bitwise_xor(lane, k)])
      return v

    a0 = a1 = a2 = zero
    b0 = b1 = b2 = zero
    c0_ = c1 = c2 = zero
    for r in range(_BLK):
      m0 = kbuf[r, pl.ds(0, 16)] != 0
      m1 = kbuf[r, pl.ds(16, 16)] != 0
      m2 = (kbuf[r, pl.ds(24, 16)] != 0) & hi8
      a0 = a0 + jnp.where(m0, pbufa[r, pl.ds(0, 16)], zero)
      a1 = a1 + jnp.where(m1, pbufa[r, pl.ds(16, 16)], zero)
      a2 = a2 + jnp.where(m2, pbufa[r, pl.ds(24, 16)], zero)
      b0 = b0 + jnp.where(m0, pbufb[r, pl.ds(0, 16)], zero)
      b1 = b1 + jnp.where(m1, pbufb[r, pl.ds(16, 16)], zero)
      b2 = b2 + jnp.where(m2, pbufb[r, pl.ds(24, 16)], zero)
      c0_ = c0_ + jnp.where(m0, one, zero)
      c1 = c1 + jnp.where(m1, one, zero)
      c2 = c2 + jnp.where(m2, one, zero)

    sa = lane_total(a0 + a1 + a2)
    sb = lane_total(b0 + b1 + b2)
    cn = lane_total(c0_ + c1 + c2)
    sbuf[...] = (jnp.where(lane == blk, sa * sa + sb * sb, zero)
                 + jnp.where(lane == blk + 8, 0.5 * cn, zero))
    pltpu.sync_copy(sbuf, stage_hbm.at[sid])
    plsc.subcore_barrier()

    @pl.when(sid == 0)
    def _():
      pltpu.async_copy(stage_hbm, allbuf, sem).wait()
      w = allbuf[0, :]
      for s in range(1, 16):
        w = w + allbuf[s, :]
      wbuf[...] = w
      nv = plsc.load_gather(wbuf, [jnp.bitwise_or(lane, 8)])
      tbuf[...] = w * nv

      l = lane
      ia1 = jnp.where(l < 7, 0, jnp.where(l < 13, 1, 2))
      ib1 = l + jnp.where(l < 7, 1, jnp.where(l < 13, -5, -10))
      ia2 = jnp.where(
          l < 2, 2,
          jnp.where(l < 6, 3,
                    jnp.where(l < 9, 4,
                              jnp.where(l < 11, 5, jnp.where(l < 12, 6, 0)))))
      ib2 = jnp.where(
          l < 2, l + 6,
          jnp.where(l < 6, l + 2,
                    jnp.where(l < 9, l - 1,
                              jnp.where(l < 11, l - 3,
                                        jnp.where(l < 12, l - 4, 0)))))
      m1v = plsc.load_gather(tbuf, [ia1]) + plsc.load_gather(tbuf, [ib1])
      m2v = plsc.load_gather(tbuf, [ia2]) + plsc.load_gather(tbuf, [ib2])
      d1 = jnp.maximum(_SIGMA - _newton_sqrt(m1v), 0.0)
      d2 = jnp.maximum(_SIGMA - _newton_sqrt(m2v), 0.0)
      t1 = _log(d1 * d1 + 1.0)
      t2 = jnp.where(lane < 12, _log(d2 * d2 + 1.0), zero)
      total = lane_total(t1 + t2)
      sbuf[...] = total * (7.0 / 8.0)
      pltpu.sync_copy(sbuf, out_hbm)

  return body(pred, km)


@jax.jit
def kernel(pred_similarities, regions_mask, kernels_mask):
  del regions_mask
  _, out = _sc_loss(pred_similarities, kernels_mask)
  return out[0]

# --- scband reference (transcript-rebuilt; emitter-appended) ---
"""Pipeline reference for scband-discrimination-loss-85487029059989 (READ-ONLY COPY).

The authoritative reference and input builder live on the scoring server;
editing this copy changes nothing except your own understanding.
"""

import jax, jax.numpy as jnp
import numpy as np
import itertools

SIGMA_DIS = 3.0


def _label4(mask):
    # Connected-component labeling with 4-connectivity (matches scipy.ndimage.label
    # default cross-shaped structure), labels assigned in raster-scan order.
    m = np.asarray(mask) != 0
    H, W = m.shape
    labels = np.zeros((H, W), dtype=np.int64)
    parent = {}

    def find(x):
        r = x
        while parent[r] != r:
            r = parent[r]
        return r

    nxt = 1
    coords = np.argwhere(m)
    for r, c in coords:
        up = int(labels[r - 1, c]) if r > 0 else 0
        left = int(labels[r, c - 1]) if c > 0 else 0
        if up == 0 and left == 0:
            labels[r, c] = nxt
            parent[nxt] = nxt
            nxt += 1
        elif up != 0 and left != 0:
            ru, rl = find(up), find(left)
            lo, hi = min(ru, rl), max(ru, rl)
            parent[hi] = lo
            labels[r, c] = lo
        else:
            labels[r, c] = up if up != 0 else left

    final = np.zeros((H, W), dtype=np.int64)
    remap = {}
    k = 0
    for r, c in coords:
        root = find(int(labels[r, c]))
        if root not in remap:
            k += 1
            remap[root] = k
        final[r, c] = remap[root]
    return final, k


def setup_inputs(seed: int = 0) -> dict:
    key = jax.random.key(seed)
    k1, k2 = jax.random.split(key)
    # scaled down so the hinge max(sigma - ||.||, 0) is active for some pairs
    pred_similarities = jax.random.normal(k1, (4, 512, 512), dtype=jnp.float32) * 5e-4
    regions_mask = jax.random.uniform(k2, (512, 512), dtype=jnp.float32)
    km = np.zeros((512, 512), dtype=np.int32)
    for r0 in (64, 320):
        for c0 in (32, 160, 288, 416):
            km[r0:r0 + 40, c0:c0 + 40] = 1  # 8 disjoint kernel components
    return {
        "pred_similarities": pred_similarities,
        "regions_mask": regions_mask,
        "kernels_mask": jnp.asarray(km),
    }


def reference(pred_similarities, regions_mask, kernels_mask):
    H, W = kernels_mask.shape
    km_static = np.zeros((H, W), dtype=np.int32)
    for r0 in (64, 320):
        for c0 in (32, 160, 288, 416):
            km_static[r0:r0 + 40, c0:c0 + 40] = 1
    labels_np, num_kernel = _label4(km_static)
    kernels_on = kernels_mask != 0
    if num_kernel == 1:
        return jnp.asarray(0.0, dtype=jnp.float32)
    if num_kernel < 1:
        raise ValueError('Number of kernels in an image should not be 0.!')
    scale = 1.0 / num_kernel * (num_kernel - 1)
    Gks = []
    for i in range(1, num_kernel + 1):
        m = jnp.asarray(labels_np == i) & kernels_on
        sums = jnp.sum(jnp.where(m[None, :, :], pred_similarities, 0.0), axis=(1, 2))  # [C]
        Gk = jnp.where(m[None, :, :], sums[:, None, None], jnp.asarray(0.0, pred_similarities.dtype))
        Gks.append(Gk)
    L_dis = jnp.asarray(0.0, dtype=pred_similarities.dtype)
    for a, b in itertools.combinations(Gks, 2):
        d = jnp.maximum(SIGMA_DIS - jnp.linalg.norm(a - b), 0.0)
        L_dis = L_dis + jnp.log(d ** 2 + 1.0)
    return L_dis * scale

if __name__ == "__main__":
    import jax
    _d = setup_inputs()
    print(jax.jit(kernel)(*tuple(_d.values())))

</pallas_src>

<mosaic_0001>
#map = affine_map<(d0, d1) -> (0, 0, 0)>
#map1 = affine_map<(d0, d1) -> (0, 0)>
#map2 = affine_map<(d0, d1) -> (0)>
module attributes {stable_mosaic.version = 14 : i64} {
  func.func @body(%arg0: i32, %arg1: i32, %arg2: memref<4x512x512xf32, #tpu.memory_space<hbm>>, %arg3: memref<512x512xi32, #tpu.memory_space<hbm>>, %arg4: memref<16x16xf32, #tpu.memory_space<hbm>>, %arg5: memref<16xf32, #tpu.memory_space<hbm>>, %arg6: memref<40x40xf32, #tpu.memory_space<vmem>>, %arg7: memref<40x40xf32, #tpu.memory_space<vmem>>, %arg8: memref<40x40xi32, #tpu.memory_space<vmem>>, %arg9: memref<16xf32, #tpu.memory_space<vmem>>, %arg10: memref<16xf32, #tpu.memory_space<vmem>>, %arg11: memref<16x16xf32, #tpu.memory_space<vmem>>, %arg12: memref<16xf32, #tpu.memory_space<vmem>>, %arg13: memref<16xf32, #tpu.memory_space<vmem>>, %arg14: memref<!tpu.dma_semaphore, #tpu.memory_space<semaphore_mem>>) attributes {dimension_semantics = [#tpu.dimension_semantics<core_parallel>, #tpu.dimension_semantics<subcore_parallel>], iteration_bounds = array<i64: 1, 16>, scalar_prefetch = 0 : i64, scratch_operands = 9 : i64, tpu.core_type = #tpu.core_type<sc_vector_subcore>, window_params = [{transform_indices = #map}, {transform_indices = #map1}, {transform_indices = #map1}, {transform_indices = #map2}]} {
    %jit3A = arith.constant 2 : i32
    %div3A = arith.divsi %arg1, %jit3A : i32
    %sign3A = arith.constant 0 : i32
    %sign3A_0 = arith.cmpi sgt, %arg1, %sign3A : i32
    %sign3A_1 = arith.extui %sign3A_0 : i1 to i32
    %sign3A_2 = arith.constant 0 : i32
    %sign3A_3 = arith.cmpi slt, %arg1, %sign3A_2 : i32
    %sign3A_4 = arith.extui %sign3A_3 : i1 to i32
    %sign3A_5 = arith.subi %sign3A_1, %sign3A_4 : i32
    %sign3A_6 = arith.constant 0 : i32
    %sign3A_7 = arith.cmpi sgt, %jit3A, %sign3A_6 : i32
    %sign3A_8 = arith.extui %sign3A_7 : i1 to i32
    %sign3A_9 = arith.constant 0 : i32
    %sign3A_10 = arith.cmpi slt, %jit3A, %sign3A_9 : i32
    %sign3A_11 = arith.extui %sign3A_10 : i1 to i32
    %sign3A_12 = arith.subi %sign3A_8, %sign3A_11 : i32
    %ne3A = arith.cmpi ne, %sign3A_5, %sign3A_12 : i32
    %rem3A = arith.remsi %arg1, %jit3A : i32
    %ne3A_13 = arith.constant 0 : i32
    %ne3A_14 = arith.cmpi ne, %rem3A, %ne3A_13 : i32
    %and3A = arith.andi %ne3A, %ne3A_14 : i1
    %sub3A = arith.constant 1 : i32
    %sub3A_15 = arith.subi %div3A, %sub3A : i32
    %select_n3A = arith.select %and3A, %sub3A_15, %div3A : i32
    %rem3A_16 = arith.constant 2 : i32
    %rem3A_17 = arith.remsi %arg1, %rem3A_16 : i32
    %mul3A = arith.constant 2 : i32
    %mul3A_18 = arith.muli %rem3A_17, %mul3A : i32
    %jit3A_19 = arith.constant 4 : i32
    %div3A_20 = arith.divsi %select_n3A, %jit3A_19 : i32
    %sign3A_21 = arith.constant 0 : i32
    %sign3A_22 = arith.cmpi sgt, %select_n3A, %sign3A_21 : i32
    %sign3A_23 = arith.extui %sign3A_22 : i1 to i32
    %sign3A_24 = arith.constant 0 : i32
    %sign3A_25 = arith.cmpi slt, %select_n3A, %sign3A_24 : i32
    %sign3A_26 = arith.extui %sign3A_25 : i1 to i32
    %sign3A_27 = arith.subi %sign3A_23, %sign3A_26 : i32
    %sign3A_28 = arith.constant 0 : i32
    %sign3A_29 = arith.cmpi sgt, %jit3A_19, %sign3A_28 : i32
    %sign3A_30 = arith.extui %sign3A_29 : i1 to i32
    %sign3A_31 = arith.constant 0 : i32
    %sign3A_32 = arith.cmpi slt, %jit3A_19, %sign3A_31 : i32
    %sign3A_33 = arith.extui %sign3A_32 : i1 to i32
    %sign3A_34 = arith.subi %sign3A_30, %sign3A_33 : i32
    %ne3A_35 = arith.cmpi ne, %sign3A_27, %sign3A_34 : i32
    %rem3A_36 = arith.remsi %select_n3A, %jit3A_19 : i32
    %ne3A_37 = arith.constant 0 : i32
    %ne3A_38 = arith.cmpi ne, %rem3A_36, %ne3A_37 : i32
    %and3A_39 = arith.andi %ne3A_35, %ne3A_38 : i1
    %sub3A_40 = arith.constant 1 : i32
    %sub3A_41 = arith.subi %div3A_20, %sub3A_40 : i32
    %select_n3A_42 = arith.select %and3A_39, %sub3A_41, %div3A_20 : i32
    %mul3A_43 = arith.constant 256 : i32
    %mul3A_44 = arith.muli %select_n3A_42, %mul3A_43 : i32
    %add3A = arith.constant 64 : i32
    %add3A_45 = arith.addi %add3A, %mul3A_44 : i32
    %rem3A_46 = arith.constant 4 : i32
    %rem3A_47 = arith.remsi %select_n3A, %rem3A_46 : i32
    %mul3A_48 = arith.constant 128 : i32
    %mul3A_49 = arith.muli %rem3A_47, %mul3A_48 : i32
    %add3A_50 = arith.constant 32 : i32
    %add3A_51 = arith.addi %add3A_50, %mul3A_49 : i32
    %dma_start3A = tpu.memref_slice %arg2[%mul3A_18, %add3A_45, %add3A_51] : memref<4x512x512xf32, #tpu.memory_space<hbm>> -> memref<1x40x40xf32, #tpu.memory_space<hbm>>
    %dma_start3A_52 = tpu.memref_squeeze %dma_start3A : memref<1x40x40xf32, #tpu.memory_space<hbm>> -> memref<40x40xf32, #tpu.memory_space<hbm>>
    %dma_start3A_53 = tpu.memref_slice %arg2[%mul3A_18, %add3A_45, %add3A_51] : memref<4x512x512xf32, #tpu.memory_space<hbm>> -> memref<1x40x40xf32, #tpu.memory_space<hbm>>
    %dma_start3A_54 = tpu.memref_squeeze %dma_start3A_53 : memref<1x40x40xf32, #tpu.memory_space<hbm>> -> memref<40x40xf32, #tpu.memory_space<hbm>>
    tpu.enqueue_dma source(%dma_start3A_54 : memref<40x40xf32, #tpu.memory_space<hbm>>) target(%arg6 : memref<40x40xf32, #tpu.memory_space<vmem>>) target_semaphore(%arg14 : memref<!tpu.dma_semaphore, #tpu.memory_space<semaphore_mem>>)
    %add3A_55 = arith.constant 1 : i32
    %add3A_56 = arith.addi %mul3A_18, %add3A_55 : i32
    %dma_start3A_57 = tpu.memref_slice %arg2[%add3A_56, %add3A_45, %add3A_51] : memref<4x512x512xf32, #tpu.memory_space<hbm>> -> memref<1x40x40xf32, #tpu.memory_space<hbm>>
    %dma_start3A_58 = tpu.memref_squeeze %dma_start3A_57 : memref<1x40x40xf32, #tpu.memory_space<hbm>> -> memref<40x40xf32, #tpu.memory_space<hbm>>
    %dma_start3A_59 = tpu.memref_slice %arg2[%add3A_56, %add3A_45, %add3A_51] : memref<4x512x512xf32, #tpu.memory_space<hbm>> -> memref<1x40x40xf32, #tpu.memory_space<hbm>>
    %dma_start3A_60 = tpu.memref_squeeze %dma_start3A_59 : memref<1x40x40xf32, #tpu.memory_space<hbm>> -> memref<40x40xf32, #tpu.memory_space<hbm>>
    tpu.enqueue_dma source(%dma_start3A_60 : memref<40x40xf32, #tpu.memory_space<hbm>>) target(%arg7 : memref<40x40xf32, #tpu.memory_space<vmem>>) target_semaphore(%arg14 : memref<!tpu.dma_semaphore, #tpu.memory_space<semaphore_mem>>)
    %dma_start3A_61 = tpu.memref_slice %arg3[%add3A_45, %add3A_51] : memref<512x512xi32, #tpu.memory_space<hbm>> -> memref<40x40xi32, #tpu.memory_space<hbm>>
    %dma_start3A_62 = tpu.memref_slice %arg3[%add3A_45, %add3A_51] : memref<512x512xi32, #tpu.memory_space<hbm>> -> memref<40x40xi32, #tpu.memory_space<hbm>>
    tpu.enqueue_dma source(%dma_start3A_62 : memref<40x40xi32, #tpu.memory_space<hbm>>) target(%arg8 : memref<40x40xi32, #tpu.memory_space<vmem>>) target_semaphore(%arg14 : memref<!tpu.dma_semaphore, #tpu.memory_space<semaphore_mem>>)
    %dma_wait3A = tpu.memref_slice %arg2[%mul3A_18, %add3A_45, %add3A_51] : memref<4x512x512xf32, #tpu.memory_space<hbm>> -> memref<1x40x40xf32, #tpu.memory_space<hbm>>
    %dma_wait3A_63 = tpu.memref_squeeze %dma_wait3A : memref<1x40x40xf32, #tpu.memory_space<hbm>> -> memref<40x40xf32, #tpu.memory_space<hbm>>
    %dma_wait3A_64 = tpu.memref_slice %arg2[%mul3A_18, %add3A_45, %add3A_51] : memref<4x512x512xf32, #tpu.memory_space<hbm>> -> memref<1x40x40xf32, #tpu.memory_space<hbm>>
    %dma_wait3A_65 = tpu.memref_squeeze %dma_wait3A_64 : memref<1x40x40xf32, #tpu.memory_space<hbm>> -> memref<40x40xf32, #tpu.memory_space<hbm>>
    tpu.wait_dma2 semaphore(%arg14 : memref<!tpu.dma_semaphore, #tpu.memory_space<semaphore_mem>>) src(%dma_wait3A_65 : memref<40x40xf32, #tpu.memory_space<hbm>>) dst(%arg6 : memref<40x40xf32, #tpu.memory_space<vmem>>)
    %dma_wait3A_66 = tpu.memref_slice %arg2[%add3A_56, %add3A_45, %add3A_51] : memref<4x512x512xf32, #tpu.memory_space<hbm>> -> memref<1x40x40xf32, #tpu.memory_space<hbm>>
    %dma_wait3A_67 = tpu.memref_squeeze %dma_wait3A_66 : memref<1x40x40xf32, #tpu.memory_space<hbm>> -> memref<40x40xf32, #tpu.memory_space<hbm>>
    %dma_wait3A_68 = tpu.memref_slice %arg2[%add3A_56, %add3A_45, %add3A_51] : memref<4x512x512xf32, #tpu.memory_space<hbm>> -> memref<1x40x40xf32, #tpu.memory_space<hbm>>
    %dma_wait3A_69 = tpu.memref_squeeze %dma_wait3A_68 : memref<1x40x40xf32, #tpu.memory_space<hbm>> -> memref<40x40xf32, #tpu.memory_space<hbm>>
    tpu.wait_dma2 semaphore(%arg14 : memref<!tpu.dma_semaphore, #tpu.memory_space<semaphore_mem>>) src(%dma_wait3A_69 : memref<40x40xf32, #tpu.memory_space<hbm>>) dst(%arg7 : memref<40x40xf32, #tpu.memory_space<vmem>>)
    %dma_wait3A_70 = tpu.memref_slice %arg3[%add3A_45, %add3A_51] : memref<512x512xi32, #tpu.memory_space<hbm>> -> memref<40x40xi32, #tpu.memory_space<hbm>>
    %dma_wait3A_71 = tpu.memref_slice %arg3[%add3A_45, %add3A_51] : memref<512x512xi32, #tpu.memory_space<hbm>> -> memref<40x40xi32, #tpu.memory_space<hbm>>
    tpu.wait_dma2 semaphore(%arg14 : memref<!tpu.dma_semaphore, #tpu.memory_space<semaphore_mem>>) src(%dma_wait3A_71 : memref<40x40xi32, #tpu.memory_space<hbm>>) dst(%arg8 : memref<40x40xi32, #tpu.memory_space<vmem>>)
    %iota3A = tpu.iota {dimensions = array<i32: 0>} : vector<16xi32>
    %ge3A = arith.constant 8 : i32
    %ge3A_72 = vector.broadcast %ge3A : i32 to vector<16xi32>
    %ge3A_73 = arith.cmpi sge, %iota3A, %ge3A_72 : vector<16xi32>
    %broadcast_in_dim3A = arith.constant 0.000000e+00 : f32
    %broadcast_in_dim3A_74 = vector.broadcast %broadcast_in_dim3A : f32 to vector<16xf32>
    %broadcast_in_dim3A_75 = arith.constant 1.000000e+00 : f32
    %broadcast_in_dim3A_76 = vector.broadcast %broadcast_in_dim3A_75 : f32 to vector<16xf32>
    %get3A = arith.constant 0 : i32
    %get3A_77 = arith.index_cast %get3A : i32 to index
    %get3A_78 = arith.constant 0 : index
    %get3A_79 = tpu.vector_load %arg8[%get3A_77, %get3A_78] {strides = array<i32>} : memref<40x40xi32, #tpu.memory_space<vmem>>, vector<16xi32>,
    %ne3A_80 = arith.constant 0 : i32
    %ne3A_81 = vector.broadcast %ne3A_80 : i32 to vector<16xi32>
    %ne3A_82 = arith.cmpi ne, %get3A_79, %ne3A_81 : vector<16xi32>
    %get3A_83 = arith.constant 0 : i32
    %get3A_84 = arith.index_cast %get3A_83 : i32 to index
    %get3A_85 = arith.constant 16 : index
    %get3A_86 = tpu.vector_load %arg8[%get3A_84, %get3A_85] {strides = array<i32>} : memref<40x40xi32, #tpu.memory_space<vmem>>, vector<16xi32>,
    %ne3A_87 = arith.constant 0 : i32
    %ne3A_88 = vector.broadcast %ne3A_87 : i32 to vector<16xi32>
    %ne3A_89 = arith.cmpi ne, %get3A_86, %ne3A_88 : vector<16xi32>
    %get3A_90 = arith.constant 0 : i32
    %get3A_91 = arith.index_cast %get3A_90 : i32 to index
    %get3A_92 = arith.constant 24 : index
    %get3A_93 = tpu.vector_load %arg8[%get3A_91, %get3A_92] {strides = array<i32>} : memref<40x40xi32, #tpu.memory_space<vmem>>, vector<16xi32>,
    %ne3A_94 = arith.constant 0 : i32
    %ne3A_95 = vector.broadcast %ne3A_94 : i32 to vector<16xi32>
    %ne3A_96 = arith.cmpi ne, %get3A_93, %ne3A_95 : vector<16xi32>
    %and3A_97 = arith.andi %ne3A_96, %ge3A_73 : vector<16xi1>
    %get3A_98 = arith.constant 0 : i32
    %get3A_99 = arith.index_cast %get3A_98 : i32 to index
    %get3A_100 = arith.constant 0 : index
    %get3A_101 = tpu.vector_load %arg6[%get3A_99, %get3A_100] {strides = array<i32>} : memref<40x40xf32, #tpu.memory_space<vmem>>, vector<16xf32>,
    %select_n3A_102 = arith.select %ne3A_82, %get3A_101, %broadcast_in_dim3A_74 : vector<16xi1>, vector<16xf32>
    %add3A_103 = arith.addf %broadcast_in_dim3A_74, %select_n3A_102 : vector<16xf32>
    %get3A_104 = arith.constant 0 : i32
    %get3A_105 = arith.index_cast %get3A_104 : i32 to index
    %get3A_106 = arith.constant 16 : index
    %get3A_107 = tpu.vector_load %arg6[%get3A_105, %get3A_106] {strides = array<i32>} : memref<40x40xf32, #tpu.memory_space<vmem>>, vector<16xf32>,
    %select_n3A_108 = arith.select %ne3A_89, %get3A_107, %broadcast_in_dim3A_74 : vector<16xi1>, vector<16xf32>
    %add3A_109 = arith.addf %broadcast_in_dim3A_74, %select_n3A_108 : vector<16xf32>
    %get3A_110 = arith.constant 0 : i32
    %get3A_111 = arith.index_cast %get3A_110 : i32 to index
    %get3A_112 = arith.constant 24 : index
    %get3A_113 = tpu.vector_load %arg6[%get3A_111, %get3A_112] {strides = array<i32>} : memref<40x40xf32, #tpu.memory_space<vmem>>, vector<16xf32>,
    %select_n3A_114 = arith.select %and3A_97, %get3A_113, %broadcast_in_dim3A_74 : vector<16xi1>, vector<16xf32>
    %add3A_115 = arith.addf %broadcast_in_dim3A_74, %select_n3A_114 : vector<16xf32>
    %get3A_116 = arith.constant 0 : i32
    %get3A_117 = arith.index_cast %get3A_116 : i32 to index
    %get3A_118 = arith.constant 0 : index
    %get3A_119 = tpu.vector_load %arg7[%get3A_117, %get3A_118] {strides = array<i32>} : memref<40x40xf32, #tpu.memory_space<vmem>>, vector<16xf32>,
    %select_n3A_120 = arith.select %ne3A_82, %get3A_119, %broadcast_in_dim3A_74 : vector<16xi1>, vector<16xf32>
    %add3A_121 = arith.addf %broadcast_in_dim3A_74, %select_n3A_120 : vector<16xf32>
    %get3A_122 = arith.constant 0 : i32
    %get3A_123 = arith.index_cast %get3A_122 : i32 to index
    %get3A_124 = arith.constant 16 : index
    %get3A_125 = tpu.vector_load %arg7[%get3A_123, %get3A_124] {strides = array<i32>} : memref<40x40xf32, #tpu.memory_space<vmem>>, vector<16xf32>,
    %select_n3A_126 = arith.select %ne3A_89, %get3A_125, %broadcast_in_dim3A_74 : vector<16xi1>, vector<16xf32>
    %add3A_127 = arith.addf %broadcast_in_dim3A_74, %select_n3A_126 : vector<16xf32>
    %get3A_128 = arith.constant 0 : i32
    %get3A_129 = arith.index_cast %get3A_128 : i32 to index
    %get3A_130 = arith.constant 24 : index
    %get3A_131 = tpu.vector_load %arg7[%get3A_129, %get3A_130] {strides = array<i32>} : memref<40x40xf32, #tpu.memory_space<vmem>>, vector<16xf32>,
    %select_n3A_132 = arith.select %and3A_97, %get3A_131, %broadcast_in_dim3A_74 : vector<16xi1>, vector<16xf32>
    %add3A_133 = arith.addf %broadcast_in_dim3A_74, %select_n3A_132 : vector<16xf32>
    %select_n3A_134 = arith.select %ne3A_82, %broadcast_in_dim3A_76, %broadcast_in_dim3A_74 : vector<16xi1>, vector<16xf32>
    %add3A_135 = arith.addf %broadcast_in_dim3A_74, %select_n3A_134 : vector<16xf32>
    %select_n3A_136 = arith.select %ne3A_89, %broadcast_in_dim3A_76, %broadcast_in_dim3A_74 : vector<16xi1>, vector<16xf32>
    %add3A_137 = arith.addf %broadcast_in_dim3A_74, %select_n3A_136 : vector<16xf32>
    %select_n3A_138 = arith.select %and3A_97, %broadcast_in_dim3A_76, %broadcast_in_dim3A_74 : vector<16xi1>, vector<16xf32>
    %add3A_139 = arith.addf %broadcast_in_dim3A_74, %select_n3A_138 : vector<16xf32>
    %get3A_140 = arith.constant 1 : i32
    %get3A_141 = arith.index_cast %get3A_140 : i32 to index
    %get3A_142 = arith.constant 0 : index
    %get3A_143 = tpu.vector_load %arg8[%get3A_141, %get3A_142] {strides = array<i32>} : memref<40x40xi32, #tpu.memory_space<vmem>>, vector<16xi32>,
    %ne3A_144 = arith.constant 0 : i32
    %ne3A_145 = vector.broadcast %ne3A_144 : i32 to vector<16xi32>
    %ne3A_146 = arith.cmpi ne, %get3A_143, %ne3A_145 : vector<16xi32>
    %get3A_147 = arith.constant 1 : i32
    %get3A_148 = arith.index_cast %get3A_147 : i32 to index
    %get3A_149 = arith.constant 16 : index
    %get3A_150 = tpu.vector_load %arg8[%get3A_148, %get3A_149] {strides = array<i32>} : memref<40x40xi32, #tpu.memory_space<vmem>>, vector<16xi32>,
    %ne3A_151 = arith.constant 0 : i32
    %ne3A_152 = vector.broadcast %ne3A_151 : i32 to vector<16xi32>
    %ne3A_153 = arith.cmpi ne, %get3A_150, %ne3A_152 : vector<16xi32>
    %get3A_154 = arith.constant 1 : i32
    %get3A_155 = arith.index_cast %get3A_154 : i32 to index
    %get3A_156 = arith.constant 24 : index
    %get3A_157 = tpu.vector_load %arg8[%get3A_155, %get3A_156] {strides = array<i32>} : memref<40x40xi32, #tpu.memory_space<vmem>>, vector<16xi32>,
    %ne3A_158 = arith.constant 0 : i32
    %ne3A_159 = vector.broadcast %ne3A_158 : i32 to vector<16xi32>
    %ne3A_160 = arith.cmpi ne, %get3A_157, %ne3A_159 : vector<16xi32>
    %and3A_161 = arith.andi %ne3A_160, %ge3A_73 : vector<16xi1>
    %get3A_162 = arith.constant 1 : i32
    %get3A_163 = arith.index_cast %get3A_162 : i32 to index
    %get3A_164 = arith.constant 0 : index
    %get3A_165 = tpu.vector_load %arg6[%get3A_163, %get3A_164] {strides = array<i32>} : memref<40x40xf32, #tpu.memory_space<vmem>>, vector<16xf32>,
    %select_n3A_166 = arith.select %ne3A_146, %get3A_165, %broadcast_in_dim3A_74 : vector<16xi1>, vector<16xf32>
    %add3A_167 = arith.addf %add3A_103, %select_n3A_166 : vector<16xf32>
    %get3A_168 = arith.constant 1 : i32
    %get3A_169 = arith.index_cast %get3A_168 : i32 to index
    %get3A_170 = arith.constant 16 : index
    %get3A_171 = tpu.vector_load %arg6[%get3A_169, %get3A_170] {strides = array<i32>} : memref<40x40xf32, #tpu.memory_space<vmem>>, vector<16xf32>,
    %select_n3A_172 = arith.select %ne3A_153, %get3A_171, %broadcast_in_dim3A_74 : vector<16xi1>, vector<16xf32>
    %add3A_173 = arith.addf %add3A_109, %select_n3A_172 : vector<16xf32>
    %get3A_174 = arith.constant 1 : i32
    %get3A_175 = arith.index_cast %get3A_174 : i32 to index
    %get3A_176 = arith.constant 24 : index
    %get3A_177 = tpu.vector_load %arg6[%get3A_175, %get3A_176] {strides = array<i32>} : memref<40x40xf32, #tpu.memory_space<vmem>>, vector<16xf32>,
    %select_n3A_178 = arith.select %and3A_161, %get3A_177, %broadcast_in_dim3A_74 : vector<16xi1>, vector<16xf32>
    %add3A_179 = arith.addf %add3A_115, %select_n3A_178 : vector<16xf32>
    %get3A_180 = arith.constant 1 : i32
    %get3A_181 = arith.index_cast %get3A_180 : i32 to index
    %get3A_182 = arith.constant 0 : index
    %get3A_183 = tpu.vector_load %arg7[%get3A_181, %get3A_182] {strides = array<i32>} : memref<40x40xf32, #tpu.memory_space<vmem>>, vector<16xf32>,
    %select_n3A_184 = arith.select %ne3A_146, %get3A_183, %broadcast_in_dim3A_74 : vector<16xi1>, vector<16xf32>
    %add3A_185 = arith.addf %add3A_121, %select_n3A_184 : vector<16xf32>
    %get3A_186 = arith.constant 1 : i32
    %get3A_187 = arith.index_cast %get3A_186 : i32 to index
    %get3A_188 = arith.constant 16 : index
    %get3A_189 = tpu.vector_load %arg7[%get3A_187, %get3A_188] {strides = array<i32>} : memref<40x40xf32, #tpu.memory_space<vmem>>, vector<16xf32>,
    %select_n3A_190 = arith.select %ne3A_153, %get3A_189, %broadcast_in_dim3A_74 : vector<16xi1>, vector<16xf32>
    %add3A_191 = arith.addf %add3A_127, %select_n3A_190 : vector<16xf32>
    %get3A_192 = arith.constant 1 : i32
    %get3A_193 = arith.index_cast %get3A_192 : i32 to index
    %get3A_194 = arith.constant 24 : index
    %get3A_195 = tpu.vector_load %arg7[%get3A_193, %get3A_194] {strides = array<i32>} : memref<40x40xf32, #tpu.memory_space<vmem>>, vector<16xf32>,
    %select_n3A_196 = arith.select %and3A_161, %get3A_195, %broadcast_in_dim3A_74 : vector<16xi1>, vector<16xf32>
    %add3A_197 = arith.addf %add3A_133, %select_n3A_196 : vector<16xf32>
    %select_n3A_198 = arith.select %ne3A_146, %broadcast_in_dim3A_76, %broadcast_in_dim3A_74 : vector<16xi1>, vector<16xf32>
    %add3A_199 = arith.addf %add3A_135, %select_n3A_198 : vector<16xf32>
    %select_n3A_200 = arith.select %ne3A_153, %broadcast_in_dim3A_76, %broadcast_in_dim3A_74 : vector<16xi1>, vector<16xf32>
    %add3A_201 = arith.addf %add3A_137, %select_n3A_200 : vector<16xf32>
    %select_n3A_202 = arith.select %and3A_161, %broadcast_in_dim3A_76, %broadcast_in_dim3A_74 : vector<16xi1>, vector<16xf32>
    %add3A_203 = arith.addf %add3A_139, %select_n3A_202 : vector<16xf32>
    %get3A_204 = arith.constant 2 : i32
    %get3A_205 = arith.index_cast %get3A_204 : i32 to index
    %get3A_206 = arith.constant 0 : index
    %get3A_207 = tpu.vector_load %arg8[%get3A_205, %get3A_206] {strides = array<i32>} : memref<40x40xi32, #tpu.memory_space<vmem>>, vector<16xi32>,
    %ne3A_208 = arith.constant 0 : i32
    %ne3A_209 = vector.broadcast %ne3A_208 : i32 to vector<16xi32>
    %ne3A_210 = arith.cmpi ne, %get3A_207, %ne3A_209 : vector<16xi32>
    %get3A_211 = arith.constant 2 : i32
    %get3A_212 = arith.index_cast %get3A_211 : i32 to index
    %get3A_213 = arith.constant 16 : index
    %get3A_214 = tpu.vector_load %arg8[%get3A_212, %get3A_213] {strides = array<i32>} : memref<40x40xi32, #tpu.memory_space<vmem>>, vector<16xi32>,
    %ne3A_215 = arith.constant 0 : i32
    %ne3A_216 = vector.broadcast %ne3A_215 : i32 to vector<16xi32>
    %ne3A_217 = arith.cmpi ne, %get3A_214, %ne3A_216 : vector<16xi32>
    %get3A_218 = arith.constant 2 : i32
    %get3A_219 = arith.index_cast %get3A_218 : i32 to index
    %get3A_220 = arith.constant 24 : index
    %get3A_221 = tpu.vector_load %arg8[%get3A_219, %get3A_220] {strides = array<i32>} : memref<40x40xi32, #tpu.memory_space<vmem>>, vector<16xi32>,
    %ne3A_222 = arith.constant 0 : i32
    %ne3A_223 = vector.broadcast %ne3A_222 : i32 to vector<16xi32>
    %ne3A_224 = arith.cmpi ne, %get3A_221, %ne3A_223 : vector<16xi32>
    %and3A_225 = arith.andi %ne3A_224, %ge3A_73 : vector<16xi1>
    %get3A_226 = arith.constant 2 : i32
    %get3A_227 = arith.index_cast %get3A_226 : i32 to index
    %get3A_228 = arith.constant 0 : index
    %get3A_229 = tpu.vector_load %arg6[%get3A_227, %get3A_228] {strides = array<i32>} : memref<40x40xf32, #tpu.memory_space<vmem>>, vector<16xf32>,
    %select_n3A_230 = arith.select %ne3A_210, %get3A_229, %broadcast_in_dim3A_74 : vector<16xi1>, vector<16xf32>
    %add3A_231 = arith.addf %add3A_167, %select_n3A_230 : vector<16xf32>
    %get3A_232 = arith.constant 2 : i32
    %get3A_233 = arith.index_cast %get3A_232 : i32 to index
    %get3A_234 = arith.constant 16 : index
    %get3A_235 = tpu.vector_load %arg6[%get3A_233, %get3A_234] {strides = array<i32>} : memref<40x40xf32, #tpu.memory_space<vmem>>, vector<16xf32>,
    %select_n3A_236 = arith.select %ne3A_217, %get3A_235, %broadcast_in_dim3A_74 : vector<16xi1>, vector<16xf32>
    %add3A_237 = arith.addf %add3A_173, %select_n3A_236 : vector<16xf32>
    %get3A_238 = arith.constant 2 : i32
    %get3A_239 = arith.index_cast %get3A_238 : i32 to index
    %get3A_240 = arith.constant 24 : index
    %get3A_241 = tpu.vector_load %arg6[%get3A_239, %get3A_240] {strides = array<i32>} : memref<40x40xf32, #tpu.memory_space<vmem>>, vector<16xf32>,
    %select_n3A_242 = arith.select %and3A_225, %get3A_241, %broadcast_in_dim3A_74 : vector<16xi1>, vector<16xf32>
    %add3A_243 = arith.addf %add3A_179, %select_n3A_242 : vector<16xf32>
    %get3A_244 = arith.constant 2 : i32
    %get3A_245 = arith.index_cast %get3A_244 : i32 to index
    %get3A_246 = arith.constant 0 : index
    %get3A_247 = tpu.vector_load %arg7[%get3A_245, %get3A_246] {strides = array<i32>} : memref<40x40xf32, #tpu.memory_space<vmem>>, vector<16xf32>,
    %select_n3A_248 = arith.select %ne3A_210, %get3A_247, %broadcast_in_dim3A_74 : vector<16xi1>, vector<16xf32>
    %add3A_249 = arith.addf %add3A_185, %select_n3A_248 : vector<16xf32>
    %get3A_250 = arith.constant 2 : i32
    %get3A_251 = arith.index_cast %get3A_250 : i32 to index
    %get3A_252 = arith.constant 16 : index
    %get3A_253 = tpu.vector_load %arg7[%get3A_251, %get3A_252] {strides = array<i32>} : memref<40x40xf32, #tpu.memory_space<vmem>>, vector<16xf32>,
    %select_n3A_254 = arith.select %ne3A_217, %get3A_253, %broadcast_in_dim3A_74 : vector<16xi1>, vector<16xf32>
    %add3A_255 = arith.addf %add3A_191, %select_n3A_254 : vector<16xf32>
    %get3A_256 = arith.constant 2 : i32
    %get3A_257 = arith.index_cast %get3A_256 : i32 to index
    %get3A_258 = arith.constant 24 : index
    %get3A_259 = tpu.vector_load %arg7[%get3A_257, %get3A_258] {strides = array<i32>} : memref<40x40xf32, #tpu.memory_space<vmem>>, vector<16xf32>,
    %select_n3A_260 = arith.select %and3A_225, %get3A_259, %broadcast_in_dim3A_74 : vector<16xi1>, vector<16xf32>
    %add3A_261 = arith.addf %add3A_197, %select_n3A_260 : vector<16xf32>
    %select_n3A_262 = arith.select %ne3A_210, %broadcast_in_dim3A_76, %broadcast_in_dim3A_74 : vector<16xi1>, vector<16xf32>
    %add3A_263 = arith.addf %add3A_199, %select_n3A_262 : vector<16xf32>
    %select_n3A_264 = arith.select %ne3A_217, %broadcast_in_dim3A_76, %broadcast_in_dim3A_74 : vector<16xi1>, vector<16xf32>
    %add3A_265 = arith.addf %add3A_201, %select_n3A_264 : vector<16xf32>
    %select_n3A_266 = arith.select %and3A_225, %broadcast_in_dim3A_76, %broadcast_in_dim3A_74 : vector<16xi1>, vector<16xf32>
    %add3A_267 = arith.addf %add3A_203, %select_n3A_266 : vector<16xf32>
    %get3A_268 = arith.constant 3 : i32
    %get3A_269 = arith.index_cast %get3A_268 : i32 to index
    %get3A_270 = arith.constant 0 : index
    %get3A_271 = tpu.vector_load %arg8[%get3A_269, %get3A_270] {strides = array<i32>} : memref<40x40xi32, #tpu.memory_space<vmem>>, vector<16xi32>,
    %ne3A_272 = arith.constant 0 : i32
    %ne3A_273 = vector.broadcast %ne3A_272 : i32 to vector<16xi32>
    %ne3A_274 = arith.cmpi ne, %get3A_271, %ne3A_273 : vector<16xi32>
    %get3A_275 = arith.constant 3 : i32
    %get3A_276 = arith.index_cast %get3A_275 : i32 to index
    %get3A_277 = arith.constant 16 : index
    %get3A_278 = tpu.vector_load %arg8[%get3A_276, %get3A_277] {strides = array<i32>} : memref<40x40xi32, #tpu.memory_space<vmem>>, vector<16xi32>,
    %ne3A_279 = arith.constant 0 : i32
    %ne3A_280 = vector.broadcast %ne3A_279 : i32 to vector<16xi32>
    %ne3A_281 = arith.cmpi ne, %get3A_278, %ne3A_280 : vector<16xi32>
    %get3A_282 = arith.constant 3 : i32
    %get3A_283 = arith.index_cast %get3A_282 : i32 to index
    %get3A_284 = arith.constant 24 : index
    %get3A_285 = tpu.vector_load %arg8[%get3A_283, %get3A_284] {strides = array<i32>} : memref<40x40xi32, #tpu.memory_space<vmem>>, vector<16xi32>,
    %ne3A_286 = arith.constant 0 : i32
    %ne3A_287 = vector.broadcast %ne3A_286 : i32 to vector<16xi32>
    %ne3A_288 = arith.cmpi ne, %get3A_285, %ne3A_287 : vector<16xi32>
    %and3A_289 = arith.andi %ne3A_288, %ge3A_73 : vector<16xi1>
    %get3A_290 = arith.constant 3 : i32
    %get3A_291 = arith.index_cast %get3A_290 : i32 to index
    %get3A_292 = arith.constant 0 : index
    %get3A_293 = tpu.vector_load %arg6[%get3A_291, %get3A_292] {strides = array<i32>} : memref<40x40xf32, #tpu.memory_space<vmem>>, vector<16xf32>,
    %select_n3A_294 = arith.select %ne3A_274, %get3A_293, %broadcast_in_dim3A_74 : vector<16xi1>, vector<16xf32>
    %add3A_295 = arith.addf %add3A_231, %select_n3A_294 : vector<16xf32>
    %get3A_296 = arith.constant 3 : i32
    %get3A_297 = arith.index_cast %get3A_296 : i32 to index
    %get3A_298 = arith.constant 16 : index
    %get3A_299 = tpu.vector_load %arg6[%get3A_297, %get3A_298] {strides = array<i32>} : memref<40x40xf32, #tpu.memory_space<vmem>>, vector<16xf32>,
    %select_n3A_300 = arith.select %ne3A_281, %get3A_299, %broadcast_in_dim3A_74 : vector<16xi1>, vector<16xf32>
    %add3A_301 = arith.addf %add3A_237, %select_n3A_300 : vector<16xf32>
    %get3A_302 = arith.constant 3 : i32
    %get3A_303 = arith.index_cast %get3A_302 : i32 to index
    %get3A_304 = arith.constant 24 : index
    %get3A_305 = tpu.vector_load %arg6[%get3A_303, %get3A_304] {strides = array<i32>} : memref<40x40xf32, #tpu.memory_space<vmem>>, vector<16xf32>,
    %select_n3A_306 = arith.select %and3A_289, %get3A_305, %broadcast_in_dim3A_74 : vector<16xi1>, vector<16xf32>
    %add3A_307 = arith.addf %add3A_243, %select_n3A_306 : vector<16xf32>
    %get3A_308 = arith.constant 3 : i32
    %get3A_309 = arith.index_cast %get3A_308 : i32 to index
    %get3A_310 = arith.constant 0 : index
    %get3A_311 = tpu.vector_load %arg7[%get3A_309, %get3A_310] {strides = array<i32>} : memref<40x40xf32, #tpu.memory_space<vmem>>, vector<16xf32>,
    %select_n3A_312 = arith.select %ne3A_274, %get3A_311, %broadcast_in_dim3A_74 : vector<16xi1>, vector<16xf32>
    %add3A_313 = arith.addf %add3A_249, %select_n3A_312 : vector<16xf32>
    %get3A_314 = arith.constant 3 : i32
    %get3A_315 = arith.index_cast %get3A_314 : i32 to index
    %get3A_316 = arith.constant 16 : index
    %get3A_317 = tpu.vector_load %arg7[%get3A_315, %get3A_316] {strides = array<i32>} : memref<40x40xf32, #tpu.memory_space<vmem>>, vector<16xf32>,
    %select_n3A_318 = arith.select %ne3A_281, %get3A_317, %broadcast_in_dim3A_74 : vector<16xi1>, vector<16xf32>
    %add3A_319 = arith.addf %add3A_255, %select_n3A_318 : vector<16xf32>
    %get3A_320 = arith.constant 3 : i32
    %get3A_321 = arith.index_cast %get3A_320 : i32 to index
    %get3A_322 = arith.constant 24 : index
    %get3A_323 = tpu.vector_load %arg7[%get3A_321, %get3A_322] {strides = array<i32>} : memref<40x40xf32, #tpu.memory_space<vmem>>, vector<16xf32>,
    %select_n3A_324 = arith.select %and3A_289, %get3A_323, %broadcast_in_dim3A_74 : vector<16xi1>, vector<16xf32>
    %add3A_325 = arith.addf %add3A_261, %select_n3A_324 : vector<16xf32>
    %select_n3A_326 = arith.select %ne3A_274, %broadcast_in_dim3A_76, %broadcast_in_dim3A_74 : vector<16xi1>, vector<16xf32>
    %add3A_327 = arith.addf %add3A_263, %select_n3A_326 : vector<16xf32>
    %select_n3A_328 = arith.select %ne3A_281, %broadcast_in_dim3A_76, %broadcast_in_dim3A_74 : vector<16xi1>, vector<16xf32>
    %add3A_329 = arith.addf %add3A_265, %select_n3A_328 : vector<16xf32>
    %select_n3A_330 = arith.select %and3A_289, %broadcast_in_dim3A_76, %broadcast_in_dim3A_74 : vector<16xi1>, vector<16xf32>
    %add3A_331 = arith.addf %add3A_267, %select_n3A_330 : vector<16xf32>
    %get3A_332 = arith.constant 4 : i32
    %get3A_333 = arith.index_cast %get3A_332 : i32 to index
    %get3A_334 = arith.constant 0 : index
    %get3A_335 = tpu.vector_load %arg8[%get3A_333, %get3A_334] {strides = array<i32>} : memref<40x40xi32, #tpu.memory_space<vmem>>, vector<16xi32>,
    %ne3A_336 = arith.constant 0 : i32
    %ne3A_337 = vector.broadcast %ne3A_336 : i32 to vector<16xi32>
    %ne3A_338 = arith.cmpi ne, %get3A_335, %ne3A_337 : vector<16xi32>
    %get3A_339 = arith.constant 4 : i32
    %get3A_340 = arith.index_cast %get3A_339 : i32 to index
    %get3A_341 = arith.constant 16 : index
    %get3A_342 = tpu.vector_load %arg8[%get3A_340, %get3A_341] {strides = array<i32>} : memref<40x40xi32, #tpu.memory_space<vmem>>, vector<16xi32>,
    %ne3A_343 = arith.constant 0 : i32
    %ne3A_344 = vector.broadcast %ne3A_343 : i32 to vector<16xi32>
    %ne3A_345 = arith.cmpi ne, %get3A_342, %ne3A_344 : vector<16xi32>
    %get3A_346 = arith.constant 4 : i32
    %get3A_347 = arith.index_cast %get3A_346 : i32 to index
    %get3A_348 = arith.constant 24 : index
    %get3A_349 = tpu.vector_load %arg8[%get3A_347, %get3A_348] {strides = array<i32>} : memref<40x40xi32, #tpu.memory_space<vmem>>, vector<16xi32>,
    %ne3A_350 = arith.constant 0 : i32
    %ne3A_351 = vector.broadcast %ne3A_350 : i32 to vector<16xi32>
    %ne3A_352 = arith.cmpi ne, %get3A_349, %ne3A_351 : vector<16xi32>
    %and3A_353 = arith.andi %ne3A_352, %ge3A_73 : vector<16xi1>
    %get3A_354 = arith.constant 4 : i32
    %get3A_355 = arith.index_cast %get3A_354 : i32 to index
    %get3A_356 = arith.constant 0 : index
    %get3A_357 = tpu.vector_load %arg6[%get3A_355, %get3A_356] {strides = array<i32>} : memref<40x40xf32, #tpu.memory_space<vmem>>, vector<16xf32>,
    %select_n3A_358 = arith.select %ne3A_338, %get3A_357, %broadcast_in_dim3A_74 : vector<16xi1>, vector<16xf32>
    %add3A_359 = arith.addf %add3A_295, %select_n3A_358 : vector<16xf32>
    %get3A_360 = arith.constant 4 : i32
    %get3A_361 = arith.index_cast %get3A_360 : i32 to index
    %get3A_362 = arith.constant 16 : index
    %get3A_363 = tpu.vector_load %arg6[%get3A_361, %get3A_362] {strides = array<i32>} : memref<40x40xf32, #tpu.memory_space<vmem>>, vector<16xf32>,
    %select_n3A_364 = arith.select %ne3A_345, %get3A_363, %broadcast_in_dim3A_74 : vector<16xi1>, vector<16xf32>
    %add3A_365 = arith.addf %add3A_301, %select_n3A_364 : vector<16xf32>
    %get3A_366 = arith.constant 4 : i32
    %get3A_367 = arith.index_cast %get3A_366 : i32 to index
    %get3A_368 = arith.constant 24 : index
    %get3A_369 = tpu.vector_load %arg6[%get3A_367, %get3A_368] {strides = array<i32>} : memref<40x40xf32, #tpu.memory_space<vmem>>, vector<16xf32>,
    %select_n3A_370 = arith.select %and3A_353, %get3A_369, %broadcast_in_dim3A_74 : vector<16xi1>, vector<16xf32>
    %add3A_371 = arith.addf %add3A_307, %select_n3A_370 : vector<16xf32>
    %get3A_372 = arith.constant 4 : i32
    %get3A_373 = arith.index_cast %get3A_372 : i32 to index
    %get3A_374 = arith.constant 0 : index
    %get3A_375 = tpu.vector_load %arg7[%get3A_373, %get3A_374] {strides = array<i32>} : memref<40x40xf32, #tpu.memory_space<vmem>>, vector<16xf32>,
    %select_n3A_376 = arith.select %ne3A_338, %get3A_375, %broadcast_in_dim3A_74 : vector<16xi1>, vector<16xf32>
    %add3A_377 = arith.addf %add3A_313, %select_n3A_376 : vector<16xf32>
    %get3A_378 = arith.constant 4 : i32
    %get3A_379 = arith.index_cast %get3A_378 : i32 to index
    %get3A_380 = arith.constant 16 : index
    %get3A_381 = tpu.vector_load %arg7[%get3A_379, %get3A_380] {strides = array<i32>} : memref<40x40xf32, #tpu.memory_space<vmem>>, vector<16xf32>,
    %select_n3A_382 = arith.select %ne3A_345, %get3A_381, %broadcast_in_dim3A_74 : vector<16xi1>, vector<16xf32>
    %add3A_383 = arith.addf %add3A_319, %select_n3A_382 : vector<16xf32>
    %get3A_384 = arith.constant 4 : i32
    %get3A_385 = arith.index_cast %get3A_384 : i32 to index
    %get3A_386 = arith.constant 24 : index
    %get3A_387 = tpu.vector_load %arg7[%get3A_385, %get3A_386] {strides = array<i32>} : memref<40x40xf32, #tpu.memory_space<vmem>>, vector<16xf32>,
    %select_n3A_388 = arith.select %and3A_353, %get3A_387, %broadcast_in_dim3A_74 : vector<16xi1>, vector<16xf32>
    %add3A_389 = arith.addf %add3A_325, %select_n3A_388 : vector<16xf32>
    %select_n3A_390 = arith.select %ne3A_338, %broadcast_in_dim3A_76, %broadcast_in_dim3A_74 : vector<16xi1>, vector<16xf32>
    %add3A_391 = arith.addf %add3A_327, %select_n3A_390 : vector<16xf32>
    %select_n3A_392 = arith.select %ne3A_345, %broadcast_in_dim3A_76, %broadcast_in_dim3A_74 : vector<16xi1>, vector<16xf32>
    %add3A_393 = arith.addf %add3A_329, %select_n3A_392 : vector<16xf32>
    %select_n3A_394 = arith.select %and3A_353, %broadcast_in_dim3A_76, %broadcast_in_dim3A_74 : vector<16xi1>, vector<16xf32>
    %add3A_395 = arith.addf %add3A_331, %select_n3A_394 : vector<16xf32>
    %get3A_396 = arith.constant 5 : i32
    %get3A_397 = arith.index_cast %get3A_396 : i32 to index
    %get3A_398 = arith.constant 0 : index
    %get3A_399 = tpu.vector_load %arg8[%get3A_397, %get3A_398] {strides = array<i32>} : memref<40x40xi32, #tpu.memory_space<vmem>>, vector<16xi32>,
    %ne3A_400 = arith.constant 0 : i32
    %ne3A_401 = vector.broadcast %ne3A_400 : i32 to vector<16xi32>
    %ne3A_402 = arith.cmpi ne, %get3A_399, %ne3A_401 : vector<16xi32>
    %get3A_403 = arith.constant 5 : i32
    %get3A_404 = arith.index_cast %get3A_403 : i32 to index
    %get3A_405 = arith.constant 16 : index
    %get3A_406 = tpu.vector_load %arg8[%get3A_404, %get3A_405] {strides = array<i32>} : memref<40x40xi32, #tpu.memory_space<vmem>>, vector<16xi32>,
    %ne3A_407 = arith.constant 0 : i32
    %ne3A_408 = vector.broadcast %ne3A_407 : i32 to vector<16xi32>
    %ne3A_409 = arith.cmpi ne, %get3A_406, %ne3A_408 : vector<16xi32>
    %get3A_410 = arith.constant 5 : i32
    %get3A_411 = arith.index_cast %get3A_410 : i32 to index
    %get3A_412 = arith.constant 24 : index
    %get3A_413 = tpu.vector_load %arg8[%get3A_411, %get3A_412] {strides = array<i32>} : memref<40x40xi32, #tpu.memory_space<vmem>>, vector<16xi32>,
    %ne3A_414 = arith.constant 0 : i32
    %ne3A_415 = vector.broadcast %ne3A_414 : i32 to vector<16xi32>
    %ne3A_416 = arith.cmpi ne, %get3A_413, %ne3A_415 : vector<16xi32>
    %and3A_417 = arith.andi %ne3A_416, %ge3A_73 : vector<16xi1>
    %get3A_418 = arith.constant 5 : i32
    %get3A_419 = arith.index_cast %get3A_418 : i32 to index
    %get3A_420 = arith.constant 0 : index
    %get3A_421 = tpu.vector_load %arg6[%get3A_419, %get3A_420] {strides = array<i32>} : memref<40x40xf32, #tpu.memory_space<vmem>>, vector<16xf32>,
    %select_n3A_422 = arith.select %ne3A_402, %get3A_421, %broadcast_in_dim3A_74 : vector<16xi1>, vector<16xf32>
    %add3A_423 = arith.addf %add3A_359, %select_n3A_422 : vector<16xf32>
    %get3A_424 = arith.constant 5 : i32
    %get3A_425 = arith.index_cast %get3A_424 : i32 to index
    %get3A_426 = arith.constant 16 : index
    %get3A_427 = tpu.vector_load %arg6[%get3A_425, %get3A_426] {strides = array<i32>} : memref<40x40xf32, #tpu.memory_space<vmem>>, vector<16xf32>,
    %select_n3A_428 = arith.select %ne3A_409, %get3A_427, %broadcast_in_dim3A_74 : vector<16xi1>, vector<16xf32>
    %add3A_429 = arith.addf %add3A_365, %select_n3A_428 : vector<16xf32>
    %get3A_430 = arith.constant 5 : i32
    %get3A_431 = arith.index_cast %get3A_430 : i32 to index
    %get3A_432 = arith.constant 24 : index
    %get3A_433 = tpu.vector_load %arg6[%get3A_431, %get3A_432] {strides = array<i32>} : memref<40x40xf32, #tpu.memory_space<vmem>>, vector<16xf32>,
    %select_n3A_434 = arith.select %and3A_417, %get3A_433, %broadcast_in_dim3A_74 : vector<16xi1>, vector<16xf32>
    %add3A_435 = arith.addf %add3A_371, %select_n3A_434 : vector<16xf32>
    %get3A_436 = arith.constant 5 : i32
    %get3A_437 = arith.index_cast %get3A_436 : i32 to index
    %get3A_438 = arith.constant 0 : index
    %get3A_439 = tpu.vector_load %arg7[%get3A_437, %get3A_438] {strides = array<i32>} : memref<40x40xf32, #tpu.memory_space<vmem>>, vector<16xf32>,
    %select_n3A_440 = arith.select %ne3A_402, %get3A_439, %broadcast_in_dim3A_74 : vector<16xi1>, vector<16xf32>
    %add3A_441 = arith.addf %add3A_377, %select_n3A_440 : vector<16xf32>
    %get3A_442 = arith.constant 5 : i32
    %get3A_443 = arith.index_cast %get3A_442 : i32 to index
    %get3A_444 = arith.constant 16 : index
    %get3A_445 = tpu.vector_load %arg7[%get3A_443, %get3A_444] {strides = array<i32>} : memref<40x40xf32, #tpu.memory_space<vmem>>, vector<16xf32>,
    %select_n3A_446 = arith.select %ne3A_409, %get3A_445, %broadcast_in_dim3A_74 : vector<16xi1>, vector<16xf32>
    %add3A_447 = arith.addf %add3A_383, %select_n3A_446 : vector<16xf32>
    %get3A_448 = arith.constant 5 : i32
    %get3A_449 = arith.index_cast %get3A_448 : i32 to index
    %get3A_450 = arith.constant 24 : index
    %get3A_451 = tpu.vector_load %arg7[%get3A_449, %get3A_450] {strides = array<i32>} : memref<40x40xf32, #tpu.memory_space<vmem>>, vector<16xf32>,
    %select_n3A_452 = arith.select %and3A_417, %get3A_451, %broadcast_in_dim3A_74 : vector<16xi1>, vector<16xf32>
    %add3A_453 = arith.addf %add3A_389, %select_n3A_452 : vector<16xf32>
    %select_n3A_454 = arith.select %ne3A_402, %broadcast_in_dim3A_76, %broadcast_in_dim3A_74 : vector<16xi1>, vector<16xf32>
    %add3A_455 = arith.addf %add3A_391, %select_n3A_454 : vector<16xf32>
    %select_n3A_456 = arith.select %ne3A_409, %broadcast_in_dim3A_76, %broadcast_in_dim3A_74 : vector<16xi1>, vector<16xf32>
    %add3A_457 = arith.addf %add3A_393, %select_n3A_456 : vector<16xf32>
    %select_n3A_458 = arith.select %and3A_417, %broadcast_in_dim3A_76, %broadcast_in_dim3A_74 : vector<16xi1>, vector<16xf32>
    %add3A_459 = arith.addf %add3A_395, %select_n3A_458 : vector<16xf32>
    %get3A_460 = arith.constant 6 : i32
    %get3A_461 = arith.index_cast %get3A_460 : i32 to index
    %get3A_462 = arith.constant 0 : index
    %get3A_463 = tpu.vector_load %arg8[%get3A_461, %get3A_462] {strides = array<i32>} : memref<40x40xi32, #tpu.memory_space<vmem>>, vector<16xi32>,
    %ne3A_464 = arith.constant 0 : i32
    %ne3A_465 = vector.broadcast %ne3A_464 : i32 to vector<16xi32>
    %ne3A_466 = arith.cmpi ne, %get3A_463, %ne3A_465 : vector<16xi32>
    %get3A_467 = arith.constant 6 : i32
    %get3A_468 = arith.index_cast %get3A_467 : i32 to index
    %get3A_469 = arith.constant 16 : index
    %get3A_470 = tpu.vector_load %arg8[%get3A_468, %get3A_469] {strides = array<i32>} : memref<40x40xi32, #tpu.memory_space<vmem>>, vector<16xi32>,
    %ne3A_471 = arith.constant 0 : i32
    %ne3A_472 = vector.broadcast %ne3A_471 : i32 to vector<16xi32>
    %ne3A_473 = arith.cmpi ne, %get3A_470, %ne3A_472 : vector<16xi32>
    %get3A_474 = arith.constant 6 : i32
    %get3A_475 = arith.index_cast %get3A_474 : i32 to index
    %get3A_476 = arith.constant 24 : index
    %get3A_477 = tpu.vector_load %arg8[%get3A_475, %get3A_476] {strides = array<i32>} : memref<40x40xi32, #tpu.memory_space<vmem>>, vector<16xi32>,
    %ne3A_478 = arith.constant 0 : i32
    %ne3A_479 = vector.broadcast %ne3A_478 : i32 to vector<16xi32>
    %ne3A_480 = arith.cmpi ne, %get3A_477, %ne3A_479 : vector<16xi32>
    %and3A_481 = arith.andi %ne3A_480, %ge3A_73 : vector<16xi1>
    %get3A_482 = arith.constant 6 : i32
    %get3A_483 = arith.index_cast %get3A_482 : i32 to index
    %get3A_484 = arith.constant 0 : index
    %get3A_485 = tpu.vector_load %arg6[%get3A_483, %get3A_484] {strides = array<i32>} : memref<40x40xf32, #tpu.memory_space<vmem>>, vector<16xf32>,
    %select_n3A_486 = arith.select %ne3A_466, %get3A_485, %broadcast_in_dim3A_74 : vector<16xi1>, vector<16xf32>
    %add3A_487 = arith.addf %add3A_423, %select_n3A_486 : vector<16xf32>
    %get3A_488 = arith.constant 6 : i32
    %get3A_489 = arith.index_cast %get3A_488 : i32 to index
    %get3A_490 = arith.constant 16 : index
    %get3A_491 = tpu.vector_load %arg6[%get3A_489, %get3A_490] {strides = array<i32>} : memref<40x40xf32, #tpu.memory_space<vmem>>, vector<16xf32>,
    %select_n3A_492 = arith.select %ne3A_473, %get3A_491, %broadcast_in_dim3A_74 : vector<16xi1>, vector<16xf32>
    %add3A_493 = arith.addf %add3A_429, %select_n3A_492 : vector<16xf32>
    %get3A_494 = arith.constant 6 : i32
    %get3A_495 = arith.index_cast %get3A_494 : i32 to index
    %get3A_496 = arith.constant 24 : index
    %get3A_497 = tpu.vector_load %arg6[%get3A_495, %get3A_496] {strides = array<i32>} : memref<40x40xf32, #tpu.memory_space<vmem>>, vector<16xf32>,
    %select_n3A_498 = arith.select %and3A_481, %get3A_497, %broadcast_in_dim3A_74 : vector<16xi1>, vector<16xf32>
    %add3A_499 = arith.addf %add3A_435, %select_n3A_498 : vector<16xf32>
    %get3A_500 = arith.constant 6 : i32
    %get3A_501 = arith.index_cast %get3A_500 : i32 to index
    %get3A_502 = arith.constant 0 : index
    %get3A_503 = tpu.vector_load %arg7[%get3A_501, %get3A_502] {strides = array<i32>} : memref<40x40xf32, #tpu.memory_space<vmem>>, vector<16xf32>,
    %select_n3A_504 = arith.select %ne3A_466, %get3A_503, %broadcast_in_dim3A_74 : vector<16xi1>, vector<16xf32>
    %add3A_505 = arith.addf %add3A_441, %select_n3A_504 : vector<16xf32>
    %get3A_506 = arith.constant 6 : i32
    %get3A_507 = arith.index_cast %get3A_506 : i32 to index
    %get3A_508 = arith.constant 16 : index
    %get3A_509 = tpu.vector_load %arg7[%get3A_507, %get3A_508] {strides = array<i32>} : memref<40x40xf32, #tpu.memory_space<vmem>>, vector<16xf32>,
    %select_n3A_510 = arith.select %ne3A_473, %get3A_509, %broadcast_in_dim3A_74 : vector<16xi1>, vector<16xf32>
    %add3A_511 = arith.addf %add3A_447, %select_n3A_510 : vector<16xf32>
    %get3A_512 = arith.constant 6 : i32
    %get3A_513 = arith.index_cast %get3A_512 : i32 to index
    %get3A_514 = arith.constant 24 : index
    %get3A_515 = tpu.vector_load %arg7[%get3A_513, %get3A_514] {strides = array<i32>} : memref<40x40xf32, #tpu.memory_space<vmem>>, vector<16xf32>,
    %select_n3A_516 = arith.select %and3A_481, %get3A_515, %broadcast_in_dim3A_74 : vector<16xi1>, vector<16xf32>
    %add3A_517 = arith.addf %add3A_453, %select_n3A_516 : vector<16xf32>
    %select_n3A_518 = arith.select %ne3A_466, %broadcast_in_dim3A_76, %broadcast_in_dim3A_74 : vector<16xi1>, vector<16xf32>
    %add3A_519 = arith.addf %add3A_455, %select_n3A_518 : vector<16xf32>
    %select_n3A_520 = arith.select %ne3A_473, %broadcast_in_dim3A_76, %broadcast_in_dim3A_74 : vector<16xi1>, vector<16xf32>
    %add3A_521 = arith.addf %add3A_457, %select_n3A_520 : vector<16xf32>
    %select_n3A_522 = arith.select %and3A_481, %broadcast_in_dim3A_76, %broadcast_in_dim3A_74 : vector<16xi1>, vector<16xf32>
    %add3A_523 = arith.addf %add3A_459, %select_n3A_522 : vector<16xf32>
    %get3A_524 = arith.constant 7 : i32
    %get3A_525 = arith.index_cast %get3A_524 : i32 to index
    %get3A_526 = arith.constant 0 : index
    %get3A_527 = tpu.vector_load %arg8[%get3A_525, %get3A_526] {strides = array<i32>} : memref<40x40xi32, #tpu.memory_space<vmem>>, vector<16xi32>,
    %ne3A_528 = arith.constant 0 : i32
    %ne3A_529 = vector.broadcast %ne3A_528 : i32 to vector<16xi32>
    %ne3A_530 = arith.cmpi ne, %get3A_527, %ne3A_529 : vector<16xi32>
    %get3A_531 = arith.constant 7 : i32
    %get3A_532 = arith.index_cast %get3A_531 : i32 to index
    %get3A_533 = arith.constant 16 : index
    %get3A_534 = tpu.vector_load %arg8[%get3A_532, %get3A_533] {strides = array<i32>} : memref<40x40xi32, #tpu.memory_space<vmem>>, vector<16xi32>,
    %ne3A_535 = arith.constant 0 : i32
    %ne3A_536 = vector.broadcast %ne3A_535 : i32 to vector<16xi32>
    %ne3A_537 = arith.cmpi ne, %get3A_534, %ne3A_536 : vector<16xi32>
    %get3A_538 = arith.constant 7 : i32
    %get3A_539 = arith.index_cast %get3A_538 : i32 to index
    %get3A_540 = arith.constant 24 : index
    %get3A_541 = tpu.vector_load %arg8[%get3A_539, %get3A_540] {strides = array<i32>} : memref<40x40xi32, #tpu.memory_space<vmem>>, vector<16xi32>,
    %ne3A_542 = arith.constant 0 : i32
    %ne3A_543 = vector.broadcast %ne3A_542 : i32 to vector<16xi32>
    %ne3A_544 = arith.cmpi ne, %get3A_541, %ne3A_543 : vector<16xi32>
    %and3A_545 = arith.andi %ne3A_544, %ge3A_73 : vector<16xi1>
    %get3A_546 = arith.constant 7 : i32
    %get3A_547 = arith.index_cast %get3A_546 : i32 to index
    %get3A_548 = arith.constant 0 : index
    %get3A_549 = tpu.vector_load %arg6[%get3A_547, %get3A_548] {strides = array<i32>} : memref<40x40xf32, #tpu.memory_space<vmem>>, vector<16xf32>,
    %select_n3A_550 = arith.select %ne3A_530, %get3A_549, %broadcast_in_dim3A_74 : vector<16xi1>, vector<16xf32>
    %add3A_551 = arith.addf %add3A_487, %select_n3A_550 : vector<16xf32>
    %get3A_552 = arith.constant 7 : i32
    %get3A_553 = arith.index_cast %get3A_552 : i32 to index
    %get3A_554 = arith.constant 16 : index
    %get3A_555 = tpu.vector_load %arg6[%get3A_553, %get3A_554] {strides = array<i32>} : memref<40x40xf32, #tpu.memory_space<vmem>>, vector<16xf32>,
    %select_n3A_556 = arith.select %ne3A_537, %get3A_555, %broadcast_in_dim3A_74 : vector<16xi1>, vector<16xf32>
    %add3A_557 = arith.addf %add3A_493, %select_n3A_556 : vector<16xf32>
    %get3A_558 = arith.constant 7 : i32
    %get3A_559 = arith.index_cast %get3A_558 : i32 to index
    %get3A_560 = arith.constant 24 : index
    %get3A_561 = tpu.vector_load %arg6[%get3A_559, %get3A_560] {strides = array<i32>} : memref<40x40xf32, #tpu.memory_space<vmem>>, vector<16xf32>,
    %select_n3A_562 = arith.select %and3A_545, %get3A_561, %broadcast_in_dim3A_74 : vector<16xi1>, vector<16xf32>
    %add3A_563 = arith.addf %add3A_499, %select_n3A_562 : vector<16xf32>
    %get3A_564 = arith.constant 7 : i32
    %get3A_565 = arith.index_cast %get3A_564 : i32 to index
    %get3A_566 = arith.constant 0 : index
    %get3A_567 = tpu.vector_load %arg7[%get3A_565, %get3A_566] {strides = array<i32>} : memref<40x40xf32, #tpu.memory_space<vmem>>, vector<16xf32>,
    %select_n3A_568 = arith.select %ne3A_530, %get3A_567, %broadcast_in_dim3A_74 : vector<16xi1>, vector<16xf32>
    %add3A_569 = arith.addf %add3A_505, %select_n3A_568 : vector<16xf32>
    %get3A_570 = arith.constant 7 : i32
    %get3A_571 = arith.index_cast %get3A_570 : i32 to index
    %get3A_572 = arith.constant 16 : index
    %get3A_573 = tpu.vector_load %arg7[%get3A_571, %get3A_572] {strides = array<i32>} : memref<40x40xf32, #tpu.memory_space<vmem>>, vector<16xf32>,
    %select_n3A_574 = arith.select %ne3A_537, %get3A_573, %broadcast_in_dim3A_74 : vector<16xi1>, vector<16xf32>
    %add3A_575 = arith.addf %add3A_511, %select_n3A_574 : vector<16xf32>
    %get3A_576 = arith.constant 7 : i32
    %get3A_577 = arith.index_cast %get3A_576 : i32 to index
    %get3A_578 = arith.constant 24 : index
    %get3A_579 = tpu.vector_load %arg7[%get3A_577, %get3A_578] {strides = array<i32>} : memref<40x40xf32, #tpu.memory_space<vmem>>, vector<16xf32>,
    %select_n3A_580 = arith.select %and3A_545, %get3A_579, %broadcast_in_dim3A_74 : vector<16xi1>, vector<16xf32>
    %add3A_581 = arith.addf %add3A_517, %select_n3A_580 : vector<16xf32>
    %select_n3A_582 = arith.select %ne3A_530, %broadcast_in_dim3A_76, %broadcast_in_dim3A_74 : vector<16xi1>, vector<16xf32>
    %add3A_583 = arith.addf %add3A_519, %select_n3A_582 : vector<16xf32>
    %select_n3A_584 = arith.select %ne3A_537, %broadcast_in_dim3A_76, %broadcast_in_dim3A_74 : vector<16xi1>, vector<16xf32>
    %add3A_585 = arith.addf %add3A_521, %select_n3A_584 : vector<16xf32>
    %select_n3A_586 = arith.select %and3A_545, %broadcast_in_dim3A_76, %broadcast_in_dim3A_74 : vector<16xi1>, vector<16xf32>
    %add3A_587 = arith.addf %add3A_523, %select_n3A_586 : vector<16xf32>
    %get3A_588 = arith.constant 8 : i32
    %get3A_589 = arith.index_cast %get3A_588 : i32 to index
    %get3A_590 = arith.constant 0 : index
    %get3A_591 = tpu.vector_load %arg8[%get3A_589, %get3A_590] {strides = array<i32>} : memref<40x40xi32, #tpu.memory_space<vmem>>, vector<16xi32>,
    %ne3A_592 = arith.constant 0 : i32
    %ne3A_593 = vector.broadcast %ne3A_592 : i32 to vector<16xi32>
    %ne3A_594 = arith.cmpi ne, %get3A_591, %ne3A_593 : vector<16xi32>
    %get3A_595 = arith.constant 8 : i32
    %get3A_596 = arith.index_cast %get3A_595 : i32 to index
    %get3A_597 = arith.constant 16 : index
    %get3A_598 = tpu.vector_load %arg8[%get3A_596, %get3A_597] {strides = array<i32>} : memref<40x40xi32, #tpu.memory_space<vmem>>, vector<16xi32>,
    %ne3A_599 = arith.constant 0 : i32
    %ne3A_600 = vector.broadcast %ne3A_599 : i32 to vector<16xi32>
    %ne3A_601 = arith.cmpi ne, %get3A_598, %ne3A_600 : vector<16xi32>
    %get3A_602 = arith.constant 8 : i32
    %get3A_603 = arith.index_cast %get3A_602 : i32 to index
    %get3A_604 = arith.constant 24 : index
    %get3A_605 = tpu.vector_load %arg8[%get3A_603, %get3A_604] {strides = array<i32>} : memref<40x40xi32, #tpu.memory_space<vmem>>, vector<16xi32>,
    %ne3A_606 = arith.constant 0 : i32
    %ne3A_607 = vector.broadcast %ne3A_606 : i32 to vector<16xi32>
    %ne3A_608 = arith.cmpi ne, %get3A_605, %ne3A_607 : vector<16xi32>
    %and3A_609 = arith.andi %ne3A_608, %ge3A_73 : vector<16xi1>
    %get3A_610 = arith.constant 8 : i32
    %get3A_611 = arith.index_cast %get3A_610 : i32 to index
    %get3A_612 = arith.constant 0 : index
    %get3A_613 = tpu.vector_load %arg6[%get3A_611, %get3A_612] {strides = array<i32>} : memref<40x40xf32, #tpu.memory_space<vmem>>, vector<16xf32>,
    %select_n3A_614 = arith.select %ne3A_594, %get3A_613, %broadcast_in_dim3A_74 : vector<16xi1>, vector<16xf32>
    %add3A_615 = arith.addf %add3A_551, %select_n3A_614 : vector<16xf32>
    %get3A_616 = arith.constant 8 : i32
    %get3A_617 = arith.index_cast %get3A_616 : i32 to index
    %get3A_618 = arith.constant 16 : index
    %get3A_619 = tpu.vector_load %arg6[%get3A_617, %get3A_618] {strides = array<i32>} : memref<40x40xf32, #tpu.memory_space<vmem>>, vector<16xf32>,
    %select_n3A_620 = arith.select %ne3A_601, %get3A_619, %broadcast_in_dim3A_74 : vector<16xi1>, vector<16xf32>
    %add3A_621 = arith.addf %add3A_557, %select_n3A_620 : vector<16xf32>
    %get3A_622 = arith.constant 8 : i32
    %get3A_623 = arith.index_cast %get3A_622 : i32 to index
    %get3A_624 = arith.constant 24 : index
    %get3A_625 = tpu.vector_load %arg6[%get3A_623, %get3A_624] {strides = array<i32>} : memref<40x40xf32, #tpu.memory_space<vmem>>, vector<16xf32>,
    %select_n3A_626 = arith.select %and3A_609, %get3A_625, %broadcast_in_dim3A_74 : vector<16xi1>, vector<16xf32>
    %add3A_627 = arith.addf %add3A_563, %select_n3A_626 : vector<16xf32>
    %get3A_628 = arith.constant 8 : i32
    %get3A_629 = arith.index_cast %get3A_628 : i32 to index
    %get3A_630 = arith.constant 0 : index
    %get3A_631 = tpu.vector_load %arg7[%get3A_629, %get3A_630] {strides = array<i32>} : memref<40x40xf32, #tpu.memory_space<vmem>>, vector<16xf32>,
    %select_n3A_632 = arith.select %ne3A_594, %get3A_631, %broadcast_in_dim3A_74 : vector<16xi1>, vector<16xf32>
    %add3A_633 = arith.addf %add3A_569, %select_n3A_632 : vector<16xf32>
    %get3A_634 = arith.constant 8 : i32
    %get3A_635 = arith.index_cast %get3A_634 : i32 to index
    %get3A_636 = arith.constant 16 : index
    %get3A_637 = tpu.vector_load %arg7[%get3A_635, %get3A_636] {strides = array<i32>} : memref<40x40xf32, #tpu.memory_space<vmem>>, vector<16xf32>,
    %select_n3A_638 = arith.select %ne3A_601, %get3A_637, %broadcast_in_dim3A_74 : vector<16xi1>, vector<16xf32>
    %add3A_639 = arith.addf %add3A_575, %select_n3A_638 : vector<16xf32>
    %get3A_640 = arith.constant 8 : i32
    %get3A_641 = arith.index_cast %get3A_640 : i32 to index
    %get3A_642 = arith.constant 24 : index
    %get3A_643 = tpu.vector_load %arg7[%get3A_641, %get3A_642] {strides = array<i32>} : memref<40x40xf32, #tpu.memory_space<vmem>>, vector<16xf32>,
    %select_n3A_644 = arith.select %and3A_609, %get3A_643, %broadcast_in_dim3A_74 : vector<16xi1>, vector<16xf32>
    %add3A_645 = arith.addf %add3A_581, %select_n3A_644 : vector<16xf32>
    %select_n3A_646 = arith.select %ne3A_594, %broadcast_in_dim3A_76, %broadcast_in_dim3A_74 : vector<16xi1>, vector<16xf32>
    %add3A_647 = arith.addf %add3A_583, %select_n3A_646 : vector<16xf32>
    %select_n3A_648 = arith.select %ne3A_601, %broadcast_in_dim3A_76, %broadcast_in_dim3A_74 : vector<16xi1>, vector<16xf32>
    %add3A_649 = arith.addf %add3A_585, %select_n3A_648 : vector<16xf32>
    %select_n3A_650 = arith.select %and3A_609, %broadcast_in_dim3A_76, %broadcast_in_dim3A_74 : vector<16xi1>, vector<16xf32>
    %add3A_651 = arith.addf %add3A_587, %select_n3A_650 : vector<16xf32>
    %get3A_652 = arith.constant 9 : i32
    %get3A_653 = arith.index_cast %get3A_652 : i32 to index
    %get3A_654 = arith.constant 0 : index
    %get3A_655 = tpu.vector_load %arg8[%get3A_653, %get3A_654] {strides = array<i32>} : memref<40x40xi32, #tpu.memory_space<vmem>>, vector<16xi32>,
    %ne3A_656 = arith.constant 0 : i32
    %ne3A_657 = vector.broadcast %ne3A_656 : i32 to vector<16xi32>
    %ne3A_658 = arith.cmpi ne, %get3A_655, %ne3A_657 : vector<16xi32>
    %get3A_659 = arith.constant 9 : i32
    %get3A_660 = arith.index_cast %get3A_659 : i32 to index
    %get3A_661 = arith.constant 16 : index
    %get3A_662 = tpu.vector_load %arg8[%get3A_660, %get3A_661] {strides = array<i32>} : memref<40x40xi32, #tpu.memory_space<vmem>>, vector<16xi32>,
    %ne3A_663 = arith.constant 0 : i32
    %ne3A_664 = vector.broadcast %ne3A_663 : i32 to vector<16xi32>
    %ne3A_665 = arith.cmpi ne, %get3A_662, %ne3A_664 : vector<16xi32>
    %get3A_666 = arith.constant 9 : i32
    %get3A_667 = arith.index_cast %get3A_666 : i32 to index
    %get3A_668 = arith.constant 24 : index
    %get3A_669 = tpu.vector_load %arg8[%get3A_667, %get3A_668] {strides = array<i32>} : memref<40x40xi32, #tpu.memory_space<vmem>>, vector<16xi32>,
    %ne3A_670 = arith.constant 0 : i32
    %ne3A_671 = vector.broadcast %ne3A_670 : i32 to vector<16xi32>
    %ne3A_672 = arith.cmpi ne, %get3A_669, %ne3A_671 : vector<16xi32>
    %and3A_673 = arith.andi %ne3A_672, %ge3A_73 : vector<16xi1>
    %get3A_674 = arith.constant 9 : i32
    %get3A_675 = arith.index_cast %get3A_674 : i32 to index
    %get3A_676 = arith.constant 0 : index
    %get3A_677 = tpu.vector_load %arg6[%get3A_675, %get3A_676] {strides = array<i32>} : memref<40x40xf32, #tpu.memory_space<vmem>>, vector<16xf32>,
    %select_n3A_678 = arith.select %ne3A_658, %get3A_677, %broadcast_in_dim3A_74 : vector<16xi1>, vector<16xf32>
    %add3A_679 = arith.addf %add3A_615, %select_n3A_678 : vector<16xf32>
    %get3A_680 = arith.constant 9 : i32
    %get3A_681 = arith.index_cast %get3A_680 : i32 to index
    %get3A_682 = arith.constant 16 : index
    %get3A_683 = tpu.vector_load %arg6[%get3A_681, %get3A_682] {strides = array<i32>} : memref<40x40xf32, #tpu.memory_space<vmem>>, vector<16xf32>,
    %select_n3A_684 = arith.select %ne3A_665, %get3A_683, %broadcast_in_dim3A_74 : vector<16xi1>, vector<16xf32>
    %add3A_685 = arith.addf %add3A_621, %select_n3A_684 : vector<16xf32>
    %get3A_686 = arith.constant 9 : i32
    %get3A_687 = arith.index_cast %get3A_686 : i32 to index
    %get3A_688 = arith.constant 24 : index
    %get3A_689 = tpu.vector_load %arg6[%get3A_687, %get3A_688] {strides = array<i32>} : memref<40x40xf32, #tpu.memory_space<vmem>>, vector<16xf32>,
    %select_n3A_690 = arith.select %and3A_673, %get3A_689, %broadcast_in_dim3A_74 : vector<16xi1>, vector<16xf32>
    %add3A_691 = arith.addf %add3A_627, %select_n3A_690 : vector<16xf32>
    %get3A_692 = arith.constant 9 : i32
    %get3A_693 = arith.index_cast %get3A_692 : i32 to index
    %get3A_694 = arith.constant 0 : index
    %get3A_695 = tpu.vector_load %arg7[%get3A_693, %get3A_694] {strides = array<i32>} : memref<40x40xf32, #tpu.memory_space<vmem>>, vector<16xf32>,
    %select_n3A_696 = arith.select %ne3A_658, %get3A_695, %broadcast_in_dim3A_74 : vector<16xi1>, vector<16xf32>
    %add3A_697 = arith.addf %add3A_633, %select_n3A_696 : vector<16xf32>
    %get3A_698 = arith.constant 9 : i32
    %get3A_699 = arith.index_cast %get3A_698 : i32 to index
    %get3A_700 = arith.constant 16 : index
    %get3A_701 = tpu.vector_load %arg7[%get3A_699, %get3A_700] {strides = array<i32>} : memref<40x40xf32, #tpu.memory_space<vmem>>, vector<16xf32>,
    %select_n3A_702 = arith.select %ne3A_665, %get3A_701, %broadcast_in_dim3A_74 : vector<16xi1>, vector<16xf32>
    %add3A_703 = arith.addf %add3A_639, %select_n3A_702 : vector<16xf32>
    %get3A_704 = arith.constant 9 : i32
    %get3A_705 = arith.index_cast %get3A_704 : i32 to index
    %get3A_706 = arith.constant 24 : index
    %get3A_707 = tpu.vector_load %arg7[%get3A_705, %get3A_706] {strides = array<i32>} : memref<40x40xf32, #tpu.memory_space<vmem>>, vector<16xf32>,
    %select_n3A_708 = arith.select %and3A_673, %get3A_707, %broadcast_in_dim3A_74 : vector<16xi1>, vector<16xf32>
    %add3A_709 = arith.addf %add3A_645, %select_n3A_708 : vector<16xf32>
    %select_n3A_710 = arith.select %ne3A_658, %broadcast_in_dim3A_76, %broadcast_in_dim3A_74 : vector<16xi1>, vector<16xf32>
    %add3A_711 = arith.addf %add3A_647, %select_n3A_710 : vector<16xf32>
    %select_n3A_712 = arith.select %ne3A_665, %broadcast_in_dim3A_76, %broadcast_in_dim3A_74 : vector<16xi1>, vector<16xf32>
    %add3A_713 = arith.addf %add3A_649, %select_n3A_712 : vector<16xf32>
    %select_n3A_714 = arith.select %and3A_673, %broadcast_in_dim3A_76, %broadcast_in_dim3A_74 : vector<16xi1>, vector<16xf32>
    %add3A_715 = arith.addf %add3A_651, %select_n3A_714 : vector<16xf32>
    %get3A_716 = arith.constant 10 : i32
    %get3A_717 = arith.index_cast %get3A_716 : i32 to index
    %get3A_718 = arith.constant 0 : index
    %get3A_719 = tpu.vector_load %arg8[%get3A_717, %get3A_718] {strides = array<i32>} : memref<40x40xi32, #tpu.memory_space<vmem>>, vector<16xi32>,
    %ne3A_720 = arith.constant 0 : i32
    %ne3A_721 = vector.broadcast %ne3A_720 : i32 to vector<16xi32>
    %ne3A_722 = arith.cmpi ne, %get3A_719, %ne3A_721 : vector<16xi32>
    %get3A_723 = arith.constant 10 : i32
    %get3A_724 = arith.index_cast %get3A_723 : i32 to index
    %get3A_725 = arith.constant 16 : index
    %get3A_726 = tpu.vector_load %arg8[%get3A_724, %get3A_725] {strides = array<i32>} : memref<40x40xi32, #tpu.memory_space<vmem>>, vector<16xi32>,
    %ne3A_727 = arith.constant 0 : i32
    %ne3A_728 = vector.broadcast %ne3A_727 : i32 to vector<16xi32>
    %ne3A_729 = arith.cmpi ne, %get3A_726, %ne3A_728 : vector<16xi32>
    %get3A_730 = arith.constant 10 : i32
    %get3A_731 = arith.index_cast %get3A_730 : i32 to index
    %get3A_732 = arith.constant 24 : index
    %get3A_733 = tpu.vector_load %arg8[%get3A_731, %get3A_732] {strides = array<i32>} : memref<40x40xi32, #tpu.memory_space<vmem>>, vector<16xi32>,
    %ne3A_734 = arith.constant 0 : i32
    %ne3A_735 = vector.broadcast %ne3A_734 : i32 to vector<16xi32>
    %ne3A_736 = arith.cmpi ne, %get3A_733, %ne3A_735 : vector<16xi32>
    %and3A_737 = arith.andi %ne3A_736, %ge3A_73 : vector<16xi1>
    %get3A_738 = arith.constant 10 : i32
    %get3A_739 = arith.index_cast %get3A_738 : i32 to index
    %get3A_740 = arith.constant 0 : index
    %get3A_741 = tpu.vector_load %arg6[%get3A_739, %get3A_740] {strides = array<i32>} : memref<40x40xf32, #tpu.memory_space<vmem>>, vector<16xf32>,
    %select_n3A_742 = arith.select %ne3A_722, %get3A_741, %broadcast_in_dim3A_74 : vector<16xi1>, vector<16xf32>
    %add3A_743 = arith.addf %add3A_679, %select_n3A_742 : vector<16xf32>
    %get3A_744 = arith.constant 10 : i32
    %get3A_745 = arith.index_cast %get3A_744 : i32 to index
    %get3A_746 = arith.constant 16 : index
    %get3A_747 = tpu.vector_load %arg6[%get3A_745, %get3A_746] {strides = array<i32>} : memref<40x40xf32, #tpu.memory_space<vmem>>, vector<16xf32>,
    %select_n3A_748 = arith.select %ne3A_729, %get3A_747, %broadcast_in_dim3A_74 : vector<16xi1>, vector<16xf32>
    %add3A_749 = arith.addf %add3A_685, %select_n3A_748 : vector<16xf32>
    %get3A_750 = arith.constant 10 : i32
    %get3A_751 = arith.index_cast %get3A_750 : i32 to index
    %get3A_752 = arith.constant 24 : index
    %get3A_753 = tpu.vector_load %arg6[%get3A_751, %get3A_752] {strides = array<i32>} : memref<40x40xf32, #tpu.memory_space<vmem>>, vector<16xf32>,
    %select_n3A_754 = arith.select %and3A_737, %get3A_753, %broadcast_in_dim3A_74 : vector<16xi1>, vector<16xf32>
    %add3A_755 = arith.addf %add3A_691, %select_n3A_754 : vector<16xf32>
    %get3A_756 = arith.constant 10 : i32
    %get3A_757 = arith.index_cast %get3A_756 : i32 to index
    %get3A_758 = arith.constant 0 : index
    %get3A_759 = tpu.vector_load %arg7[%get3A_757, %get3A_758] {strides = array<i32>} : memref<40x40xf32, #tpu.memory_space<vmem>>, vector<16xf32>,
    %select_n3A_760 = arith.select %ne3A_722, %get3A_759, %broadcast_in_dim3A_74 : vector<16xi1>, vector<16xf32>
    %add3A_761 = arith.addf %add3A_697, %select_n3A_760 : vector<16xf32>
    %get3A_762 = arith.constant 10 : i32
    %get3A_763 = arith.index_cast %get3A_762 : i32 to index
    %get3A_764 = arith.constant 16 : index
    %get3A_765 = tpu.vector_load %arg7[%get3A_763, %get3A_764] {strides = array<i32>} : memref<40x40xf32, #tpu.memory_space<vmem>>, vector<16xf32>,
    %select_n3A_766 = arith.select %ne3A_729, %get3A_765, %broadcast_in_dim3A_74 : vector<16xi1>, vector<16xf32>
    %add3A_767 = arith.addf %add3A_703, %select_n3A_766 : vector<16xf32>
    %get3A_768 = arith.constant 10 : i32
    %get3A_769 = arith.index_cast %get3A_768 : i32 to index
    %get3A_770 = arith.constant 24 : index
    %get3A_771 = tpu.vector_load %arg7[%get3A_769, %get3A_770] {strides = array<i32>} : memref<40x40xf32, #tpu.memory_space<vmem>>, vector<16xf32>,
    %select_n3A_772 = arith.select %and3A_737, %get3A_771, %broadcast_in_dim3A_74 : vector<16xi1>, vector<16xf32>
    %add3A_773 = arith.addf %add3A_709, %select_n3A_772 : vector<16xf32>
    %select_n3A_774 = arith.select %ne3A_722, %broadcast_in_dim3A_76, %broadcast_in_dim3A_74 : vector<16xi1>, vector<16xf32>
    %add3A_775 = arith.addf %add3A_711, %select_n3A_774 : vector<16xf32>
    %select_n3A_776 = arith.select %ne3A_729, %broadcast_in_dim3A_76, %broadcast_in_dim3A_74 : vector<16xi1>, vector<16xf32>
    %add3A_777 = arith.addf %add3A_713, %select_n3A_776 : vector<16xf32>
    %select_n3A_778 = arith.select %and3A_737, %broadcast_in_dim3A_76, %broadcast_in_dim3A_74 : vector<16xi1>, vector<16xf32>
    %add3A_779 = arith.addf %add3A_715, %select_n3A_778 : vector<16xf32>
    %get3A_780 = arith.constant 11 : i32
    %get3A_781 = arith.index_cast %get3A_780 : i32 to index
    %get3A_782 = arith.constant 0 : index
    %get3A_783 = tpu.vector_load %arg8[%get3A_781, %get3A_782] {strides = array<i32>} : memref<40x40xi32, #tpu.memory_space<vmem>>, vector<16xi32>,
    %ne3A_784 = arith.constant 0 : i32
    %ne3A_785 = vector.broadcast %ne3A_784 : i32 to vector<16xi32>
    %ne3A_786 = arith.cmpi ne, %get3A_783, %ne3A_785 : vector<16xi32>
    %get3A_787 = arith.constant 11 : i32
    %get3A_788 = arith.index_cast %get3A_787 : i32 to index
    %get3A_789 = arith.constant 16 : index
    %get3A_790 = tpu.vector_load %arg8[%get3A_788, %get3A_789] {strides = array<i32>} : memref<40x40xi32, #tpu.memory_space<vmem>>, vector<16xi32>,
    %ne3A_791 = arith.constant 0 : i32
    %ne3A_792 = vector.broadcast %ne3A_791 : i32 to vector<16xi32>
    %ne3A_793 = arith.cmpi ne, %get3A_790, %ne3A_792 : vector<16xi32>
    %get3A_794 = arith.constant 11 : i32
    %get3A_795 = arith.index_cast %get3A_794 : i32 to index
    %get3A_796 = arith.constant 24 : index
    %get3A_797 = tpu.vector_load %arg8[%get3A_795, %get3A_796] {strides = array<i32>} : memref<40x40xi32, #tpu.memory_space<vmem>>, vector<16xi32>,
    %ne3A_798 = arith.constant 0 : i32
    %ne3A_799 = vector.broadcast %ne3A_798 : i32 to vector<16xi32>
    %ne3A_800 = arith.cmpi ne, %get3A_797, %ne3A_799 : vector<16xi32>
    %and3A_801 = arith.andi %ne3A_800, %ge3A_73 : vector<16xi1>
    %get3A_802 = arith.constant 11 : i32
    %get3A_803 = arith.index_cast %get3A_802 : i32 to index
    %get3A_804 = arith.constant 0 : index
    %get3A_805 = tpu.vector_load %arg6[%get3A_803, %get3A_804] {strides = array<i32>} : memref<40x40xf32, #tpu.memory_space<vmem>>, vector<16xf32>,
    %select_n3A_806 = arith.select %ne3A_786, %get3A_805, %broadcast_in_dim3A_74 : vector<16xi1>, vector<16xf32>
    %add3A_807 = arith.addf %add3A_743, %select_n3A_806 : vector<16xf32>
    %get3A_808 = arith.constant 11 : i32
    %get3A_809 = arith.index_cast %get3A_808 : i32 to index
    %get3A_810 = arith.constant 16 : index
    %get3A_811 = tpu.vector_load %arg6[%get3A_809, %get3A_810] {strides = array<i32>} : memref<40x40xf32, #tpu.memory_space<vmem>>, vector<16xf32>,
    %select_n3A_812 = arith.select %ne3A_793, %get3A_811, %broadcast_in_dim3A_74 : vector<16xi1>, vector<16xf32>
    %add3A_813 = arith.addf %add3A_749, %select_n3A_812 : vector<16xf32>
    %get3A_814 = arith.constant 11 : i32
    %get3A_815 = arith.index_cast %get3A_814 : i32 to index
    %get3A_816 = arith.constant 24 : index
    %get3A_817 = tpu.vector_load %arg6[%get3A_815, %get3A_816] {strides = array<i32>} : memref<40x40xf32, #tpu.memory_space<vmem>>, vector<16xf32>,
    %select_n3A_818 = arith.select %and3A_801, %get3A_817, %broadcast_in_dim3A_74 : vector<16xi1>, vector<16xf32>
    %add3A_819 = arith.addf %add3A_755, %select_n3A_818 : vector<16xf32>
    %get3A_820 = arith.constant 11 : i32
    %get3A_821 = arith.index_cast %get3A_820 : i32 to index
    %get3A_822 = arith.constant 0 : index
    %get3A_823 = tpu.vector_load %arg7[%get3A_821, %get3A_822] {strides = array<i32>} : memref<40x40xf32, #tpu.memory_space<vmem>>, vector<16xf32>,
    %select_n3A_824 = arith.select %ne3A_786, %get3A_823, %broadcast_in_dim3A_74 : vector<16xi1>, vector<16xf32>
    %add3A_825 = arith.addf %add3A_761, %select_n3A_824 : vector<16xf32>
    %get3A_826 = arith.constant 11 : i32
    %get3A_827 = arith.index_cast %get3A_826 : i32 to index
    %get3A_828 = arith.constant 16 : index
    %get3A_829 = tpu.vector_load %arg7[%get3A_827, %get3A_828] {strides = array<i32>} : memref<40x40xf32, #tpu.memory_space<vmem>>, vector<16xf32>,
    %select_n3A_830 = arith.select %ne3A_793, %get3A_829, %broadcast_in_dim3A_74 : vector<16xi1>, vector<16xf32>
    %add3A_831 = arith.addf %add3A_767, %select_n3A_830 : vector<16xf32>
    %get3A_832 = arith.constant 11 : i32
    %get3A_833 = arith.index_cast %get3A_832 : i32 to index
    %get3A_834 = arith.constant 24 : index
    %get3A_835 = tpu.vector_load %arg7[%get3A_833, %get3A_834] {strides = array<i32>} : memref<40x40xf32, #tpu.memory_space<vmem>>, vector<16xf32>,
    %select_n3A_836 = arith.select %and3A_801, %get3A_835, %broadcast_in_dim3A_74 : vector<16xi1>, vector<16xf32>
    %add3A_837 = arith.addf %add3A_773, %select_n3A_836 : vector<16xf32>
    %select_n3A_838 = arith.select %ne3A_786, %broadcast_in_dim3A_76, %broadcast_in_dim3A_74 : vector<16xi1>, vector<16xf32>
    %add3A_839 = arith.addf %add3A_775, %select_n3A_838 : vector<16xf32>
    %select_n3A_840 = arith.select %ne3A_793, %broadcast_in_dim3A_76, %broadcast_in_dim3A_74 : vector<16xi1>, vector<16xf32>
    %add3A_841 = arith.addf %add3A_777, %select_n3A_840 : vector<16xf32>
    %select_n3A_842 = arith.select %and3A_801, %broadcast_in_dim3A_76, %broadcast_in_dim3A_74 : vector<16xi1>, vector<16xf32>
    %add3A_843 = arith.addf %add3A_779, %select_n3A_842 : vector<16xf32>
    %get3A_844 = arith.constant 12 : i32
    %get3A_845 = arith.index_cast %get3A_844 : i32 to index
    %get3A_846 = arith.constant 0 : index
    %get3A_847 = tpu.vector_load %arg8[%get3A_845, %get3A_846] {strides = array<i32>} : memref<40x40xi32, #tpu.memory_space<vmem>>, vector<16xi32>,
    %ne3A_848 = arith.constant 0 : i32
    %ne3A_849 = vector.broadcast %ne3A_848 : i32 to vector<16xi32>
    %ne3A_850 = arith.cmpi ne, %get3A_847, %ne3A_849 : vector<16xi32>
    %get3A_851 = arith.constant 12 : i32
    %get3A_852 = arith.index_cast %get3A_851 : i32 to index
    %get3A_853 = arith.constant 16 : index
    %get3A_854 = tpu.vector_load %arg8[%get3A_852, %get3A_853] {strides = array<i32>} : memref<40x40xi32, #tpu.memory_space<vmem>>, vector<16xi32>,
    %ne3A_855 = arith.constant 0 : i32
    %ne3A_856 = vector.broadcast %ne3A_855 : i32 to vector<16xi32>
    %ne3A_857 = arith.cmpi ne, %get3A_854, %ne3A_856 : vector<16xi32>
    %get3A_858 = arith.constant 12 : i32
    %get3A_859 = arith.index_cast %get3A_858 : i32 to index
    %get3A_860 = arith.constant 24 : index
    %get3A_861 = tpu.vector_load %arg8[%get3A_859, %get3A_860] {strides = array<i32>} : memref<40x40xi32, #tpu.memory_space<vmem>>, vector<16xi32>,
    %ne3A_862 = arith.constant 0 : i32
    %ne3A_863 = vector.broadcast %ne3A_862 : i32 to vector<16xi32>
    %ne3A_864 = arith.cmpi ne, %get3A_861, %ne3A_863 : vector<16xi32>
    %and3A_865 = arith.andi %ne3A_864, %ge3A_73 : vector<16xi1>
    %get3A_866 = arith.constant 12 : i32
    %get3A_867 = arith.index_cast %get3A_866 : i32 to index
    %get3A_868 = arith.constant 0 : index
    %get3A_869 = tpu.vector_load %arg6[%get3A_867, %get3A_868] {strides = array<i32>} : memref<40x40xf32, #tpu.memory_space<vmem>>, vector<16xf32>,
    %select_n3A_870 = arith.select %ne3A_850, %get3A_869, %broadcast_in_dim3A_74 : vector<16xi1>, vector<16xf32>
    %add3A_871 = arith.addf %add3A_807, %select_n3A_870 : vector<16xf32>
    %get3A_872 = arith.constant 12 : i32
    %get3A_873 = arith.index_cast %get3A_872 : i32 to index
    %get3A_874 = arith.constant 16 : index
    %get3A_875 = tpu.vector_load %arg6[%get3A_873, %get3A_874] {strides = array<i32>} : memref<40x40xf32, #tpu.memory_space<vmem>>, vector<16xf32>,
    %select_n3A_876 = arith.select %ne3A_857, %get3A_875, %broadcast_in_dim3A_74 : vector<16xi1>, vector<16xf32>
    %add3A_877 = arith.addf %add3A_813, %select_n3A_876 : vector<16xf32>
    %get3A_878 = arith.constant 12 : i32
    %get3A_879 = arith.index_cast %get3A_878 : i32 to index
    %get3A_880 = arith.constant 24 : index
    %get3A_881 = tpu.vector_load %arg6[%get3A_879, %get3A_880] {strides = array<i32>} : memref<40x40xf32, #tpu.memory_space<vmem>>, vector<16xf32>,
    %select_n3A_882 = arith.select %and3A_865, %get3A_881, %broadcast_in_dim3A_74 : vector<16xi1>, vector<16xf32>
    %add3A_883 = arith.addf %add3A_819, %select_n3A_882 : vector<16xf32>
    %get3A_884 = arith.constant 12 : i32
    %get3A_885 = arith.index_cast %get3A_884 : i32 to index
    %get3A_886 = arith.constant 0 : index
    %get3A_887 = tpu.vector_load %arg7[%get3A_885, %get3A_886] {strides = array<i32>} : memref<40x40xf32, #tpu.memory_space<vmem>>, vector<16xf32>,
    %select_n3A_888 = arith.select %ne3A_850, %get3A_887, %broadcast_in_dim3A_74 : vector<16xi1>, vector<16xf32>
    %add3A_889 = arith.addf %add3A_825, %select_n3A_888 : vector<16xf32>
    %get3A_890 = arith.constant 12 : i32
    %get3A_891 = arith.index_cast %get3A_890 : i32 to index
    %get3A_892 = arith.constant 16 : index
    %get3A_893 = tpu.vector_load %arg7[%get3A_891, %get3A_892] {strides = array<i32>} : memref<40x40xf32, #tpu.memory_space<vmem>>, vector<16xf32>,
    %select_n3A_894 = arith.select %ne3A_857, %get3A_893, %broadcast_in_dim3A_74 : vector<16xi1>, vector<16xf32>
    %add3A_895 = arith.addf %add3A_831, %select_n3A_894 : vector<16xf32>
    %get3A_896 = arith.constant 12 : i32
    %get3A_897 = arith.index_cast %get3A_896 : i32 to index
    %get3A_898 = arith.constant 24 : index
    %get3A_899 = tpu.vector_load %arg7[%get3A_897, %get3A_898] {strides = array<i32>} : memref<40x40xf32, #tpu.memory_space<vmem>>, vector<16xf32>,
    %select_n3A_900 = arith.select %and3A_865, %get3A_899, %broadcast_in_dim3A_74 : vector<16xi1>, vector<16xf32>
    %add3A_901 = arith.addf %add3A_837, %select_n3A_900 : vector<16xf32>
    %select_n3A_902 = arith.select %ne3A_850, %broadcast_in_dim3A_76, %broadcast_in_dim3A_74 : vector<16xi1>, vector<16xf32>
    %add3A_903 = arith.addf %add3A_839, %select_n3A_902 : vector<16xf32>
    %select_n3A_904 = arith.select %ne3A_857, %broadcast_in_dim3A_76, %broadcast_in_dim3A_74 : vector<16xi1>, vector<16xf32>
    %add3A_905 = arith.addf %add3A_841, %select_n3A_904 : vector<16xf32>
    %select_n3A_906 = arith.select %and3A_865, %broadcast_in_dim3A_76, %broadcast_in_dim3A_74 : vector<16xi1>, vector<16xf32>
    %add3A_907 = arith.addf %add3A_843, %select_n3A_906 : vector<16xf32>
    %get3A_908 = arith.constant 13 : i32
    %get3A_909 = arith.index_cast %get3A_908 : i32 to index
    %get3A_910 = arith.constant 0 : index
    %get3A_911 = tpu.vector_load %arg8[%get3A_909, %get3A_910] {strides = array<i32>} : memref<40x40xi32, #tpu.memory_space<vmem>>, vector<16xi32>,
    %ne3A_912 = arith.constant 0 : i32
    %ne3A_913 = vector.broadcast %ne3A_912 : i32 to vector<16xi32>
    %ne3A_914 = arith.cmpi ne, %get3A_911, %ne3A_913 : vector<16xi32>
    %get3A_915 = arith.constant 13 : i32
    %get3A_916 = arith.index_cast %get3A_915 : i32 to index
    %get3A_917 = arith.constant 16 : index
    %get3A_918 = tpu.vector_load %arg8[%get3A_916, %get3A_917] {strides = array<i32>} : memref<40x40xi32, #tpu.memory_space<vmem>>, vector<16xi32>,
    %ne3A_919 = arith.constant 0 : i32
    %ne3A_920 = vector.broadcast %ne3A_919 : i32 to vector<16xi32>
    %ne3A_921 = arith.cmpi ne, %get3A_918, %ne3A_920 : vector<16xi32>
    %get3A_922 = arith.constant 13 : i32
    %get3A_923 = arith.index_cast %get3A_922 : i32 to index
    %get3A_924 = arith.constant 24 : index
    %get3A_925 = tpu.vector_load %arg8[%get3A_923, %get3A_924] {strides = array<i32>} : memref<40x40xi32, #tpu.memory_space<vmem>>, vector<16xi32>,
    %ne3A_926 = arith.constant 0 : i32
    %ne3A_927 = vector.broadcast %ne3A_926 : i32 to vector<16xi32>
    %ne3A_928 = arith.cmpi ne, %get3A_925, %ne3A_927 : vector<16xi32>
    %and3A_929 = arith.andi %ne3A_928, %ge3A_73 : vector<16xi1>
    %get3A_930 = arith.constant 13 : i32
    %get3A_931 = arith.index_cast %get3A_930 : i32 to index
    %get3A_932 = arith.constant 0 : index
    %get3A_933 = tpu.vector_load %arg6[%get3A_931, %get3A_932] {strides = array<i32>} : memref<40x40xf32, #tpu.memory_space<vmem>>, vector<16xf32>,
    %select_n3A_934 = arith.select %ne3A_914, %get3A_933, %broadcast_in_dim3A_74 : vector<16xi1>, vector<16xf32>
    %add3A_935 = arith.addf %add3A_871, %select_n3A_934 : vector<16xf32>
    %get3A_936 = arith.constant 13 : i32
    %get3A_937 = arith.index_cast %get3A_936 : i32 to index
    %get3A_938 = arith.constant 16 : index
    %get3A_939 = tpu.vector_load %arg6[%get3A_937, %get3A_938] {strides = array<i32>} : memref<40x40xf32, #tpu.memory_space<vmem>>, vector<16xf32>,
    %select_n3A_940 = arith.select %ne3A_921, %get3A_939, %broadcast_in_dim3A_74 : vector<16xi1>, vector<16xf32>
    %add3A_941 = arith.addf %add3A_877, %select_n3A_940 : vector<16xf32>
    %get3A_942 = arith.constant 13 : i32
    %get3A_943 = arith.index_cast %get3A_942 : i32 to index
    %get3A_944 = arith.constant 24 : index
    %get3A_945 = tpu.vector_load %arg6[%get3A_943, %get3A_944] {strides = array<i32>} : memref<40x40xf32, #tpu.memory_space<vmem>>, vector<16xf32>,
    %select_n3A_946 = arith.select %and3A_929, %get3A_945, %broadcast_in_dim3A_74 : vector<16xi1>, vector<16xf32>
    %add3A_947 = arith.addf %add3A_883, %select_n3A_946 : vector<16xf32>
    %get3A_948 = arith.constant 13 : i32
    %get3A_949 = arith.index_cast %get3A_948 : i32 to index
    %get3A_950 = arith.constant 0 : index
    %get3A_951 = tpu.vector_load %arg7[%get3A_949, %get3A_950] {strides = array<i32>} : memref<40x40xf32, #tpu.memory_space<vmem>>, vector<16xf32>,
    %select_n3A_952 = arith.select %ne3A_914, %get3A_951, %broadcast_in_dim3A_74 : vector<16xi1>, vector<16xf32>
    %add3A_953 = arith.addf %add3A_889, %select_n3A_952 : vector<16xf32>
    %get3A_954 = arith.constant 13 : i32
    %get3A_955 = arith.index_cast %get3A_954 : i32 to index
    %get3A_956 = arith.constant 16 : index
    %get3A_957 = tpu.vector_load %arg7[%get3A_955, %get3A_956] {strides = array<i32>} : memref<40x40xf32, #tpu.memory_space<vmem>>, vector<16xf32>,
    %select_n3A_958 = arith.select %ne3A_921, %get3A_957, %broadcast_in_dim3A_74 : vector<16xi1>, vector<16xf32>
    %add3A_959 = arith.addf %add3A_895, %select_n3A_958 : vector<16xf32>
    %get3A_960 = arith.constant 13 : i32
    %get3A_961 = arith.index_cast %get3A_960 : i32 to index
    %get3A_962 = arith.constant 24 : index
    %get3A_963 = tpu.vector_load %arg7[%get3A_961, %get3A_962] {strides = array<i32>} : memref<40x40xf32, #tpu.memory_space<vmem>>, vector<16xf32>,
    %select_n3A_964 = arith.select %and3A_929, %get3A_963, %broadcast_in_dim3A_74 : vector<16xi1>, vector<16xf32>
    %add3A_965 = arith.addf %add3A_901, %select_n3A_964 : vector<16xf32>
    %select_n3A_966 = arith.select %ne3A_914, %broadcast_in_dim3A_76, %broadcast_in_dim3A_74 : vector<16xi1>, vector<16xf32>
    %add3A_967 = arith.addf %add3A_903, %select_n3A_966 : vector<16xf32>
    %select_n3A_968 = arith.select %ne3A_921, %broadcast_in_dim3A_76, %broadcast_in_dim3A_74 : vector<16xi1>, vector<16xf32>
    %add3A_969 = arith.addf %add3A_905, %select_n3A_968 : vector<16xf32>
    %select_n3A_970 = arith.select %and3A_929, %broadcast_in_dim3A_76, %broadcast_in_dim3A_74 : vector<16xi1>, vector<16xf32>
    %add3A_971 = arith.addf %add3A_907, %select_n3A_970 : vector<16xf32>
    %get3A_972 = arith.constant 14 : i32
    %get3A_973 = arith.index_cast %get3A_972 : i32 to index
    %get3A_974 = arith.constant 0 : index
    %get3A_975 = tpu.vector_load %arg8[%get3A_973, %get3A_974] {strides = array<i32>} : memref<40x40xi32, #tpu.memory_space<vmem>>, vector<16xi32>,
    %ne3A_976 = arith.constant 0 : i32
    %ne3A_977 = vector.broadcast %ne3A_976 : i32 to vector<16xi32>
    %ne3A_978 = arith.cmpi ne, %get3A_975, %ne3A_977 : vector<16xi32>
    %get3A_979 = arith.constant 14 : i32
    %get3A_980 = arith.index_cast %get3A_979 : i32 to index
    %get3A_981 = arith.constant 16 : index
    %get3A_982 = tpu.vector_load %arg8[%get3A_980, %get3A_981] {strides = array<i32>} : memref<40x40xi32, #tpu.memory_space<vmem>>, vector<16xi32>,
    %ne3A_983 = arith.constant 0 : i32
    %ne3A_984 = vector.broadcast %ne3A_983 : i32 to vector<16xi32>
    %ne3A_985 = arith.cmpi ne, %get3A_982, %ne3A_984 : vector<16xi32>
    %get3A_986 = arith.constant 14 : i32
    %get3A_987 = arith.index_cast %get3A_986 : i32 to index
    %get3A_988 = arith.constant 24 : index
    %get3A_989 = tpu.vector_load %arg8[%get3A_987, %get3A_988] {strides = array<i32>} : memref<40x40xi32, #tpu.memory_space<vmem>>, vector<16xi32>,
    %ne3A_990 = arith.constant 0 : i32
    %ne3A_991 = vector.broadcast %ne3A_990 : i32 to vector<16xi32>
    %ne3A_992 = arith.cmpi ne, %get3A_989, %ne3A_991 : vector<16xi32>
    %and3A_993 = arith.andi %ne3A_992, %ge3A_73 : vector<16xi1>
    %get3A_994 = arith.constant 14 : i32
    %get3A_995 = arith.index_cast %get3A_994 : i32 to index
    %get3A_996 = arith.constant 0 : index
    %get3A_997 = tpu.vector_load %arg6[%get3A_995, %get3A_996] {strides = array<i32>} : memref<40x40xf32, #tpu.memory_space<vmem>>, vector<16xf32>,
    %select_n3A_998 = arith.select %ne3A_978, %get3A_997, %broadcast_in_dim3A_74 : vector<16xi1>, vector<16xf32>
    %add3A_999 = arith.addf %add3A_935, %select_n3A_998 : vector<16xf32>
    %get3A_1000 = arith.constant 14 : i32
    %get3A_1001 = arith.index_cast %get3A_1000 : i32 to index
    %get3A_1002 = arith.constant 16 : index
    %get3A_1003 = tpu.vector_load %arg6[%get3A_1001, %get3A_1002] {strides = array<i32>} : memref<40x40xf32, #tpu.memory_space<vmem>>, vector<16xf32>,
    %select_n3A_1004 = arith.select %ne3A_985, %get3A_1003, %broadcast_in_dim3A_74 : vector<16xi1>, vector<16xf32>
    %add3A_1005 = arith.addf %add3A_941, %select_n3A_1004 : vector<16xf32>
    %get3A_1006 = arith.constant 14 : i32
    %get3A_1007 = arith.index_cast %get3A_1006 : i32 to index
    %get3A_1008 = arith.constant 24 : index
    %get3A_1009 = tpu.vector_load %arg6[%get3A_1007, %get3A_1008] {strides = array<i32>} : memref<40x40xf32, #tpu.memory_space<vmem>>, vector<16xf32>,
    %select_n3A_1010 = arith.select %and3A_993, %get3A_1009, %broadcast_in_dim3A_74 : vector<16xi1>, vector<16xf32>
    %add3A_1011 = arith.addf %add3A_947, %select_n3A_1010 : vector<16xf32>
    %get3A_1012 = arith.constant 14 : i32
    %get3A_1013 = arith.index_cast %get3A_1012 : i32 to index
    %get3A_1014 = arith.constant 0 : index
    %get3A_1015 = tpu.vector_load %arg7[%get3A_1013, %get3A_1014] {strides = array<i32>} : memref<40x40xf32, #tpu.memory_space<vmem>>, vector<16xf32>,
    %select_n3A_1016 = arith.select %ne3A_978, %get3A_1015, %broadcast_in_dim3A_74 : vector<16xi1>, vector<16xf32>
    %add3A_1017 = arith.addf %add3A_953, %select_n3A_1016 : vector<16xf32>
    %get3A_1018 = arith.constant 14 : i32
    %get3A_1019 = arith.index_cast %get3A_1018 : i32 to index
    %get3A_1020 = arith.constant 16 : index
    %get3A_1021 = tpu.vector_load %arg7[%get3A_1019, %get3A_1020] {strides = array<i32>} : memref<40x40xf32, #tpu.memory_space<vmem>>, vector<16xf32>,
    %select_n3A_1022 = arith.select %ne3A_985, %get3A_1021, %broadcast_in_dim3A_74 : vector<16xi1>, vector<16xf32>
    %add3A_1023 = arith.addf %add3A_959, %select_n3A_1022 : vector<16xf32>
    %get3A_1024 = arith.constant 14 : i32
    %get3A_1025 = arith.index_cast %get3A_1024 : i32 to index
    %get3A_1026 = arith.constant 24 : index
    %get3A_1027 = tpu.vector_load %arg7[%get3A_1025, %get3A_1026] {strides = array<i32>} : memref<40x40xf32, #tpu.memory_space<vmem>>, vector<16xf32>,
    %select_n3A_1028 = arith.select %and3A_993, %get3A_1027, %broadcast_in_dim3A_74 : vector<16xi1>, vector<16xf32>
    %add3A_1029 = arith.addf %add3A_965, %select_n3A_1028 : vector<16xf32>
    %select_n3A_1030 = arith.select %ne3A_978, %broadcast_in_dim3A_76, %broadcast_in_dim3A_74 : vector<16xi1>, vector<16xf32>
    %add3A_1031 = arith.addf %add3A_967, %select_n3A_1030 : vector<16xf32>
    %select_n3A_1032 = arith.select %ne3A_985, %broadcast_in_dim3A_76, %broadcast_in_dim3A_74 : vector<16xi1>, vector<16xf32>
    %add3A_1033 = arith.addf %add3A_969, %select_n3A_1032 : vector<16xf32>
    %select_n3A_1034 = arith.select %and3A_993, %broadcast_in_dim3A_76, %broadcast_in_dim3A_74 : vector<16xi1>, vector<16xf32>
    %add3A_1035 = arith.addf %add3A_971, %select_n3A_1034 : vector<16xf32>
    %get3A_1036 = arith.constant 15 : i32
    %get3A_1037 = arith.index_cast %get3A_1036 : i32 to index
    %get3A_1038 = arith.constant 0 : index
    %get3A_1039 = tpu.vector_load %arg8[%get3A_1037, %get3A_1038] {strides = array<i32>} : memref<40x40xi32, #tpu.memory_space<vmem>>, vector<16xi32>,
    %ne3A_1040 = arith.constant 0 : i32
    %ne3A_1041 = vector.broadcast %ne3A_1040 : i32 to vector<16xi32>
    %ne3A_1042 = arith.cmpi ne, %get3A_1039, %ne3A_1041 : vector<16xi32>
    %get3A_1043 = arith.constant 15 : i32
    %get3A_1044 = arith.index_cast %get3A_1043 : i32 to index
    %get3A_1045 = arith.constant 16 : index
    %get3A_1046 = tpu.vector_load %arg8[%get3A_1044, %get3A_1045] {strides = array<i32>} : memref<40x40xi32, #tpu.memory_space<vmem>>, vector<16xi32>,
    %ne3A_1047 = arith.constant 0 : i32
    %ne3A_1048 = vector.broadcast %ne3A_1047 : i32 to vector<16xi32>
    %ne3A_1049 = arith.cmpi ne, %get3A_1046, %ne3A_1048 : vector<16xi32>
    %get3A_1050 = arith.constant 15 : i32
    %get3A_1051 = arith.index_cast %get3A_1050 : i32 to index
    %get3A_1052 = arith.constant 24 : index
    %get3A_1053 = tpu.vector_load %arg8[%get3A_1051, %get3A_1052] {strides = array<i32>} : memref<40x40xi32, #tpu.memory_space<vmem>>, vector<16xi32>,
    %ne3A_1054 = arith.constant 0 : i32
    %ne3A_1055 = vector.broadcast %ne3A_1054 : i32 to vector<16xi32>
    %ne3A_1056 = arith.cmpi ne, %get3A_1053, %ne3A_1055 : vector<16xi32>
    %and3A_1057 = arith.andi %ne3A_1056, %ge3A_73 : vector<16xi1>
    %get3A_1058 = arith.constant 15 : i32
    %get3A_1059 = arith.index_cast %get3A_1058 : i32 to index
    %get3A_1060 = arith.constant 0 : index
    %get3A_1061 = tpu.vector_load %arg6[%get3A_1059, %get3A_1060] {strides = array<i32>} : memref<40x40xf32, #tpu.memory_space<vmem>>, vector<16xf32>,
    %select_n3A_1062 = arith.select %ne3A_1042, %get3A_1061, %broadcast_in_dim3A_74 : vector<16xi1>, vector<16xf32>
    %add3A_1063 = arith.addf %add3A_999, %select_n3A_1062 : vector<16xf32>
    %get3A_1064 = arith.constant 15 : i32
    %get3A_1065 = arith.index_cast %get3A_1064 : i32 to index
    %get3A_1066 = arith.constant 16 : index
    %get3A_1067 = tpu.vector_load %arg6[%get3A_1065, %get3A_1066] {strides = array<i32>} : memref<40x40xf32, #tpu.memory_space<vmem>>, vector<16xf32>,
    %select_n3A_1068 = arith.select %ne3A_1049, %get3A_1067, %broadcast_in_dim3A_74 : vector<16xi1>, vector<16xf32>
    %add3A_1069 = arith.addf %add3A_1005, %select_n3A_1068 : vector<16xf32>
    %get3A_1070 = arith.constant 15 : i32
    %get3A_1071 = arith.index_cast %get3A_1070 : i32 to index
    %get3A_1072 = arith.constant 24 : index
    %get3A_1073 = tpu.vector_load %arg6[%get3A_1071, %get3A_1072] {strides = array<i32>} : memref<40x40xf32, #tpu.memory_space<vmem>>, vector<16xf32>,
    %select_n3A_1074 = arith.select %and3A_1057, %get3A_1073, %broadcast_in_dim3A_74 : vector<16xi1>, vector<16xf32>
    %add3A_1075 = arith.addf %add3A_1011, %select_n3A_1074 : vector<16xf32>
    %get3A_1076 = arith.constant 15 : i32
    %get3A_1077 = arith.index_cast %get3A_1076 : i32 to index
    %get3A_1078 = arith.constant 0 : index
    %get3A_1079 = tpu.vector_load %arg7[%get3A_1077, %get3A_1078] {strides = array<i32>} : memref<40x40xf32, #tpu.memory_space<vmem>>, vector<16xf32>,
    %select_n3A_1080 = arith.select %ne3A_1042, %get3A_1079, %broadcast_in_dim3A_74 : vector<16xi1>, vector<16xf32>
    %add3A_1081 = arith.addf %add3A_1017, %select_n3A_1080 : vector<16xf32>
    %get3A_1082 = arith.constant 15 : i32
    %get3A_1083 = arith.index_cast %get3A_1082 : i32 to index
    %get3A_1084 = arith.constant 16 : index
    %get3A_1085 = tpu.vector_load %arg7[%get3A_1083, %get3A_1084] {strides = array<i32>} : memref<40x40xf32, #tpu.memory_space<vmem>>, vector<16xf32>,
    %select_n3A_1086 = arith.select %ne3A_1049, %get3A_1085, %broadcast_in_dim3A_74 : vector<16xi1>, vector<16xf32>
    %add3A_1087 = arith.addf %add3A_1023, %select_n3A_1086 : vector<16xf32>
    %get3A_1088 = arith.constant 15 : i32
    %get3A_1089 = arith.index_cast %get3A_1088 : i32 to index
    %get3A_1090 = arith.constant 24 : index
    %get3A_1091 = tpu.vector_load %arg7[%get3A_1089, %get3A_1090] {strides = array<i32>} : memref<40x40xf32, #tpu.memory_space<vmem>>, vector<16xf32>,
    %select_n3A_1092 = arith.select %and3A_1057, %get3A_1091, %broadcast_in_dim3A_74 : vector<16xi1>, vector<16xf32>
    %add3A_1093 = arith.addf %add3A_1029, %select_n3A_1092 : vector<16xf32>
    %select_n3A_1094 = arith.select %ne3A_1042, %broadcast_in_dim3A_76, %broadcast_in_dim3A_74 : vector<16xi1>, vector<16xf32>
    %add3A_1095 = arith.addf %add3A_1031, %select_n3A_1094 : vector<16xf32>
    %select_n3A_1096 = arith.select %ne3A_1049, %broadcast_in_dim3A_76, %broadcast_in_dim3A_74 : vector<16xi1>, vector<16xf32>
    %add3A_1097 = arith.addf %add3A_1033, %select_n3A_1096 : vector<16xf32>
    %select_n3A_1098 = arith.select %and3A_1057, %broadcast_in_dim3A_76, %broadcast_in_dim3A_74 : vector<16xi1>, vector<16xf32>
    %add3A_1099 = arith.addf %add3A_1035, %select_n3A_1098 : vector<16xf32>
    %get3A_1100 = arith.constant 16 : i32
    %get3A_1101 = arith.index_cast %get3A_1100 : i32 to index
    %get3A_1102 = arith.constant 0 : index
    %get3A_1103 = tpu.vector_load %arg8[%get3A_1101, %get3A_1102] {strides = array<i32>} : memref<40x40xi32, #tpu.memory_space<vmem>>, vector<16xi32>,
    %ne3A_1104 = arith.constant 0 : i32
    %ne3A_1105 = vector.broadcast %ne3A_1104 : i32 to vector<16xi32>
    %ne3A_1106 = arith.cmpi ne, %get3A_1103, %ne3A_1105 : vector<16xi32>
    %get3A_1107 = arith.constant 16 : i32
    %get3A_1108 = arith.index_cast %get3A_1107 : i32 to index
    %get3A_1109 = arith.constant 16 : index
    %get3A_1110 = tpu.vector_load %arg8[%get3A_1108, %get3A_1109] {strides = array<i32>} : memref<40x40xi32, #tpu.memory_space<vmem>>, vector<16xi32>,
    %ne3A_1111 = arith.constant 0 : i32
    %ne3A_1112 = vector.broadcast %ne3A_1111 : i32 to vector<16xi32>
    %ne3A_1113 = arith.cmpi ne, %get3A_1110, %ne3A_1112 : vector<16xi32>
    %get3A_1114 = arith.constant 16 : i32
    %get3A_1115 = arith.index_cast %get3A_1114 : i32 to index
    %get3A_1116 = arith.constant 24 : index
    %get3A_1117 = tpu.vector_load %arg8[%get3A_1115, %get3A_1116] {strides = array<i32>} : memref<40x40xi32, #tpu.memory_space<vmem>>, vector<16xi32>,
    %ne3A_1118 = arith.constant 0 : i32
    %ne3A_1119 = vector.broadcast %ne3A_1118 : i32 to vector<16xi32>
    %ne3A_1120 = arith.cmpi ne, %get3A_1117, %ne3A_1119 : vector<16xi32>
    %and3A_1121 = arith.andi %ne3A_1120, %ge3A_73 : vector<16xi1>
    %get3A_1122 = arith.constant 16 : i32
    %get3A_1123 = arith.index_cast %get3A_1122 : i32 to index
    %get3A_1124 = arith.constant 0 : index
    %get3A_1125 = tpu.vector_load %arg6[%get3A_1123, %get3A_1124] {strides = array<i32>} : memref<40x40xf32, #tpu.memory_space<vmem>>, vector<16xf32>,
    %select_n3A_1126 = arith.select %ne3A_1106, %get3A_1125, %broadcast_in_dim3A_74 : vector<16xi1>, vector<16xf32>
    %add3A_1127 = arith.addf %add3A_1063, %select_n3A_1126 : vector<16xf32>
    %get3A_1128 = arith.constant 16 : i32
    %get3A_1129 = arith.index_cast %get3A_1128 : i32 to index
    %get3A_1130 = arith.constant 16 : index
    %get3A_1131 = tpu.vector_load %arg6[%get3A_1129, %get3A_1130] {strides = array<i32>} : memref<40x40xf32, #tpu.memory_space<vmem>>, vector<16xf32>,
    %select_n3A_1132 = arith.select %ne3A_1113, %get3A_1131, %broadcast_in_dim3A_74 : vector<16xi1>, vector<16xf32>
    %add3A_1133 = arith.addf %add3A_1069, %select_n3A_1132 : vector<16xf32>
    %get3A_1134 = arith.constant 16 : i32
    %get3A_1135 = arith.index_cast %get3A_1134 : i32 to index
    %get3A_1136 = arith.constant 24 : index
    %get3A_1137 = tpu.vector_load %arg6[%get3A_1135, %get3A_1136] {strides = array<i32>} : memref<40x40xf32, #tpu.memory_space<vmem>>, vector<16xf32>,
    %select_n3A_1138 = arith.select %and3A_1121, %get3A_1137, %broadcast_in_dim3A_74 : vector<16xi1>, vector<16xf32>
    %add3A_1139 = arith.addf %add3A_1075, %select_n3A_1138 : vector<16xf32>
    %get3A_1140 = arith.constant 16 : i32
    %get3A_1141 = arith.index_cast %get3A_1140 : i32 to index
    %get3A_1142 = arith.constant 0 : index
    %get3A_1143 = tpu.vector_load %arg7[%get3A_1141, %get3A_1142] {strides = array<i32>} : memref<40x40xf32, #tpu.memory_space<vmem>>, vector<16xf32>,
    %select_n3A_1144 = arith.select %ne3A_1106, %get3A_1143, %broadcast_in_dim3A_74 : vector<16xi1>, vector<16xf32>
    %add3A_1145 = arith.addf %add3A_1081, %select_n3A_1144 : vector<16xf32>
    %get3A_1146 = arith.constant 16 : i32
    %get3A_1147 = arith.index_cast %get3A_1146 : i32 to index
    %get3A_1148 = arith.constant 16 : index
    %get3A_1149 = tpu.vector_load %arg7[%get3A_1147, %get3A_1148] {strides = array<i32>} : memref<40x40xf32, #tpu.memory_space<vmem>>, vector<16xf32>,
    %select_n3A_1150 = arith.select %ne3A_1113, %get3A_1149, %broadcast_in_dim3A_74 : vector<16xi1>, vector<16xf32>
    %add3A_1151 = arith.addf %add3A_1087, %select_n3A_1150 : vector<16xf32>
    %get3A_1152 = arith.constant 16 : i32
    %get3A_1153 = arith.index_cast %get3A_1152 : i32 to index
    %get3A_1154 = arith.constant 24 : index
    %get3A_1155 = tpu.vector_load %arg7[%get3A_1153, %get3A_1154] {strides = array<i32>} : memref<40x40xf32, #tpu.memory_space<vmem>>, vector<16xf32>,
    %select_n3A_1156 = arith.select %and3A_1121, %get3A_1155, %broadcast_in_dim3A_74 : vector<16xi1>, vector<16xf32>
    %add3A_1157 = arith.addf %add3A_1093, %select_n3A_1156 : vector<16xf32>
    %select_n3A_1158 = arith.select %ne3A_1106, %broadcast_in_dim3A_76, %broadcast_in_dim3A_74 : vector<16xi1>, vector<16xf32>
    %add3A_1159 = arith.addf %add3A_1095, %select_n3A_1158 : vector<16xf32>
    %select_n3A_1160 = arith.select %ne3A_1113, %broadcast_in_dim3A_76, %broadcast_in_dim3A_74 : vector<16xi1>, vector<16xf32>
    %add3A_1161 = arith.addf %add3A_1097, %select_n3A_1160 : vector<16xf32>
    %select_n3A_1162 = arith.select %and3A_1121, %broadcast_in_dim3A_76, %broadcast_in_dim3A_74 : vector<16xi1>, vector<16xf32>
    %add3A_1163 = arith.addf %add3A_1099, %select_n3A_1162 : vector<16xf32>
    %get3A_1164 = arith.constant 17 : i32
    %get3A_1165 = arith.index_cast %get3A_1164 : i32 to index
    %get3A_1166 = arith.constant 0 : index
    %get3A_1167 = tpu.vector_load %arg8[%get3A_1165, %get3A_1166] {strides = array<i32>} : memref<40x40xi32, #tpu.memory_space<vmem>>, vector<16xi32>,
    %ne3A_1168 = arith.constant 0 : i32
    %ne3A_1169 = vector.broadcast %ne3A_1168 : i32 to vector<16xi32>
    %ne3A_1170 = arith.cmpi ne, %get3A_1167, %ne3A_1169 : vector<16xi32>
    %get3A_1171 = arith.constant 17 : i32
    %get3A_1172 = arith.index_cast %get3A_1171 : i32 to index
    %get3A_1173 = arith.constant 16 : index
    %get3A_1174 = tpu.vector_load %arg8[%get3A_1172, %get3A_1173] {strides = array<i32>} : memref<40x40xi32, #tpu.memory_space<vmem>>, vector<16xi32>,
    %ne3A_1175 = arith.constant 0 : i32
    %ne3A_1176 = vector.broadcast %ne3A_1175 : i32 to vector<16xi32>
    %ne3A_1177 = arith.cmpi ne, %get3A_1174, %ne3A_1176 : vector<16xi32>
    %get3A_1178 = arith.constant 17 : i32
    %get3A_1179 = arith.index_cast %get3A_1178 : i32 to index
    %get3A_1180 = arith.constant 24 : index
    %get3A_1181 = tpu.vector_load %arg8[%get3A_1179, %get3A_1180] {strides = array<i32>} : memref<40x40xi32, #tpu.memory_space<vmem>>, vector<16xi32>,
    %ne3A_1182 = arith.constant 0 : i32
    %ne3A_1183 = vector.broadcast %ne3A_1182 : i32 to vector<16xi32>
    %ne3A_1184 = arith.cmpi ne, %get3A_1181, %ne3A_1183 : vector<16xi32>
    %and3A_1185 = arith.andi %ne3A_1184, %ge3A_73 : vector<16xi1>
    %get3A_1186 = arith.constant 17 : i32
    %get3A_1187 = arith.index_cast %get3A_1186 : i32 to index
    %get3A_1188 = arith.constant 0 : index
    %get3A_1189 = tpu.vector_load %arg6[%get3A_1187, %get3A_1188] {strides = array<i32>} : memref<40x40xf32, #tpu.memory_space<vmem>>, vector<16xf32>,
    %select_n3A_1190 = arith.select %ne3A_1170, %get3A_1189, %broadcast_in_dim3A_74 : vector<16xi1>, vector<16xf32>
    %add3A_1191 = arith.addf %add3A_1127, %select_n3A_1190 : vector<16xf32>
    %get3A_1192 = arith.constant 17 : i32
    %get3A_1193 = arith.index_cast %get3A_1192 : i32 to index
    %get3A_1194 = arith.constant 16 : index
    %get3A_1195 = tpu.vector_load %arg6[%get3A_1193, %get3A_1194] {strides = array<i32>} : memref<40x40xf32, #tpu.memory_space<vmem>>, vector<16xf32>,
    %select_n3A_1196 = arith.select %ne3A_1177, %get3A_1195, %broadcast_in_dim3A_74 : vector<16xi1>, vector<16xf32>
    %add3A_1197 = arith.addf %add3A_1133, %select_n3A_1196 : vector<16xf32>
    %get3A_1198 = arith.constant 17 : i32
    %get3A_1199 = arith.index_cast %get3A_1198 : i32 to index
    %get3A_1200 = arith.constant 24 : index
    %get3A_1201 = tpu.vector_load %arg6[%get3A_1199, %get3A_1200] {strides = array<i32>} : memref<40x40xf32, #tpu.memory_space<vmem>>, vector<16xf32>,
    %select_n3A_1202 = arith.select %and3A_1185, %get3A_1201, %broadcast_in_dim3A_74 : vector<16xi1>, vector<16xf32>
    %add3A_1203 = arith.addf %add3A_1139, %select_n3A_1202 : vector<16xf32>
    %get3A_1204 = arith.constant 17 : i32
    %get3A_1205 = arith.index_cast %get3A_1204 : i32 to index
    %get3A_1206 = arith.constant 0 : index
    %get3A_1207 = tpu.vector_load %arg7[%get3A_1205, %get3A_1206] {strides = array<i32>} : memref<40x40xf32, #tpu.memory_space<vmem>>, vector<16xf32>,
    %select_n3A_1208 = arith.select %ne3A_1170, %get3A_1207, %broadcast_in_dim3A_74 : vector<16xi1>, vector<16xf32>
    %add3A_1209 = arith.addf %add3A_1145, %select_n3A_1208 : vector<16xf32>
    %get3A_1210 = arith.constant 17 : i32
    %get3A_1211 = arith.index_cast %get3A_1210 : i32 to index
    %get3A_1212 = arith.constant 16 : index
    %get3A_1213 = tpu.vector_load %arg7[%get3A_1211, %get3A_1212] {strides = array<i32>} : memref<40x40xf32, #tpu.memory_space<vmem>>, vector<16xf32>,
    %select_n3A_1214 = arith.select %ne3A_1177, %get3A_1213, %broadcast_in_dim3A_74 : vector<16xi1>, vector<16xf32>
    %add3A_1215 = arith.addf %add3A_1151, %select_n3A_1214 : vector<16xf32>
    %get3A_1216 = arith.constant 17 : i32
    %get3A_1217 = arith.index_cast %get3A_1216 : i32 to index
    %get3A_1218 = arith.constant 24 : index
    %get3A_1219 = tpu.vector_load %arg7[%get3A_1217, %get3A_1218] {strides = array<i32>} : memref<40x40xf32, #tpu.memory_space<vmem>>, vector<16xf32>,
    %select_n3A_1220 = arith.select %and3A_1185, %get3A_1219, %broadcast_in_dim3A_74 : vector<16xi1>, vector<16xf32>
    %add3A_1221 = arith.addf %add3A_1157, %select_n3A_1220 : vector<16xf32>
    %select_n3A_1222 = arith.select %ne3A_1170, %broadcast_in_dim3A_76, %broadcast_in_dim3A_74 : vector<16xi1>, vector<16xf32>
    %add3A_1223 = arith.addf %add3A_1159, %select_n3A_1222 : vector<16xf32>
    %select_n3A_1224 = arith.select %ne3A_1177, %broadcast_in_dim3A_76, %broadcast_in_dim3A_74 : vector<16xi1>, vector<16xf32>
    %add3A_1225 = arith.addf %add3A_1161, %select_n3A_1224 : vector<16xf32>
    %select_n3A_1226 = arith.select %and3A_1185, %broadcast_in_dim3A_76, %broadcast_in_dim3A_74 : vector<16xi1>, vector<16xf32>
    %add3A_1227 = arith.addf %add3A_1163, %select_n3A_1226 : vector<16xf32>
    %get3A_1228 = arith.constant 18 : i32
    %get3A_1229 = arith.index_cast %get3A_1228 : i32 to index
    %get3A_1230 = arith.constant 0 : index
    %get3A_1231 = tpu.vector_load %arg8[%get3A_1229, %get3A_1230] {strides = array<i32>} : memref<40x40xi32, #tpu.memory_space<vmem>>, vector<16xi32>,
    %ne3A_1232 = arith.constant 0 : i32
    %ne3A_1233 = vector.broadcast %ne3A_1232 : i32 to vector<16xi32>
    %ne3A_1234 = arith.cmpi ne, %get3A_1231, %ne3A_1233 : vector<16xi32>
    %get3A_1235 = arith.constant 18 : i32
    %get3A_1236 = arith.index_cast %get3A_1235 : i32 to index
    %get3A_1237 = arith.constant 16 : index
    %get3A_1238 = tpu.vector_load %arg8[%get3A_1236, %get3A_1237] {strides = array<i32>} : memref<40x40xi32, #tpu.memory_space<vmem>>, vector<16xi32>,
    %ne3A_1239 = arith.constant 0 : i32
    %ne3A_1240 = vector.broadcast %ne3A_1239 : i32 to vector<16xi32>
    %ne3A_1241 = arith.cmpi ne, %get3A_1238, %ne3A_1240 : vector<16xi32>
    %get3A_1242 = arith.constant 18 : i32
    %get3A_1243 = arith.index_cast %get3A_1242 : i32 to index
    %get3A_1244 = arith.constant 24 : index
    %get3A_1245 = tpu.vector_load %arg8[%get3A_1243, %get3A_1244] {strides = array<i32>} : memref<40x40xi32, #tpu.memory_space<vmem>>, vector<16xi32>,
    %ne3A_1246 = arith.constant 0 : i32
    %ne3A_1247 = vector.broadcast %ne3A_1246 : i32 to vector<16xi32>
    %ne3A_1248 = arith.cmpi ne, %get3A_1245, %ne3A_1247 : vector<16xi32>
    %and3A_1249 = arith.andi %ne3A_1248, %ge3A_73 : vector<16xi1>
    %get3A_1250 = arith.constant 18 : i32
    %get3A_1251 = arith.index_cast %get3A_1250 : i32 to index
    %get3A_1252 = arith.constant 0 : index
    %get3A_1253 = tpu.vector_load %arg6[%get3A_1251, %get3A_1252] {strides = array<i32>} : memref<40x40xf32, #tpu.memory_space<vmem>>, vector<16xf32>,
    %select_n3A_1254 = arith.select %ne3A_1234, %get3A_1253, %broadcast_in_dim3A_74 : vector<16xi1>, vector<16xf32>
    %add3A_1255 = arith.addf %add3A_1191, %select_n3A_1254 : vector<16xf32>
    %get3A_1256 = arith.constant 18 : i32
    %get3A_1257 = arith.index_cast %get3A_1256 : i32 to index
    %get3A_1258 = arith.constant 16 : index
    %get3A_1259 = tpu.vector_load %arg6[%get3A_1257, %get3A_1258] {strides = array<i32>} : memref<40x40xf32, #tpu.memory_space<vmem>>, vector<16xf32>,
    %select_n3A_1260 = arith.select %ne3A_1241, %get3A_1259, %broadcast_in_dim3A_74 : vector<16xi1>, vector<16xf32>
    %add3A_1261 = arith.addf %add3A_1197, %select_n3A_1260 : vector<16xf32>
    %get3A_1262 = arith.constant 18 : i32
    %get3A_1263 = arith.index_cast %get3A_1262 : i32 to index
    %get3A_1264 = arith.constant 24 : index
    %get3A_1265 = tpu.vector_load %arg6[%get3A_1263, %get3A_1264] {strides = array<i32>} : memref<40x40xf32, #tpu.memory_space<vmem>>, vector<16xf32>,
    %select_n3A_1266 = arith.select %and3A_1249, %get3A_1265, %broadcast_in_dim3A_74 : vector<16xi1>, vector<16xf32>
    %add3A_1267 = arith.addf %add3A_1203, %select_n3A_1266 : vector<16xf32>
    %get3A_1268 = arith.constant 18 : i32
    %get3A_1269 = arith.index_cast %get3A_1268 : i32 to index
    %get3A_1270 = arith.constant 0 : index
    %get3A_1271 = tpu.vector_load %arg7[%get3A_1269, %get3A_1270] {strides = array<i32>} : memref<40x40xf32, #tpu.memory_space<vmem>>, vector<16xf32>,
    %select_n3A_1272 = arith.select %ne3A_1234, %get3A_1271, %broadcast_in_dim3A_74 : vector<16xi1>, vector<16xf32>
    %add3A_1273 = arith.addf %add3A_1209, %select_n3A_1272 : vector<16xf32>
    %get3A_1274 = arith.constant 18 : i32
    %get3A_1275 = arith.index_cast %get3A_1274 : i32 to index
    %get3A_1276 = arith.constant 16 : index
    %get3A_1277 = tpu.vector_load %arg7[%get3A_1275, %get3A_1276] {strides = array<i32>} : memref<40x40xf32, #tpu.memory_space<vmem>>, vector<16xf32>,
    %select_n3A_1278 = arith.select %ne3A_1241, %get3A_1277, %broadcast_in_dim3A_74 : vector<16xi1>, vector<16xf32>
    %add3A_1279 = arith.addf %add3A_1215, %select_n3A_1278 : vector<16xf32>
    %get3A_1280 = arith.constant 18 : i32
    %get3A_1281 = arith.index_cast %get3A_1280 : i32 to index
    %get3A_1282 = arith.constant 24 : index
    %get3A_1283 = tpu.vector_load %arg7[%get3A_1281, %get3A_1282] {strides = array<i32>} : memref<40x40xf32, #tpu.memory_space<vmem>>, vector<16xf32>,
    %select_n3A_1284 = arith.select %and3A_1249, %get3A_1283, %broadcast_in_dim3A_74 : vector<16xi1>, vector<16xf32>
    %add3A_1285 = arith.addf %add3A_1221, %select_n3A_1284 : vector<16xf32>
    %select_n3A_1286 = arith.select %ne3A_1234, %broadcast_in_dim3A_76, %broadcast_in_dim3A_74 : vector<16xi1>, vector<16xf32>
    %add3A_1287 = arith.addf %add3A_1223, %select_n3A_1286 : vector<16xf32>
    %select_n3A_1288 = arith.select %ne3A_1241, %broadcast_in_dim3A_76, %broadcast_in_dim3A_74 : vector<16xi1>, vector<16xf32>
    %add3A_1289 = arith.addf %add3A_1225, %select_n3A_1288 : vector<16xf32>
    %select_n3A_1290 = arith.select %and3A_1249, %broadcast_in_dim3A_76, %broadcast_in_dim3A_74 : vector<16xi1>, vector<16xf32>
    %add3A_1291 = arith.addf %add3A_1227, %select_n3A_1290 : vector<16xf32>
    %get3A_1292 = arith.constant 19 : i32
    %get3A_1293 = arith.index_cast %get3A_1292 : i32 to index
    %get3A_1294 = arith.constant 0 : index
    %get3A_1295 = tpu.vector_load %arg8[%get3A_1293, %get3A_1294] {strides = array<i32>} : memref<40x40xi32, #tpu.memory_space<vmem>>, vector<16xi32>,
    %ne3A_1296 = arith.constant 0 : i32
    %ne3A_1297 = vector.broadcast %ne3A_1296 : i32 to vector<16xi32>
    %ne3A_1298 = arith.cmpi ne, %get3A_1295, %ne3A_1297 : vector<16xi32>
    %get3A_1299 = arith.constant 19 : i32
    %get3A_1300 = arith.index_cast %get3A_1299 : i32 to index
    %get3A_1301 = arith.constant 16 : index
    %get3A_1302 = tpu.vector_load %arg8[%get3A_1300, %get3A_1301] {strides = array<i32>} : memref<40x40xi32, #tpu.memory_space<vmem>>, vector<16xi32>,
    %ne3A_1303 = arith.constant 0 : i32
    %ne3A_1304 = vector.broadcast %ne3A_1303 : i32 to vector<16xi32>
    %ne3A_1305 = arith.cmpi ne, %get3A_1302, %ne3A_1304 : vector<16xi32>
    %get3A_1306 = arith.constant 19 : i32
    %get3A_1307 = arith.index_cast %get3A_1306 : i32 to index
    %get3A_1308 = arith.constant 24 : index
    %get3A_1309 = tpu.vector_load %arg8[%get3A_1307, %get3A_1308] {strides = array<i32>} : memref<40x40xi32, #tpu.memory_space<vmem>>, vector<16xi32>,
    %ne3A_1310 = arith.constant 0 : i32
    %ne3A_1311 = vector.broadcast %ne3A_1310 : i32 to vector<16xi32>
    %ne3A_1312 = arith.cmpi ne, %get3A_1309, %ne3A_1311 : vector<16xi32>
    %and3A_1313 = arith.andi %ne3A_1312, %ge3A_73 : vector<16xi1>
    %get3A_1314 = arith.constant 19 : i32
    %get3A_1315 = arith.index_cast %get3A_1314 : i32 to index
    %get3A_1316 = arith.constant 0 : index
    %get3A_1317 = tpu.vector_load %arg6[%get3A_1315, %get3A_1316] {strides = array<i32>} : memref<40x40xf32, #tpu.memory_space<vmem>>, vector<16xf32>,
    %select_n3A_1318 = arith.select %ne3A_1298, %get3A_1317, %broadcast_in_dim3A_74 : vector<16xi1>, vector<16xf32>
    %add3A_1319 = arith.addf %add3A_1255, %select_n3A_1318 : vector<16xf32>
    %get3A_1320 = arith.constant 19 : i32
    %get3A_1321 = arith.index_cast %get3A_1320 : i32 to index
    %get3A_1322 = arith.constant 16 : index
    %get3A_1323 = tpu.vector_load %arg6[%get3A_1321, %get3A_1322] {strides = array<i32>} : memref<40x40xf32, #tpu.memory_space<vmem>>, vector<16xf32>,
    %select_n3A_1324 = arith.select %ne3A_1305, %get3A_1323, %broadcast_in_dim3A_74 : vector<16xi1>, vector<16xf32>
    %add3A_1325 = arith.addf %add3A_1261, %select_n3A_1324 : vector<16xf32>
    %get3A_1326 = arith.constant 19 : i32
    %get3A_1327 = arith.index_cast %get3A_1326 : i32 to index
    %get3A_1328 = arith.constant 24 : index
    %get3A_1329 = tpu.vector_load %arg6[%get3A_1327, %get3A_1328] {strides = array<i32>} : memref<40x40xf32, #tpu.memory_space<vmem>>, vector<16xf32>,
    %select_n3A_1330 = arith.select %and3A_1313, %get3A_1329, %broadcast_in_dim3A_74 : vector<16xi1>, vector<16xf32>
    %add3A_1331 = arith.addf %add3A_1267, %select_n3A_1330 : vector<16xf32>
    %get3A_1332 = arith.constant 19 : i32
    %get3A_1333 = arith.index_cast %get3A_1332 : i32 to index
    %get3A_1334 = arith.constant 0 : index
    %get3A_1335 = tpu.vector_load %arg7[%get3A_1333, %get3A_1334] {strides = array<i32>} : memref<40x40xf32, #tpu.memory_space<vmem>>, vector<16xf32>,
    %select_n3A_1336 = arith.select %ne3A_1298, %get3A_1335, %broadcast_in_dim3A_74 : vector<16xi1>, vector<16xf32>
    %add3A_1337 = arith.addf %add3A_1273, %select_n3A_1336 : vector<16xf32>
    %get3A_1338 = arith.constant 19 : i32
    %get3A_1339 = arith.index_cast %get3A_1338 : i32 to index
    %get3A_1340 = arith.constant 16 : index
    %get3A_1341 = tpu.vector_load %arg7[%get3A_1339, %get3A_1340] {strides = array<i32>} : memref<40x40xf32, #tpu.memory_space<vmem>>, vector<16xf32>,
    %select_n3A_1342 = arith.select %ne3A_1305, %get3A_1341, %broadcast_in_dim3A_74 : vector<16xi1>, vector<16xf32>
    %add3A_1343 = arith.addf %add3A_1279, %select_n3A_1342 : vector<16xf32>
    %get3A_1344 = arith.constant 19 : i32
    %get3A_1345 = arith.index_cast %get3A_1344 : i32 to index
    %get3A_1346 = arith.constant 24 : index
    %get3A_1347 = tpu.vector_load %arg7[%get3A_1345, %get3A_1346] {strides = array<i32>} : memref<40x40xf32, #tpu.memory_space<vmem>>, vector<16xf32>,
    %select_n3A_1348 = arith.select %and3A_1313, %get3A_1347, %broadcast_in_dim3A_74 : vector<16xi1>, vector<16xf32>
    %add3A_1349 = arith.addf %add3A_1285, %select_n3A_1348 : vector<16xf32>
    %select_n3A_1350 = arith.select %ne3A_1298, %broadcast_in_dim3A_76, %broadcast_in_dim3A_74 : vector<16xi1>, vector<16xf32>
    %add3A_1351 = arith.addf %add3A_1287, %select_n3A_1350 : vector<16xf32>
    %select_n3A_1352 = arith.select %ne3A_1305, %broadcast_in_dim3A_76, %broadcast_in_dim3A_74 : vector<16xi1>, vector<16xf32>
    %add3A_1353 = arith.addf %add3A_1289, %select_n3A_1352 : vector<16xf32>
    %select_n3A_1354 = arith.select %and3A_1313, %broadcast_in_dim3A_76, %broadcast_in_dim3A_74 : vector<16xi1>, vector<16xf32>
    %add3A_1355 = arith.addf %add3A_1291, %select_n3A_1354 : vector<16xf32>
    %get3A_1356 = arith.constant 20 : i32
    %get3A_1357 = arith.index_cast %get3A_1356 : i32 to index
    %get3A_1358 = arith.constant 0 : index
    %get3A_1359 = tpu.vector_load %arg8[%get3A_1357, %get3A_1358] {strides = array<i32>} : memref<40x40xi32, #tpu.memory_space<vmem>>, vector<16xi32>,
    %ne3A_1360 = arith.constant 0 : i32
    %ne3A_1361 = vector.broadcast %ne3A_1360 : i32 to vector<16xi32>
    %ne3A_1362 = arith.cmpi ne, %get3A_1359, %ne3A_1361 : vector<16xi32>
    %get3A_1363 = arith.constant 20 : i32
    %get3A_1364 = arith.index_cast %get3A_1363 : i32 to index
    %get3A_1365 = arith.constant 16 : index
    %get3A_1366 = tpu.vector_load %arg8[%get3A_1364, %get3A_1365] {strides = array<i32>} : memref<40x40xi32, #tpu.memory_space<vmem>>, vector<16xi32>,
    %ne3A_1367 = arith.constant 0 : i32
    %ne3A_1368 = vector.broadcast %ne3A_1367 : i32 to vector<16xi32>
    %ne3A_1369 = arith.cmpi ne, %get3A_1366, %ne3A_1368 : vector<16xi32>
    %get3A_1370 = arith.constant 20 : i32
    %get3A_1371 = arith.index_cast %get3A_1370 : i32 to index
    %get3A_1372 = arith.constant 24 : index
    %get3A_1373 = tpu.vector_load %arg8[%get3A_1371, %get3A_1372] {strides = array<i32>} : memref<40x40xi32, #tpu.memory_space<vmem>>, vector<16xi32>,
    %ne3A_1374 = arith.constant 0 : i32
    %ne3A_1375 = vector.broadcast %ne3A_1374 : i32 to vector<16xi32>
    %ne3A_1376 = arith.cmpi ne, %get3A_1373, %ne3A_1375 : vector<16xi32>
    %and3A_1377 = arith.andi %ne3A_1376, %ge3A_73 : vector<16xi1>
    %get3A_1378 = arith.constant 20 : i32
    %get3A_1379 = arith.index_cast %get3A_1378 : i32 to index
    %get3A_1380 = arith.constant 0 : index
    %get3A_1381 = tpu.vector_load %arg6[%get3A_1379, %get3A_1380] {strides = array<i32>} : memref<40x40xf32, #tpu.memory_space<vmem>>, vector<16xf32>,
    %select_n3A_1382 = arith.select %ne3A_1362, %get3A_1381, %broadcast_in_dim3A_74 : vector<16xi1>, vector<16xf32>
    %add3A_1383 = arith.addf %add3A_1319, %select_n3A_1382 : vector<16xf32>
    %get3A_1384 = arith.constant 20 : i32
    %get3A_1385 = arith.index_cast %get3A_1384 : i32 to index
    %get3A_1386 = arith.constant 16 : index
    %get3A_1387 = tpu.vector_load %arg6[%get3A_1385, %get3A_1386] {strides = array<i32>} : memref<40x40xf32, #tpu.memory_space<vmem>>, vector<16xf32>,
    %select_n3A_1388 = arith.select %ne3A_1369, %get3A_1387, %broadcast_in_dim3A_74 : vector<16xi1>, vector<16xf32>
    %add3A_1389 = arith.addf %add3A_1325, %select_n3A_1388 : vector<16xf32>
    %get3A_1390 = arith.constant 20 : i32
    %get3A_1391 = arith.index_cast %get3A_1390 : i32 to index
    %get3A_1392 = arith.constant 24 : index
    %get3A_1393 = tpu.vector_load %arg6[%get3A_1391, %get3A_1392] {strides = array<i32>} : memref<40x40xf32, #tpu.memory_space<vmem>>, vector<16xf32>,
    %select_n3A_1394 = arith.select %and3A_1377, %get3A_1393, %broadcast_in_dim3A_74 : vector<16xi1>, vector<16xf32>
    %add3A_1395 = arith.addf %add3A_1331, %select_n3A_1394 : vector<16xf32>
    %get3A_1396 = arith.constant 20 : i32
    %get3A_1397 = arith.index_cast %get3A_1396 : i32 to index
    %get3A_1398 = arith.constant 0 : index
    %get3A_1399 = tpu.vector_load %arg7[%get3A_1397, %get3A_1398] {strides = array<i32>} : memref<40x40xf32, #tpu.memory_space<vmem>>, vector<16xf32>,
    %select_n3A_1400 = arith.select %ne3A_1362, %get3A_1399, %broadcast_in_dim3A_74 : vector<16xi1>, vector<16xf32>
    %add3A_1401 = arith.addf %add3A_1337, %select_n3A_1400 : vector<16xf32>
    %get3A_1402 = arith.constant 20 : i32
    %get3A_1403 = arith.index_cast %get3A_1402 : i32 to index
    %get3A_1404 = arith.constant 16 : index
    %get3A_1405 = tpu.vector_load %arg7[%get3A_1403, %get3A_1404] {strides = array<i32>} : memref<40x40xf32, #tpu.memory_space<vmem>>, vector<16xf32>,
    %select_n3A_1406 = arith.select %ne3A_1369, %get3A_1405, %broadcast_in_dim3A_74 : vector<16xi1>, vector<16xf32>
    %add3A_1407 = arith.addf %add3A_1343, %select_n3A_1406 : vector<16xf32>
    %get3A_1408 = arith.constant 20 : i32
    %get3A_1409 = arith.index_cast %get3A_1408 : i32 to index
    %get3A_1410 = arith.constant 24 : index
    %get3A_1411 = tpu.vector_load %arg7[%get3A_1409, %get3A_1410] {strides = array<i32>} : memref<40x40xf32, #tpu.memory_space<vmem>>, vector<16xf32>,
    %select_n3A_1412 = arith.select %and3A_1377, %get3A_1411, %broadcast_in_dim3A_74 : vector<16xi1>, vector<16xf32>
    %add3A_1413 = arith.addf %add3A_1349, %select_n3A_1412 : vector<16xf32>
    %select_n3A_1414 = arith.select %ne3A_1362, %broadcast_in_dim3A_76, %broadcast_in_dim3A_74 : vector<16xi1>, vector<16xf32>
    %add3A_1415 = arith.addf %add3A_1351, %select_n3A_1414 : vector<16xf32>
    %select_n3A_1416 = arith.select %ne3A_1369, %broadcast_in_dim3A_76, %broadcast_in_dim3A_74 : vector<16xi1>, vector<16xf32>
    %add3A_1417 = arith.addf %add3A_1353, %select_n3A_1416 : vector<16xf32>
    %select_n3A_1418 = arith.select %and3A_1377, %broadcast_in_dim3A_76, %broadcast_in_dim3A_74 : vector<16xi1>, vector<16xf32>
    %add3A_1419 = arith.addf %add3A_1355, %select_n3A_1418 : vector<16xf32>
    %get3A_1420 = arith.constant 21 : i32
    %get3A_1421 = arith.index_cast %get3A_1420 : i32 to index
    %get3A_1422 = arith.constant 0 : index
    %get3A_1423 = tpu.vector_load %arg8[%get3A_1421, %get3A_1422] {strides = array<i32>} : memref<40x40xi32, #tpu.memory_space<vmem>>, vector<16xi32>,
    %ne3A_1424 = arith.constant 0 : i32
    %ne3A_1425 = vector.broadcast %ne3A_1424 : i32 to vector<16xi32>
    %ne3A_1426 = arith.cmpi ne, %get3A_1423, %ne3A_1425 : vector<16xi32>
    %get3A_1427 = arith.constant 21 : i32
    %get3A_1428 = arith.index_cast %get3A_1427 : i32 to index
    %get3A_1429 = arith.constant 16 : index
    %get3A_1430 = tpu.vector_load %arg8[%get3A_1428, %get3A_1429] {strides = array<i32>} : memref<40x40xi32, #tpu.memory_space<vmem>>, vector<16xi32>,
    %ne3A_1431 = arith.constant 0 : i32
    %ne3A_1432 = vector.broadcast %ne3A_1431 : i32 to vector<16xi32>
    %ne3A_1433 = arith.cmpi ne, %get3A_1430, %ne3A_1432 : vector<16xi32>
    %get3A_1434 = arith.constant 21 : i32
    %get3A_1435 = arith.index_cast %get3A_1434 : i32 to index
    %get3A_1436 = arith.constant 24 : index
    %get3A_1437 = tpu.vector_load %arg8[%get3A_1435, %get3A_1436] {strides = array<i32>} : memref<40x40xi32, #tpu.memory_space<vmem>>, vector<16xi32>,
    %ne3A_1438 = arith.constant 0 : i32
    %ne3A_1439 = vector.broadcast %ne3A_1438 : i32 to vector<16xi32>
    %ne3A_1440 = arith.cmpi ne, %get3A_1437, %ne3A_1439 : vector<16xi32>
    %and3A_1441 = arith.andi %ne3A_1440, %ge3A_73 : vector<16xi1>
    %get3A_1442 = arith.constant 21 : i32
    %get3A_1443 = arith.index_cast %get3A_1442 : i32 to index
    %get3A_1444 = arith.constant 0 : index
    %get3A_1445 = tpu.vector_load %arg6[%get3A_1443, %get3A_1444] {strides = array<i32>} : memref<40x40xf32, #tpu.memory_space<vmem>>, vector<16xf32>,
    %select_n3A_1446 = arith.select %ne3A_1426, %get3A_1445, %broadcast_in_dim3A_74 : vector<16xi1>, vector<16xf32>
    %add3A_1447 = arith.addf %add3A_1383, %select_n3A_1446 : vector<16xf32>
    %get3A_1448 = arith.constant 21 : i32
    %get3A_1449 = arith.index_cast %get3A_1448 : i32 to index
    %get3A_1450 = arith.constant 16 : index
    %get3A_1451 = tpu.vector_load %arg6[%get3A_1449, %get3A_1450] {strides = array<i32>} : memref<40x40xf32, #tpu.memory_space<vmem>>, vector<16xf32>,
    %select_n3A_1452 = arith.select %ne3A_1433, %get3A_1451, %broadcast_in_dim3A_74 : vector<16xi1>, vector<16xf32>
    %add3A_1453 = arith.addf %add3A_1389, %select_n3A_1452 : vector<16xf32>
    %get3A_1454 = arith.constant 21 : i32
    %get3A_1455 = arith.index_cast %get3A_1454 : i32 to index
    %get3A_1456 = arith.constant 24 : index
    %get3A_1457 = tpu.vector_load %arg6[%get3A_1455, %get3A_1456] {strides = array<i32>} : memref<40x40xf32, #tpu.memory_space<vmem>>, vector<16xf32>,
    %select_n3A_1458 = arith.select %and3A_1441, %get3A_1457, %broadcast_in_dim3A_74 : vector<16xi1>, vector<16xf32>
    %add3A_1459 = arith.addf %add3A_1395, %select_n3A_1458 : vector<16xf32>
    %get3A_1460 = arith.constant 21 : i32
    %get3A_1461 = arith.index_cast %get3A_1460 : i32 to index
    %get3A_1462 = arith.constant 0 : index
    %get3A_1463 = tpu.vector_load %arg7[%get3A_1461, %get3A_1462] {strides = array<i32>} : memref<40x40xf32, #tpu.memory_space<vmem>>, vector<16xf32>,
    %select_n3A_1464 = arith.select %ne3A_1426, %get3A_1463, %broadcast_in_dim3A_74 : vector<16xi1>, vector<16xf32>
    %add3A_1465 = arith.addf %add3A_1401, %select_n3A_1464 : vector<16xf32>
    %get3A_1466 = arith.constant 21 : i32
    %get3A_1467 = arith.index_cast %get3A_1466 : i32 to index
    %get3A_1468 = arith.constant 16 : index
    %get3A_1469 = tpu.vector_load %arg7[%get3A_1467, %get3A_1468] {strides = array<i32>} : memref<40x40xf32, #tpu.memory_space<vmem>>, vector<16xf32>,
    %select_n3A_1470 = arith.select %ne3A_1433, %get3A_1469, %broadcast_in_dim3A_74 : vector<16xi1>, vector<16xf32>
    %add3A_1471 = arith.addf %add3A_1407, %select_n3A_1470 : vector<16xf32>
    %get3A_1472 = arith.constant 21 : i32
    %get3A_1473 = arith.index_cast %get3A_1472 : i32 to index
    %get3A_1474 = arith.constant 24 : index
    %get3A_1475 = tpu.vector_load %arg7[%get3A_1473, %get3A_1474] {strides = array<i32>} : memref<40x40xf32, #tpu.memory_space<vmem>>, vector<16xf32>,
    %select_n3A_1476 = arith.select %and3A_1441, %get3A_1475, %broadcast_in_dim3A_74 : vector<16xi1>, vector<16xf32>
    %add3A_1477 = arith.addf %add3A_1413, %select_n3A_1476 : vector<16xf32>
    %select_n3A_1478 = arith.select %ne3A_1426, %broadcast_in_dim3A_76, %broadcast_in_dim3A_74 : vector<16xi1>, vector<16xf32>
    %add3A_1479 = arith.addf %add3A_1415, %select_n3A_1478 : vector<16xf32>
    %select_n3A_1480 = arith.select %ne3A_1433, %broadcast_in_dim3A_76, %broadcast_in_dim3A_74 : vector<16xi1>, vector<16xf32>
    %add3A_1481 = arith.addf %add3A_1417, %select_n3A_1480 : vector<16xf32>
    %select_n3A_1482 = arith.select %and3A_1441, %broadcast_in_dim3A_76, %broadcast_in_dim3A_74 : vector<16xi1>, vector<16xf32>
    %add3A_1483 = arith.addf %add3A_1419, %select_n3A_1482 : vector<16xf32>
    %get3A_1484 = arith.constant 22 : i32
    %get3A_1485 = arith.index_cast %get3A_1484 : i32 to index
    %get3A_1486 = arith.constant 0 : index
    %get3A_1487 = tpu.vector_load %arg8[%get3A_1485, %get3A_1486] {strides = array<i32>} : memref<40x40xi32, #tpu.memory_space<vmem>>, vector<16xi32>,
    %ne3A_1488 = arith.constant 0 : i32
    %ne3A_1489 = vector.broadcast %ne3A_1488 : i32 to vector<16xi32>
    %ne3A_1490 = arith.cmpi ne, %get3A_1487, %ne3A_1489 : vector<16xi32>
    %get3A_1491 = arith.constant 22 : i32
    %get3A_1492 = arith.index_cast %get3A_1491 : i32 to index
    %get3A_1493 = arith.constant 16 : index
    %get3A_1494 = tpu.vector_load %arg8[%get3A_1492, %get3A_1493] {strides = array<i32>} : memref<40x40xi32, #tpu.memory_space<vmem>>, vector<16xi32>,
    %ne3A_1495 = arith.constant 0 : i32
    %ne3A_1496 = vector.broadcast %ne3A_1495 : i32 to vector<16xi32>
    %ne3A_1497 = arith.cmpi ne, %get3A_1494, %ne3A_1496 : vector<16xi32>
    %get3A_1498 = arith.constant 22 : i32
    %get3A_1499 = arith.index_cast %get3A_1498 : i32 to index
    %get3A_1500 = arith.constant 24 : index
    %get3A_1501 = tpu.vector_load %arg8[%get3A_1499, %get3A_1500] {strides = array<i32>} : memref<40x40xi32, #tpu.memory_space<vmem>>, vector<16xi32>,
    %ne3A_1502 = arith.constant 0 : i32
    %ne3A_1503 = vector.broadcast %ne3A_1502 : i32 to vector<16xi32>
    %ne3A_1504 = arith.cmpi ne, %get3A_1501, %ne3A_1503 : vector<16xi32>
    %and3A_1505 = arith.andi %ne3A_1504, %ge3A_73 : vector<16xi1>
    %get3A_1506 = arith.constant 22 : i32
    %get3A_1507 = arith.index_cast %get3A_1506 : i32 to index
    %get3A_1508 = arith.constant 0 : index
    %get3A_1509 = tpu.vector_load %arg6[%get3A_1507, %get3A_1508] {strides = array<i32>} : memref<40x40xf32, #tpu.memory_space<vmem>>, vector<16xf32>,
    %select_n3A_1510 = arith.select %ne3A_1490, %get3A_1509, %broadcast_in_dim3A_74 : vector<16xi1>, vector<16xf32>
    %add3A_1511 = arith.addf %add3A_1447, %select_n3A_1510 : vector<16xf32>
    %get3A_1512 = arith.constant 22 : i32
    %get3A_1513 = arith.index_cast %get3A_1512 : i32 to index
    %get3A_1514 = arith.constant 16 : index
    %get3A_1515 = tpu.vector_load %arg6[%get3A_1513, %get3A_1514] {strides = array<i32>} : memref<40x40xf32, #tpu.memory_space<vmem>>, vector<16xf32>,
    %select_n3A_1516 = arith.select %ne3A_1497, %get3A_1515, %broadcast_in_dim3A_74 : vector<16xi1>, vector<16xf32>
    %add3A_1517 = arith.addf %add3A_1453, %select_n3A_1516 : vector<16xf32>
    %get3A_1518 = arith.constant 22 : i32
    %get3A_1519 = arith.index_cast %get3A_1518 : i32 to index
    %get3A_1520 = arith.constant 24 : index
    %get3A_1521 = tpu.vector_load %arg6[%get3A_1519, %get3A_1520] {strides = array<i32>} : memref<40x40xf32, #tpu.memory_space<vmem>>, vector<16xf32>,
    %select_n3A_1522 = arith.select %and3A_1505, %get3A_1521, %broadcast_in_dim3A_74 : vector<16xi1>, vector<16xf32>
    %add3A_1523 = arith.addf %add3A_1459, %select_n3A_1522 : vector<16xf32>
    %get3A_1524 = arith.constant 22 : i32
    %get3A_1525 = arith.index_cast %get3A_1524 : i32 to index
    %get3A_1526 = arith.constant 0 : index
    %get3A_1527 = tpu.vector_load %arg7[%get3A_1525, %get3A_1526] {strides = array<i32>} : memref<40x40xf32, #tpu.memory_space<vmem>>, vector<16xf32>,
    %select_n3A_1528 = arith.select %ne3A_1490, %get3A_1527, %broadcast_in_dim3A_74 : vector<16xi1>, vector<16xf32>
    %add3A_1529 = arith.addf %add3A_1465, %select_n3A_1528 : vector<16xf32>
    %get3A_1530 = arith.constant 22 : i32
    %get3A_1531 = arith.index_cast %get3A_1530 : i32 to index
    %get3A_1532 = arith.constant 16 : index
    %get3A_1533 = tpu.vector_load %arg7[%get3A_1531, %get3A_1532] {strides = array<i32>} : memref<40x40xf32, #tpu.memory_space<vmem>>, vector<16xf32>,
    %select_n3A_1534 = arith.select %ne3A_1497, %get3A_1533, %broadcast_in_dim3A_74 : vector<16xi1>, vector<16xf32>
    %add3A_1535 = arith.addf %add3A_1471, %select_n3A_1534 : vector<16xf32>
    %get3A_1536 = arith.constant 22 : i32
    %get3A_1537 = arith.index_cast %get3A_1536 : i32 to index
    %get3A_1538 = arith.constant 24 : index
    %get3A_1539 = tpu.vector_load %arg7[%get3A_1537, %get3A_1538] {strides = array<i32>} : memref<40x40xf32, #tpu.memory_space<vmem>>, vector<16xf32>,
    %select_n3A_1540 = arith.select %and3A_1505, %get3A_1539, %broadcast_in_dim3A_74 : vector<16xi1>, vector<16xf32>
    %add3A_1541 = arith.addf %add3A_1477, %select_n3A_1540 : vector<16xf32>
    %select_n3A_1542 = arith.select %ne3A_1490, %broadcast_in_dim3A_76, %broadcast_in_dim3A_74 : vector<16xi1>, vector<16xf32>
    %add3A_1543 = arith.addf %add3A_1479, %select_n3A_1542 : vector<16xf32>
    %select_n3A_1544 = arith.select %ne3A_1497, %broadcast_in_dim3A_76, %broadcast_in_dim3A_74 : vector<16xi1>, vector<16xf32>
    %add3A_1545 = arith.addf %add3A_1481, %select_n3A_1544 : vector<16xf32>
    %select_n3A_1546 = arith.select %and3A_1505, %broadcast_in_dim3A_76, %broadcast_in_dim3A_74 : vector<16xi1>, vector<16xf32>
    %add3A_1547 = arith.addf %add3A_1483, %select_n3A_1546 : vector<16xf32>
    %get3A_1548 = arith.constant 23 : i32
    %get3A_1549 = arith.index_cast %get3A_1548 : i32 to index
    %get3A_1550 = arith.constant 0 : index
    %get3A_1551 = tpu.vector_load %arg8[%get3A_1549, %get3A_1550] {strides = array<i32>} : memref<40x40xi32, #tpu.memory_space<vmem>>, vector<16xi32>,
    %ne3A_1552 = arith.constant 0 : i32
    %ne3A_1553 = vector.broadcast %ne3A_1552 : i32 to vector<16xi32>
    %ne3A_1554 = arith.cmpi ne, %get3A_1551, %ne3A_1553 : vector<16xi32>
    %get3A_1555 = arith.constant 23 : i32
    %get3A_1556 = arith.index_cast %get3A_1555 : i32 to index
    %get3A_1557 = arith.constant 16 : index
    %get3A_1558 = tpu.vector_load %arg8[%get3A_1556, %get3A_1557] {strides = array<i32>} : memref<40x40xi32, #tpu.memory_space<vmem>>, vector<16xi32>,
    %ne3A_1559 = arith.constant 0 : i32
    %ne3A_1560 = vector.broadcast %ne3A_1559 : i32 to vector<16xi32>
    %ne3A_1561 = arith.cmpi ne, %get3A_1558, %ne3A_1560 : vector<16xi32>
    %get3A_1562 = arith.constant 23 : i32
    %get3A_1563 = arith.index_cast %get3A_1562 : i32 to index
    %get3A_1564 = arith.constant 24 : index
    %get3A_1565 = tpu.vector_load %arg8[%get3A_1563, %get3A_1564] {strides = array<i32>} : memref<40x40xi32, #tpu.memory_space<vmem>>, vector<16xi32>,
    %ne3A_1566 = arith.constant 0 : i32
    %ne3A_1567 = vector.broadcast %ne3A_1566 : i32 to vector<16xi32>
    %ne3A_1568 = arith.cmpi ne, %get3A_1565, %ne3A_1567 : vector<16xi32>
    %and3A_1569 = arith.andi %ne3A_1568, %ge3A_73 : vector<16xi1>
    %get3A_1570 = arith.constant 23 : i32
    %get3A_1571 = arith.index_cast %get3A_1570 : i32 to index
    %get3A_1572 = arith.constant 0 : index
    %get3A_1573 = tpu.vector_load %arg6[%get3A_1571, %get3A_1572] {strides = array<i32>} : memref<40x40xf32, #tpu.memory_space<vmem>>, vector<16xf32>,
    %select_n3A_1574 = arith.select %ne3A_1554, %get3A_1573, %broadcast_in_dim3A_74 : vector<16xi1>, vector<16xf32>
    %add3A_1575 = arith.addf %add3A_1511, %select_n3A_1574 : vector<16xf32>
    %get3A_1576 = arith.constant 23 : i32
    %get3A_1577 = arith.index_cast %get3A_1576 : i32 to index
    %get3A_1578 = arith.constant 16 : index
    %get3A_1579 = tpu.vector_load %arg6[%get3A_1577, %get3A_1578] {strides = array<i32>} : memref<40x40xf32, #tpu.memory_space<vmem>>, vector<16xf32>,
    %select_n3A_1580 = arith.select %ne3A_1561, %get3A_1579, %broadcast_in_dim3A_74 : vector<16xi1>, vector<16xf32>
    %add3A_1581 = arith.addf %add3A_1517, %select_n3A_1580 : vector<16xf32>
    %get3A_1582 = arith.constant 23 : i32
    %get3A_1583 = arith.index_cast %get3A_1582 : i32 to index
    %get3A_1584 = arith.constant 24 : index
    %get3A_1585 = tpu.vector_load %arg6[%get3A_1583, %get3A_1584] {strides = array<i32>} : memref<40x40xf32, #tpu.memory_space<vmem>>, vector<16xf32>,
    %select_n3A_1586 = arith.select %and3A_1569, %get3A_1585, %broadcast_in_dim3A_74 : vector<16xi1>, vector<16xf32>
    %add3A_1587 = arith.addf %add3A_1523, %select_n3A_1586 : vector<16xf32>
    %get3A_1588 = arith.constant 23 : i32
    %get3A_1589 = arith.index_cast %get3A_1588 : i32 to index
    %get3A_1590 = arith.constant 0 : index
    %get3A_1591 = tpu.vector_load %arg7[%get3A_1589, %get3A_1590] {strides = array<i32>} : memref<40x40xf32, #tpu.memory_space<vmem>>, vector<16xf32>,
    %select_n3A_1592 = arith.select %ne3A_1554, %get3A_1591, %broadcast_in_dim3A_74 : vector<16xi1>, vector<16xf32>
    %add3A_1593 = arith.addf %add3A_1529, %select_n3A_1592 : vector<16xf32>
    %get3A_1594 = arith.constant 23 : i32
    %get3A_1595 = arith.index_cast %get3A_1594 : i32 to index
    %get3A_1596 = arith.constant 16 : index
    %get3A_1597 = tpu.vector_load %arg7[%get3A_1595, %get3A_1596] {strides = array<i32>} : memref<40x40xf32, #tpu.memory_space<vmem>>, vector<16xf32>,
    %select_n3A_1598 = arith.select %ne3A_1561, %get3A_1597, %broadcast_in_dim3A_74 : vector<16xi1>, vector<16xf32>
    %add3A_1599 = arith.addf %add3A_1535, %select_n3A_1598 : vector<16xf32>
    %get3A_1600 = arith.constant 23 : i32
    %get3A_1601 = arith.index_cast %get3A_1600 : i32 to index
    %get3A_1602 = arith.constant 24 : index
    %get3A_1603 = tpu.vector_load %arg7[%get3A_1601, %get3A_1602] {strides = array<i32>} : memref<40x40xf32, #tpu.memory_space<vmem>>, vector<16xf32>,
    %select_n3A_1604 = arith.select %and3A_1569, %get3A_1603, %broadcast_in_dim3A_74 : vector<16xi1>, vector<16xf32>
    %add3A_1605 = arith.addf %add3A_1541, %select_n3A_1604 : vector<16xf32>
    %select_n3A_1606 = arith.select %ne3A_1554, %broadcast_in_dim3A_76, %broadcast_in_dim3A_74 : vector<16xi1>, vector<16xf32>
    %add3A_1607 = arith.addf %add3A_1543, %select_n3A_1606 : vector<16xf32>
    %select_n3A_1608 = arith.select %ne3A_1561, %broadcast_in_dim3A_76, %broadcast_in_dim3A_74 : vector<16xi1>, vector<16xf32>
    %add3A_1609 = arith.addf %add3A_1545, %select_n3A_1608 : vector<16xf32>
    %select_n3A_1610 = arith.select %and3A_1569, %broadcast_in_dim3A_76, %broadcast_in_dim3A_74 : vector<16xi1>, vector<16xf32>
    %add3A_1611 = arith.addf %add3A_1547, %select_n3A_1610 : vector<16xf32>
    %get3A_1612 = arith.constant 24 : i32
    %get3A_1613 = arith.index_cast %get3A_1612 : i32 to index
    %get3A_1614 = arith.constant 0 : index
    %get3A_1615 = tpu.vector_load %arg8[%get3A_1613, %get3A_1614] {strides = array<i32>} : memref<40x40xi32, #tpu.memory_space<vmem>>, vector<16xi32>,
    %ne3A_1616 = arith.constant 0 : i32
    %ne3A_1617 = vector.broadcast %ne3A_1616 : i32 to vector<16xi32>
    %ne3A_1618 = arith.cmpi ne, %get3A_1615, %ne3A_1617 : vector<16xi32>
    %get3A_1619 = arith.constant 24 : i32
    %get3A_1620 = arith.index_cast %get3A_1619 : i32 to index
    %get3A_1621 = arith.constant 16 : index
    %get3A_1622 = tpu.vector_load %arg8[%get3A_1620, %get3A_1621] {strides = array<i32>} : memref<40x40xi32, #tpu.memory_space<vmem>>, vector<16xi32>,
    %ne3A_1623 = arith.constant 0 : i32
    %ne3A_1624 = vector.broadcast %ne3A_1623 : i32 to vector<16xi32>
    %ne3A_1625 = arith.cmpi ne, %get3A_1622, %ne3A_1624 : vector<16xi32>
    %get3A_1626 = arith.constant 24 : i32
    %get3A_1627 = arith.index_cast %get3A_1626 : i32 to index
    %get3A_1628 = arith.constant 24 : index
    %get3A_1629 = tpu.vector_load %arg8[%get3A_1627, %get3A_1628] {strides = array<i32>} : memref<40x40xi32, #tpu.memory_space<vmem>>, vector<16xi32>,
    %ne3A_1630 = arith.constant 0 : i32
    %ne3A_1631 = vector.broadcast %ne3A_1630 : i32 to vector<16xi32>
    %ne3A_1632 = arith.cmpi ne, %get3A_1629, %ne3A_1631 : vector<16xi32>
    %and3A_1633 = arith.andi %ne3A_1632, %ge3A_73 : vector<16xi1>
    %get3A_1634 = arith.constant 24 : i32
    %get3A_1635 = arith.index_cast %get3A_1634 : i32 to index
    %get3A_1636 = arith.constant 0 : index
    %get3A_1637 = tpu.vector_load %arg6[%get3A_1635, %get3A_1636] {strides = array<i32>} : memref<40x40xf32, #tpu.memory_space<vmem>>, vector<16xf32>,
    %select_n3A_1638 = arith.select %ne3A_1618, %get3A_1637, %broadcast_in_dim3A_74 : vector<16xi1>, vector<16xf32>
    %add3A_1639 = arith.addf %add3A_1575, %select_n3A_1638 : vector<16xf32>
    %get3A_1640 = arith.constant 24 : i32
    %get3A_1641 = arith.index_cast %get3A_1640 : i32 to index
    %get3A_1642 = arith.constant 16 : index
    %get3A_1643 = tpu.vector_load %arg6[%get3A_1641, %get3A_1642] {strides = array<i32>} : memref<40x40xf32, #tpu.memory_space<vmem>>, vector<16xf32>,
    %select_n3A_1644 = arith.select %ne3A_1625, %get3A_1643, %broadcast_in_dim3A_74 : vector<16xi1>, vector<16xf32>
    %add3A_1645 = arith.addf %add3A_1581, %select_n3A_1644 : vector<16xf32>
    %get3A_1646 = arith.constant 24 : i32
    %get3A_1647 = arith.index_cast %get3A_1646 : i32 to index
    %get3A_1648 = arith.constant 24 : index
    %get3A_1649 = tpu.vector_load %arg6[%get3A_1647, %get3A_1648] {strides = array<i32>} : memref<40x40xf32, #tpu.memory_space<vmem>>, vector<16xf32>,
    %select_n3A_1650 = arith.select %and3A_1633, %get3A_1649, %broadcast_in_dim3A_74 : vector<16xi1>, vector<16xf32>
    %add3A_1651 = arith.addf %add3A_1587, %select_n3A_1650 : vector<16xf32>
    %get3A_1652 = arith.constant 24 : i32
    %get3A_1653 = arith.index_cast %get3A_1652 : i32 to index
    %get3A_1654 = arith.constant 0 : index
    %get3A_1655 = tpu.vector_load %arg7[%get3A_1653, %get3A_1654] {strides = array<i32>} : memref<40x40xf32, #tpu.memory_space<vmem>>, vector<16xf32>,
    %select_n3A_1656 = arith.select %ne3A_1618, %get3A_1655, %broadcast_in_dim3A_74 : vector<16xi1>, vector<16xf32>
    %add3A_1657 = arith.addf %add3A_1593, %select_n3A_1656 : vector<16xf32>
    %get3A_1658 = arith.constant 24 : i32
    %get3A_1659 = arith.index_cast %get3A_1658 : i32 to index
    %get3A_1660 = arith.constant 16 : index
    %get3A_1661 = tpu.vector_load %arg7[%get3A_1659, %get3A_1660] {strides = array<i32>} : memref<40x40xf32, #tpu.memory_space<vmem>>, vector<16xf32>,
    %select_n3A_1662 = arith.select %ne3A_1625, %get3A_1661, %broadcast_in_dim3A_74 : vector<16xi1>, vector<16xf32>
    %add3A_1663 = arith.addf %add3A_1599, %select_n3A_1662 : vector<16xf32>
    %get3A_1664 = arith.constant 24 : i32
    %get3A_1665 = arith.index_cast %get3A_1664 : i32 to index
    %get3A_1666 = arith.constant 24 : index
    %get3A_1667 = tpu.vector_load %arg7[%get3A_1665, %get3A_1666] {strides = array<i32>} : memref<40x40xf32, #tpu.memory_space<vmem>>, vector<16xf32>,
    %select_n3A_1668 = arith.select %and3A_1633, %get3A_1667, %broadcast_in_dim3A_74 : vector<16xi1>, vector<16xf32>
    %add3A_1669 = arith.addf %add3A_1605, %select_n3A_1668 : vector<16xf32>
    %select_n3A_1670 = arith.select %ne3A_1618, %broadcast_in_dim3A_76, %broadcast_in_dim3A_74 : vector<16xi1>, vector<16xf32>
    %add3A_1671 = arith.addf %add3A_1607, %select_n3A_1670 : vector<16xf32>
    %select_n3A_1672 = arith.select %ne3A_1625, %broadcast_in_dim3A_76, %broadcast_in_dim3A_74 : vector<16xi1>, vector<16xf32>
    %add3A_1673 = arith.addf %add3A_1609, %select_n3A_1672 : vector<16xf32>
    %select_n3A_1674 = arith.select %and3A_1633, %broadcast_in_dim3A_76, %broadcast_in_dim3A_74 : vector<16xi1>, vector<16xf32>
    %add3A_1675 = arith.addf %add3A_1611, %select_n3A_1674 : vector<16xf32>
    %get3A_1676 = arith.constant 25 : i32
    %get3A_1677 = arith.index_cast %get3A_1676 : i32 to index
    %get3A_1678 = arith.constant 0 : index
    %get3A_1679 = tpu.vector_load %arg8[%get3A_1677, %get3A_1678] {strides = array<i32>} : memref<40x40xi32, #tpu.memory_space<vmem>>, vector<16xi32>,
    %ne3A_1680 = arith.constant 0 : i32
    %ne3A_1681 = vector.broadcast %ne3A_1680 : i32 to vector<16xi32>
    %ne3A_1682 = arith.cmpi ne, %get3A_1679, %ne3A_1681 : vector<16xi32>
    %get3A_1683 = arith.constant 25 : i32
    %get3A_1684 = arith.index_cast %get3A_1683 : i32 to index
    %get3A_1685 = arith.constant 16 : index
    %get3A_1686 = tpu.vector_load %arg8[%get3A_1684, %get3A_1685] {strides = array<i32>} : memref<40x40xi32, #tpu.memory_space<vmem>>, vector<16xi32>,
    %ne3A_1687 = arith.constant 0 : i32
    %ne3A_1688 = vector.broadcast %ne3A_1687 : i32 to vector<16xi32>
    %ne3A_1689 = arith.cmpi ne, %get3A_1686, %ne3A_1688 : vector<16xi32>
    %get3A_1690 = arith.constant 25 : i32
    %get3A_1691 = arith.index_cast %get3A_1690 : i32 to index
    %get3A_1692 = arith.constant 24 : index
    %get3A_1693 = tpu.vector_load %arg8[%get3A_1691, %get3A_1692] {strides = array<i32>} : memref<40x40xi32, #tpu.memory_space<vmem>>, vector<16xi32>,
    %ne3A_1694 = arith.constant 0 : i32
    %ne3A_1695 = vector.broadcast %ne3A_1694 : i32 to vector<16xi32>
    %ne3A_1696 = arith.cmpi ne, %get3A_1693, %ne3A_1695 : vector<16xi32>
    %and3A_1697 = arith.andi %ne3A_1696, %ge3A_73 : vector<16xi1>
    %get3A_1698 = arith.constant 25 : i32
    %get3A_1699 = arith.index_cast %get3A_1698 : i32 to index
    %get3A_1700 = arith.constant 0 : index
    %get3A_1701 = tpu.vector_load %arg6[%get3A_1699, %get3A_1700] {strides = array<i32>} : memref<40x40xf32, #tpu.memory_space<vmem>>, vector<16xf32>,
    %select_n3A_1702 = arith.select %ne3A_1682, %get3A_1701, %broadcast_in_dim3A_74 : vector<16xi1>, vector<16xf32>
    %add3A_1703 = arith.addf %add3A_1639, %select_n3A_1702 : vector<16xf32>
    %get3A_1704 = arith.constant 25 : i32
    %get3A_1705 = arith.index_cast %get3A_1704 : i32 to index
    %get3A_1706 = arith.constant 16 : index
    %get3A_1707 = tpu.vector_load %arg6[%get3A_1705, %get3A_1706] {strides = array<i32>} : memref<40x40xf32, #tpu.memory_space<vmem>>, vector<16xf32>,
    %select_n3A_1708 = arith.select %ne3A_1689, %get3A_1707, %broadcast_in_dim3A_74 : vector<16xi1>, vector<16xf32>
    %add3A_1709 = arith.addf %add3A_1645, %select_n3A_1708 : vector<16xf32>
    %get3A_1710 = arith.constant 25 : i32
    %get3A_1711 = arith.index_cast %get3A_1710 : i32 to index
    %get3A_1712 = arith.constant 24 : index
    %get3A_1713 = tpu.vector_load %arg6[%get3A_1711, %get3A_1712] {strides = array<i32>} : memref<40x40xf32, #tpu.memory_space<vmem>>, vector<16xf32>,
    %select_n3A_1714 = arith.select %and3A_1697, %get3A_1713, %broadcast_in_dim3A_74 : vector<16xi1>, vector<16xf32>
    %add3A_1715 = arith.addf %add3A_1651, %select_n3A_1714 : vector<16xf32>
    %get3A_1716 = arith.constant 25 : i32
    %get3A_1717 = arith.index_cast %get3A_1716 : i32 to index
    %get3A_1718 = arith.constant 0 : index
    %get3A_1719 = tpu.vector_load %arg7[%get3A_1717, %get3A_1718] {strides = array<i32>} : memref<40x40xf32, #tpu.memory_space<vmem>>, vector<16xf32>,
    %select_n3A_1720 = arith.select %ne3A_1682, %get3A_1719, %broadcast_in_dim3A_74 : vector<16xi1>, vector<16xf32>
    %add3A_1721 = arith.addf %add3A_1657, %select_n3A_1720 : vector<16xf32>
    %get3A_1722 = arith.constant 25 : i32
    %get3A_1723 = arith.index_cast %get3A_1722 : i32 to index
    %get3A_1724 = arith.constant 16 : index
    %get3A_1725 = tpu.vector_load %arg7[%get3A_1723, %get3A_1724] {strides = array<i32>} : memref<40x40xf32, #tpu.memory_space<vmem>>, vector<16xf32>,
    %select_n3A_1726 = arith.select %ne3A_1689, %get3A_1725, %broadcast_in_dim3A_74 : vector<16xi1>, vector<16xf32>
    %add3A_1727 = arith.addf %add3A_1663, %select_n3A_1726 : vector<16xf32>
    %get3A_1728 = arith.constant 25 : i32
    %get3A_1729 = arith.index_cast %get3A_1728 : i32 to index
    %get3A_1730 = arith.constant 24 : index
    %get3A_1731 = tpu.vector_load %arg7[%get3A_1729, %get3A_1730] {strides = array<i32>} : memref<40x40xf32, #tpu.memory_space<vmem>>, vector<16xf32>,
    %select_n3A_1732 = arith.select %and3A_1697, %get3A_1731, %broadcast_in_dim3A_74 : vector<16xi1>, vector<16xf32>
    %add3A_1733 = arith.addf %add3A_1669, %select_n3A_1732 : vector<16xf32>
    %select_n3A_1734 = arith.select %ne3A_1682, %broadcast_in_dim3A_76, %broadcast_in_dim3A_74 : vector<16xi1>, vector<16xf32>
    %add3A_1735 = arith.addf %add3A_1671, %select_n3A_1734 : vector<16xf32>
    %select_n3A_1736 = arith.select %ne3A_1689, %broadcast_in_dim3A_76, %broadcast_in_dim3A_74 : vector<16xi1>, vector<16xf32>
    %add3A_1737 = arith.addf %add3A_1673, %select_n3A_1736 : vector<16xf32>
    %select_n3A_1738 = arith.select %and3A_1697, %broadcast_in_dim3A_76, %broadcast_in_dim3A_74 : vector<16xi1>, vector<16xf32>
    %add3A_1739 = arith.addf %add3A_1675, %select_n3A_1738 : vector<16xf32>
    %get3A_1740 = arith.constant 26 : i32
    %get3A_1741 = arith.index_cast %get3A_1740 : i32 to index
    %get3A_1742 = arith.constant 0 : index
    %get3A_1743 = tpu.vector_load %arg8[%get3A_1741, %get3A_1742] {strides = array<i32>} : memref<40x40xi32, #tpu.memory_space<vmem>>, vector<16xi32>,
    %ne3A_1744 = arith.constant 0 : i32
    %ne3A_1745 = vector.broadcast %ne3A_1744 : i32 to vector<16xi32>
    %ne3A_1746 = arith.cmpi ne, %get3A_1743, %ne3A_1745 : vector<16xi32>
    %get3A_1747 = arith.constant 26 : i32
    %get3A_1748 = arith.index_cast %get3A_1747 : i32 to index
    %get3A_1749 = arith.constant 16 : index
    %get3A_1750 = tpu.vector_load %arg8[%get3A_1748, %get3A_1749] {strides = array<i32>} : memref<40x40xi32, #tpu.memory_space<vmem>>, vector<16xi32>,
    %ne3A_1751 = arith.constant 0 : i32
    %ne3A_1752 = vector.broadcast %ne3A_1751 : i32 to vector<16xi32>
    %ne3A_1753 = arith.cmpi ne, %get3A_1750, %ne3A_1752 : vector<16xi32>
    %get3A_1754 = arith.constant 26 : i32
    %get3A_1755 = arith.index_cast %get3A_1754 : i32 to index
    %get3A_1756 = arith.constant 24 : index
    %get3A_1757 = tpu.vector_load %arg8[%get3A_1755, %get3A_1756] {strides = array<i32>} : memref<40x40xi32, #tpu.memory_space<vmem>>, vector<16xi32>,
    %ne3A_1758 = arith.constant 0 : i32
    %ne3A_1759 = vector.broadcast %ne3A_1758 : i32 to vector<16xi32>
    %ne3A_1760 = arith.cmpi ne, %get3A_1757, %ne3A_1759 : vector<16xi32>
    %and3A_1761 = arith.andi %ne3A_1760, %ge3A_73 : vector<16xi1>
    %get3A_1762 = arith.constant 26 : i32
    %get3A_1763 = arith.index_cast %get3A_1762 : i32 to index
    %get3A_1764 = arith.constant 0 : index
    %get3A_1765 = tpu.vector_load %arg6[%get3A_1763, %get3A_1764] {strides = array<i32>} : memref<40x40xf32, #tpu.memory_space<vmem>>, vector<16xf32>,
    %select_n3A_1766 = arith.select %ne3A_1746, %get3A_1765, %broadcast_in_dim3A_74 : vector<16xi1>, vector<16xf32>
    %add3A_1767 = arith.addf %add3A_1703, %select_n3A_1766 : vector<16xf32>
    %get3A_1768 = arith.constant 26 : i32
    %get3A_1769 = arith.index_cast %get3A_1768 : i32 to index
    %get3A_1770 = arith.constant 16 : index
    %get3A_1771 = tpu.vector_load %arg6[%get3A_1769, %get3A_1770] {strides = array<i32>} : memref<40x40xf32, #tpu.memory_space<vmem>>, vector<16xf32>,
    %select_n3A_1772 = arith.select %ne3A_1753, %get3A_1771, %broadcast_in_dim3A_74 : vector<16xi1>, vector<16xf32>
    %add3A_1773 = arith.addf %add3A_1709, %select_n3A_1772 : vector<16xf32>
    %get3A_1774 = arith.constant 26 : i32
    %get3A_1775 = arith.index_cast %get3A_1774 : i32 to index
    %get3A_1776 = arith.constant 24 : index
    %get3A_1777 = tpu.vector_load %arg6[%get3A_1775, %get3A_1776] {strides = array<i32>} : memref<40x40xf32, #tpu.memory_space<vmem>>, vector<16xf32>,
    %select_n3A_1778 = arith.select %and3A_1761, %get3A_1777, %broadcast_in_dim3A_74 : vector<16xi1>, vector<16xf32>
    %add3A_1779 = arith.addf %add3A_1715, %select_n3A_1778 : vector<16xf32>
    %get3A_1780 = arith.constant 26 : i32
    %get3A_1781 = arith.index_cast %get3A_1780 : i32 to index
    %get3A_1782 = arith.constant 0 : index
    %get3A_1783 = tpu.vector_load %arg7[%get3A_1781, %get3A_1782] {strides = array<i32>} : memref<40x40xf32, #tpu.memory_space<vmem>>, vector<16xf32>,
    %select_n3A_1784 = arith.select %ne3A_1746, %get3A_1783, %broadcast_in_dim3A_74 : vector<16xi1>, vector<16xf32>
    %add3A_1785 = arith.addf %add3A_1721, %select_n3A_1784 : vector<16xf32>
    %get3A_1786 = arith.constant 26 : i32
    %get3A_1787 = arith.index_cast %get3A_1786 : i32 to index
    %get3A_1788 = arith.constant 16 : index
    %get3A_1789 = tpu.vector_load %arg7[%get3A_1787, %get3A_1788] {strides = array<i32>} : memref<40x40xf32, #tpu.memory_space<vmem>>, vector<16xf32>,
    %select_n3A_1790 = arith.select %ne3A_1753, %get3A_1789, %broadcast_in_dim3A_74 : vector<16xi1>, vector<16xf32>
    %add3A_1791 = arith.addf %add3A_1727, %select_n3A_1790 : vector<16xf32>
    %get3A_1792 = arith.constant 26 : i32
    %get3A_1793 = arith.index_cast %get3A_1792 : i32 to index
    %get3A_1794 = arith.constant 24 : index
    %get3A_1795 = tpu.vector_load %arg7[%get3A_1793, %get3A_1794] {strides = array<i32>} : memref<40x40xf32, #tpu.memory_space<vmem>>, vector<16xf32>,
    %select_n3A_1796 = arith.select %and3A_1761, %get3A_1795, %broadcast_in_dim3A_74 : vector<16xi1>, vector<16xf32>
    %add3A_1797 = arith.addf %add3A_1733, %select_n3A_1796 : vector<16xf32>
    %select_n3A_1798 = arith.select %ne3A_1746, %broadcast_in_dim3A_76, %broadcast_in_dim3A_74 : vector<16xi1>, vector<16xf32>
    %add3A_1799 = arith.addf %add3A_1735, %select_n3A_1798 : vector<16xf32>
    %select_n3A_1800 = arith.select %ne3A_1753, %broadcast_in_dim3A_76, %broadcast_in_dim3A_74 : vector<16xi1>, vector<16xf32>
    %add3A_1801 = arith.addf %add3A_1737, %select_n3A_1800 : vector<16xf32>
    %select_n3A_1802 = arith.select %and3A_1761, %broadcast_in_dim3A_76, %broadcast_in_dim3A_74 : vector<16xi1>, vector<16xf32>
    %add3A_1803 = arith.addf %add3A_1739, %select_n3A_1802 : vector<16xf32>
    %get3A_1804 = arith.constant 27 : i32
    %get3A_1805 = arith.index_cast %get3A_1804 : i32 to index
    %get3A_1806 = arith.constant 0 : index
    %get3A_1807 = tpu.vector_load %arg8[%get3A_1805, %get3A_1806] {strides = array<i32>} : memref<40x40xi32, #tpu.memory_space<vmem>>, vector<16xi32>,
    %ne3A_1808 = arith.constant 0 : i32
    %ne3A_1809 = vector.broadcast %ne3A_1808 : i32 to vector<16xi32>
    %ne3A_1810 = arith.cmpi ne, %get3A_1807, %ne3A_1809 : vector<16xi32>
    %get3A_1811 = arith.constant 27 : i32
    %get3A_1812 = arith.index_cast %get3A_1811 : i32 to index
    %get3A_1813 = arith.constant 16 : index
    %get3A_1814 = tpu.vector_load %arg8[%get3A_1812, %get3A_1813] {strides = array<i32>} : memref<40x40xi32, #tpu.memory_space<vmem>>, vector<16xi32>,
    %ne3A_1815 = arith.constant 0 : i32
    %ne3A_1816 = vector.broadcast %ne3A_1815 : i32 to vector<16xi32>
    %ne3A_1817 = arith.cmpi ne, %get3A_1814, %ne3A_1816 : vector<16xi32>
    %get3A_1818 = arith.constant 27 : i32
    %get3A_1819 = arith.index_cast %get3A_1818 : i32 to index
    %get3A_1820 = arith.constant 24 : index
    %get3A_1821 = tpu.vector_load %arg8[%get3A_1819, %get3A_1820] {strides = array<i32>} : memref<40x40xi32, #tpu.memory_space<vmem>>, vector<16xi32>,
    %ne3A_1822 = arith.constant 0 : i32
    %ne3A_1823 = vector.broadcast %ne3A_1822 : i32 to vector<16xi32>
    %ne3A_1824 = arith.cmpi ne, %get3A_1821, %ne3A_1823 : vector<16xi32>
    %and3A_1825 = arith.andi %ne3A_1824, %ge3A_73 : vector<16xi1>
    %get3A_1826 = arith.constant 27 : i32
    %get3A_1827 = arith.index_cast %get3A_1826 : i32 to index
    %get3A_1828 = arith.constant 0 : index
    %get3A_1829 = tpu.vector_load %arg6[%get3A_1827, %get3A_1828] {strides = array<i32>} : memref<40x40xf32, #tpu.memory_space<vmem>>, vector<16xf32>,
    %select_n3A_1830 = arith.select %ne3A_1810, %get3A_1829, %broadcast_in_dim3A_74 : vector<16xi1>, vector<16xf32>
    %add3A_1831 = arith.addf %add3A_1767, %select_n3A_1830 : vector<16xf32>
    %get3A_1832 = arith.constant 27 : i32
    %get3A_1833 = arith.index_cast %get3A_1832 : i32 to index
    %get3A_1834 = arith.constant 16 : index
    %get3A_1835 = tpu.vector_load %arg6[%get3A_1833, %get3A_1834] {strides = array<i32>} : memref<40x40xf32, #tpu.memory_space<vmem>>, vector<16xf32>,
    %select_n3A_1836 = arith.select %ne3A_1817, %get3A_1835, %broadcast_in_dim3A_74 : vector<16xi1>, vector<16xf32>
    %add3A_1837 = arith.addf %add3A_1773, %select_n3A_1836 : vector<16xf32>
    %get3A_1838 = arith.constant 27 : i32
    %get3A_1839 = arith.index_cast %get3A_1838 : i32 to index
    %get3A_1840 = arith.constant 24 : index
    %get3A_1841 = tpu.vector_load %arg6[%get3A_1839, %get3A_1840] {strides = array<i32>} : memref<40x40xf32, #tpu.memory_space<vmem>>, vector<16xf32>,
    %select_n3A_1842 = arith.select %and3A_1825, %get3A_1841, %broadcast_in_dim3A_74 : vector<16xi1>, vector<16xf32>
    %add3A_1843 = arith.addf %add3A_1779, %select_n3A_1842 : vector<16xf32>
    %get3A_1844 = arith.constant 27 : i32
    %get3A_1845 = arith.index_cast %get3A_1844 : i32 to index
    %get3A_1846 = arith.constant 0 : index
    %get3A_1847 = tpu.vector_load %arg7[%get3A_1845, %get3A_1846] {strides = array<i32>} : memref<40x40xf32, #tpu.memory_space<vmem>>, vector<16xf32>,
    %select_n3A_1848 = arith.select %ne3A_1810, %get3A_1847, %broadcast_in_dim3A_74 : vector<16xi1>, vector<16xf32>
    %add3A_1849 = arith.addf %add3A_1785, %select_n3A_1848 : vector<16xf32>
    %get3A_1850 = arith.constant 27 : i32
    %get3A_1851 = arith.index_cast %get3A_1850 : i32 to index
    %get3A_1852 = arith.constant 16 : index
    %get3A_1853 = tpu.vector_load %arg7[%get3A_1851, %get3A_1852] {strides = array<i32>} : memref<40x40xf32, #tpu.memory_space<vmem>>, vector<16xf32>,
    %select_n3A_1854 = arith.select %ne3A_1817, %get3A_1853, %broadcast_in_dim3A_74 : vector<16xi1>, vector<16xf32>
    %add3A_1855 = arith.addf %add3A_1791, %select_n3A_1854 : vector<16xf32>
    %get3A_1856 = arith.constant 27 : i32
    %get3A_1857 = arith.index_cast %get3A_1856 : i32 to index
    %get3A_1858 = arith.constant 24 : index
    %get3A_1859 = tpu.vector_load %arg7[%get3A_1857, %get3A_1858] {strides = array<i32>} : memref<40x40xf32, #tpu.memory_space<vmem>>, vector<16xf32>,
    %select_n3A_1860 = arith.select %and3A_1825, %get3A_1859, %broadcast_in_dim3A_74 : vector<16xi1>, vector<16xf32>
    %add3A_1861 = arith.addf %add3A_1797, %select_n3A_1860 : vector<16xf32>
    %select_n3A_1862 = arith.select %ne3A_1810, %broadcast_in_dim3A_76, %broadcast_in_dim3A_74 : vector<16xi1>, vector<16xf32>
    %add3A_1863 = arith.addf %add3A_1799, %select_n3A_1862 : vector<16xf32>
    %select_n3A_1864 = arith.select %ne3A_1817, %broadcast_in_dim3A_76, %broadcast_in_dim3A_74 : vector<16xi1>, vector<16xf32>
    %add3A_1865 = arith.addf %add3A_1801, %select_n3A_1864 : vector<16xf32>
    %select_n3A_1866 = arith.select %and3A_1825, %broadcast_in_dim3A_76, %broadcast_in_dim3A_74 : vector<16xi1>, vector<16xf32>
    %add3A_1867 = arith.addf %add3A_1803, %select_n3A_1866 : vector<16xf32>
    %get3A_1868 = arith.constant 28 : i32
    %get3A_1869 = arith.index_cast %get3A_1868 : i32 to index
    %get3A_1870 = arith.constant 0 : index
    %get3A_1871 = tpu.vector_load %arg8[%get3A_1869, %get3A_1870] {strides = array<i32>} : memref<40x40xi32, #tpu.memory_space<vmem>>, vector<16xi32>,
    %ne3A_1872 = arith.constant 0 : i32
    %ne3A_1873 = vector.broadcast %ne3A_1872 : i32 to vector<16xi32>
    %ne3A_1874 = arith.cmpi ne, %get3A_1871, %ne3A_1873 : vector<16xi32>
    %get3A_1875 = arith.constant 28 : i32
    %get3A_1876 = arith.index_cast %get3A_1875 : i32 to index
    %get3A_1877 = arith.constant 16 : index
    %get3A_1878 = tpu.vector_load %arg8[%get3A_1876, %get3A_1877] {strides = array<i32>} : memref<40x40xi32, #tpu.memory_space<vmem>>, vector<16xi32>,
    %ne3A_1879 = arith.constant 0 : i32
    %ne3A_1880 = vector.broadcast %ne3A_1879 : i32 to vector<16xi32>
    %ne3A_1881 = arith.cmpi ne, %get3A_1878, %ne3A_1880 : vector<16xi32>
    %get3A_1882 = arith.constant 28 : i32
    %get3A_1883 = arith.index_cast %get3A_1882 : i32 to index
    %get3A_1884 = arith.constant 24 : index
    %get3A_1885 = tpu.vector_load %arg8[%get3A_1883, %get3A_1884] {strides = array<i32>} : memref<40x40xi32, #tpu.memory_space<vmem>>, vector<16xi32>,
    %ne3A_1886 = arith.constant 0 : i32
    %ne3A_1887 = vector.broadcast %ne3A_1886 : i32 to vector<16xi32>
    %ne3A_1888 = arith.cmpi ne, %get3A_1885, %ne3A_1887 : vector<16xi32>
    %and3A_1889 = arith.andi %ne3A_1888, %ge3A_73 : vector<16xi1>
    %get3A_1890 = arith.constant 28 : i32
    %get3A_1891 = arith.index_cast %get3A_1890 : i32 to index
    %get3A_1892 = arith.constant 0 : index
    %get3A_1893 = tpu.vector_load %arg6[%get3A_1891, %get3A_1892] {strides = array<i32>} : memref<40x40xf32, #tpu.memory_space<vmem>>, vector<16xf32>,
    %select_n3A_1894 = arith.select %ne3A_1874, %get3A_1893, %broadcast_in_dim3A_74 : vector<16xi1>, vector<16xf32>
    %add3A_1895 = arith.addf %add3A_1831, %select_n3A_1894 : vector<16xf32>
    %get3A_1896 = arith.constant 28 : i32
    %get3A_1897 = arith.index_cast %get3A_1896 : i32 to index
    %get3A_1898 = arith.constant 16 : index
    %get3A_1899 = tpu.vector_load %arg6[%get3A_1897, %get3A_1898] {strides = array<i32>} : memref<40x40xf32, #tpu.memory_space<vmem>>, vector<16xf32>,
    %select_n3A_1900 = arith.select %ne3A_1881, %get3A_1899, %broadcast_in_dim3A_74 : vector<16xi1>, vector<16xf32>
    %add3A_1901 = arith.addf %add3A_1837, %select_n3A_1900 : vector<16xf32>
    %get3A_1902 = arith.constant 28 : i32
    %get3A_1903 = arith.index_cast %get3A_1902 : i32 to index
    %get3A_1904 = arith.constant 24 : index
    %get3A_1905 = tpu.vector_load %arg6[%get3A_1903, %get3A_1904] {strides = array<i32>} : memref<40x40xf32, #tpu.memory_space<vmem>>, vector<16xf32>,
    %select_n3A_1906 = arith.select %and3A_1889, %get3A_1905, %broadcast_in_dim3A_74 : vector<16xi1>, vector<16xf32>
    %add3A_1907 = arith.addf %add3A_1843, %select_n3A_1906 : vector<16xf32>
    %get3A_1908 = arith.constant 28 : i32
    %get3A_1909 = arith.index_cast %get3A_1908 : i32 to index
    %get3A_1910 = arith.constant 0 : index
    %get3A_1911 = tpu.vector_load %arg7[%get3A_1909, %get3A_1910] {strides = array<i32>} : memref<40x40xf32, #tpu.memory_space<vmem>>, vector<16xf32>,
    %select_n3A_1912 = arith.select %ne3A_1874, %get3A_1911, %broadcast_in_dim3A_74 : vector<16xi1>, vector<16xf32>
    %add3A_1913 = arith.addf %add3A_1849, %select_n3A_1912 : vector<16xf32>
    %get3A_1914 = arith.constant 28 : i32
    %get3A_1915 = arith.index_cast %get3A_1914 : i32 to index
    %get3A_1916 = arith.constant 16 : index
    %get3A_1917 = tpu.vector_load %arg7[%get3A_1915, %get3A_1916] {strides = array<i32>} : memref<40x40xf32, #tpu.memory_space<vmem>>, vector<16xf32>,
    %select_n3A_1918 = arith.select %ne3A_1881, %get3A_1917, %broadcast_in_dim3A_74 : vector<16xi1>, vector<16xf32>
    %add3A_1919 = arith.addf %add3A_1855, %select_n3A_1918 : vector<16xf32>
    %get3A_1920 = arith.constant 28 : i32
    %get3A_1921 = arith.index_cast %get3A_1920 : i32 to index
    %get3A_1922 = arith.constant 24 : index
    %get3A_1923 = tpu.vector_load %arg7[%get3A_1921, %get3A_1922] {strides = array<i32>} : memref<40x40xf32, #tpu.memory_space<vmem>>, vector<16xf32>,
    %select_n3A_1924 = arith.select %and3A_1889, %get3A_1923, %broadcast_in_dim3A_74 : vector<16xi1>, vector<16xf32>
    %add3A_1925 = arith.addf %add3A_1861, %select_n3A_1924 : vector<16xf32>
    %select_n3A_1926 = arith.select %ne3A_1874, %broadcast_in_dim3A_76, %broadcast_in_dim3A_74 : vector<16xi1>, vector<16xf32>
    %add3A_1927 = arith.addf %add3A_1863, %select_n3A_1926 : vector<16xf32>
    %select_n3A_1928 = arith.select %ne3A_1881, %broadcast_in_dim3A_76, %broadcast_in_dim3A_74 : vector<16xi1>, vector<16xf32>
    %add3A_1929 = arith.addf %add3A_1865, %select_n3A_1928 : vector<16xf32>
    %select_n3A_1930 = arith.select %and3A_1889, %broadcast_in_dim3A_76, %broadcast_in_dim3A_74 : vector<16xi1>, vector<16xf32>
    %add3A_1931 = arith.addf %add3A_1867, %select_n3A_1930 : vector<16xf32>
    %get3A_1932 = arith.constant 29 : i32
    %get3A_1933 = arith.index_cast %get3A_1932 : i32 to index
    %get3A_1934 = arith.constant 0 : index
    %get3A_1935 = tpu.vector_load %arg8[%get3A_1933, %get3A_1934] {strides = array<i32>} : memref<40x40xi32, #tpu.memory_space<vmem>>, vector<16xi32>,
    %ne3A_1936 = arith.constant 0 : i32
    %ne3A_1937 = vector.broadcast %ne3A_1936 : i32 to vector<16xi32>
    %ne3A_1938 = arith.cmpi ne, %get3A_1935, %ne3A_1937 : vector<16xi32>
    %get3A_1939 = arith.constant 29 : i32
    %get3A_1940 = arith.index_cast %get3A_1939 : i32 to index
    %get3A_1941 = arith.constant 16 : index
    %get3A_1942 = tpu.vector_load %arg8[%get3A_1940, %get3A_1941] {strides = array<i32>} : memref<40x40xi32, #tpu.memory_space<vmem>>, vector<16xi32>,
    %ne3A_1943 = arith.constant 0 : i32
    %ne3A_1944 = vector.broadcast %ne3A_1943 : i32 to vector<16xi32>
    %ne3A_1945 = arith.cmpi ne, %get3A_1942, %ne3A_1944 : vector<16xi32>
    %get3A_1946 = arith.constant 29 : i32
    %get3A_1947 = arith.index_cast %get3A_1946 : i32 to index
    %get3A_1948 = arith.constant 24 : index
    %get3A_1949 = tpu.vector_load %arg8[%get3A_1947, %get3A_1948] {strides = array<i32>} : memref<40x40xi32, #tpu.memory_space<vmem>>, vector<16xi32>,
    %ne3A_1950 = arith.constant 0 : i32
    %ne3A_1951 = vector.broadcast %ne3A_1950 : i32 to vector<16xi32>
    %ne3A_1952 = arith.cmpi ne, %get3A_1949, %ne3A_1951 : vector<16xi32>
    %and3A_1953 = arith.andi %ne3A_1952, %ge3A_73 : vector<16xi1>
    %get3A_1954 = arith.constant 29 : i32
    %get3A_1955 = arith.index_cast %get3A_1954 : i32 to index
    %get3A_1956 = arith.constant 0 : index
    %get3A_1957 = tpu.vector_load %arg6[%get3A_1955, %get3A_1956] {strides = array<i32>} : memref<40x40xf32, #tpu.memory_space<vmem>>, vector<16xf32>,
    %select_n3A_1958 = arith.select %ne3A_1938, %get3A_1957, %broadcast_in_dim3A_74 : vector<16xi1>, vector<16xf32>
    %add3A_1959 = arith.addf %add3A_1895, %select_n3A_1958 : vector<16xf32>
    %get3A_1960 = arith.constant 29 : i32
    %get3A_1961 = arith.index_cast %get3A_1960 : i32 to index
    %get3A_1962 = arith.constant 16 : index
    %get3A_1963 = tpu.vector_load %arg6[%get3A_1961, %get3A_1962] {strides = array<i32>} : memref<40x40xf32, #tpu.memory_space<vmem>>, vector<16xf32>,
    %select_n3A_1964 = arith.select %ne3A_1945, %get3A_1963, %broadcast_in_dim3A_74 : vector<16xi1>, vector<16xf32>
    %add3A_1965 = arith.addf %add3A_1901, %select_n3A_1964 : vector<16xf32>
    %get3A_1966 = arith.constant 29 : i32
    %get3A_1967 = arith.index_cast %get3A_1966 : i32 to index
    %get3A_1968 = arith.constant 24 : index
    %get3A_1969 = tpu.vector_load %arg6[%get3A_1967, %get3A_1968] {strides = array<i32>} : memref<40x40xf32, #tpu.memory_space<vmem>>, vector<16xf32>,
    %select_n3A_1970 = arith.select %and3A_1953, %get3A_1969, %broadcast_in_dim3A_74 : vector<16xi1>, vector<16xf32>
    %add3A_1971 = arith.addf %add3A_1907, %select_n3A_1970 : vector<16xf32>
    %get3A_1972 = arith.constant 29 : i32
    %get3A_1973 = arith.index_cast %get3A_1972 : i32 to index
    %get3A_1974 = arith.constant 0 : index
    %get3A_1975 = tpu.vector_load %arg7[%get3A_1973, %get3A_1974] {strides = array<i32>} : memref<40x40xf32, #tpu.memory_space<vmem>>, vector<16xf32>,
    %select_n3A_1976 = arith.select %ne3A_1938, %get3A_1975, %broadcast_in_dim3A_74 : vector<16xi1>, vector<16xf32>
    %add3A_1977 = arith.addf %add3A_1913, %select_n3A_1976 : vector<16xf32>
    %get3A_1978 = arith.constant 29 : i32
    %get3A_1979 = arith.index_cast %get3A_1978 : i32 to index
    %get3A_1980 = arith.constant 16 : index
    %get3A_1981 = tpu.vector_load %arg7[%get3A_1979, %get3A_1980] {strides = array<i32>} : memref<40x40xf32, #tpu.memory_space<vmem>>, vector<16xf32>,
    %select_n3A_1982 = arith.select %ne3A_1945, %get3A_1981, %broadcast_in_dim3A_74 : vector<16xi1>, vector<16xf32>
    %add3A_1983 = arith.addf %add3A_1919, %select_n3A_1982 : vector<16xf32>
    %get3A_1984 = arith.constant 29 : i32
    %get3A_1985 = arith.index_cast %get3A_1984 : i32 to index
    %get3A_1986 = arith.constant 24 : index
    %get3A_1987 = tpu.vector_load %arg7[%get3A_1985, %get3A_1986] {strides = array<i32>} : memref<40x40xf32, #tpu.memory_space<vmem>>, vector<16xf32>,
    %select_n3A_1988 = arith.select %and3A_1953, %get3A_1987, %broadcast_in_dim3A_74 : vector<16xi1>, vector<16xf32>
    %add3A_1989 = arith.addf %add3A_1925, %select_n3A_1988 : vector<16xf32>
    %select_n3A_1990 = arith.select %ne3A_1938, %broadcast_in_dim3A_76, %broadcast_in_dim3A_74 : vector<16xi1>, vector<16xf32>
    %add3A_1991 = arith.addf %add3A_1927, %select_n3A_1990 : vector<16xf32>
    %select_n3A_1992 = arith.select %ne3A_1945, %broadcast_in_dim3A_76, %broadcast_in_dim3A_74 : vector<16xi1>, vector<16xf32>
    %add3A_1993 = arith.addf %add3A_1929, %select_n3A_1992 : vector<16xf32>
    %select_n3A_1994 = arith.select %and3A_1953, %broadcast_in_dim3A_76, %broadcast_in_dim3A_74 : vector<16xi1>, vector<16xf32>
    %add3A_1995 = arith.addf %add3A_1931, %select_n3A_1994 : vector<16xf32>
    %get3A_1996 = arith.constant 30 : i32
    %get3A_1997 = arith.index_cast %get3A_1996 : i32 to index
    %get3A_1998 = arith.constant 0 : index
    %get3A_1999 = tpu.vector_load %arg8[%get3A_1997, %get3A_1998] {strides = array<i32>} : memref<40x40xi32, #tpu.memory_space<vmem>>, vector<16xi32>,
    %ne3A_2000 = arith.constant 0 : i32
    %ne3A_2001 = vector.broadcast %ne3A_2000 : i32 to vector<16xi32>
    %ne3A_2002 = arith.cmpi ne, %get3A_1999, %ne3A_2001 : vector<16xi32>
    %get3A_2003 = arith.constant 30 : i32
    %get3A_2004 = arith.index_cast %get3A_2003 : i32 to index
    %get3A_2005 = arith.constant 16 : index
    %get3A_2006 = tpu.vector_load %arg8[%get3A_2004, %get3A_2005] {strides = array<i32>} : memref<40x40xi32, #tpu.memory_space<vmem>>, vector<16xi32>,
    %ne3A_2007 = arith.constant 0 : i32
    %ne3A_2008 = vector.broadcast %ne3A_2007 : i32 to vector<16xi32>
    %ne3A_2009 = arith.cmpi ne, %get3A_2006, %ne3A_2008 : vector<16xi32>
    %get3A_2010 = arith.constant 30 : i32
    %get3A_2011 = arith.index_cast %get3A_2010 : i32 to index
    %get3A_2012 = arith.constant 24 : index
    %get3A_2013 = tpu.vector_load %arg8[%get3A_2011, %get3A_2012] {strides = array<i32>} : memref<40x40xi32, #tpu.memory_space<vmem>>, vector<16xi32>,
    %ne3A_2014 = arith.constant 0 : i32
    %ne3A_2015 = vector.broadcast %ne3A_2014 : i32 to vector<16xi32>
    %ne3A_2016 = arith.cmpi ne, %get3A_2013, %ne3A_2015 : vector<16xi32>
    %and3A_2017 = arith.andi %ne3A_2016, %ge3A_73 : vector<16xi1>
    %get3A_2018 = arith.constant 30 : i32
    %get3A_2019 = arith.index_cast %get3A_2018 : i32 to index
    %get3A_2020 = arith.constant 0 : index
    %get3A_2021 = tpu.vector_load %arg6[%get3A_2019, %get3A_2020] {strides = array<i32>} : memref<40x40xf32, #tpu.memory_space<vmem>>, vector<16xf32>,
    %select_n3A_2022 = arith.select %ne3A_2002, %get3A_2021, %broadcast_in_dim3A_74 : vector<16xi1>, vector<16xf32>
    %add3A_2023 = arith.addf %add3A_1959, %select_n3A_2022 : vector<16xf32>
    %get3A_2024 = arith.constant 30 : i32
    %get3A_2025 = arith.index_cast %get3A_2024 : i32 to index
    %get3A_2026 = arith.constant 16 : index
    %get3A_2027 = tpu.vector_load %arg6[%get3A_2025, %get3A_2026] {strides = array<i32>} : memref<40x40xf32, #tpu.memory_space<vmem>>, vector<16xf32>,
    %select_n3A_2028 = arith.select %ne3A_2009, %get3A_2027, %broadcast_in_dim3A_74 : vector<16xi1>, vector<16xf32>
    %add3A_2029 = arith.addf %add3A_1965, %select_n3A_2028 : vector<16xf32>
    %get3A_2030 = arith.constant 30 : i32
    %get3A_2031 = arith.index_cast %get3A_2030 : i32 to index
    %get3A_2032 = arith.constant 24 : index
    %get3A_2033 = tpu.vector_load %arg6[%get3A_2031, %get3A_2032] {strides = array<i32>} : memref<40x40xf32, #tpu.memory_space<vmem>>, vector<16xf32>,
    %select_n3A_2034 = arith.select %and3A_2017, %get3A_2033, %broadcast_in_dim3A_74 : vector<16xi1>, vector<16xf32>
    %add3A_2035 = arith.addf %add3A_1971, %select_n3A_2034 : vector<16xf32>
    %get3A_2036 = arith.constant 30 : i32
    %get3A_2037 = arith.index_cast %get3A_2036 : i32 to index
    %get3A_2038 = arith.constant 0 : index
    %get3A_2039 = tpu.vector_load %arg7[%get3A_2037, %get3A_2038] {strides = array<i32>} : memref<40x40xf32, #tpu.memory_space<vmem>>, vector<16xf32>,
    %select_n3A_2040 = arith.select %ne3A_2002, %get3A_2039, %broadcast_in_dim3A_74 : vector<16xi1>, vector<16xf32>
    %add3A_2041 = arith.addf %add3A_1977, %select_n3A_2040 : vector<16xf32>
    %get3A_2042 = arith.constant 30 : i32
    %get3A_2043 = arith.index_cast %get3A_2042 : i32 to index
    %get3A_2044 = arith.constant 16 : index
    %get3A_2045 = tpu.vector_load %arg7[%get3A_2043, %get3A_2044] {strides = array<i32>} : memref<40x40xf32, #tpu.memory_space<vmem>>, vector<16xf32>,
    %select_n3A_2046 = arith.select %ne3A_2009, %get3A_2045, %broadcast_in_dim3A_74 : vector<16xi1>, vector<16xf32>
    %add3A_2047 = arith.addf %add3A_1983, %select_n3A_2046 : vector<16xf32>
    %get3A_2048 = arith.constant 30 : i32
    %get3A_2049 = arith.index_cast %get3A_2048 : i32 to index
    %get3A_2050 = arith.constant 24 : index
    %get3A_2051 = tpu.vector_load %arg7[%get3A_2049, %get3A_2050] {strides = array<i32>} : memref<40x40xf32, #tpu.memory_space<vmem>>, vector<16xf32>,
    %select_n3A_2052 = arith.select %and3A_2017, %get3A_2051, %broadcast_in_dim3A_74 : vector<16xi1>, vector<16xf32>
    %add3A_2053 = arith.addf %add3A_1989, %select_n3A_2052 : vector<16xf32>
    %select_n3A_2054 = arith.select %ne3A_2002, %broadcast_in_dim3A_76, %broadcast_in_dim3A_74 : vector<16xi1>, vector<16xf32>
    %add3A_2055 = arith.addf %add3A_1991, %select_n3A_2054 : vector<16xf32>
    %select_n3A_2056 = arith.select %ne3A_2009, %broadcast_in_dim3A_76, %broadcast_in_dim3A_74 : vector<16xi1>, vector<16xf32>
    %add3A_2057 = arith.addf %add3A_1993, %select_n3A_2056 : vector<16xf32>
    %select_n3A_2058 = arith.select %and3A_2017, %broadcast_in_dim3A_76, %broadcast_in_dim3A_74 : vector<16xi1>, vector<16xf32>
    %add3A_2059 = arith.addf %add3A_1995, %select_n3A_2058 : vector<16xf32>
    %get3A_2060 = arith.constant 31 : i32
    %get3A_2061 = arith.index_cast %get3A_2060 : i32 to index
    %get3A_2062 = arith.constant 0 : index
    %get3A_2063 = tpu.vector_load %arg8[%get3A_2061, %get3A_2062] {strides = array<i32>} : memref<40x40xi32, #tpu.memory_space<vmem>>, vector<16xi32>,
    %ne3A_2064 = arith.constant 0 : i32
    %ne3A_2065 = vector.broadcast %ne3A_2064 : i32 to vector<16xi32>
    %ne3A_2066 = arith.cmpi ne, %get3A_2063, %ne3A_2065 : vector<16xi32>
    %get3A_2067 = arith.constant 31 : i32
    %get3A_2068 = arith.index_cast %get3A_2067 : i32 to index
    %get3A_2069 = arith.constant 16 : index
    %get3A_2070 = tpu.vector_load %arg8[%get3A_2068, %get3A_2069] {strides = array<i32>} : memref<40x40xi32, #tpu.memory_space<vmem>>, vector<16xi32>,
    %ne3A_2071 = arith.constant 0 : i32
    %ne3A_2072 = vector.broadcast %ne3A_2071 : i32 to vector<16xi32>
    %ne3A_2073 = arith.cmpi ne, %get3A_2070, %ne3A_2072 : vector<16xi32>
    %get3A_2074 = arith.constant 31 : i32
    %get3A_2075 = arith.index_cast %get3A_2074 : i32 to index
    %get3A_2076 = arith.constant 24 : index
    %get3A_2077 = tpu.vector_load %arg8[%get3A_2075, %get3A_2076] {strides = array<i32>} : memref<40x40xi32, #tpu.memory_space<vmem>>, vector<16xi32>,
    %ne3A_2078 = arith.constant 0 : i32
    %ne3A_2079 = vector.broadcast %ne3A_2078 : i32 to vector<16xi32>
    %ne3A_2080 = arith.cmpi ne, %get3A_2077, %ne3A_2079 : vector<16xi32>
    %and3A_2081 = arith.andi %ne3A_2080, %ge3A_73 : vector<16xi1>
    %get3A_2082 = arith.constant 31 : i32
    %get3A_2083 = arith.index_cast %get3A_2082 : i32 to index
    %get3A_2084 = arith.constant 0 : index
    %get3A_2085 = tpu.vector_load %arg6[%get3A_2083, %get3A_2084] {strides = array<i32>} : memref<40x40xf32, #tpu.memory_space<vmem>>, vector<16xf32>,
    %select_n3A_2086 = arith.select %ne3A_2066, %get3A_2085, %broadcast_in_dim3A_74 : vector<16xi1>, vector<16xf32>
    %add3A_2087 = arith.addf %add3A_2023, %select_n3A_2086 : vector<16xf32>
    %get3A_2088 = arith.constant 31 : i32
    %get3A_2089 = arith.index_cast %get3A_2088 : i32 to index
    %get3A_2090 = arith.constant 16 : index
    %get3A_2091 = tpu.vector_load %arg6[%get3A_2089, %get3A_2090] {strides = array<i32>} : memref<40x40xf32, #tpu.memory_space<vmem>>, vector<16xf32>,
    %select_n3A_2092 = arith.select %ne3A_2073, %get3A_2091, %broadcast_in_dim3A_74 : vector<16xi1>, vector<16xf32>
    %add3A_2093 = arith.addf %add3A_2029, %select_n3A_2092 : vector<16xf32>
    %get3A_2094 = arith.constant 31 : i32
    %get3A_2095 = arith.index_cast %get3A_2094 : i32 to index
    %get3A_2096 = arith.constant 24 : index
    %get3A_2097 = tpu.vector_load %arg6[%get3A_2095, %get3A_2096] {strides = array<i32>} : memref<40x40xf32, #tpu.memory_space<vmem>>, vector<16xf32>,
    %select_n3A_2098 = arith.select %and3A_2081, %get3A_2097, %broadcast_in_dim3A_74 : vector<16xi1>, vector<16xf32>
    %add3A_2099 = arith.addf %add3A_2035, %select_n3A_2098 : vector<16xf32>
    %get3A_2100 = arith.constant 31 : i32
    %get3A_2101 = arith.index_cast %get3A_2100 : i32 to index
    %get3A_2102 = arith.constant 0 : index
    %get3A_2103 = tpu.vector_load %arg7[%get3A_2101, %get3A_2102] {strides = array<i32>} : memref<40x40xf32, #tpu.memory_space<vmem>>, vector<16xf32>,
    %select_n3A_2104 = arith.select %ne3A_2066, %get3A_2103, %broadcast_in_dim3A_74 : vector<16xi1>, vector<16xf32>
    %add3A_2105 = arith.addf %add3A_2041, %select_n3A_2104 : vector<16xf32>
    %get3A_2106 = arith.constant 31 : i32
    %get3A_2107 = arith.index_cast %get3A_2106 : i32 to index
    %get3A_2108 = arith.constant 16 : index
    %get3A_2109 = tpu.vector_load %arg7[%get3A_2107, %get3A_2108] {strides = array<i32>} : memref<40x40xf32, #tpu.memory_space<vmem>>, vector<16xf32>,
    %select_n3A_2110 = arith.select %ne3A_2073, %get3A_2109, %broadcast_in_dim3A_74 : vector<16xi1>, vector<16xf32>
    %add3A_2111 = arith.addf %add3A_2047, %select_n3A_2110 : vector<16xf32>
    %get3A_2112 = arith.constant 31 : i32
    %get3A_2113 = arith.index_cast %get3A_2112 : i32 to index
    %get3A_2114 = arith.constant 24 : index
    %get3A_2115 = tpu.vector_load %arg7[%get3A_2113, %get3A_2114] {strides = array<i32>} : memref<40x40xf32, #tpu.memory_space<vmem>>, vector<16xf32>,
    %select_n3A_2116 = arith.select %and3A_2081, %get3A_2115, %broadcast_in_dim3A_74 : vector<16xi1>, vector<16xf32>
    %add3A_2117 = arith.addf %add3A_2053, %select_n3A_2116 : vector<16xf32>
    %select_n3A_2118 = arith.select %ne3A_2066, %broadcast_in_dim3A_76, %broadcast_in_dim3A_74 : vector<16xi1>, vector<16xf32>
    %add3A_2119 = arith.addf %add3A_2055, %select_n3A_2118 : vector<16xf32>
    %select_n3A_2120 = arith.select %ne3A_2073, %broadcast_in_dim3A_76, %broadcast_in_dim3A_74 : vector<16xi1>, vector<16xf32>
    %add3A_2121 = arith.addf %add3A_2057, %select_n3A_2120 : vector<16xf32>
    %select_n3A_2122 = arith.select %and3A_2081, %broadcast_in_dim3A_76, %broadcast_in_dim3A_74 : vector<16xi1>, vector<16xf32>
    %add3A_2123 = arith.addf %add3A_2059, %select_n3A_2122 : vector<16xf32>
    %get3A_2124 = arith.constant 32 : i32
    %get3A_2125 = arith.index_cast %get3A_2124 : i32 to index
    %get3A_2126 = arith.constant 0 : index
    %get3A_2127 = tpu.vector_load %arg8[%get3A_2125, %get3A_2126] {strides = array<i32>} : memref<40x40xi32, #tpu.memory_space<vmem>>, vector<16xi32>,
    %ne3A_2128 = arith.constant 0 : i32
    %ne3A_2129 = vector.broadcast %ne3A_2128 : i32 to vector<16xi32>
    %ne3A_2130 = arith.cmpi ne, %get3A_2127, %ne3A_2129 : vector<16xi32>
    %get3A_2131 = arith.constant 32 : i32
    %get3A_2132 = arith.index_cast %get3A_2131 : i32 to index
    %get3A_2133 = arith.constant 16 : index
    %get3A_2134 = tpu.vector_load %arg8[%get3A_2132, %get3A_2133] {strides = array<i32>} : memref<40x40xi32, #tpu.memory_space<vmem>>, vector<16xi32>,
    %ne3A_2135 = arith.constant 0 : i32
    %ne3A_2136 = vector.broadcast %ne3A_2135 : i32 to vector<16xi32>
    %ne3A_2137 = arith.cmpi ne, %get3A_2134, %ne3A_2136 : vector<16xi32>
    %get3A_2138 = arith.constant 32 : i32
    %get3A_2139 = arith.index_cast %get3A_2138 : i32 to index
    %get3A_2140 = arith.constant 24 : index
    %get3A_2141 = tpu.vector_load %arg8[%get3A_2139, %get3A_2140] {strides = array<i32>} : memref<40x40xi32, #tpu.memory_space<vmem>>, vector<16xi32>,
    %ne3A_2142 = arith.constant 0 : i32
    %ne3A_2143 = vector.broadcast %ne3A_2142 : i32 to vector<16xi32>
    %ne3A_2144 = arith.cmpi ne, %get3A_2141, %ne3A_2143 : vector<16xi32>
    %and3A_2145 = arith.andi %ne3A_2144, %ge3A_73 : vector<16xi1>
    %get3A_2146 = arith.constant 32 : i32
    %get3A_2147 = arith.index_cast %get3A_2146 : i32 to index
    %get3A_2148 = arith.constant 0 : index
    %get3A_2149 = tpu.vector_load %arg6[%get3A_2147, %get3A_2148] {strides = array<i32>} : memref<40x40xf32, #tpu.memory_space<vmem>>, vector<16xf32>,
    %select_n3A_2150 = arith.select %ne3A_2130, %get3A_2149, %broadcast_in_dim3A_74 : vector<16xi1>, vector<16xf32>
    %add3A_2151 = arith.addf %add3A_2087, %select_n3A_2150 : vector<16xf32>
    %get3A_2152 = arith.constant 32 : i32
    %get3A_2153 = arith.index_cast %get3A_2152 : i32 to index
    %get3A_2154 = arith.constant 16 : index
    %get3A_2155 = tpu.vector_load %arg6[%get3A_2153, %get3A_2154] {strides = array<i32>} : memref<40x40xf32, #tpu.memory_space<vmem>>, vector<16xf32>,
    %select_n3A_2156 = arith.select %ne3A_2137, %get3A_2155, %broadcast_in_dim3A_74 : vector<16xi1>, vector<16xf32>
    %add3A_2157 = arith.addf %add3A_2093, %select_n3A_2156 : vector<16xf32>
    %get3A_2158 = arith.constant 32 : i32
    %get3A_2159 = arith.index_cast %get3A_2158 : i32 to index
    %get3A_2160 = arith.constant 24 : index
    %get3A_2161 = tpu.vector_load %arg6[%get3A_2159, %get3A_2160] {strides = array<i32>} : memref<40x40xf32, #tpu.memory_space<vmem>>, vector<16xf32>,
    %select_n3A_2162 = arith.select %and3A_2145, %get3A_2161, %broadcast_in_dim3A_74 : vector<16xi1>, vector<16xf32>
    %add3A_2163 = arith.addf %add3A_2099, %select_n3A_2162 : vector<16xf32>
    %get3A_2164 = arith.constant 32 : i32
    %get3A_2165 = arith.index_cast %get3A_2164 : i32 to index
    %get3A_2166 = arith.constant 0 : index
    %get3A_2167 = tpu.vector_load %arg7[%get3A_2165, %get3A_2166] {strides = array<i32>} : memref<40x40xf32, #tpu.memory_space<vmem>>, vector<16xf32>,
    %select_n3A_2168 = arith.select %ne3A_2130, %get3A_2167, %broadcast_in_dim3A_74 : vector<16xi1>, vector<16xf32>
    %add3A_2169 = arith.addf %add3A_2105, %select_n3A_2168 : vector<16xf32>
    %get3A_2170 = arith.constant 32 : i32
    %get3A_2171 = arith.index_cast %get3A_2170 : i32 to index
    %get3A_2172 = arith.constant 16 : index
    %get3A_2173 = tpu.vector_load %arg7[%get3A_2171, %get3A_2172] {strides = array<i32>} : memref<40x40xf32, #tpu.memory_space<vmem>>, vector<16xf32>,
    %select_n3A_2174 = arith.select %ne3A_2137, %get3A_2173, %broadcast_in_dim3A_74 : vector<16xi1>, vector<16xf32>
    %add3A_2175 = arith.addf %add3A_2111, %select_n3A_2174 : vector<16xf32>
    %get3A_2176 = arith.constant 32 : i32
    %get3A_2177 = arith.index_cast %get3A_2176 : i32 to index
    %get3A_2178 = arith.constant 24 : index
    %get3A_2179 = tpu.vector_load %arg7[%get3A_2177, %get3A_2178] {strides = array<i32>} : memref<40x40xf32, #tpu.memory_space<vmem>>, vector<16xf32>,
    %select_n3A_2180 = arith.select %and3A_2145, %get3A_2179, %broadcast_in_dim3A_74 : vector<16xi1>, vector<16xf32>
    %add3A_2181 = arith.addf %add3A_2117, %select_n3A_2180 : vector<16xf32>
    %select_n3A_2182 = arith.select %ne3A_2130, %broadcast_in_dim3A_76, %broadcast_in_dim3A_74 : vector<16xi1>, vector<16xf32>
    %add3A_2183 = arith.addf %add3A_2119, %select_n3A_2182 : vector<16xf32>
    %select_n3A_2184 = arith.select %ne3A_2137, %broadcast_in_dim3A_76, %broadcast_in_dim3A_74 : vector<16xi1>, vector<16xf32>
    %add3A_2185 = arith.addf %add3A_2121, %select_n3A_2184 : vector<16xf32>
    %select_n3A_2186 = arith.select %and3A_2145, %broadcast_in_dim3A_76, %broadcast_in_dim3A_74 : vector<16xi1>, vector<16xf32>
    %add3A_2187 = arith.addf %add3A_2123, %select_n3A_2186 : vector<16xf32>
    %get3A_2188 = arith.constant 33 : i32
    %get3A_2189 = arith.index_cast %get3A_2188 : i32 to index
    %get3A_2190 = arith.constant 0 : index
    %get3A_2191 = tpu.vector_load %arg8[%get3A_2189, %get3A_2190] {strides = array<i32>} : memref<40x40xi32, #tpu.memory_space<vmem>>, vector<16xi32>,
    %ne3A_2192 = arith.constant 0 : i32
    %ne3A_2193 = vector.broadcast %ne3A_2192 : i32 to vector<16xi32>
    %ne3A_2194 = arith.cmpi ne, %get3A_2191, %ne3A_2193 : vector<16xi32>
    %get3A_2195 = arith.constant 33 : i32
    %get3A_2196 = arith.index_cast %get3A_2195 : i32 to index
    %get3A_2197 = arith.constant 16 : index
    %get3A_2198 = tpu.vector_load %arg8[%get3A_2196, %get3A_2197] {strides = array<i32>} : memref<40x40xi32, #tpu.memory_space<vmem>>, vector<16xi32>,
    %ne3A_2199 = arith.constant 0 : i32
    %ne3A_2200 = vector.broadcast %ne3A_2199 : i32 to vector<16xi32>
    %ne3A_2201 = arith.cmpi ne, %get3A_2198, %ne3A_2200 : vector<16xi32>
    %get3A_2202 = arith.constant 33 : i32
    %get3A_2203 = arith.index_cast %get3A_2202 : i32 to index
    %get3A_2204 = arith.constant 24 : index
    %get3A_2205 = tpu.vector_load %arg8[%get3A_2203, %get3A_2204] {strides = array<i32>} : memref<40x40xi32, #tpu.memory_space<vmem>>, vector<16xi32>,
    %ne3A_2206 = arith.constant 0 : i32
    %ne3A_2207 = vector.broadcast %ne3A_2206 : i32 to vector<16xi32>
    %ne3A_2208 = arith.cmpi ne, %get3A_2205, %ne3A_2207 : vector<16xi32>
    %and3A_2209 = arith.andi %ne3A_2208, %ge3A_73 : vector<16xi1>
    %get3A_2210 = arith.constant 33 : i32
    %get3A_2211 = arith.index_cast %get3A_2210 : i32 to index
    %get3A_2212 = arith.constant 0 : index
    %get3A_2213 = tpu.vector_load %arg6[%get3A_2211, %get3A_2212] {strides = array<i32>} : memref<40x40xf32, #tpu.memory_space<vmem>>, vector<16xf32>,
    %select_n3A_2214 = arith.select %ne3A_2194, %get3A_2213, %broadcast_in_dim3A_74 : vector<16xi1>, vector<16xf32>
    %add3A_2215 = arith.addf %add3A_2151, %select_n3A_2214 : vector<16xf32>
    %get3A_2216 = arith.constant 33 : i32
    %get3A_2217 = arith.index_cast %get3A_2216 : i32 to index
    %get3A_2218 = arith.constant 16 : index
    %get3A_2219 = tpu.vector_load %arg6[%get3A_2217, %get3A_2218] {strides = array<i32>} : memref<40x40xf32, #tpu.memory_space<vmem>>, vector<16xf32>,
    %select_n3A_2220 = arith.select %ne3A_2201, %get3A_2219, %broadcast_in_dim3A_74 : vector<16xi1>, vector<16xf32>
    %add3A_2221 = arith.addf %add3A_2157, %select_n3A_2220 : vector<16xf32>
    %get3A_2222 = arith.constant 33 : i32
    %get3A_2223 = arith.index_cast %get3A_2222 : i32 to index
    %get3A_2224 = arith.constant 24 : index
    %get3A_2225 = tpu.vector_load %arg6[%get3A_2223, %get3A_2224] {strides = array<i32>} : memref<40x40xf32, #tpu.memory_space<vmem>>, vector<16xf32>,
    %select_n3A_2226 = arith.select %and3A_2209, %get3A_2225, %broadcast_in_dim3A_74 : vector<16xi1>, vector<16xf32>
    %add3A_2227 = arith.addf %add3A_2163, %select_n3A_2226 : vector<16xf32>
    %get3A_2228 = arith.constant 33 : i32
    %get3A_2229 = arith.index_cast %get3A_2228 : i32 to index
    %get3A_2230 = arith.constant 0 : index
    %get3A_2231 = tpu.vector_load %arg7[%get3A_2229, %get3A_2230] {strides = array<i32>} : memref<40x40xf32, #tpu.memory_space<vmem>>, vector<16xf32>,
    %select_n3A_2232 = arith.select %ne3A_2194, %get3A_2231, %broadcast_in_dim3A_74 : vector<16xi1>, vector<16xf32>
    %add3A_2233 = arith.addf %add3A_2169, %select_n3A_2232 : vector<16xf32>
    %get3A_2234 = arith.constant 33 : i32
    %get3A_2235 = arith.index_cast %get3A_2234 : i32 to index
    %get3A_2236 = arith.constant 16 : index
    %get3A_2237 = tpu.vector_load %arg7[%get3A_2235, %get3A_2236] {strides = array<i32>} : memref<40x40xf32, #tpu.memory_space<vmem>>, vector<16xf32>,
    %select_n3A_2238 = arith.select %ne3A_2201, %get3A_2237, %broadcast_in_dim3A_74 : vector<16xi1>, vector<16xf32>
    %add3A_2239 = arith.addf %add3A_2175, %select_n3A_2238 : vector<16xf32>
    %get3A_2240 = arith.constant 33 : i32
    %get3A_2241 = arith.index_cast %get3A_2240 : i32 to index
    %get3A_2242 = arith.constant 24 : index
    %get3A_2243 = tpu.vector_load %arg7[%get3A_2241, %get3A_2242] {strides = array<i32>} : memref<40x40xf32, #tpu.memory_space<vmem>>, vector<16xf32>,
    %select_n3A_2244 = arith.select %and3A_2209, %get3A_2243, %broadcast_in_dim3A_74 : vector<16xi1>, vector<16xf32>
    %add3A_2245 = arith.addf %add3A_2181, %select_n3A_2244 : vector<16xf32>
    %select_n3A_2246 = arith.select %ne3A_2194, %broadcast_in_dim3A_76, %broadcast_in_dim3A_74 : vector<16xi1>, vector<16xf32>
    %add3A_2247 = arith.addf %add3A_2183, %select_n3A_2246 : vector<16xf32>
    %select_n3A_2248 = arith.select %ne3A_2201, %broadcast_in_dim3A_76, %broadcast_in_dim3A_74 : vector<16xi1>, vector<16xf32>
    %add3A_2249 = arith.addf %add3A_2185, %select_n3A_2248 : vector<16xf32>
    %select_n3A_2250 = arith.select %and3A_2209, %broadcast_in_dim3A_76, %broadcast_in_dim3A_74 : vector<16xi1>, vector<16xf32>
    %add3A_2251 = arith.addf %add3A_2187, %select_n3A_2250 : vector<16xf32>
    %get3A_2252 = arith.constant 34 : i32
    %get3A_2253 = arith.index_cast %get3A_2252 : i32 to index
    %get3A_2254 = arith.constant 0 : index
    %get3A_2255 = tpu.vector_load %arg8[%get3A_2253, %get3A_2254] {strides = array<i32>} : memref<40x40xi32, #tpu.memory_space<vmem>>, vector<16xi32>,
    %ne3A_2256 = arith.constant 0 : i32
    %ne3A_2257 = vector.broadcast %ne3A_2256 : i32 to vector<16xi32>
    %ne3A_2258 = arith.cmpi ne, %get3A_2255, %ne3A_2257 : vector<16xi32>
    %get3A_2259 = arith.constant 34 : i32
    %get3A_2260 = arith.index_cast %get3A_2259 : i32 to index
    %get3A_2261 = arith.constant 16 : index
    %get3A_2262 = tpu.vector_load %arg8[%get3A_2260, %get3A_2261] {strides = array<i32>} : memref<40x40xi32, #tpu.memory_space<vmem>>, vector<16xi32>,
    %ne3A_2263 = arith.constant 0 : i32
    %ne3A_2264 = vector.broadcast %ne3A_2263 : i32 to vector<16xi32>
    %ne3A_2265 = arith.cmpi ne, %get3A_2262, %ne3A_2264 : vector<16xi32>
    %get3A_2266 = arith.constant 34 : i32
    %get3A_2267 = arith.index_cast %get3A_2266 : i32 to index
    %get3A_2268 = arith.constant 24 : index
    %get3A_2269 = tpu.vector_load %arg8[%get3A_2267, %get3A_2268] {strides = array<i32>} : memref<40x40xi32, #tpu.memory_space<vmem>>, vector<16xi32>,
    %ne3A_2270 = arith.constant 0 : i32
    %ne3A_2271 = vector.broadcast %ne3A_2270 : i32 to vector<16xi32>
    %ne3A_2272 = arith.cmpi ne, %get3A_2269, %ne3A_2271 : vector<16xi32>
    %and3A_2273 = arith.andi %ne3A_2272, %ge3A_73 : vector<16xi1>
    %get3A_2274 = arith.constant 34 : i32
    %get3A_2275 = arith.index_cast %get3A_2274 : i32 to index
    %get3A_2276 = arith.constant 0 : index
    %get3A_2277 = tpu.vector_load %arg6[%get3A_2275, %get3A_2276] {strides = array<i32>} : memref<40x40xf32, #tpu.memory_space<vmem>>, vector<16xf32>,
    %select_n3A_2278 = arith.select %ne3A_2258, %get3A_2277, %broadcast_in_dim3A_74 : vector<16xi1>, vector<16xf32>
    %add3A_2279 = arith.addf %add3A_2215, %select_n3A_2278 : vector<16xf32>
    %get3A_2280 = arith.constant 34 : i32
    %get3A_2281 = arith.index_cast %get3A_2280 : i32 to index
    %get3A_2282 = arith.constant 16 : index
    %get3A_2283 = tpu.vector_load %arg6[%get3A_2281, %get3A_2282] {strides = array<i32>} : memref<40x40xf32, #tpu.memory_space<vmem>>, vector<16xf32>,
    %select_n3A_2284 = arith.select %ne3A_2265, %get3A_2283, %broadcast_in_dim3A_74 : vector<16xi1>, vector<16xf32>
    %add3A_2285 = arith.addf %add3A_2221, %select_n3A_2284 : vector<16xf32>
    %get3A_2286 = arith.constant 34 : i32
    %get3A_2287 = arith.index_cast %get3A_2286 : i32 to index
    %get3A_2288 = arith.constant 24 : index
    %get3A_2289 = tpu.vector_load %arg6[%get3A_2287, %get3A_2288] {strides = array<i32>} : memref<40x40xf32, #tpu.memory_space<vmem>>, vector<16xf32>,
    %select_n3A_2290 = arith.select %and3A_2273, %get3A_2289, %broadcast_in_dim3A_74 : vector<16xi1>, vector<16xf32>
    %add3A_2291 = arith.addf %add3A_2227, %select_n3A_2290 : vector<16xf32>
    %get3A_2292 = arith.constant 34 : i32
    %get3A_2293 = arith.index_cast %get3A_2292 : i32 to index
    %get3A_2294 = arith.constant 0 : index
    %get3A_2295 = tpu.vector_load %arg7[%get3A_2293, %get3A_2294] {strides = array<i32>} : memref<40x40xf32, #tpu.memory_space<vmem>>, vector<16xf32>,
    %select_n3A_2296 = arith.select %ne3A_2258, %get3A_2295, %broadcast_in_dim3A_74 : vector<16xi1>, vector<16xf32>
    %add3A_2297 = arith.addf %add3A_2233, %select_n3A_2296 : vector<16xf32>
    %get3A_2298 = arith.constant 34 : i32
    %get3A_2299 = arith.index_cast %get3A_2298 : i32 to index
    %get3A_2300 = arith.constant 16 : index
    %get3A_2301 = tpu.vector_load %arg7[%get3A_2299, %get3A_2300] {strides = array<i32>} : memref<40x40xf32, #tpu.memory_space<vmem>>, vector<16xf32>,
    %select_n3A_2302 = arith.select %ne3A_2265, %get3A_2301, %broadcast_in_dim3A_74 : vector<16xi1>, vector<16xf32>
    %add3A_2303 = arith.addf %add3A_2239, %select_n3A_2302 : vector<16xf32>
    %get3A_2304 = arith.constant 34 : i32
    %get3A_2305 = arith.index_cast %get3A_2304 : i32 to index
    %get3A_2306 = arith.constant 24 : index
    %get3A_2307 = tpu.vector_load %arg7[%get3A_2305, %get3A_2306] {strides = array<i32>} : memref<40x40xf32, #tpu.memory_space<vmem>>, vector<16xf32>,
    %select_n3A_2308 = arith.select %and3A_2273, %get3A_2307, %broadcast_in_dim3A_74 : vector<16xi1>, vector<16xf32>
    %add3A_2309 = arith.addf %add3A_2245, %select_n3A_2308 : vector<16xf32>
    %select_n3A_2310 = arith.select %ne3A_2258, %broadcast_in_dim3A_76, %broadcast_in_dim3A_74 : vector<16xi1>, vector<16xf32>
    %add3A_2311 = arith.addf %add3A_2247, %select_n3A_2310 : vector<16xf32>
    %select_n3A_2312 = arith.select %ne3A_2265, %broadcast_in_dim3A_76, %broadcast_in_dim3A_74 : vector<16xi1>, vector<16xf32>
    %add3A_2313 = arith.addf %add3A_2249, %select_n3A_2312 : vector<16xf32>
    %select_n3A_2314 = arith.select %and3A_2273, %broadcast_in_dim3A_76, %broadcast_in_dim3A_74 : vector<16xi1>, vector<16xf32>
    %add3A_2315 = arith.addf %add3A_2251, %select_n3A_2314 : vector<16xf32>
    %get3A_2316 = arith.constant 35 : i32
    %get3A_2317 = arith.index_cast %get3A_2316 : i32 to index
    %get3A_2318 = arith.constant 0 : index
    %get3A_2319 = tpu.vector_load %arg8[%get3A_2317, %get3A_2318] {strides = array<i32>} : memref<40x40xi32, #tpu.memory_space<vmem>>, vector<16xi32>,
    %ne3A_2320 = arith.constant 0 : i32
    %ne3A_2321 = vector.broadcast %ne3A_2320 : i32 to vector<16xi32>
    %ne3A_2322 = arith.cmpi ne, %get3A_2319, %ne3A_2321 : vector<16xi32>
    %get3A_2323 = arith.constant 35 : i32
    %get3A_2324 = arith.index_cast %get3A_2323 : i32 to index
    %get3A_2325 = arith.constant 16 : index
    %get3A_2326 = tpu.vector_load %arg8[%get3A_2324, %get3A_2325] {strides = array<i32>} : memref<40x40xi32, #tpu.memory_space<vmem>>, vector<16xi32>,
    %ne3A_2327 = arith.constant 0 : i32
    %ne3A_2328 = vector.broadcast %ne3A_2327 : i32 to vector<16xi32>
    %ne3A_2329 = arith.cmpi ne, %get3A_2326, %ne3A_2328 : vector<16xi32>
    %get3A_2330 = arith.constant 35 : i32
    %get3A_2331 = arith.index_cast %get3A_2330 : i32 to index
    %get3A_2332 = arith.constant 24 : index
    %get3A_2333 = tpu.vector_load %arg8[%get3A_2331, %get3A_2332] {strides = array<i32>} : memref<40x40xi32, #tpu.memory_space<vmem>>, vector<16xi32>,
    %ne3A_2334 = arith.constant 0 : i32
    %ne3A_2335 = vector.broadcast %ne3A_2334 : i32 to vector<16xi32>
    %ne3A_2336 = arith.cmpi ne, %get3A_2333, %ne3A_2335 : vector<16xi32>
    %and3A_2337 = arith.andi %ne3A_2336, %ge3A_73 : vector<16xi1>
    %get3A_2338 = arith.constant 35 : i32
    %get3A_2339 = arith.index_cast %get3A_2338 : i32 to index
    %get3A_2340 = arith.constant 0 : index
    %get3A_2341 = tpu.vector_load %arg6[%get3A_2339, %get3A_2340] {strides = array<i32>} : memref<40x40xf32, #tpu.memory_space<vmem>>, vector<16xf32>,
    %select_n3A_2342 = arith.select %ne3A_2322, %get3A_2341, %broadcast_in_dim3A_74 : vector<16xi1>, vector<16xf32>
    %add3A_2343 = arith.addf %add3A_2279, %select_n3A_2342 : vector<16xf32>
    %get3A_2344 = arith.constant 35 : i32
    %get3A_2345 = arith.index_cast %get3A_2344 : i32 to index
    %get3A_2346 = arith.constant 16 : index
    %get3A_2347 = tpu.vector_load %arg6[%get3A_2345, %get3A_2346] {strides = array<i32>} : memref<40x40xf32, #tpu.memory_space<vmem>>, vector<16xf32>,
    %select_n3A_2348 = arith.select %ne3A_2329, %get3A_2347, %broadcast_in_dim3A_74 : vector<16xi1>, vector<16xf32>
    %add3A_2349 = arith.addf %add3A_2285, %select_n3A_2348 : vector<16xf32>
    %get3A_2350 = arith.constant 35 : i32
    %get3A_2351 = arith.index_cast %get3A_2350 : i32 to index
    %get3A_2352 = arith.constant 24 : index
    %get3A_2353 = tpu.vector_load %arg6[%get3A_2351, %get3A_2352] {strides = array<i32>} : memref<40x40xf32, #tpu.memory_space<vmem>>, vector<16xf32>,
    %select_n3A_2354 = arith.select %and3A_2337, %get3A_2353, %broadcast_in_dim3A_74 : vector<16xi1>, vector<16xf32>
    %add3A_2355 = arith.addf %add3A_2291, %select_n3A_2354 : vector<16xf32>
    %get3A_2356 = arith.constant 35 : i32
    %get3A_2357 = arith.index_cast %get3A_2356 : i32 to index
    %get3A_2358 = arith.constant 0 : index
    %get3A_2359 = tpu.vector_load %arg7[%get3A_2357, %get3A_2358] {strides = array<i32>} : memref<40x40xf32, #tpu.memory_space<vmem>>, vector<16xf32>,
    %select_n3A_2360 = arith.select %ne3A_2322, %get3A_2359, %broadcast_in_dim3A_74 : vector<16xi1>, vector<16xf32>
    %add3A_2361 = arith.addf %add3A_2297, %select_n3A_2360 : vector<16xf32>
    %get3A_2362 = arith.constant 35 : i32
    %get3A_2363 = arith.index_cast %get3A_2362 : i32 to index
    %get3A_2364 = arith.constant 16 : index
    %get3A_2365 = tpu.vector_load %arg7[%get3A_2363, %get3A_2364] {strides = array<i32>} : memref<40x40xf32, #tpu.memory_space<vmem>>, vector<16xf32>,
    %select_n3A_2366 = arith.select %ne3A_2329, %get3A_2365, %broadcast_in_dim3A_74 : vector<16xi1>, vector<16xf32>
    %add3A_2367 = arith.addf %add3A_2303, %select_n3A_2366 : vector<16xf32>
    %get3A_2368 = arith.constant 35 : i32
    %get3A_2369 = arith.index_cast %get3A_2368 : i32 to index
    %get3A_2370 = arith.constant 24 : index
    %get3A_2371 = tpu.vector_load %arg7[%get3A_2369, %get3A_2370] {strides = array<i32>} : memref<40x40xf32, #tpu.memory_space<vmem>>, vector<16xf32>,
    %select_n3A_2372 = arith.select %and3A_2337, %get3A_2371, %broadcast_in_dim3A_74 : vector<16xi1>, vector<16xf32>
    %add3A_2373 = arith.addf %add3A_2309, %select_n3A_2372 : vector<16xf32>
    %select_n3A_2374 = arith.select %ne3A_2322, %broadcast_in_dim3A_76, %broadcast_in_dim3A_74 : vector<16xi1>, vector<16xf32>
    %add3A_2375 = arith.addf %add3A_2311, %select_n3A_2374 : vector<16xf32>
    %select_n3A_2376 = arith.select %ne3A_2329, %broadcast_in_dim3A_76, %broadcast_in_dim3A_74 : vector<16xi1>, vector<16xf32>
    %add3A_2377 = arith.addf %add3A_2313, %select_n3A_2376 : vector<16xf32>
    %select_n3A_2378 = arith.select %and3A_2337, %broadcast_in_dim3A_76, %broadcast_in_dim3A_74 : vector<16xi1>, vector<16xf32>
    %add3A_2379 = arith.addf %add3A_2315, %select_n3A_2378 : vector<16xf32>
    %get3A_2380 = arith.constant 36 : i32
    %get3A_2381 = arith.index_cast %get3A_2380 : i32 to index
    %get3A_2382 = arith.constant 0 : index
    %get3A_2383 = tpu.vector_load %arg8[%get3A_2381, %get3A_2382] {strides = array<i32>} : memref<40x40xi32, #tpu.memory_space<vmem>>, vector<16xi32>,
    %ne3A_2384 = arith.constant 0 : i32
    %ne3A_2385 = vector.broadcast %ne3A_2384 : i32 to vector<16xi32>
    %ne3A_2386 = arith.cmpi ne, %get3A_2383, %ne3A_2385 : vector<16xi32>
    %get3A_2387 = arith.constant 36 : i32
    %get3A_2388 = arith.index_cast %get3A_2387 : i32 to index
    %get3A_2389 = arith.constant 16 : index
    %get3A_2390 = tpu.vector_load %arg8[%get3A_2388, %get3A_2389] {strides = array<i32>} : memref<40x40xi32, #tpu.memory_space<vmem>>, vector<16xi32>,
    %ne3A_2391 = arith.constant 0 : i32
    %ne3A_2392 = vector.broadcast %ne3A_2391 : i32 to vector<16xi32>
    %ne3A_2393 = arith.cmpi ne, %get3A_2390, %ne3A_2392 : vector<16xi32>
    %get3A_2394 = arith.constant 36 : i32
    %get3A_2395 = arith.index_cast %get3A_2394 : i32 to index
    %get3A_2396 = arith.constant 24 : index
    %get3A_2397 = tpu.vector_load %arg8[%get3A_2395, %get3A_2396] {strides = array<i32>} : memref<40x40xi32, #tpu.memory_space<vmem>>, vector<16xi32>,
    %ne3A_2398 = arith.constant 0 : i32
    %ne3A_2399 = vector.broadcast %ne3A_2398 : i32 to vector<16xi32>
    %ne3A_2400 = arith.cmpi ne, %get3A_2397, %ne3A_2399 : vector<16xi32>
    %and3A_2401 = arith.andi %ne3A_2400, %ge3A_73 : vector<16xi1>
    %get3A_2402 = arith.constant 36 : i32
    %get3A_2403 = arith.index_cast %get3A_2402 : i32 to index
    %get3A_2404 = arith.constant 0 : index
    %get3A_2405 = tpu.vector_load %arg6[%get3A_2403, %get3A_2404] {strides = array<i32>} : memref<40x40xf32, #tpu.memory_space<vmem>>, vector<16xf32>,
    %select_n3A_2406 = arith.select %ne3A_2386, %get3A_2405, %broadcast_in_dim3A_74 : vector<16xi1>, vector<16xf32>
    %add3A_2407 = arith.addf %add3A_2343, %select_n3A_2406 : vector<16xf32>
    %get3A_2408 = arith.constant 36 : i32
    %get3A_2409 = arith.index_cast %get3A_2408 : i32 to index
    %get3A_2410 = arith.constant 16 : index
    %get3A_2411 = tpu.vector_load %arg6[%get3A_2409, %get3A_2410] {strides = array<i32>} : memref<40x40xf32, #tpu.memory_space<vmem>>, vector<16xf32>,
    %select_n3A_2412 = arith.select %ne3A_2393, %get3A_2411, %broadcast_in_dim3A_74 : vector<16xi1>, vector<16xf32>
    %add3A_2413 = arith.addf %add3A_2349, %select_n3A_2412 : vector<16xf32>
    %get3A_2414 = arith.constant 36 : i32
    %get3A_2415 = arith.index_cast %get3A_2414 : i32 to index
    %get3A_2416 = arith.constant 24 : index
    %get3A_2417 = tpu.vector_load %arg6[%get3A_2415, %get3A_2416] {strides = array<i32>} : memref<40x40xf32, #tpu.memory_space<vmem>>, vector<16xf32>,
    %select_n3A_2418 = arith.select %and3A_2401, %get3A_2417, %broadcast_in_dim3A_74 : vector<16xi1>, vector<16xf32>
    %add3A_2419 = arith.addf %add3A_2355, %select_n3A_2418 : vector<16xf32>
    %get3A_2420 = arith.constant 36 : i32
    %get3A_2421 = arith.index_cast %get3A_2420 : i32 to index
    %get3A_2422 = arith.constant 0 : index
    %get3A_2423 = tpu.vector_load %arg7[%get3A_2421, %get3A_2422] {strides = array<i32>} : memref<40x40xf32, #tpu.memory_space<vmem>>, vector<16xf32>,
    %select_n3A_2424 = arith.select %ne3A_2386, %get3A_2423, %broadcast_in_dim3A_74 : vector<16xi1>, vector<16xf32>
    %add3A_2425 = arith.addf %add3A_2361, %select_n3A_2424 : vector<16xf32>
    %get3A_2426 = arith.constant 36 : i32
    %get3A_2427 = arith.index_cast %get3A_2426 : i32 to index
    %get3A_2428 = arith.constant 16 : index
    %get3A_2429 = tpu.vector_load %arg7[%get3A_2427, %get3A_2428] {strides = array<i32>} : memref<40x40xf32, #tpu.memory_space<vmem>>, vector<16xf32>,
    %select_n3A_2430 = arith.select %ne3A_2393, %get3A_2429, %broadcast_in_dim3A_74 : vector<16xi1>, vector<16xf32>
    %add3A_2431 = arith.addf %add3A_2367, %select_n3A_2430 : vector<16xf32>
    %get3A_2432 = arith.constant 36 : i32
    %get3A_2433 = arith.index_cast %get3A_2432 : i32 to index
    %get3A_2434 = arith.constant 24 : index
    %get3A_2435 = tpu.vector_load %arg7[%get3A_2433, %get3A_2434] {strides = array<i32>} : memref<40x40xf32, #tpu.memory_space<vmem>>, vector<16xf32>,
    %select_n3A_2436 = arith.select %and3A_2401, %get3A_2435, %broadcast_in_dim3A_74 : vector<16xi1>, vector<16xf32>
    %add3A_2437 = arith.addf %add3A_2373, %select_n3A_2436 : vector<16xf32>
    %select_n3A_2438 = arith.select %ne3A_2386, %broadcast_in_dim3A_76, %broadcast_in_dim3A_74 : vector<16xi1>, vector<16xf32>
    %add3A_2439 = arith.addf %add3A_2375, %select_n3A_2438 : vector<16xf32>
    %select_n3A_2440 = arith.select %ne3A_2393, %broadcast_in_dim3A_76, %broadcast_in_dim3A_74 : vector<16xi1>, vector<16xf32>
    %add3A_2441 = arith.addf %add3A_2377, %select_n3A_2440 : vector<16xf32>
    %select_n3A_2442 = arith.select %and3A_2401, %broadcast_in_dim3A_76, %broadcast_in_dim3A_74 : vector<16xi1>, vector<16xf32>
    %add3A_2443 = arith.addf %add3A_2379, %select_n3A_2442 : vector<16xf32>
    %get3A_2444 = arith.constant 37 : i32
    %get3A_2445 = arith.index_cast %get3A_2444 : i32 to index
    %get3A_2446 = arith.constant 0 : index
    %get3A_2447 = tpu.vector_load %arg8[%get3A_2445, %get3A_2446] {strides = array<i32>} : memref<40x40xi32, #tpu.memory_space<vmem>>, vector<16xi32>,
    %ne3A_2448 = arith.constant 0 : i32
    %ne3A_2449 = vector.broadcast %ne3A_2448 : i32 to vector<16xi32>
    %ne3A_2450 = arith.cmpi ne, %get3A_2447, %ne3A_2449 : vector<16xi32>
    %get3A_2451 = arith.constant 37 : i32
    %get3A_2452 = arith.index_cast %get3A_2451 : i32 to index
    %get3A_2453 = arith.constant 16 : index
    %get3A_2454 = tpu.vector_load %arg8[%get3A_2452, %get3A_2453] {strides = array<i32>} : memref<40x40xi32, #tpu.memory_space<vmem>>, vector<16xi32>,
    %ne3A_2455 = arith.constant 0 : i32
    %ne3A_2456 = vector.broadcast %ne3A_2455 : i32 to vector<16xi32>
    %ne3A_2457 = arith.cmpi ne, %get3A_2454, %ne3A_2456 : vector<16xi32>
    %get3A_2458 = arith.constant 37 : i32
    %get3A_2459 = arith.index_cast %get3A_2458 : i32 to index
    %get3A_2460 = arith.constant 24 : index
    %get3A_2461 = tpu.vector_load %arg8[%get3A_2459, %get3A_2460] {strides = array<i32>} : memref<40x40xi32, #tpu.memory_space<vmem>>, vector<16xi32>,
    %ne3A_2462 = arith.constant 0 : i32
    %ne3A_2463 = vector.broadcast %ne3A_2462 : i32 to vector<16xi32>
    %ne3A_2464 = arith.cmpi ne, %get3A_2461, %ne3A_2463 : vector<16xi32>
    %and3A_2465 = arith.andi %ne3A_2464, %ge3A_73 : vector<16xi1>
    %get3A_2466 = arith.constant 37 : i32
    %get3A_2467 = arith.index_cast %get3A_2466 : i32 to index
    %get3A_2468 = arith.constant 0 : index
    %get3A_2469 = tpu.vector_load %arg6[%get3A_2467, %get3A_2468] {strides = array<i32>} : memref<40x40xf32, #tpu.memory_space<vmem>>, vector<16xf32>,
    %select_n3A_2470 = arith.select %ne3A_2450, %get3A_2469, %broadcast_in_dim3A_74 : vector<16xi1>, vector<16xf32>
    %add3A_2471 = arith.addf %add3A_2407, %select_n3A_2470 : vector<16xf32>
    %get3A_2472 = arith.constant 37 : i32
    %get3A_2473 = arith.index_cast %get3A_2472 : i32 to index
    %get3A_2474 = arith.constant 16 : index
    %get3A_2475 = tpu.vector_load %arg6[%get3A_2473, %get3A_2474] {strides = array<i32>} : memref<40x40xf32, #tpu.memory_space<vmem>>, vector<16xf32>,
    %select_n3A_2476 = arith.select %ne3A_2457, %get3A_2475, %broadcast_in_dim3A_74 : vector<16xi1>, vector<16xf32>
    %add3A_2477 = arith.addf %add3A_2413, %select_n3A_2476 : vector<16xf32>
    %get3A_2478 = arith.constant 37 : i32
    %get3A_2479 = arith.index_cast %get3A_2478 : i32 to index
    %get3A_2480 = arith.constant 24 : index
    %get3A_2481 = tpu.vector_load %arg6[%get3A_2479, %get3A_2480] {strides = array<i32>} : memref<40x40xf32, #tpu.memory_space<vmem>>, vector<16xf32>,
    %select_n3A_2482 = arith.select %and3A_2465, %get3A_2481, %broadcast_in_dim3A_74 : vector<16xi1>, vector<16xf32>
    %add3A_2483 = arith.addf %add3A_2419, %select_n3A_2482 : vector<16xf32>
    %get3A_2484 = arith.constant 37 : i32
    %get3A_2485 = arith.index_cast %get3A_2484 : i32 to index
    %get3A_2486 = arith.constant 0 : index
    %get3A_2487 = tpu.vector_load %arg7[%get3A_2485, %get3A_2486] {strides = array<i32>} : memref<40x40xf32, #tpu.memory_space<vmem>>, vector<16xf32>,
    %select_n3A_2488 = arith.select %ne3A_2450, %get3A_2487, %broadcast_in_dim3A_74 : vector<16xi1>, vector<16xf32>
    %add3A_2489 = arith.addf %add3A_2425, %select_n3A_2488 : vector<16xf32>
    %get3A_2490 = arith.constant 37 : i32
    %get3A_2491 = arith.index_cast %get3A_2490 : i32 to index
    %get3A_2492 = arith.constant 16 : index
    %get3A_2493 = tpu.vector_load %arg7[%get3A_2491, %get3A_2492] {strides = array<i32>} : memref<40x40xf32, #tpu.memory_space<vmem>>, vector<16xf32>,
    %select_n3A_2494 = arith.select %ne3A_2457, %get3A_2493, %broadcast_in_dim3A_74 : vector<16xi1>, vector<16xf32>
    %add3A_2495 = arith.addf %add3A_2431, %select_n3A_2494 : vector<16xf32>
    %get3A_2496 = arith.constant 37 : i32
    %get3A_2497 = arith.index_cast %get3A_2496 : i32 to index
    %get3A_2498 = arith.constant 24 : index
    %get3A_2499 = tpu.vector_load %arg7[%get3A_2497, %get3A_2498] {strides = array<i32>} : memref<40x40xf32, #tpu.memory_space<vmem>>, vector<16xf32>,
    %select_n3A_2500 = arith.select %and3A_2465, %get3A_2499, %broadcast_in_dim3A_74 : vector<16xi1>, vector<16xf32>
    %add3A_2501 = arith.addf %add3A_2437, %select_n3A_2500 : vector<16xf32>
    %select_n3A_2502 = arith.select %ne3A_2450, %broadcast_in_dim3A_76, %broadcast_in_dim3A_74 : vector<16xi1>, vector<16xf32>
    %add3A_2503 = arith.addf %add3A_2439, %select_n3A_2502 : vector<16xf32>
    %select_n3A_2504 = arith.select %ne3A_2457, %broadcast_in_dim3A_76, %broadcast_in_dim3A_74 : vector<16xi1>, vector<16xf32>
    %add3A_2505 = arith.addf %add3A_2441, %select_n3A_2504 : vector<16xf32>
    %select_n3A_2506 = arith.select %and3A_2465, %broadcast_in_dim3A_76, %broadcast_in_dim3A_74 : vector<16xi1>, vector<16xf32>
    %add3A_2507 = arith.addf %add3A_2443, %select_n3A_2506 : vector<16xf32>
    %get3A_2508 = arith.constant 38 : i32
    %get3A_2509 = arith.index_cast %get3A_2508 : i32 to index
    %get3A_2510 = arith.constant 0 : index
    %get3A_2511 = tpu.vector_load %arg8[%get3A_2509, %get3A_2510] {strides = array<i32>} : memref<40x40xi32, #tpu.memory_space<vmem>>, vector<16xi32>,
    %ne3A_2512 = arith.constant 0 : i32
    %ne3A_2513 = vector.broadcast %ne3A_2512 : i32 to vector<16xi32>
    %ne3A_2514 = arith.cmpi ne, %get3A_2511, %ne3A_2513 : vector<16xi32>
    %get3A_2515 = arith.constant 38 : i32
    %get3A_2516 = arith.index_cast %get3A_2515 : i32 to index
    %get3A_2517 = arith.constant 16 : index
    %get3A_2518 = tpu.vector_load %arg8[%get3A_2516, %get3A_2517] {strides = array<i32>} : memref<40x40xi32, #tpu.memory_space<vmem>>, vector<16xi32>,
    %ne3A_2519 = arith.constant 0 : i32
    %ne3A_2520 = vector.broadcast %ne3A_2519 : i32 to vector<16xi32>
    %ne3A_2521 = arith.cmpi ne, %get3A_2518, %ne3A_2520 : vector<16xi32>
    %get3A_2522 = arith.constant 38 : i32
    %get3A_2523 = arith.index_cast %get3A_2522 : i32 to index
    %get3A_2524 = arith.constant 24 : index
    %get3A_2525 = tpu.vector_load %arg8[%get3A_2523, %get3A_2524] {strides = array<i32>} : memref<40x40xi32, #tpu.memory_space<vmem>>, vector<16xi32>,
    %ne3A_2526 = arith.constant 0 : i32
    %ne3A_2527 = vector.broadcast %ne3A_2526 : i32 to vector<16xi32>
    %ne3A_2528 = arith.cmpi ne, %get3A_2525, %ne3A_2527 : vector<16xi32>
    %and3A_2529 = arith.andi %ne3A_2528, %ge3A_73 : vector<16xi1>
    %get3A_2530 = arith.constant 38 : i32
    %get3A_2531 = arith.index_cast %get3A_2530 : i32 to index
    %get3A_2532 = arith.constant 0 : index
    %get3A_2533 = tpu.vector_load %arg6[%get3A_2531, %get3A_2532] {strides = array<i32>} : memref<40x40xf32, #tpu.memory_space<vmem>>, vector<16xf32>,
    %select_n3A_2534 = arith.select %ne3A_2514, %get3A_2533, %broadcast_in_dim3A_74 : vector<16xi1>, vector<16xf32>
    %add3A_2535 = arith.addf %add3A_2471, %select_n3A_2534 : vector<16xf32>
    %get3A_2536 = arith.constant 38 : i32
    %get3A_2537 = arith.index_cast %get3A_2536 : i32 to index
    %get3A_2538 = arith.constant 16 : index
    %get3A_2539 = tpu.vector_load %arg6[%get3A_2537, %get3A_2538] {strides = array<i32>} : memref<40x40xf32, #tpu.memory_space<vmem>>, vector<16xf32>,
    %select_n3A_2540 = arith.select %ne3A_2521, %get3A_2539, %broadcast_in_dim3A_74 : vector<16xi1>, vector<16xf32>
    %add3A_2541 = arith.addf %add3A_2477, %select_n3A_2540 : vector<16xf32>
    %get3A_2542 = arith.constant 38 : i32
    %get3A_2543 = arith.index_cast %get3A_2542 : i32 to index
    %get3A_2544 = arith.constant 24 : index
    %get3A_2545 = tpu.vector_load %arg6[%get3A_2543, %get3A_2544] {strides = array<i32>} : memref<40x40xf32, #tpu.memory_space<vmem>>, vector<16xf32>,
    %select_n3A_2546 = arith.select %and3A_2529, %get3A_2545, %broadcast_in_dim3A_74 : vector<16xi1>, vector<16xf32>
    %add3A_2547 = arith.addf %add3A_2483, %select_n3A_2546 : vector<16xf32>
    %get3A_2548 = arith.constant 38 : i32
    %get3A_2549 = arith.index_cast %get3A_2548 : i32 to index
    %get3A_2550 = arith.constant 0 : index
    %get3A_2551 = tpu.vector_load %arg7[%get3A_2549, %get3A_2550] {strides = array<i32>} : memref<40x40xf32, #tpu.memory_space<vmem>>, vector<16xf32>,
    %select_n3A_2552 = arith.select %ne3A_2514, %get3A_2551, %broadcast_in_dim3A_74 : vector<16xi1>, vector<16xf32>
    %add3A_2553 = arith.addf %add3A_2489, %select_n3A_2552 : vector<16xf32>
    %get3A_2554 = arith.constant 38 : i32
    %get3A_2555 = arith.index_cast %get3A_2554 : i32 to index
    %get3A_2556 = arith.constant 16 : index
    %get3A_2557 = tpu.vector_load %arg7[%get3A_2555, %get3A_2556] {strides = array<i32>} : memref<40x40xf32, #tpu.memory_space<vmem>>, vector<16xf32>,
    %select_n3A_2558 = arith.select %ne3A_2521, %get3A_2557, %broadcast_in_dim3A_74 : vector<16xi1>, vector<16xf32>
    %add3A_2559 = arith.addf %add3A_2495, %select_n3A_2558 : vector<16xf32>
    %get3A_2560 = arith.constant 38 : i32
    %get3A_2561 = arith.index_cast %get3A_2560 : i32 to index
    %get3A_2562 = arith.constant 24 : index
    %get3A_2563 = tpu.vector_load %arg7[%get3A_2561, %get3A_2562] {strides = array<i32>} : memref<40x40xf32, #tpu.memory_space<vmem>>, vector<16xf32>,
    %select_n3A_2564 = arith.select %and3A_2529, %get3A_2563, %broadcast_in_dim3A_74 : vector<16xi1>, vector<16xf32>
    %add3A_2565 = arith.addf %add3A_2501, %select_n3A_2564 : vector<16xf32>
    %select_n3A_2566 = arith.select %ne3A_2514, %broadcast_in_dim3A_76, %broadcast_in_dim3A_74 : vector<16xi1>, vector<16xf32>
    %add3A_2567 = arith.addf %add3A_2503, %select_n3A_2566 : vector<16xf32>
    %select_n3A_2568 = arith.select %ne3A_2521, %broadcast_in_dim3A_76, %broadcast_in_dim3A_74 : vector<16xi1>, vector<16xf32>
    %add3A_2569 = arith.addf %add3A_2505, %select_n3A_2568 : vector<16xf32>
    %select_n3A_2570 = arith.select %and3A_2529, %broadcast_in_dim3A_76, %broadcast_in_dim3A_74 : vector<16xi1>, vector<16xf32>
    %add3A_2571 = arith.addf %add3A_2507, %select_n3A_2570 : vector<16xf32>
    %get3A_2572 = arith.constant 39 : i32
    %get3A_2573 = arith.index_cast %get3A_2572 : i32 to index
    %get3A_2574 = arith.constant 0 : index
    %get3A_2575 = tpu.vector_load %arg8[%get3A_2573, %get3A_2574] {strides = array<i32>} : memref<40x40xi32, #tpu.memory_space<vmem>>, vector<16xi32>,
    %ne3A_2576 = arith.constant 0 : i32
    %ne3A_2577 = vector.broadcast %ne3A_2576 : i32 to vector<16xi32>
    %ne3A_2578 = arith.cmpi ne, %get3A_2575, %ne3A_2577 : vector<16xi32>
    %get3A_2579 = arith.constant 39 : i32
    %get3A_2580 = arith.index_cast %get3A_2579 : i32 to index
    %get3A_2581 = arith.constant 16 : index
    %get3A_2582 = tpu.vector_load %arg8[%get3A_2580, %get3A_2581] {strides = array<i32>} : memref<40x40xi32, #tpu.memory_space<vmem>>, vector<16xi32>,
    %ne3A_2583 = arith.constant 0 : i32
    %ne3A_2584 = vector.broadcast %ne3A_2583 : i32 to vector<16xi32>
    %ne3A_2585 = arith.cmpi ne, %get3A_2582, %ne3A_2584 : vector<16xi32>
    %get3A_2586 = arith.constant 39 : i32
    %get3A_2587 = arith.index_cast %get3A_2586 : i32 to index
    %get3A_2588 = arith.constant 24 : index
    %get3A_2589 = tpu.vector_load %arg8[%get3A_2587, %get3A_2588] {strides = array<i32>} : memref<40x40xi32, #tpu.memory_space<vmem>>, vector<16xi32>,
    %ne3A_2590 = arith.constant 0 : i32
    %ne3A_2591 = vector.broadcast %ne3A_2590 : i32 to vector<16xi32>
    %ne3A_2592 = arith.cmpi ne, %get3A_2589, %ne3A_2591 : vector<16xi32>
    %and3A_2593 = arith.andi %ne3A_2592, %ge3A_73 : vector<16xi1>
    %get3A_2594 = arith.constant 39 : i32
    %get3A_2595 = arith.index_cast %get3A_2594 : i32 to index
    %get3A_2596 = arith.constant 0 : index
    %get3A_2597 = tpu.vector_load %arg6[%get3A_2595, %get3A_2596] {strides = array<i32>} : memref<40x40xf32, #tpu.memory_space<vmem>>, vector<16xf32>,
    %select_n3A_2598 = arith.select %ne3A_2578, %get3A_2597, %broadcast_in_dim3A_74 : vector<16xi1>, vector<16xf32>
    %add3A_2599 = arith.addf %add3A_2535, %select_n3A_2598 : vector<16xf32>
    %get3A_2600 = arith.constant 39 : i32
    %get3A_2601 = arith.index_cast %get3A_2600 : i32 to index
    %get3A_2602 = arith.constant 16 : index
    %get3A_2603 = tpu.vector_load %arg6[%get3A_2601, %get3A_2602] {strides = array<i32>} : memref<40x40xf32, #tpu.memory_space<vmem>>, vector<16xf32>,
    %select_n3A_2604 = arith.select %ne3A_2585, %get3A_2603, %broadcast_in_dim3A_74 : vector<16xi1>, vector<16xf32>
    %add3A_2605 = arith.addf %add3A_2541, %select_n3A_2604 : vector<16xf32>
    %get3A_2606 = arith.constant 39 : i32
    %get3A_2607 = arith.index_cast %get3A_2606 : i32 to index
    %get3A_2608 = arith.constant 24 : index
    %get3A_2609 = tpu.vector_load %arg6[%get3A_2607, %get3A_2608] {strides = array<i32>} : memref<40x40xf32, #tpu.memory_space<vmem>>, vector<16xf32>,
    %select_n3A_2610 = arith.select %and3A_2593, %get3A_2609, %broadcast_in_dim3A_74 : vector<16xi1>, vector<16xf32>
    %add3A_2611 = arith.addf %add3A_2547, %select_n3A_2610 : vector<16xf32>
    %get3A_2612 = arith.constant 39 : i32
    %get3A_2613 = arith.index_cast %get3A_2612 : i32 to index
    %get3A_2614 = arith.constant 0 : index
    %get3A_2615 = tpu.vector_load %arg7[%get3A_2613, %get3A_2614] {strides = array<i32>} : memref<40x40xf32, #tpu.memory_space<vmem>>, vector<16xf32>,
    %select_n3A_2616 = arith.select %ne3A_2578, %get3A_2615, %broadcast_in_dim3A_74 : vector<16xi1>, vector<16xf32>
    %add3A_2617 = arith.addf %add3A_2553, %select_n3A_2616 : vector<16xf32>
    %get3A_2618 = arith.constant 39 : i32
    %get3A_2619 = arith.index_cast %get3A_2618 : i32 to index
    %get3A_2620 = arith.constant 16 : index
    %get3A_2621 = tpu.vector_load %arg7[%get3A_2619, %get3A_2620] {strides = array<i32>} : memref<40x40xf32, #tpu.memory_space<vmem>>, vector<16xf32>,
    %select_n3A_2622 = arith.select %ne3A_2585, %get3A_2621, %broadcast_in_dim3A_74 : vector<16xi1>, vector<16xf32>
    %add3A_2623 = arith.addf %add3A_2559, %select_n3A_2622 : vector<16xf32>
    %get3A_2624 = arith.constant 39 : i32
    %get3A_2625 = arith.index_cast %get3A_2624 : i32 to index
    %get3A_2626 = arith.constant 24 : index
    %get3A_2627 = tpu.vector_load %arg7[%get3A_2625, %get3A_2626] {strides = array<i32>} : memref<40x40xf32, #tpu.memory_space<vmem>>, vector<16xf32>,
    %select_n3A_2628 = arith.select %and3A_2593, %get3A_2627, %broadcast_in_dim3A_74 : vector<16xi1>, vector<16xf32>
    %add3A_2629 = arith.addf %add3A_2565, %select_n3A_2628 : vector<16xf32>
    %select_n3A_2630 = arith.select %ne3A_2578, %broadcast_in_dim3A_76, %broadcast_in_dim3A_74 : vector<16xi1>, vector<16xf32>
    %add3A_2631 = arith.addf %add3A_2567, %select_n3A_2630 : vector<16xf32>
    %select_n3A_2632 = arith.select %ne3A_2585, %broadcast_in_dim3A_76, %broadcast_in_dim3A_74 : vector<16xi1>, vector<16xf32>
    %add3A_2633 = arith.addf %add3A_2569, %select_n3A_2632 : vector<16xf32>
    %select_n3A_2634 = arith.select %and3A_2593, %broadcast_in_dim3A_76, %broadcast_in_dim3A_74 : vector<16xi1>, vector<16xf32>
    %add3A_2635 = arith.addf %add3A_2571, %select_n3A_2634 : vector<16xf32>
    %add3A_2636 = arith.addf %add3A_2599, %add3A_2605 : vector<16xf32>
    %add3A_2637 = arith.addf %add3A_2636, %add3A_2611 : vector<16xf32>
    %swap3A = arith.constant 0 : index
    %swap3A_2638 = tpu.vector_load %arg9[%swap3A] {strides = array<i32>} : memref<16xf32, #tpu.memory_space<vmem>>, vector<16xf32>,
    tpu.vector_store %arg9[%swap3A], %add3A_2637 {strides = array<i32>} : memref<16xf32, #tpu.memory_space<vmem>>, vector<16xf32>,
    %xor3A = arith.constant 8 : i32
    %xor3A_2639 = vector.broadcast %xor3A : i32 to vector<16xi32>
    %xor3A_2640 = arith.xori %iota3A, %xor3A_2639 : vector<16xi32>
    %gather3A = tpu.vector_load_idx %arg9[%xor3A_2640] : memref<16xf32, #tpu.memory_space<vmem>>[vector<16xi32>], vector<16xf32>,
    %add3A_2641 = arith.addf %add3A_2637, %gather3A : vector<16xf32>
    %swap3A_2642 = arith.constant 0 : index
    %swap3A_2643 = tpu.vector_load %arg9[%swap3A_2642] {strides = array<i32>} : memref<16xf32, #tpu.memory_space<vmem>>, vector<16xf32>,
    tpu.vector_store %arg9[%swap3A_2642], %add3A_2641 {strides = array<i32>} : memref<16xf32, #tpu.memory_space<vmem>>, vector<16xf32>,
    %xor3A_2644 = arith.constant 4 : i32
    %xor3A_2645 = vector.broadcast %xor3A_2644 : i32 to vector<16xi32>
    %xor3A_2646 = arith.xori %iota3A, %xor3A_2645 : vector<16xi32>
    %gather3A_2647 = tpu.vector_load_idx %arg9[%xor3A_2646] : memref<16xf32, #tpu.memory_space<vmem>>[vector<16xi32>], vector<16xf32>,
    %add3A_2648 = arith.addf %add3A_2641, %gather3A_2647 : vector<16xf32>
    %swap3A_2649 = arith.constant 0 : index
    %swap3A_2650 = tpu.vector_load %arg9[%swap3A_2649] {strides = array<i32>} : memref<16xf32, #tpu.memory_space<vmem>>, vector<16xf32>,
    tpu.vector_store %arg9[%swap3A_2649], %add3A_2648 {strides = array<i32>} : memref<16xf32, #tpu.memory_space<vmem>>, vector<16xf32>,
    %xor3A_2651 = arith.constant 2 : i32
    %xor3A_2652 = vector.broadcast %xor3A_2651 : i32 to vector<16xi32>
    %xor3A_2653 = arith.xori %iota3A, %xor3A_2652 : vector<16xi32>
    %gather3A_2654 = tpu.vector_load_idx %arg9[%xor3A_2653] : memref<16xf32, #tpu.memory_space<vmem>>[vector<16xi32>], vector<16xf32>,
    %add3A_2655 = arith.addf %add3A_2648, %gather3A_2654 : vector<16xf32>
    %swap3A_2656 = arith.constant 0 : index
    %swap3A_2657 = tpu.vector_load %arg9[%swap3A_2656] {strides = array<i32>} : memref<16xf32, #tpu.memory_space<vmem>>, vector<16xf32>,
    tpu.vector_store %arg9[%swap3A_2656], %add3A_2655 {strides = array<i32>} : memref<16xf32, #tpu.memory_space<vmem>>, vector<16xf32>,
    %xor3A_2658 = arith.constant 1 : i32
    %xor3A_2659 = vector.broadcast %xor3A_2658 : i32 to vector<16xi32>
    %xor3A_2660 = arith.xori %iota3A, %xor3A_2659 : vector<16xi32>
    %gather3A_2661 = tpu.vector_load_idx %arg9[%xor3A_2660] : memref<16xf32, #tpu.memory_space<vmem>>[vector<16xi32>], vector<16xf32>,
    %add3A_2662 = arith.addf %add3A_2655, %gather3A_2661 : vector<16xf32>
    %add3A_2663 = arith.addf %add3A_2617, %add3A_2623 : vector<16xf32>
    %add3A_2664 = arith.addf %add3A_2663, %add3A_2629 : vector<16xf32>
    %swap3A_2665 = arith.constant 0 : index
    %swap3A_2666 = tpu.vector_load %arg9[%swap3A_2665] {strides = array<i32>} : memref<16xf32, #tpu.memory_space<vmem>>, vector<16xf32>,
    tpu.vector_store %arg9[%swap3A_2665], %add3A_2664 {strides = array<i32>} : memref<16xf32, #tpu.memory_space<vmem>>, vector<16xf32>,
    %xor3A_2667 = arith.constant 8 : i32
    %xor3A_2668 = vector.broadcast %xor3A_2667 : i32 to vector<16xi32>
    %xor3A_2669 = arith.xori %iota3A, %xor3A_2668 : vector<16xi32>
    %gather3A_2670 = tpu.vector_load_idx %arg9[%xor3A_2669] : memref<16xf32, #tpu.memory_space<vmem>>[vector<16xi32>], vector<16xf32>,
    %add3A_2671 = arith.addf %add3A_2664, %gather3A_2670 : vector<16xf32>
    %swap3A_2672 = arith.constant 0 : index
    %swap3A_2673 = tpu.vector_load %arg9[%swap3A_2672] {strides = array<i32>} : memref<16xf32, #tpu.memory_space<vmem>>, vector<16xf32>,
    tpu.vector_store %arg9[%swap3A_2672], %add3A_2671 {strides = array<i32>} : memref<16xf32, #tpu.memory_space<vmem>>, vector<16xf32>,
    %xor3A_2674 = arith.constant 4 : i32
    %xor3A_2675 = vector.broadcast %xor3A_2674 : i32 to vector<16xi32>
    %xor3A_2676 = arith.xori %iota3A, %xor3A_2675 : vector<16xi32>
    %gather3A_2677 = tpu.vector_load_idx %arg9[%xor3A_2676] : memref<16xf32, #tpu.memory_space<vmem>>[vector<16xi32>], vector<16xf32>,
    %add3A_2678 = arith.addf %add3A_2671, %gather3A_2677 : vector<16xf32>
    %swap3A_2679 = arith.constant 0 : index
    %swap3A_2680 = tpu.vector_load %arg9[%swap3A_2679] {strides = array<i32>} : memref<16xf32, #tpu.memory_space<vmem>>, vector<16xf32>,
    tpu.vector_store %arg9[%swap3A_2679], %add3A_2678 {strides = array<i32>} : memref<16xf32, #tpu.memory_space<vmem>>, vector<16xf32>,
    %xor3A_2681 = arith.constant 2 : i32
    %xor3A_2682 = vector.broadcast %xor3A_2681 : i32 to vector<16xi32>
    %xor3A_2683 = arith.xori %iota3A, %xor3A_2682 : vector<16xi32>
    %gather3A_2684 = tpu.vector_load_idx %arg9[%xor3A_2683] : memref<16xf32, #tpu.memory_space<vmem>>[vector<16xi32>], vector<16xf32>,
    %add3A_2685 = arith.addf %add3A_2678, %gather3A_2684 : vector<16xf32>
    %swap3A_2686 = arith.constant 0 : index
    %swap3A_2687 = tpu.vector_load %arg9[%swap3A_2686] {strides = array<i32>} : memref<16xf32, #tpu.memory_space<vmem>>, vector<16xf32>,
    tpu.vector_store %arg9[%swap3A_2686], %add3A_2685 {strides = array<i32>} : memref<16xf32, #tpu.memory_space<vmem>>, vector<16xf32>,
    %xor3A_2688 = arith.constant 1 : i32
    %xor3A_2689 = vector.broadcast %xor3A_2688 : i32 to vector<16xi32>
    %xor3A_2690 = arith.xori %iota3A, %xor3A_2689 : vector<16xi32>
    %gather3A_2691 = tpu.vector_load_idx %arg9[%xor3A_2690] : memref<16xf32, #tpu.memory_space<vmem>>[vector<16xi32>], vector<16xf32>,
    %add3A_2692 = arith.addf %add3A_2685, %gather3A_2691 : vector<16xf32>
    %add3A_2693 = arith.addf %add3A_2631, %add3A_2633 : vector<16xf32>
    %add3A_2694 = arith.addf %add3A_2693, %add3A_2635 : vector<16xf32>
    %swap3A_2695 = arith.constant 0 : index
    %swap3A_2696 = tpu.vector_load %arg9[%swap3A_2695] {strides = array<i32>} : memref<16xf32, #tpu.memory_space<vmem>>, vector<16xf32>,
    tpu.vector_store %arg9[%swap3A_2695], %add3A_2694 {strides = array<i32>} : memref<16xf32, #tpu.memory_space<vmem>>, vector<16xf32>,
    %xor3A_2697 = arith.constant 8 : i32
    %xor3A_2698 = vector.broadcast %xor3A_2697 : i32 to vector<16xi32>
    %xor3A_2699 = arith.xori %iota3A, %xor3A_2698 : vector<16xi32>
    %gather3A_2700 = tpu.vector_load_idx %arg9[%xor3A_2699] : memref<16xf32, #tpu.memory_space<vmem>>[vector<16xi32>], vector<16xf32>,
    %add3A_2701 = arith.addf %add3A_2694, %gather3A_2700 : vector<16xf32>
    %swap3A_2702 = arith.constant 0 : index
    %swap3A_2703 = tpu.vector_load %arg9[%swap3A_2702] {strides = array<i32>} : memref<16xf32, #tpu.memory_space<vmem>>, vector<16xf32>,
    tpu.vector_store %arg9[%swap3A_2702], %add3A_2701 {strides = array<i32>} : memref<16xf32, #tpu.memory_space<vmem>>, vector<16xf32>,
    %xor3A_2704 = arith.constant 4 : i32
    %xor3A_2705 = vector.broadcast %xor3A_2704 : i32 to vector<16xi32>
    %xor3A_2706 = arith.xori %iota3A, %xor3A_2705 : vector<16xi32>
    %gather3A_2707 = tpu.vector_load_idx %arg9[%xor3A_2706] : memref<16xf32, #tpu.memory_space<vmem>>[vector<16xi32>], vector<16xf32>,
    %add3A_2708 = arith.addf %add3A_2701, %gather3A_2707 : vector<16xf32>
    %swap3A_2709 = arith.constant 0 : index
    %swap3A_2710 = tpu.vector_load %arg9[%swap3A_2709] {strides = array<i32>} : memref<16xf32, #tpu.memory_space<vmem>>, vector<16xf32>,
    tpu.vector_store %arg9[%swap3A_2709], %add3A_2708 {strides = array<i32>} : memref<16xf32, #tpu.memory_space<vmem>>, vector<16xf32>,
    %xor3A_2711 = arith.constant 2 : i32
    %xor3A_2712 = vector.broadcast %xor3A_2711 : i32 to vector<16xi32>
    %xor3A_2713 = arith.xori %iota3A, %xor3A_2712 : vector<16xi32>
    %gather3A_2714 = tpu.vector_load_idx %arg9[%xor3A_2713] : memref<16xf32, #tpu.memory_space<vmem>>[vector<16xi32>], vector<16xf32>,
    %add3A_2715 = arith.addf %add3A_2708, %gather3A_2714 : vector<16xf32>
    %swap3A_2716 = arith.constant 0 : index
    %swap3A_2717 = tpu.vector_load %arg9[%swap3A_2716] {strides = array<i32>} : memref<16xf32, #tpu.memory_space<vmem>>, vector<16xf32>,
    tpu.vector_store %arg9[%swap3A_2716], %add3A_2715 {strides = array<i32>} : memref<16xf32, #tpu.memory_space<vmem>>, vector<16xf32>,
    %xor3A_2718 = arith.constant 1 : i32
    %xor3A_2719 = vector.broadcast %xor3A_2718 : i32 to vector<16xi32>
    %xor3A_2720 = arith.xori %iota3A, %xor3A_2719 : vector<16xi32>
    %gather3A_2721 = tpu.vector_load_idx %arg9[%xor3A_2720] : memref<16xf32, #tpu.memory_space<vmem>>[vector<16xi32>], vector<16xf32>,
    %add3A_2722 = arith.addf %add3A_2715, %gather3A_2721 : vector<16xf32>
    %eq3A = vector.broadcast %select_n3A : i32 to vector<16xi32>
    %eq3A_2723 = arith.cmpi eq, %iota3A, %eq3A : vector<16xi32>
    %mul3A_2724 = arith.mulf %add3A_2662, %add3A_2662 : vector<16xf32>
    %mul3A_2725 = arith.mulf %add3A_2692, %add3A_2692 : vector<16xf32>
    %add3A_2726 = arith.addf %mul3A_2724, %mul3A_2725 : vector<16xf32>
    %select_n3A_2727 = arith.select %eq3A_2723, %add3A_2726, %broadcast_in_dim3A_74 : vector<16xi1>, vector<16xf32>
    %add3A_2728 = arith.constant 8 : i32
    %add3A_2729 = arith.addi %select_n3A, %add3A_2728 : i32
    %eq3A_2730 = vector.broadcast %add3A_2729 : i32 to vector<16xi32>
    %eq3A_2731 = arith.cmpi eq, %iota3A, %eq3A_2730 : vector<16xi32>
    %mul3A_2732 = arith.constant 5.000000e-01 : f32
    %mul3A_2733 = vector.broadcast %mul3A_2732 : f32 to vector<16xf32>
    %mul3A_2734 = arith.mulf %mul3A_2733, %add3A_2722 : vector<16xf32>
    %select_n3A_2735 = arith.select %eq3A_2731, %mul3A_2734, %broadcast_in_dim3A_74 : vector<16xi1>, vector<16xf32>
    %add3A_2736 = arith.addf %select_n3A_2727, %select_n3A_2735 : vector<16xf32>
    %swap3A_2737 = arith.constant 0 : index
    %swap3A_2738 = tpu.vector_load %arg10[%swap3A_2737] {strides = array<i32>} : memref<16xf32, #tpu.memory_space<vmem>>, vector<16xf32>,
    tpu.vector_store %arg10[%swap3A_2737], %add3A_2736 {strides = array<i32>} : memref<16xf32, #tpu.memory_space<vmem>>, vector<16xf32>,
    "tpu.region"() ({
      %run_scoped3A = tpu.sem_alloc : memref<!tpu.dma_semaphore, #tpu.memory_space<semaphore_mem>>
      %dma_start3A_2742 = arith.constant 0 : i32
      %dma_start3A_2743 = tpu.memref_slice %arg4[%arg1, %dma_start3A_2742] : memref<16x16xf32, #tpu.memory_space<hbm>> -> memref<1x16xf32, #tpu.memory_space<hbm>>
      %dma_start3A_2744 = tpu.memref_squeeze %dma_start3A_2743 : memref<1x16xf32, #tpu.memory_space<hbm>> -> memref<16xf32, #tpu.memory_space<hbm>>
      %dma_start3A_2745 = arith.constant 0 : i32
      %dma_start3A_2746 = tpu.memref_slice %arg4[%arg1, %dma_start3A_2745] : memref<16x16xf32, #tpu.memory_space<hbm>> -> memref<1x16xf32, #tpu.memory_space<hbm>>
      %dma_start3A_2747 = tpu.memref_squeeze %dma_start3A_2746 : memref<1x16xf32, #tpu.memory_space<hbm>> -> memref<16xf32, #tpu.memory_space<hbm>>
      tpu.enqueue_dma source(%arg10 : memref<16xf32, #tpu.memory_space<vmem>>) target(%dma_start3A_2747 : memref<16xf32, #tpu.memory_space<hbm>>) target_semaphore(%run_scoped3A : memref<!tpu.dma_semaphore, #tpu.memory_space<semaphore_mem>>)
      %dma_wait3A_2748 = arith.constant 0 : i32
      %dma_wait3A_2749 = tpu.memref_slice %arg4[%arg1, %dma_wait3A_2748] : memref<16x16xf32, #tpu.memory_space<hbm>> -> memref<1x16xf32, #tpu.memory_space<hbm>>
      %dma_wait3A_2750 = tpu.memref_squeeze %dma_wait3A_2749 : memref<1x16xf32, #tpu.memory_space<hbm>> -> memref<16xf32, #tpu.memory_space<hbm>>
      %dma_wait3A_2751 = arith.constant 0 : i32
      %dma_wait3A_2752 = tpu.memref_slice %arg4[%arg1, %dma_wait3A_2751] : memref<16x16xf32, #tpu.memory_space<hbm>> -> memref<1x16xf32, #tpu.memory_space<hbm>>
      %dma_wait3A_2753 = tpu.memref_squeeze %dma_wait3A_2752 : memref<1x16xf32, #tpu.memory_space<hbm>> -> memref<16xf32, #tpu.memory_space<hbm>>
      tpu.wait_dma2 semaphore(%run_scoped3A : memref<!tpu.dma_semaphore, #tpu.memory_space<semaphore_mem>>) src(%arg10 : memref<16xf32, #tpu.memory_space<vmem>>) dst(%dma_wait3A_2753 : memref<16xf32, #tpu.memory_space<hbm>>)
      tpu.yield
    }) : () -> ()
    %barrier3A = arith.constant 0 : index
    tpu.barrier barrier_id(%barrier3A)
    %eq3A_2739 = arith.constant 0 : i32
    %eq3A_2740 = arith.cmpi eq, %arg1, %eq3A_2739 : i32
    %convert_element_type3A = arith.extui %eq3A_2740 : i1 to i32
    %cond3A = arith.constant 0 : i32
    %cond3A_2741 = arith.cmpi ne, %convert_element_type3A, %cond3A : i32
    scf.if %cond3A_2741 {
      tpu.enqueue_dma source(%arg4 : memref<16x16xf32, #tpu.memory_space<hbm>>) target(%arg11 : memref<16x16xf32, #tpu.memory_space<vmem>>) target_semaphore(%arg14 : memref<!tpu.dma_semaphore, #tpu.memory_space<semaphore_mem>>)
      tpu.wait_dma2 semaphore(%arg14 : memref<!tpu.dma_semaphore, #tpu.memory_space<semaphore_mem>>) src(%arg4 : memref<16x16xf32, #tpu.memory_space<hbm>>) dst(%arg11 : memref<16x16xf32, #tpu.memory_space<vmem>>)
      %get3A_2742 = arith.constant 0 : i32
      %get3A_2743 = arith.index_cast %get3A_2742 : i32 to index
      %get3A_2744 = arith.constant 0 : index
      %get3A_2745 = tpu.vector_load %arg11[%get3A_2743, %get3A_2744] {strides = array<i32>} : memref<16x16xf32, #tpu.memory_space<vmem>>, vector<16xf32>,
      %get3A_2746 = arith.constant 1 : i32
      %get3A_2747 = arith.index_cast %get3A_2746 : i32 to index
      %get3A_2748 = arith.constant 0 : index
      %get3A_2749 = tpu.vector_load %arg11[%get3A_2747, %get3A_2748] {strides = array<i32>} : memref<16x16xf32, #tpu.memory_space<vmem>>, vector<16xf32>,
      %add3A_2750 = arith.addf %get3A_2745, %get3A_2749 : vector<16xf32>
      %get3A_2751 = arith.constant 2 : i32
      %get3A_2752 = arith.index_cast %get3A_2751 : i32 to index
      %get3A_2753 = arith.constant 0 : index
      %get3A_2754 = tpu.vector_load %arg11[%get3A_2752, %get3A_2753] {strides = array<i32>} : memref<16x16xf32, #tpu.memory_space<vmem>>, vector<16xf32>,
      %add3A_2755 = arith.addf %add3A_2750, %get3A_2754 : vector<16xf32>
      %get3A_2756 = arith.constant 3 : i32
      %get3A_2757 = arith.index_cast %get3A_2756 : i32 to index
      %get3A_2758 = arith.constant 0 : index
      %get3A_2759 = tpu.vector_load %arg11[%get3A_2757, %get3A_2758] {strides = array<i32>} : memref<16x16xf32, #tpu.memory_space<vmem>>, vector<16xf32>,
      %add3A_2760 = arith.addf %add3A_2755, %get3A_2759 : vector<16xf32>
      %get3A_2761 = arith.constant 4 : i32
      %get3A_2762 = arith.index_cast %get3A_2761 : i32 to index
      %get3A_2763 = arith.constant 0 : index
      %get3A_2764 = tpu.vector_load %arg11[%get3A_2762, %get3A_2763] {strides = array<i32>} : memref<16x16xf32, #tpu.memory_space<vmem>>, vector<16xf32>,
      %add3A_2765 = arith.addf %add3A_2760, %get3A_2764 : vector<16xf32>
      %get3A_2766 = arith.constant 5 : i32
      %get3A_2767 = arith.index_cast %get3A_2766 : i32 to index
      %get3A_2768 = arith.constant 0 : index
      %get3A_2769 = tpu.vector_load %arg11[%get3A_2767, %get3A_2768] {strides = array<i32>} : memref<16x16xf32, #tpu.memory_space<vmem>>, vector<16xf32>,
      %add3A_2770 = arith.addf %add3A_2765, %get3A_2769 : vector<16xf32>
      %get3A_2771 = arith.constant 6 : i32
      %get3A_2772 = arith.index_cast %get3A_2771 : i32 to index
      %get3A_2773 = arith.constant 0 : index
      %get3A_2774 = tpu.vector_load %arg11[%get3A_2772, %get3A_2773] {strides = array<i32>} : memref<16x16xf32, #tpu.memory_space<vmem>>, vector<16xf32>,
      %add3A_2775 = arith.addf %add3A_2770, %get3A_2774 : vector<16xf32>
      %get3A_2776 = arith.constant 7 : i32
      %get3A_2777 = arith.index_cast %get3A_2776 : i32 to index
      %get3A_2778 = arith.constant 0 : index
      %get3A_2779 = tpu.vector_load %arg11[%get3A_2777, %get3A_2778] {strides = array<i32>} : memref<16x16xf32, #tpu.memory_space<vmem>>, vector<16xf32>,
      %add3A_2780 = arith.addf %add3A_2775, %get3A_2779 : vector<16xf32>
      %get3A_2781 = arith.constant 8 : i32
      %get3A_2782 = arith.index_cast %get3A_2781 : i32 to index
      %get3A_2783 = arith.constant 0 : index
      %get3A_2784 = tpu.vector_load %arg11[%get3A_2782, %get3A_2783] {strides = array<i32>} : memref<16x16xf32, #tpu.memory_space<vmem>>, vector<16xf32>,
      %add3A_2785 = arith.addf %add3A_2780, %get3A_2784 : vector<16xf32>
      %get3A_2786 = arith.constant 9 : i32
      %get3A_2787 = arith.index_cast %get3A_2786 : i32 to index
      %get3A_2788 = arith.constant 0 : index
      %get3A_2789 = tpu.vector_load %arg11[%get3A_2787, %get3A_2788] {strides = array<i32>} : memref<16x16xf32, #tpu.memory_space<vmem>>, vector<16xf32>,
      %add3A_2790 = arith.addf %add3A_2785, %get3A_2789 : vector<16xf32>
      %get3A_2791 = arith.constant 10 : i32
      %get3A_2792 = arith.index_cast %get3A_2791 : i32 to index
      %get3A_2793 = arith.constant 0 : index
      %get3A_2794 = tpu.vector_load %arg11[%get3A_2792, %get3A_2793] {strides = array<i32>} : memref<16x16xf32, #tpu.memory_space<vmem>>, vector<16xf32>,
      %add3A_2795 = arith.addf %add3A_2790, %get3A_2794 : vector<16xf32>
      %get3A_2796 = arith.constant 11 : i32
      %get3A_2797 = arith.index_cast %get3A_2796 : i32 to index
      %get3A_2798 = arith.constant 0 : index
      %get3A_2799 = tpu.vector_load %arg11[%get3A_2797, %get3A_2798] {strides = array<i32>} : memref<16x16xf32, #tpu.memory_space<vmem>>, vector<16xf32>,
      %add3A_2800 = arith.addf %add3A_2795, %get3A_2799 : vector<16xf32>
      %get3A_2801 = arith.constant 12 : i32
      %get3A_2802 = arith.index_cast %get3A_2801 : i32 to index
      %get3A_2803 = arith.constant 0 : index
      %get3A_2804 = tpu.vector_load %arg11[%get3A_2802, %get3A_2803] {strides = array<i32>} : memref<16x16xf32, #tpu.memory_space<vmem>>, vector<16xf32>,
      %add3A_2805 = arith.addf %add3A_2800, %get3A_2804 : vector<16xf32>
      %get3A_2806 = arith.constant 13 : i32
      %get3A_2807 = arith.index_cast %get3A_2806 : i32 to index
      %get3A_2808 = arith.constant 0 : index
      %get3A_2809 = tpu.vector_load %arg11[%get3A_2807, %get3A_2808] {strides = array<i32>} : memref<16x16xf32, #tpu.memory_space<vmem>>, vector<16xf32>,
      %add3A_2810 = arith.addf %add3A_2805, %get3A_2809 : vector<16xf32>
      %get3A_2811 = arith.constant 14 : i32
      %get3A_2812 = arith.index_cast %get3A_2811 : i32 to index
      %get3A_2813 = arith.constant 0 : index
      %get3A_2814 = tpu.vector_load %arg11[%get3A_2812, %get3A_2813] {strides = array<i32>} : memref<16x16xf32, #tpu.memory_space<vmem>>, vector<16xf32>,
      %add3A_2815 = arith.addf %add3A_2810, %get3A_2814 : vector<16xf32>
      %get3A_2816 = arith.constant 15 : i32
      %get3A_2817 = arith.index_cast %get3A_2816 : i32 to index
      %get3A_2818 = arith.constant 0 : index
      %get3A_2819 = tpu.vector_load %arg11[%get3A_2817, %get3A_2818] {strides = array<i32>} : memref<16x16xf32, #tpu.memory_space<vmem>>, vector<16xf32>,
      %add3A_2820 = arith.addf %add3A_2815, %get3A_2819 : vector<16xf32>
      %swap3A_2821 = arith.constant 0 : index
      %swap3A_2822 = tpu.vector_load %arg12[%swap3A_2821] {strides = array<i32>} : memref<16xf32, #tpu.memory_space<vmem>>, vector<16xf32>,
      tpu.vector_store %arg12[%swap3A_2821], %add3A_2820 {strides = array<i32>} : memref<16xf32, #tpu.memory_space<vmem>>, vector<16xf32>,
      %or3A = arith.constant 8 : i32
      %or3A_2823 = vector.broadcast %or3A : i32 to vector<16xi32>
      %or3A_2824 = arith.ori %iota3A, %or3A_2823 : vector<16xi32>
      %gather3A_2825 = tpu.vector_load_idx %arg12[%or3A_2824] : memref<16xf32, #tpu.memory_space<vmem>>[vector<16xi32>], vector<16xf32>,
      %mul3A_2826 = arith.mulf %add3A_2820, %gather3A_2825 : vector<16xf32>
      %swap3A_2827 = arith.constant 0 : index
      %swap3A_2828 = tpu.vector_load %arg13[%swap3A_2827] {strides = array<i32>} : memref<16xf32, #tpu.memory_space<vmem>>, vector<16xf32>,
      tpu.vector_store %arg13[%swap3A_2827], %mul3A_2826 {strides = array<i32>} : memref<16xf32, #tpu.memory_space<vmem>>, vector<16xf32>,
      %lt3A = arith.constant 7 : i32
      %lt3A_2829 = vector.broadcast %lt3A : i32 to vector<16xi32>
      %lt3A_2830 = arith.cmpi slt, %iota3A, %lt3A_2829 : vector<16xi32>
      %lt3A_2831 = arith.constant 13 : i32
      %lt3A_2832 = vector.broadcast %lt3A_2831 : i32 to vector<16xi32>
      %lt3A_2833 = arith.cmpi slt, %iota3A, %lt3A_2832 : vector<16xi32>
      %jit3A_2834 = arith.constant 1 : i32
      %jit3A_2835 = arith.constant 2 : i32
      %broadcast_in_dim3A_2836 = vector.broadcast %jit3A_2834 : i32 to vector<16xi32>
      %broadcast_in_dim3A_2837 = vector.broadcast %jit3A_2835 : i32 to vector<16xi32>
      %select_n3A_2838 = arith.select %lt3A_2833, %broadcast_in_dim3A_2836, %broadcast_in_dim3A_2837 : vector<16xi1>, vector<16xi32>
      %jit3A_2839 = arith.constant 0 : i32
      %broadcast_in_dim3A_2840 = vector.broadcast %jit3A_2839 : i32 to vector<16xi32>
      %select_n3A_2841 = arith.select %lt3A_2830, %broadcast_in_dim3A_2840, %select_n3A_2838 : vector<16xi1>, vector<16xi32>
      %lt3A_2842 = arith.constant 7 : i32
      %lt3A_2843 = vector.broadcast %lt3A_2842 : i32 to vector<16xi32>
      %lt3A_2844 = arith.cmpi slt, %iota3A, %lt3A_2843 : vector<16xi32>
      %lt3A_2845 = arith.constant 13 : i32
      %lt3A_2846 = vector.broadcast %lt3A_2845 : i32 to vector<16xi32>
      %lt3A_2847 = arith.cmpi slt, %iota3A, %lt3A_2846 : vector<16xi32>
      %jit3A_2848 = arith.constant -5 : i32
      %jit3A_2849 = arith.constant -10 : i32
      %broadcast_in_dim3A_2850 = vector.broadcast %jit3A_2848 : i32 to vector<16xi32>
      %broadcast_in_dim3A_2851 = vector.broadcast %jit3A_2849 : i32 to vector<16xi32>
      %select_n3A_2852 = arith.select %lt3A_2847, %broadcast_in_dim3A_2850, %broadcast_in_dim3A_2851 : vector<16xi1>, vector<16xi32>
      %jit3A_2853 = arith.constant 1 : i32
      %broadcast_in_dim3A_2854 = vector.broadcast %jit3A_2853 : i32 to vector<16xi32>
      %select_n3A_2855 = arith.select %lt3A_2844, %broadcast_in_dim3A_2854, %select_n3A_2852 : vector<16xi1>, vector<16xi32>
      %add3A_2856 = arith.addi %iota3A, %select_n3A_2855 : vector<16xi32>
      %lt3A_2857 = arith.constant 2 : i32
      %lt3A_2858 = vector.broadcast %lt3A_2857 : i32 to vector<16xi32>
      %lt3A_2859 = arith.cmpi slt, %iota3A, %lt3A_2858 : vector<16xi32>
      %lt3A_2860 = arith.constant 6 : i32
      %lt3A_2861 = vector.broadcast %lt3A_2860 : i32 to vector<16xi32>
      %lt3A_2862 = arith.cmpi slt, %iota3A, %lt3A_2861 : vector<16xi32>
      %lt3A_2863 = arith.constant 9 : i32
      %lt3A_2864 = vector.broadcast %lt3A_2863 : i32 to vector<16xi32>
      %lt3A_2865 = arith.cmpi slt, %iota3A, %lt3A_2864 : vector<16xi32>
      %lt3A_2866 = arith.constant 11 : i32
      %lt3A_2867 = vector.broadcast %lt3A_2866 : i32 to vector<16xi32>
      %lt3A_2868 = arith.cmpi slt, %iota3A, %lt3A_2867 : vector<16xi32>
      %lt3A_2869 = arith.constant 12 : i32
      %lt3A_2870 = vector.broadcast %lt3A_2869 : i32 to vector<16xi32>
      %lt3A_2871 = arith.cmpi slt, %iota3A, %lt3A_2870 : vector<16xi32>
      %jit3A_2872 = arith.constant 6 : i32
      %jit3A_2873 = arith.constant 0 : i32
      %broadcast_in_dim3A_2874 = vector.broadcast %jit3A_2872 : i32 to vector<16xi32>
      %broadcast_in_dim3A_2875 = vector.broadcast %jit3A_2873 : i32 to vector<16xi32>
      %select_n3A_2876 = arith.select %lt3A_2871, %broadcast_in_dim3A_2874, %broadcast_in_dim3A_2875 : vector<16xi1>, vector<16xi32>
      %jit3A_2877 = arith.constant 5 : i32
      %broadcast_in_dim3A_2878 = vector.broadcast %jit3A_2877 : i32 to vector<16xi32>
      %select_n3A_2879 = arith.select %lt3A_2868, %broadcast_in_dim3A_2878, %select_n3A_2876 : vector<16xi1>, vector<16xi32>
      %jit3A_2880 = arith.constant 4 : i32
      %broadcast_in_dim3A_2881 = vector.broadcast %jit3A_2880 : i32 to vector<16xi32>
      %select_n3A_2882 = arith.select %lt3A_2865, %broadcast_in_dim3A_2881, %select_n3A_2879 : vector<16xi1>, vector<16xi32>
      %jit3A_2883 = arith.constant 3 : i32
      %broadcast_in_dim3A_2884 = vector.broadcast %jit3A_2883 : i32 to vector<16xi32>
      %select_n3A_2885 = arith.select %lt3A_2862, %broadcast_in_dim3A_2884, %select_n3A_2882 : vector<16xi1>, vector<16xi32>
      %jit3A_2886 = arith.constant 2 : i32
      %broadcast_in_dim3A_2887 = vector.broadcast %jit3A_2886 : i32 to vector<16xi32>
      %select_n3A_2888 = arith.select %lt3A_2859, %broadcast_in_dim3A_2887, %select_n3A_2885 : vector<16xi1>, vector<16xi32>
      %lt3A_2889 = arith.constant 2 : i32
      %lt3A_2890 = vector.broadcast %lt3A_2889 : i32 to vector<16xi32>
      %lt3A_2891 = arith.cmpi slt, %iota3A, %lt3A_2890 : vector<16xi32>
      %add3A_2892 = arith.constant 6 : i32
      %add3A_2893 = vector.broadcast %add3A_2892 : i32 to vector<16xi32>
      %add3A_2894 = arith.addi %iota3A, %add3A_2893 : vector<16xi32>
      %lt3A_2895 = arith.constant 6 : i32
      %lt3A_2896 = vector.broadcast %lt3A_2895 : i32 to vector<16xi32>
      %lt3A_2897 = arith.cmpi slt, %iota3A, %lt3A_2896 : vector<16xi32>
      %add3A_2898 = arith.constant 2 : i32
      %add3A_2899 = vector.broadcast %add3A_2898 : i32 to vector<16xi32>
      %add3A_2900 = arith.addi %iota3A, %add3A_2899 : vector<16xi32>
      %lt3A_2901 = arith.constant 9 : i32
      %lt3A_2902 = vector.broadcast %lt3A_2901 : i32 to vector<16xi32>
      %lt3A_2903 = arith.cmpi slt, %iota3A, %lt3A_2902 : vector<16xi32>
      %sub3A_2904 = arith.constant 1 : i32
      %sub3A_2905 = vector.broadcast %sub3A_2904 : i32 to vector<16xi32>
      %sub3A_2906 = arith.subi %iota3A, %sub3A_2905 : vector<16xi32>
      %lt3A_2907 = arith.constant 11 : i32
      %lt3A_2908 = vector.broadcast %lt3A_2907 : i32 to vector<16xi32>
      %lt3A_2909 = arith.cmpi slt, %iota3A, %lt3A_2908 : vector<16xi32>
      %sub3A_2910 = arith.constant 3 : i32
      %sub3A_2911 = vector.broadcast %sub3A_2910 : i32 to vector<16xi32>
      %sub3A_2912 = arith.subi %iota3A, %sub3A_2911 : vector<16xi32>
      %lt3A_2913 = arith.constant 12 : i32
      %lt3A_2914 = vector.broadcast %lt3A_2913 : i32 to vector<16xi32>
      %lt3A_2915 = arith.cmpi slt, %iota3A, %lt3A_2914 : vector<16xi32>
      %sub3A_2916 = arith.constant 4 : i32
      %sub3A_2917 = vector.broadcast %sub3A_2916 : i32 to vector<16xi32>
      %sub3A_2918 = arith.subi %iota3A, %sub3A_2917 : vector<16xi32>
      %jit3A_2919 = arith.constant 0 : i32
      %broadcast_in_dim3A_2920 = vector.broadcast %jit3A_2919 : i32 to vector<16xi32>
      %select_n3A_2921 = arith.select %lt3A_2915, %sub3A_2918, %broadcast_in_dim3A_2920 : vector<16xi1>, vector<16xi32>
      %select_n3A_2922 = arith.select %lt3A_2909, %sub3A_2912, %select_n3A_2921 : vector<16xi1>, vector<16xi32>
      %select_n3A_2923 = arith.select %lt3A_2903, %sub3A_2906, %select_n3A_2922 : vector<16xi1>, vector<16xi32>
      %select_n3A_2924 = arith.select %lt3A_2897, %add3A_2900, %select_n3A_2923 : vector<16xi1>, vector<16xi32>
      %select_n3A_2925 = arith.select %lt3A_2891, %add3A_2894, %select_n3A_2924 : vector<16xi1>, vector<16xi32>
      %gather3A_2926 = tpu.vector_load_idx %arg13[%select_n3A_2841] : memref<16xf32, #tpu.memory_space<vmem>>[vector<16xi32>], vector<16xf32>,
      %gather3A_2927 = tpu.vector_load_idx %arg13[%add3A_2856] : memref<16xf32, #tpu.memory_space<vmem>>[vector<16xi32>], vector<16xf32>,
      %add3A_2928 = arith.addf %gather3A_2926, %gather3A_2927 : vector<16xf32>
      %gather3A_2929 = tpu.vector_load_idx %arg13[%select_n3A_2888] : memref<16xf32, #tpu.memory_space<vmem>>[vector<16xi32>], vector<16xf32>,
      %gather3A_2930 = tpu.vector_load_idx %arg13[%select_n3A_2925] : memref<16xf32, #tpu.memory_space<vmem>>[vector<16xi32>], vector<16xf32>,
      %add3A_2931 = arith.addf %gather3A_2929, %gather3A_2930 : vector<16xf32>
      %bitcast_convert_type3A = tpu.bitcast %add3A_2928 : vector<16xf32> -> vector<16xi32>
      %shift_right_arithmetic3A = arith.constant 1 : i32
      %shift_right_arithmetic3A_2932 = vector.broadcast %shift_right_arithmetic3A : i32 to vector<16xi32>
      %shift_right_arithmetic3A_2933 = arith.shrsi %bitcast_convert_type3A, %shift_right_arithmetic3A_2932 : vector<16xi32>
      %sub3A_2934 = arith.constant 1597463007 : i32
      %sub3A_2935 = vector.broadcast %sub3A_2934 : i32 to vector<16xi32>
      %sub3A_2936 = arith.subi %sub3A_2935, %shift_right_arithmetic3A_2933 : vector<16xi32>
      %bitcast_convert_type3A_2937 = tpu.bitcast %sub3A_2936 : vector<16xi32> -> vector<16xf32>
      %mul3A_2938 = arith.constant 5.000000e-01 : f32
      %mul3A_2939 = vector.broadcast %mul3A_2938 : f32 to vector<16xf32>
      %mul3A_2940 = arith.mulf %mul3A_2939, %add3A_2928 : vector<16xf32>
      %mul3A_2941 = arith.mulf %mul3A_2940, %bitcast_convert_type3A_2937 : vector<16xf32>
      %mul3A_2942 = arith.mulf %mul3A_2941, %bitcast_convert_type3A_2937 : vector<16xf32>
      %sub3A_2943 = arith.constant 1.500000e+00 : f32
      %sub3A_2944 = vector.broadcast %sub3A_2943 : f32 to vector<16xf32>
      %sub3A_2945 = arith.subf %sub3A_2944, %mul3A_2942 : vector<16xf32>
      %mul3A_2946 = arith.mulf %bitcast_convert_type3A_2937, %sub3A_2945 : vector<16xf32>
      %mul3A_2947 = arith.constant 5.000000e-01 : f32
      %mul3A_2948 = vector.broadcast %mul3A_2947 : f32 to vector<16xf32>
      %mul3A_2949 = arith.mulf %mul3A_2948, %add3A_2928 : vector<16xf32>
      %mul3A_2950 = arith.mulf %mul3A_2949, %mul3A_2946 : vector<16xf32>
      %mul3A_2951 = arith.mulf %mul3A_2950, %mul3A_2946 : vector<16xf32>
      %sub3A_2952 = arith.constant 1.500000e+00 : f32
      %sub3A_2953 = vector.broadcast %sub3A_2952 : f32 to vector<16xf32>
      %sub3A_2954 = arith.subf %sub3A_2953, %mul3A_2951 : vector<16xf32>
      %mul3A_2955 = arith.mulf %mul3A_2946, %sub3A_2954 : vector<16xf32>
      %mul3A_2956 = arith.constant 5.000000e-01 : f32
      %mul3A_2957 = vector.broadcast %mul3A_2956 : f32 to vector<16xf32>
      %mul3A_2958 = arith.mulf %mul3A_2957, %add3A_2928 : vector<16xf32>
      %mul3A_2959 = arith.mulf %mul3A_2958, %mul3A_2955 : vector<16xf32>
      %mul3A_2960 = arith.mulf %mul3A_2959, %mul3A_2955 : vector<16xf32>
      %sub3A_2961 = arith.constant 1.500000e+00 : f32
      %sub3A_2962 = vector.broadcast %sub3A_2961 : f32 to vector<16xf32>
      %sub3A_2963 = arith.subf %sub3A_2962, %mul3A_2960 : vector<16xf32>
      %mul3A_2964 = arith.mulf %mul3A_2955, %sub3A_2963 : vector<16xf32>
      %mul3A_2965 = arith.mulf %add3A_2928, %mul3A_2964 : vector<16xf32>
      %sub3A_2966 = arith.constant 3.000000e+00 : f32
      %sub3A_2967 = vector.broadcast %sub3A_2966 : f32 to vector<16xf32>
      %sub3A_2968 = arith.subf %sub3A_2967, %mul3A_2965 : vector<16xf32>
      %max3A = arith.constant 0.000000e+00 : f32
      %max3A_2969 = vector.broadcast %max3A : f32 to vector<16xf32>
      %max3A_2970 = arith.maximumf %sub3A_2968, %max3A_2969 : vector<16xf32>
      %bitcast_convert_type3A_2971 = tpu.bitcast %add3A_2931 : vector<16xf32> -> vector<16xi32>
      %shift_right_arithmetic3A_2972 = arith.constant 1 : i32
      %shift_right_arithmetic3A_2973 = vector.broadcast %shift_right_arithmetic3A_2972 : i32 to vector<16xi32>
      %shift_right_arithmetic3A_2974 = arith.shrsi %bitcast_convert_type3A_2971, %shift_right_arithmetic3A_2973 : vector<16xi32>
      %sub3A_2975 = arith.constant 1597463007 : i32
      %sub3A_2976 = vector.broadcast %sub3A_2975 : i32 to vector<16xi32>
      %sub3A_2977 = arith.subi %sub3A_2976, %shift_right_arithmetic3A_2974 : vector<16xi32>
      %bitcast_convert_type3A_2978 = tpu.bitcast %sub3A_2977 : vector<16xi32> -> vector<16xf32>
      %mul3A_2979 = arith.constant 5.000000e-01 : f32
      %mul3A_2980 = vector.broadcast %mul3A_2979 : f32 to vector<16xf32>
      %mul3A_2981 = arith.mulf %mul3A_2980, %add3A_2931 : vector<16xf32>
      %mul3A_2982 = arith.mulf %mul3A_2981, %bitcast_convert_type3A_2978 : vector<16xf32>
      %mul3A_2983 = arith.mulf %mul3A_2982, %bitcast_convert_type3A_2978 : vector<16xf32>
      %sub3A_2984 = arith.constant 1.500000e+00 : f32
      %sub3A_2985 = vector.broadcast %sub3A_2984 : f32 to vector<16xf32>
      %sub3A_2986 = arith.subf %sub3A_2985, %mul3A_2983 : vector<16xf32>
      %mul3A_2987 = arith.mulf %bitcast_convert_type3A_2978, %sub3A_2986 : vector<16xf32>
      %mul3A_2988 = arith.constant 5.000000e-01 : f32
      %mul3A_2989 = vector.broadcast %mul3A_2988 : f32 to vector<16xf32>
      %mul3A_2990 = arith.mulf %mul3A_2989, %add3A_2931 : vector<16xf32>
      %mul3A_2991 = arith.mulf %mul3A_2990, %mul3A_2987 : vector<16xf32>
      %mul3A_2992 = arith.mulf %mul3A_2991, %mul3A_2987 : vector<16xf32>
      %sub3A_2993 = arith.constant 1.500000e+00 : f32
      %sub3A_2994 = vector.broadcast %sub3A_2993 : f32 to vector<16xf32>
      %sub3A_2995 = arith.subf %sub3A_2994, %mul3A_2992 : vector<16xf32>
      %mul3A_2996 = arith.mulf %mul3A_2987, %sub3A_2995 : vector<16xf32>
      %mul3A_2997 = arith.constant 5.000000e-01 : f32
      %mul3A_2998 = vector.broadcast %mul3A_2997 : f32 to vector<16xf32>
      %mul3A_2999 = arith.mulf %mul3A_2998, %add3A_2931 : vector<16xf32>
      %mul3A_3000 = arith.mulf %mul3A_2999, %mul3A_2996 : vector<16xf32>
      %mul3A_3001 = arith.mulf %mul3A_3000, %mul3A_2996 : vector<16xf32>
      %sub3A_3002 = arith.constant 1.500000e+00 : f32
      %sub3A_3003 = vector.broadcast %sub3A_3002 : f32 to vector<16xf32>
      %sub3A_3004 = arith.subf %sub3A_3003, %mul3A_3001 : vector<16xf32>
      %mul3A_3005 = arith.mulf %mul3A_2996, %sub3A_3004 : vector<16xf32>
      %mul3A_3006 = arith.mulf %add3A_2931, %mul3A_3005 : vector<16xf32>
      %sub3A_3007 = arith.constant 3.000000e+00 : f32
      %sub3A_3008 = vector.broadcast %sub3A_3007 : f32 to vector<16xf32>
      %sub3A_3009 = arith.subf %sub3A_3008, %mul3A_3006 : vector<16xf32>
      %max3A_3010 = arith.constant 0.000000e+00 : f32
      %max3A_3011 = vector.broadcast %max3A_3010 : f32 to vector<16xf32>
      %max3A_3012 = arith.maximumf %sub3A_3009, %max3A_3011 : vector<16xf32>
      %mul3A_3013 = arith.mulf %max3A_2970, %max3A_2970 : vector<16xf32>
      %add3A_3014 = arith.constant 1.000000e+00 : f32
      %add3A_3015 = vector.broadcast %add3A_3014 : f32 to vector<16xf32>
      %add3A_3016 = arith.addf %mul3A_3013, %add3A_3015 : vector<16xf32>
      %bitcast_convert_type3A_3017 = tpu.bitcast %add3A_3016 : vector<16xf32> -> vector<16xi32>
      %shift_right_arithmetic3A_3018 = arith.constant 23 : i32
      %shift_right_arithmetic3A_3019 = vector.broadcast %shift_right_arithmetic3A_3018 : i32 to vector<16xi32>
      %shift_right_arithmetic3A_3020 = arith.shrsi %bitcast_convert_type3A_3017, %shift_right_arithmetic3A_3019 : vector<16xi32>
      %sub3A_3021 = arith.constant 127 : i32
      %sub3A_3022 = vector.broadcast %sub3A_3021 : i32 to vector<16xi32>
      %sub3A_3023 = arith.subi %shift_right_arithmetic3A_3020, %sub3A_3022 : vector<16xi32>
      %and3A_3024 = arith.constant 8388607 : i32
      %and3A_3025 = vector.broadcast %and3A_3024 : i32 to vector<16xi32>
      %and3A_3026 = arith.andi %bitcast_convert_type3A_3017, %and3A_3025 : vector<16xi32>
      %or3A_3027 = arith.constant 1065353216 : i32
      %or3A_3028 = vector.broadcast %or3A_3027 : i32 to vector<16xi32>
      %or3A_3029 = arith.ori %and3A_3026, %or3A_3028 : vector<16xi32>
      %bitcast_convert_type3A_3030 = tpu.bitcast %or3A_3029 : vector<16xi32> -> vector<16xf32>
      %gt3A = arith.constant 1.41421354 : f32
      %gt3A_3031 = vector.broadcast %gt3A : f32 to vector<16xf32>
      %gt3A_3032 = arith.cmpf ogt, %bitcast_convert_type3A_3030, %gt3A_3031 : vector<16xf32>
      %mul3A_3033 = arith.constant 5.000000e-01 : f32
      %mul3A_3034 = vector.broadcast %mul3A_3033 : f32 to vector<16xf32>
      %mul3A_3035 = arith.mulf %mul3A_3034, %bitcast_convert_type3A_3030 : vector<16xf32>
      %select_n3A_3036 = arith.select %gt3A_3032, %mul3A_3035, %bitcast_convert_type3A_3030 : vector<16xi1>, vector<16xf32>
      %convert_element_type3A_3037 = arith.sitofp %sub3A_3023 : vector<16xi32> to vector<16xf32>
      %jit3A_3038 = arith.constant 1.000000e+00 : f32
      %jit3A_3039 = arith.constant 0.000000e+00 : f32
      %broadcast_in_dim3A_3040 = vector.broadcast %jit3A_3038 : f32 to vector<16xf32>
      %broadcast_in_dim3A_3041 = vector.broadcast %jit3A_3039 : f32 to vector<16xf32>
      %select_n3A_3042 = arith.select %gt3A_3032, %broadcast_in_dim3A_3040, %broadcast_in_dim3A_3041 : vector<16xi1>, vector<16xf32>
      %add3A_3043 = arith.addf %convert_element_type3A_3037, %select_n3A_3042 : vector<16xf32>
      %sub3A_3044 = arith.constant 1.000000e+00 : f32
      %sub3A_3045 = vector.broadcast %sub3A_3044 : f32 to vector<16xf32>
      %sub3A_3046 = arith.subf %select_n3A_3036, %sub3A_3045 : vector<16xf32>
      %add3A_3047 = arith.constant 1.000000e+00 : f32
      %add3A_3048 = vector.broadcast %add3A_3047 : f32 to vector<16xf32>
      %add3A_3049 = arith.addf %select_n3A_3036, %add3A_3048 : vector<16xf32>
      %div3A_3050 = arith.divf %sub3A_3046, %add3A_3049 : vector<16xf32>
      %mul3A_3051 = arith.mulf %div3A_3050, %div3A_3050 : vector<16xf32>
      %div3A_3052 = arith.constant 9.000000e+00 : f32
      %div3A_3053 = vector.broadcast %div3A_3052 : f32 to vector<16xf32>
      %div3A_3054 = arith.divf %mul3A_3051, %div3A_3053 : vector<16xf32>
      %add3A_3055 = arith.constant 0.142857149 : f32
      %add3A_3056 = vector.broadcast %add3A_3055 : f32 to vector<16xf32>
      %add3A_3057 = arith.addf %add3A_3056, %div3A_3054 : vector<16xf32>
      %mul3A_3058 = arith.mulf %mul3A_3051, %add3A_3057 : vector<16xf32>
      %add3A_3059 = arith.constant 2.000000e-01 : f32
      %add3A_3060 = vector.broadcast %add3A_3059 : f32 to vector<16xf32>
      %add3A_3061 = arith.addf %add3A_3060, %mul3A_3058 : vector<16xf32>
      %mul3A_3062 = arith.mulf %mul3A_3051, %add3A_3061 : vector<16xf32>
      %add3A_3063 = arith.constant 0.333333343 : f32
      %add3A_3064 = vector.broadcast %add3A_3063 : f32 to vector<16xf32>
      %add3A_3065 = arith.addf %add3A_3064, %mul3A_3062 : vector<16xf32>
      %mul3A_3066 = arith.mulf %mul3A_3051, %add3A_3065 : vector<16xf32>
      %add3A_3067 = arith.constant 1.000000e+00 : f32
      %add3A_3068 = vector.broadcast %add3A_3067 : f32 to vector<16xf32>
      %add3A_3069 = arith.addf %add3A_3068, %mul3A_3066 : vector<16xf32>
      %mul3A_3070 = arith.constant 0.693147182 : f32
      %mul3A_3071 = vector.broadcast %mul3A_3070 : f32 to vector<16xf32>
      %mul3A_3072 = arith.mulf %add3A_3043, %mul3A_3071 : vector<16xf32>
      %mul3A_3073 = arith.constant 2.000000e+00 : f32
      %mul3A_3074 = vector.broadcast %mul3A_3073 : f32 to vector<16xf32>
      %mul3A_3075 = arith.mulf %mul3A_3074, %div3A_3050 : vector<16xf32>
      %mul3A_3076 = arith.mulf %mul3A_3075, %add3A_3069 : vector<16xf32>
      %add3A_3077 = arith.addf %mul3A_3072, %mul3A_3076 : vector<16xf32>
      %lt3A_3078 = arith.constant 12 : i32
      %lt3A_3079 = vector.broadcast %lt3A_3078 : i32 to vector<16xi32>
      %lt3A_3080 = arith.cmpi slt, %iota3A, %lt3A_3079 : vector<16xi32>
      %mul3A_3081 = arith.mulf %max3A_3012, %max3A_3012 : vector<16xf32>
      %add3A_3082 = arith.constant 1.000000e+00 : f32
      %add3A_3083 = vector.broadcast %add3A_3082 : f32 to vector<16xf32>
      %add3A_3084 = arith.addf %mul3A_3081, %add3A_3083 : vector<16xf32>
      %bitcast_convert_type3A_3085 = tpu.bitcast %add3A_3084 : vector<16xf32> -> vector<16xi32>
      %shift_right_arithmetic3A_3086 = arith.constant 23 : i32
      %shift_right_arithmetic3A_3087 = vector.broadcast %shift_right_arithmetic3A_3086 : i32 to vector<16xi32>
      %shift_right_arithmetic3A_3088 = arith.shrsi %bitcast_convert_type3A_3085, %shift_right_arithmetic3A_3087 : vector<16xi32>
      %sub3A_3089 = arith.constant 127 : i32
      %sub3A_3090 = vector.broadcast %sub3A_3089 : i32 to vector<16xi32>
      %sub3A_3091 = arith.subi %shift_right_arithmetic3A_3088, %sub3A_3090 : vector<16xi32>
      %and3A_3092 = arith.constant 8388607 : i32
      %and3A_3093 = vector.broadcast %and3A_3092 : i32 to vector<16xi32>
      %and3A_3094 = arith.andi %bitcast_convert_type3A_3085, %and3A_3093 : vector<16xi32>
      %or3A_3095 = arith.constant 1065353216 : i32
      %or3A_3096 = vector.broadcast %or3A_3095 : i32 to vector<16xi32>
      %or3A_3097 = arith.ori %and3A_3094, %or3A_3096 : vector<16xi32>
      %bitcast_convert_type3A_3098 = tpu.bitcast %or3A_3097 : vector<16xi32> -> vector<16xf32>
      %gt3A_3099 = arith.constant 1.41421354 : f32
      %gt3A_3100 = vector.broadcast %gt3A_3099 : f32 to vector<16xf32>
      %gt3A_3101 = arith.cmpf ogt, %bitcast_convert_type3A_3098, %gt3A_3100 : vector<16xf32>
      %mul3A_3102 = arith.constant 5.000000e-01 : f32
      %mul3A_3103 = vector.broadcast %mul3A_3102 : f32 to vector<16xf32>
      %mul3A_3104 = arith.mulf %mul3A_3103, %bitcast_convert_type3A_3098 : vector<16xf32>
      %select_n3A_3105 = arith.select %gt3A_3101, %mul3A_3104, %bitcast_convert_type3A_3098 : vector<16xi1>, vector<16xf32>
      %convert_element_type3A_3106 = arith.sitofp %sub3A_3091 : vector<16xi32> to vector<16xf32>
      %jit3A_3107 = arith.constant 1.000000e+00 : f32
      %jit3A_3108 = arith.constant 0.000000e+00 : f32
      %broadcast_in_dim3A_3109 = vector.broadcast %jit3A_3107 : f32 to vector<16xf32>
      %broadcast_in_dim3A_3110 = vector.broadcast %jit3A_3108 : f32 to vector<16xf32>
      %select_n3A_3111 = arith.select %gt3A_3101, %broadcast_in_dim3A_3109, %broadcast_in_dim3A_3110 : vector<16xi1>, vector<16xf32>
      %add3A_3112 = arith.addf %convert_element_type3A_3106, %select_n3A_3111 : vector<16xf32>
      %sub3A_3113 = arith.constant 1.000000e+00 : f32
      %sub3A_3114 = vector.broadcast %sub3A_3113 : f32 to vector<16xf32>
      %sub3A_3115 = arith.subf %select_n3A_3105, %sub3A_3114 : vector<16xf32>
      %add3A_3116 = arith.constant 1.000000e+00 : f32
      %add3A_3117 = vector.broadcast %add3A_3116 : f32 to vector<16xf32>
      %add3A_3118 = arith.addf %select_n3A_3105, %add3A_3117 : vector<16xf32>
      %div3A_3119 = arith.divf %sub3A_3115, %add3A_3118 : vector<16xf32>
      %mul3A_3120 = arith.mulf %div3A_3119, %div3A_3119 : vector<16xf32>
      %div3A_3121 = arith.constant 9.000000e+00 : f32
      %div3A_3122 = vector.broadcast %div3A_3121 : f32 to vector<16xf32>
      %div3A_3123 = arith.divf %mul3A_3120, %div3A_3122 : vector<16xf32>
      %add3A_3124 = arith.constant 0.142857149 : f32
      %add3A_3125 = vector.broadcast %add3A_3124 : f32 to vector<16xf32>
      %add3A_3126 = arith.addf %add3A_3125, %div3A_3123 : vector<16xf32>
      %mul3A_3127 = arith.mulf %mul3A_3120, %add3A_3126 : vector<16xf32>
      %add3A_3128 = arith.constant 2.000000e-01 : f32
      %add3A_3129 = vector.broadcast %add3A_3128 : f32 to vector<16xf32>
      %add3A_3130 = arith.addf %add3A_3129, %mul3A_3127 : vector<16xf32>
      %mul3A_3131 = arith.mulf %mul3A_3120, %add3A_3130 : vector<16xf32>
      %add3A_3132 = arith.constant 0.333333343 : f32
      %add3A_3133 = vector.broadcast %add3A_3132 : f32 to vector<16xf32>
      %add3A_3134 = arith.addf %add3A_3133, %mul3A_3131 : vector<16xf32>
      %mul3A_3135 = arith.mulf %mul3A_3120, %add3A_3134 : vector<16xf32>
      %add3A_3136 = arith.constant 1.000000e+00 : f32
      %add3A_3137 = vector.broadcast %add3A_3136 : f32 to vector<16xf32>
      %add3A_3138 = arith.addf %add3A_3137, %mul3A_3135 : vector<16xf32>
      %mul3A_3139 = arith.constant 0.693147182 : f32
      %mul3A_3140 = vector.broadcast %mul3A_3139 : f32 to vector<16xf32>
      %mul3A_3141 = arith.mulf %add3A_3112, %mul3A_3140 : vector<16xf32>
      %mul3A_3142 = arith.constant 2.000000e+00 : f32
      %mul3A_3143 = vector.broadcast %mul3A_3142 : f32 to vector<16xf32>
      %mul3A_3144 = arith.mulf %mul3A_3143, %div3A_3119 : vector<16xf32>
      %mul3A_3145 = arith.mulf %mul3A_3144, %add3A_3138 : vector<16xf32>
      %add3A_3146 = arith.addf %mul3A_3141, %mul3A_3145 : vector<16xf32>
      %select_n3A_3147 = arith.select %lt3A_3080, %add3A_3146, %broadcast_in_dim3A_74 : vector<16xi1>, vector<16xf32>
      %add3A_3148 = arith.addf %add3A_3077, %select_n3A_3147 : vector<16xf32>
      %swap3A_3149 = arith.constant 0 : index
      %swap3A_3150 = tpu.vector_load %arg9[%swap3A_3149] {strides = array<i32>} : memref<16xf32, #tpu.memory_space<vmem>>, vector<16xf32>,
      tpu.vector_store %arg9[%swap3A_3149], %add3A_3148 {strides = array<i32>} : memref<16xf32, #tpu.memory_space<vmem>>, vector<16xf32>,
      %xor3A_3151 = arith.constant 8 : i32
      %xor3A_3152 = vector.broadcast %xor3A_3151 : i32 to vector<16xi32>
      %xor3A_3153 = arith.xori %iota3A, %xor3A_3152 : vector<16xi32>
      %gather3A_3154 = tpu.vector_load_idx %arg9[%xor3A_3153] : memref<16xf32, #tpu.memory_space<vmem>>[vector<16xi32>], vector<16xf32>,
      %add3A_3155 = arith.addf %add3A_3148, %gather3A_3154 : vector<16xf32>
      %swap3A_3156 = arith.constant 0 : index
      %swap3A_3157 = tpu.vector_load %arg9[%swap3A_3156] {strides = array<i32>} : memref<16xf32, #tpu.memory_space<vmem>>, vector<16xf32>,
      tpu.vector_store %arg9[%swap3A_3156], %add3A_3155 {strides = array<i32>} : memref<16xf32, #tpu.memory_space<vmem>>, vector<16xf32>,
      %xor3A_3158 = arith.constant 4 : i32
      %xor3A_3159 = vector.broadcast %xor3A_3158 : i32 to vector<16xi32>
      %xor3A_3160 = arith.xori %iota3A, %xor3A_3159 : vector<16xi32>
      %gather3A_3161 = tpu.vector_load_idx %arg9[%xor3A_3160] : memref<16xf32, #tpu.memory_space<vmem>>[vector<16xi32>], vector<16xf32>,
      %add3A_3162 = arith.addf %add3A_3155, %gather3A_3161 : vector<16xf32>
      %swap3A_3163 = arith.constant 0 : index
      %swap3A_3164 = tpu.vector_load %arg9[%swap3A_3163] {strides = array<i32>} : memref<16xf32, #tpu.memory_space<vmem>>, vector<16xf32>,
      tpu.vector_store %arg9[%swap3A_3163], %add3A_3162 {strides = array<i32>} : memref<16xf32, #tpu.memory_space<vmem>>, vector<16xf32>,
      %xor3A_3165 = arith.constant 2 : i32
      %xor3A_3166 = vector.broadcast %xor3A_3165 : i32 to vector<16xi32>
      %xor3A_3167 = arith.xori %iota3A, %xor3A_3166 : vector<16xi32>
      %gather3A_3168 = tpu.vector_load_idx %arg9[%xor3A_3167] : memref<16xf32, #tpu.memory_space<vmem>>[vector<16xi32>], vector<16xf32>,
      %add3A_3169 = arith.addf %add3A_3162, %gather3A_3168 : vector<16xf32>
      %swap3A_3170 = arith.constant 0 : index
      %swap3A_3171 = tpu.vector_load %arg9[%swap3A_3170] {strides = array<i32>} : memref<16xf32, #tpu.memory_space<vmem>>, vector<16xf32>,
      tpu.vector_store %arg9[%swap3A_3170], %add3A_3169 {strides = array<i32>} : memref<16xf32, #tpu.memory_space<vmem>>, vector<16xf32>,
      %xor3A_3172 = arith.constant 1 : i32
      %xor3A_3173 = vector.broadcast %xor3A_3172 : i32 to vector<16xi32>
      %xor3A_3174 = arith.xori %iota3A, %xor3A_3173 : vector<16xi32>
      %gather3A_3175 = tpu.vector_load_idx %arg9[%xor3A_3174] : memref<16xf32, #tpu.memory_space<vmem>>[vector<16xi32>], vector<16xf32>,
      %add3A_3176 = arith.addf %add3A_3169, %gather3A_3175 : vector<16xf32>
      %mul3A_3177 = arith.constant 8.750000e-01 : f32
      %mul3A_3178 = vector.broadcast %mul3A_3177 : f32 to vector<16xf32>
      %mul3A_3179 = arith.mulf %add3A_3176, %mul3A_3178 : vector<16xf32>
      %swap3A_3180 = arith.constant 0 : index
      %swap3A_3181 = tpu.vector_load %arg10[%swap3A_3180] {strides = array<i32>} : memref<16xf32, #tpu.memory_space<vmem>>, vector<16xf32>,
      tpu.vector_store %arg10[%swap3A_3180], %mul3A_3179 {strides = array<i32>} : memref<16xf32, #tpu.memory_space<vmem>>, vector<16xf32>,
      "tpu.region"() ({
        %run_scoped3A = tpu.sem_alloc : memref<!tpu.dma_semaphore, #tpu.memory_space<semaphore_mem>>
        tpu.enqueue_dma source(%arg10 : memref<16xf32, #tpu.memory_space<vmem>>) target(%arg5 : memref<16xf32, #tpu.memory_space<hbm>>) target_semaphore(%run_scoped3A : memref<!tpu.dma_semaphore, #tpu.memory_space<semaphore_mem>>)
        tpu.wait_dma2 semaphore(%run_scoped3A : memref<!tpu.dma_semaphore, #tpu.memory_space<semaphore_mem>>) src(%arg10 : memref<16xf32, #tpu.memory_space<vmem>>) dst(%arg5 : memref<16xf32, #tpu.memory_space<hbm>>)
        tpu.yield
      }) : () -> ()
    } else {
    }
    return
  }
}

</mosaic_0001>

<sc_bundles>
// kernel: kernel.3.cloned.1.call-start
scs
__scs_entry_jumppad:
0x0: {  	(pc) =	sbr.rel $0x88, $3  }
0x1: {  	(tag) =	ssettag $0x0;
	lr =	simm.s32 $0x1  }
0x2: {  	[smem:$0x3F9F] =	sst lr;
	_ =	strace $0xD0000000  }
0x3: {  	_ = 	snop  }
0x4: {  	_ = 	snop  }
0x5: {  	_ = 	snop  }
0x6: {  	_ = 	snop  }
0x7: {  	_ = 	snop  }
__scs_overlays_trampoline_lowered:
0x8: {  	[smem:$0x3FAE] =	sst s0  }
0x9: {  	[smem:$0x3FAF] =	sst s1  }
0xa: {  	[smem:$0x3FB0] =	sst s2  }
0xb: {  	[smem:$0x3FB1] =	sst s3  }
0xc: {  	[smem:$0x3FB2] =	sst s4  }
0xd: {  	[smem:$0x3FB3] =	sst s5  }
0xe: {  	[smem:$0x3FB4] =	sst s6  }
0xf: {  	[smem:$0x3FB5] =	sst s7  }
0x10: {  	[smem:$0x3FB6] =	sst s8  }
0x11: {  	[smem:$0x3FB7] =	sst s9;
	s0 =	simm.s32 @!p0 $0x0  }
0x12: {  	s1 =	sld [smem:$0x3F9D];
	s0 =	simm.s32 @p0 $0x1  }
0x13: {  	[smem:$0x3FB8] =	sst s0;
	s0 =	simm.s32 @!p1 $0x0  }
0x14: {  	s2 =	sld [smem:$0x3F9C];
	s0 =	simm.s32 @p1 $0x1  }
0x15: {  	[smem:$0x3FB9] =	sst s0;
	s0 =	simm.s32 @!p2 $0x0  }
0x16: {  	s3 =	sld [smem:$0x3FDB];
	s0 =	simm.s32 @p2 $0x1  }
0x17: {  	s4 =	simm.s32 $0x1BF5;
	[smem:$0x3FBB] =	sst s0  }
0x18: {  	s0 =	sld [smem:$0x3F9E];
	_ =	swait.ge [sflag:s4], $0x0  }
0x19: {  	s7 =	sld [smem:$0x3F9F]  }
0x1a: {  	s8 =	sadd.s32 $0xFFFFE003, lr  }
0x1b: {  	s9 =	sadd.s32 $0xFFFFFEF7, lr;
	s5 =	simm.s32 $0xFFFFFFFF;
	p2 =	slt.u32 s8, $0xFFFFF086  }
0x1c: {  	p1 =	slt.u32 s9, $0xF7A;
	s5 =	simm.s32 @!p2 $0x0  }
0x1d: {  	s5 =	simm.s32 @p1 $0x1;
	p0 =	seq.s32 s7, s2  }
0x1e: {  	s7 =	smul.u32 @!p0 $0xF7A, s2;
	p2 =	seq.s32 @!p0 s5, $0x0  }
0x1f: {  	s9 =	smul.u32 $0xF7A, s1;
	s8 =	simm.s32 @!p0 $0x1BF5;
	p2 =	por !p2, p0  }
0x20: {  	[sflag:s8] =	ssyncset.s32 @!p0 $0xFFFFF086;
	s6 =	sadd.s32 @!p0 s3, s7;
	s7 =	simm.s32 @!p0 $0x108  }
0x21: {  	s3 =	sadd.s32 s3, s9;
	s6 =	sadd.s32 @!p0 $0x88, s6;
	s7 =	simm.s32 @p2 $0x1082  }
0x22: {  	[simem:s7], [sflag:s8] =	dma.local @!p0 [hbm:s6], $0xF7A  }
0x23: {  	s9 =	sor.u32 $0xD0000000, s2;
	s6 =	simm.s32 $0x108;
	_ =	swait.ge @!p0 [sflag:s8], $0x0  }
0x24: {  	s3 =	sadd.s32 $0x88, s3;
	s6 =	simm.s32 @!p1 $0x1082;
	[sflag:s4] =	ssyncset.s32 $0xFFFFF086  }
0x25: {  	[simem:s6], [sflag:s4] =	dma.local [hbm:s3], $0xF7A  }
0x26: {  	[smem:$0x3F9F] =	sst s1;
	(tag) =	ssettag s2;
	_ =	strace s9  }
0x27: {  	s1 =	sld [smem:$0x3FAF]  }
0x28: {  	s2 =	sld [smem:$0x3FB0]  }
0x29: {  	s4 =	sld [smem:$0x3FB2]  }
0x2a: {  	p0 =	seq.s32 s5, $0x0;
	s5 =	sld [smem:$0x3FB3]  }
0x2b: {  	s6 =	sld [smem:$0x3FB4]  }
0x2c: {  	s7 =	sld [smem:$0x3FB5]  }
0x2d: {  	s3 =	simm.s32 $0x108;
	s8 =	sld [smem:$0x3FB6]  }
0x2e: {  	s3 =	simm.s32 @!p0 $0x1082;
	s9 =	sld [smem:$0x3FB7]  }
0x2f: {  	lr =	sadd.s32 s0, s3;
	s0 =	sld [smem:$0x3FAE]  }
0x30: {  	s3 =	sld [smem:$0x3FB1]  }
0x31: {  	[smem:$0x3FBA] =	sst s10  }
0x32: {  	s10 =	sld [smem:$0x3FB8];
	_ =	sdelay $0x3  }
0x33: {  	p0 =	seq.s32 s10, $0x1;
	s10 =	sld [smem:$0x3FBA];
	_ =	sdelay $0x3  }
0x34: {  	[smem:$0x3FBA] =	sst s10  }
0x35: {  	s10 =	sld [smem:$0x3FB9];
	_ =	sdelay $0x3  }
0x36: {  	p1 =	seq.s32 s10, $0x1;
	s10 =	sld [smem:$0x3FBA];
	_ =	sdelay $0x3  }
0x37: {  	[smem:$0x3FBA] =	sst s10  }
0x38: {  	s10 =	sld [smem:$0x3FBB]  }
0x39: {  	_ = 	snop;
	(pc) =	sbr.ind lr, $3  }
0x3a: {  	_ = 	snop  }
0x3b: {  	_ = 	snop  }
0x3c: {  	p2 =	seq.s32 s10, $0x1;
	s10 =	sld [smem:$0x3FBA]  }
0x3d: {  	_ =	shalt  }
0x3e: {  	_ =	shalt  }
0x3f: {  	_ =	shalt  }
0x40: {  	_ =	shalt  }
0x41: {  	_ =	shalt  }
0x42: {  	_ =	shalt  }
0x43: {  	_ =	shalt  }
0x44: {  	_ =	shalt  }
0x45: {  	_ =	shalt  }
0x46: {  	_ =	shalt  }
0x47: {  	_ =	shalt  }
0x48: {  	_ =	shalt  }
0x49: {  	_ =	shalt  }
0x4a: {  	_ =	shalt  }
0x4b: {  	_ =	shalt  }
0x4c: {  	_ =	shalt  }
0x4d: {  	_ =	shalt  }
0x4e: {  	_ =	shalt  }
0x4f: {  	_ =	shalt  }
0x50: {  	_ =	shalt  }
0x51: {  	_ =	shalt  }
0x52: {  	_ =	shalt  }
0x53: {  	_ =	shalt  }
0x54: {  	_ =	shalt  }
0x55: {  	_ =	shalt  }
0x56: {  	_ =	shalt  }
0x57: {  	_ =	shalt  }
0x58: {  	_ =	shalt  }
0x59: {  	_ =	shalt  }
0x5a: {  	_ =	shalt  }
0x5b: {  	_ =	shalt  }
0x5c: {  	_ =	shalt  }
0x5d: {  	_ =	shalt  }
0x5e: {  	_ =	shalt  }
0x5f: {  	_ =	shalt  }
0x60: {  	_ =	shalt  }
0x61: {  	_ =	shalt  }
0x62: {  	_ =	shalt  }
0x63: {  	_ =	shalt  }
0x64: {  	_ =	shalt  }
0x65: {  	_ =	shalt  }
0x66: {  	_ =	shalt  }
0x67: {  	_ =	shalt  }
0x68: {  	_ =	shalt  }
0x69: {  	_ =	shalt  }
0x6a: {  	_ =	shalt  }
0x6b: {  	_ =	shalt  }
0x6c: {  	_ =	shalt  }
0x6d: {  	_ =	shalt  }
0x6e: {  	_ =	shalt  }
0x6f: {  	_ =	shalt  }
0x70: {  	_ =	shalt  }
0x71: {  	_ =	shalt  }
0x72: {  	_ =	shalt  }
0x73: {  	_ =	shalt  }
0x74: {  	_ =	shalt  }
0x75: {  	_ =	shalt  }
0x76: {  	_ =	shalt  }
0x77: {  	_ =	shalt  }
0x78: {  	_ =	shalt  }
0x79: {  	_ =	shalt  }
0x7a: {  	_ =	shalt  }
0x7b: {  	_ =	shalt  }
0x7c: {  	_ =	shalt  }
0x7d: {  	_ =	shalt  }
0x7e: {  	_ =	shalt  }
0x7f: {  	_ =	shalt  }
0x80: {  	_ =	shalt  }
0x81: {  	_ =	shalt  }
0x82: {  	_ =	shalt  }
0x83: {  	_ =	shalt  }
0x84: {  	_ =	shalt  }
0x85: {  	_ =	shalt  }
0x86: {  	_ =	shalt  }
0x87: {  	_ =	shalt  }
.Lfunc_end0:
.L_simem_size_0:
called_computation_lowered:
.L_overlay_start_0:
0x88: {  	s0 =	sld [smem:$0x3FD9]  }
0x89: {  	s1 =	sld [smem:$0x3FFE];
	_ =	sdelay $0x3  }
0x8a: {  	s0 =	sadd.s32 s1, s0  }
0x8b: {  	[smem:$0x3FC6] =	sst s0  }
0x8c: {  	_ = 	snop  }
0x8d: {  	s0 =	sld [smem:$0x3FD0];
	(tm) =	ssettm $0x1  }
0x8e: {  	s16 =	sld [smem:$0x3FFB];
	_ =	sdelay $0x3  }
0x8f: {  	_ =	strace s16  }
0x90: {  	s1 =	sld [smem:$0x3FFC];
	_ =	sdelay $0x3  }
0x91: {  	_ =	strace s1  }
0x92: {  	s1 =	sld [smem:$0x3FFD];
	_ =	sdelay $0x3  }
0x93: {  	_ =	strace s1  }
0x94: {  	_ =	strace $0x8FFFFFFF  }
0x95: {  	s17 =	sld [smem:$0x3FDB];
	_ =	sdelay $0x1  }
0x96: {  	s2 =	simm.s32 $_scs_section_size  }
0x97: {  	s3 =	simm.s32 $_size__tile_overlayer_lowered;
	s4 =	simm.s32 $_tile_overlayer_lowered  }
0x98: {  	s20 =	simm.s32 $0x1BFF;
	s19 =	sshll.u32 s4, $0x1;
	s1 =	sadd.s32 s2, s17  }
0x99: {  	s5 =	simm.s32 $0x0;
	s18 =	sshll.u32 s3, $0x1;
	s3 =	sadd.s32 s19, s1  }
0x9a: {  	[timem:s5], [sflag:s20] =	dma.local [hbm:s3], s18  }
0x9b: {  	_ =	swait.ge [sflag:s20], s18  }
0x9c: {  	s2 =	ssub.s32 $0x0, s18;
	[sflag:s20] =	ssyncset.done $0x0  }
0x9d: {  	[sflag:s20] =	ssyncadd.s32 s2;
	_ =	sdelay $0x1  }
0x9e: {  	s21 =	simm.s32 $0x1B8B  }
0x9f: {  	_ =	swait.ge [sflag:s21], $0x1  }
0xa0: {  	[sflag:s21] =	ssyncset.done $0x0  }
0xa1: {  	s23 =	simm.s32 $0x1B8E;
	s22 =	sld [smem:$0x3FFE];
	[sflag:s21] =	ssyncadd.s32 $0xFFFFFFFF  }
0xa2: {  	s24 =	simm.s32 $execute0_lowered;
	[smem:$0x3FD2] =	sst s23  }
0xa3: {  	s3 =	sshll.u32 s24, $0x1;
	_ =	strace $0x80000046;
	[dreg:$0x1] =	wrdreg $0xFFFFFFFF  }
0xa4: {  	s25 =	simm.s32 $_size_execute0_lowered;
	s1 =	sadd.s32 s1, s3;
	[dreg:$0x0] =	wrdreg $0x0  }
0xa5: {  	s3 =	sshll.u32 s25, $0x1;
	[dreg:$0x2] =	wrdreg s1  }
0xa6: {  	[dreg:$0x3] =	wrdreg s3  }
0xa7: {  	[dreg:$0x4] =	wrdreg $0xC0  }
0xa8: {  	_ =	task [dreg:s5], $0x5FFFF  }
0xa9: {  	[dreg:$0x1] =	wrdreg $0xFFFFFFFF  }
0xaa: {  	[dreg:$0x0] =	wrdreg $0x60  }
0xab: {  	[dreg:$0x2] =	wrdreg s22  }
0xac: {  	[dreg:$0x3] =	wrdreg s0  }
0xad: {  	[dreg:$0x4] =	wrdreg $0x9  }
0xae: {  	_ =	task.clear_ibuf [dreg:s5], $0x5FFFF;
	_ =	strace $0x90000046  }
0xaf: {  	s26 =	simm.s32 $0x9;
	_ =	strace $0x80000048  }
0xb0: {  	_ =	swait.ge [sflag:s26], $0x1  }
0xb1: {  	[sflag:s26] =	ssyncadd.s32 $0xFFFFFFFF  }
0xb2: {  	_ =	strace $0x90000048  }
0xb3: {  	_ =	sfence  }
0xb4: {  	s28 =	sld [smem:$0x0];
	_ =	sdelay $0x1  }
0xb5: {  	s29 =	srdreg.scid  }
0xb6: {  	s30 =	sshll.u32 s29, $0xD;
	s31 =	sshrl.u32 s29, $0x2  }
0xb7: {  	s2 =	sand.u32 $0x4000, s30;
	s1 =	sand.u32 $0x1, s29;
	s0 =	sadd.s32 s31, s28  }
0xb8: {  	s1 =	sor.u32 s2, s1;
	s0 =	sshll.u32 s0, $0x11  }
0xb9: {  	s0 =	sor.u32 s0, s1  }
0xba: {  	s0 =	sadd.s32 $0x8F2B, s0  }
0xbb: {  	[sflag:s0] =	ssyncadd.remote.s32 $0x1  }
0xbc: {  	_ =	sfence.sel $0xFFFF  }
0xbd: {  	[dreg:$0x0] =	wrdreg $0xFFFFFFFF;
	(pc) =	sbr.abs _section_cstart, $3  }
0xbe: {  	[dreg:$0x1] =	wrdreg $0xFFFFFFFF  }
0xbf: {  	_ =	task.clear_ibuf [dreg:s5], $0x2FFFF;
	_ =	strace $0x9FFFFFFF  }
0xc0: {  	(tm) =	ssettm $0x7FFFFFFF  }
0xc1: {  	_ =	shalt  }
tec
execute0_lowered:
.L_overlay_start_1:
0x0: {  	(tag) =	ssettag $0x1  }
0x1: {  	s3 =	stileid.u32  }
0x2: {  	s0 =	sshll.u32 s3, $0xE;
	s1 =	sshll.u32 s3, $0x6  }
0x3: {  	s0 =	sor.u32 s0, s1  }
0x4: {  	s2 =	sshll.u32 s3, $0x13;
	s0 =	sand.u32 $0x20180, s0  }
0x5: {  	s4 =	rddreg [dreg:$0x0];
	s5 =	sand.u32 $0x80000, s2;
	s6 =	sor.u32 $0x8020, s0  }
0x6: {  	s1 =	rddreg [dreg:$0x1];
	s2 =	simm.s32 $0x0;
	s5 =	sor.u32 s5, s6  }
0x7: {  	s7 =	simm.s32 $0x28;
	[smem:$0x7FF] =	sst s2;
	s5 =	sshrl.u32 s5, $0x3  }
0x8: {  	s8 =	simm.s32 $0x200;
	s0 =	rddreg [dreg:$0x2];
	s5 =	sadd.s32 s5, s4  }
0x9: {  	_ =	strace $0x80000047;
	s6 =	sshrl.u32 s6, $0x3;
	s5 =	sadd.s32 $0x8800, s5  }
0xa: {  	[tilespmem:s2], [sflag:$0x1] =	stream.strided.gather [hbm4b:s5+s7], $0x640, s8, s7, $0x38;
	[tilespmem:$0x1400] =	vst v63  }
0xb: {  	s9 =	simm.s32 $0x640;
	s6 =	sadd.s32 s6, s4;
	s5 =	sadd.s32 $0x8000, s5  }
0xc: {  	[tilespmem:s9], [sflag:$0x1] =	stream.strided.gather [hbm4b:s5+s7], $0x640, s8, s7, $0x38;
	[tilespmem:$0x1400] =	vst v63  }
0xd: {  	s29 =	simm.s32 $0xC80;
	s28 =	sadd.s32 $0x800, s6;
	s5 =	simm.s32 $0x1  }
0xe: {  	[tilespmem:s29], [sflag:$0x1] =	stream.strided.gather [hbm4b:s28+s7], $0x640, s8, s7, $0x38;
	[tilespmem:$0x1400] =	vst v63  }
0xf: {  	_ =	swait.ge [sflag:s5], $0x640  }
0x10: {  	[sflag:s5] =	ssyncset.done $0x0  }
0x11: {  	[sflag:s5] =	ssyncadd.s32 $0xFFFFF9C0  }
0x12: {  	_ =	swait.ge [sflag:s5], $0x640  }
0x13: {  	[sflag:s5] =	ssyncset.done $0x0  }
0x14: {  	[sflag:s5] =	ssyncadd.s32 $0xFFFFF9C0  }
0x15: {  	_ =	swait.ge [sflag:s5], $0x640  }
0x16: {  	[sflag:s5] =	ssyncset.done $0x0  }
0x17: {  	[sflag:s5] =	ssyncadd.s32 $0xFFFFF9C0  }
0x18: {  	v1 =	vld [tilespmem:$0xC80]  }
0x19: {  	v5 =	vld [tilespmem:$0xC90]  }
0x1a: {  	v4 =	vld [tilespmem:$0xC98]  }
0x1b: {  	v7 =	vld [tilespmem:$0x0]  }
0x1c: {  	v6 =	vld [tilespmem:$0x10]  }
0x1d: {  	v10 =	vld [tilespmem:$0x18]  }
0x1e: {  	v11 =	vld [tilespmem:$0x640]  }
0x1f: {  	v14 =	vld [tilespmem:$0x650]  }
0x20: {  	v15 =	vld [tilespmem:$0x658]  }
0x21: {  	v0 =	vld [tilespmem:$0xCA8]  }
0x22: {  	v2 =	vld [tilespmem:$0xCB8]  }
0x23: {  	v3 =	vld [tilespmem:$0xCC0]  }
0x24: {  	v8 =	vld [tilespmem:$0x28]  }
0x25: {  	v9 =	vld [tilespmem:$0x38]  }
0x26: {  	v12 =	vld [tilespmem:$0x40]  }
0x27: {  	v13 =	vld [tilespmem:$0x668]  }
0x28: {  	v16 =	vld [tilespmem:$0x678]  }
0x29: {  	v17 =	vld [tilespmem:$0x680]  }
0x2a: {  	v20 =	vld [tilespmem:$0xCD0]  }
0x2b: {  	v18 =	vld [tilespmem:$0xCE0]  }
0x2c: {  	v19 =	vld [tilespmem:$0xCE8]  }
0x2d: {  	v63 =	vld [tilespmem:$0x50]  }
0x2e: {  	v21 =	vld [tilespmem:$0x60]  }
0x2f: {  	v27 =	vld [tilespmem:$0x68]  }
0x30: {  	v25 =	vld [tilespmem:$0x690]  }
0x31: {  	v62 =	vld [tilespmem:$0x6A0]  }
0x32: {  	v53 =	vld [tilespmem:$0xD98]  }
0x33: {  	v37 =	vld [tilespmem:$0x6A8]  }
0x34: {  	v60 =	vld [tilespmem:$0xCF8]  }
0x35: {  	v58 =	vld [tilespmem:$0xD08]  }
0x36: {  	v61 =	vld [tilespmem:$0xD10]  }
0x37: {  	[tilespmem:$0x1FA00] =	vst v53;
	v53 =	vld [tilespmem:$0xDA8]  }
0x38: {  	v59 =	vld [tilespmem:$0x78]  }
0x39: {  	v56 =	vld [tilespmem:$0x88]  }
0x3a: {  	v57 =	vld [tilespmem:$0x90]  }
0x3b: {  	v48 =	vld [tilespmem:$0x6B8]  }
0x3c: {  	[tilespmem:$0x1FA20] =	vst v53;
	v53 =	vld [tilespmem:$0xDB0]  }
0x3d: {  	v31 =	vld [tilespmem:$0x6C8]  }
0x3e: {  	v39 =	vld [tilespmem:$0x6D0]  }
0x3f: {  	v50 =	vld [tilespmem:$0xD20]  }
0x40: {  	v54 =	vld [tilespmem:$0xD30]  }
0x41: {  	[tilespmem:$0x1FA10] =	vst v53;
	v53 =	vld [tilespmem:$0x118]  }
0x42: {  	v55 =	vld [tilespmem:$0xD38]  }
0x43: {  	v45 =	vld [tilespmem:$0xA0]  }
0x44: {  	v49 =	vld [tilespmem:$0xB0]  }
0x45: {  	v44 =	vld [tilespmem:$0xB8]  }
0x46: {  	[tilespmem:$0x1FA30] =	vst v53;
	v53 =	vld [tilespmem:$0x128]  }
0x47: {  	v42 =	vld [tilespmem:$0x6E0]  }
0x48: {  	v43 =	vld [tilespmem:$0x6F0]  }
0x49: {  	v41 =	vld [tilespmem:$0x6F8]  }
0x4a: {  	v34 =	vld [tilespmem:$0xD48]  }
0x4b: {  	[tilespmem:$0x1FA40] =	vst v53;
	v53 =	vld [tilespmem:$0x130]  }
0x4c: {  	v32 =	vld [tilespmem:$0xD58]  }
0x4d: {  	v38 =	vld [tilespmem:$0xD60]  }
0x4e: {  	v33 =	vld [tilespmem:$0xC8]  }
0x4f: {  	v29 =	vld [tilespmem:$0xD8]  }
0x50: {  	[tilespmem:$0x1FA50] =	vst v53;
	v53 =	vld [tilespmem:$0x758]  }
0x51: {  	v30 =	vld [tilespmem:$0xE0]  }
0x52: {  	v28 =	vld [tilespmem:$0x708]  }
0x53: {  	v22 =	vld [tilespmem:$0x718]  }
0x54: {  	v26 =	vld [tilespmem:$0x720]  }
0x55: {  	[tilespmem:$0x1FA60] =	vst v53;
	v53 =	vld [tilespmem:$0x768]  }
0x56: {  	v35 =	vld [tilespmem:$0xD70]  }
0x57: {  	v23 =	vld [tilespmem:$0xD80]  }
0x58: {  	v24 =	vld [tilespmem:$0xD88]  }
0x59: {  	v36 =	vld [tilespmem:$0xF0]  }
0x5a: {  	[tilespmem:$0x1FA70] =	vst v53;
	v53 =	vld [tilespmem:$0x770]  }
0x5b: {  	v40 =	vld [tilespmem:$0x100]  }
0x5c: {  	v46 =	vld [tilespmem:$0x108]  }
0x5d: {  	v47 =	vld [tilespmem:$0x730]  }
0x5e: {  	v51 =	vld [tilespmem:$0x740]  }
0x5f: {  	v52 =	vld [tilespmem:$0x748];
	[tilespmem:$0x1FA80] =	vst v53  }
0x60: {  	v53 =	vld [tilespmem:$0xDC0];
	_ =	sdelay $0x4  }
0x61: {  	[tilespmem:$0x1FA90] =	vst v53;
	v53 =	vld [tilespmem:$0xDD0];
	_ =	sdelay $0x2  }
0x62: {  	vm6 =	veq.s32 v0, $0x0;
	v0 =	vld [tilespmem:$0x7A8]  }
0x63: {  	vm0 =	vne.s32 v4, $0x0;
	v4 =	vld [tilespmem:$0x7B8]  }
0x64: {  	vm1 =	vcmask $0x3F20;
	[tilespmem:$0x1FAA0] =	vst v53;
	v53 =	vld [tilespmem:$0xDD8]  }
0x65: {  	vm3 =	veq.s32 v1, $0x0;
	v1 =	vadd.f32 $0.0e+00, v6;
	vm4 =	veq.s32 v2, $0x0;
	v2 =	vld [tilespmem:$0x7C0]  }
0x66: {  	vm14 =	vcmask $0x1F00;
	vm2 =	veq.s32 v5, $0x0;
	vm5 =	vne.s32 v3, $0x0;
	v3 =	vld [tilespmem:$0xE10]  }
0x67: {  	vm15 =	veq.s32 v20, $0x0;
	v5 =	vsel vm4, $0x0, v9;
	v1 =	vsel vm2, $0x0, v1;
	v6 =	vld [tilespmem:$0xE20];
	[tilespmem:$0x1FB70] =	vst v0  }
0x68: {  	vm9 =	vne.s32 v19, $0x0;
	vm11 =	veq.s32 v60, $0x0;
	v5 =	vadd.f32 v5, v1;
	v1 =	vld [tilespmem:$0xE28];
	[tilespmem:$0x1FB80] =	vst v4  }
0x69: {  	vm12 =	vne.s32 v61, $0x0;
	vm13 =	veq.s32 v58, $0x0;
	vm7 =	vmand vm0, vm1;
	[tilespmem:$0x1FAB0] =	vst v53;
	v53 =	vld [tilespmem:$0x140]  }
0x6a: {  	vm8 =	vmand vm5, vm1;
	v19 =	vsel vm15, $0x0, v63;
	vm10 =	vmand vm9, vm1;
	[tilespmem:$0x1FB90] =	vst v2  }
0x6b: {  	v56 =	vsel vm13, $0x0, v56;
	v0 =	vadd.f32 $0.0e+00, v7;
	[tilespmem:$0x1FBA0] =	vst v3;
	v3 =	vadd.f32 $0.0e+00, v11  }
0x6c: {  	v61 =	vsel vm11, $0x0, v48;
	v2 =	vadd.f32 $0.0e+00, v10;
	v4 =	vsel vm6, $0x0, v8;
	[tilespmem:$0x1FBB0] =	vst v6;
	v8 =	vld [tilespmem:$0x1A0]  }
0x6d: {  	[tilespmem:$0x1FBC0] =	vst v1;
	v6 =	vnsel vm8, $0x0, v12;
	v0 =	vsel vm3, $0x0, v0;
	v1 =	vsel vm3, $0x0, v3;
	v3 =	vld [tilespmem:$0x190]  }
0x6e: {  	v7 =	vsel vm6, $0x0, v13;
	v4 =	vadd.f32 v4, v0;
	v0 =	vnsel vm7, $0x0, v2;
	[tilespmem:$0x1FAC0] =	vst v53;
	v53 =	vld [tilespmem:$0x150]  }
0x6f: {  	v2 =	vadd.f32 $0.0e+00, v14;
	v7 =	vadd.f32 v7, v1;
	v14 =	vimm.f32 $1.000000000e+00  }
0x70: {  	v1 =	vld [tilespmem:$0x1A8];
	v6 =	vadd.f32 v6, v0;
	v9 =	vsel vm2, $0x0, v14;
	v13 =	vsel vm14, $0x0, v14  }
0x71: {  	v11 =	vsel vm4, $0x0, v14;
	vm14 =	vmand vm12, vm1;
	[tilespmem:$0x1FBE0] =	vst v8;
	v0 =	vsel vm2, $0x0, v2  }
0x72: {  	v2 =	vsel vm4, $0x0, v16;
	v8 =	vld [tilespmem:$0x7D0];
	v10 =	vnsel vm0, $0x0, v13;
	v9 =	vadd.f32 v11, v9;
	[tilespmem:$0x1FBD0] =	vst v3  }
0x73: {  	v12 =	vnsel vm5, $0x0, v13;
	v4 =	vadd.f32 v19, v4;
	v3 =	vadd.f32 $0.0e+00, v15;
	[tilespmem:$0x1FAD0] =	vst v53;
	v53 =	vld [tilespmem:$0x158]  }
0x74: {  	v19 =	vsel vm15, $0x0, v14;
	v57 =	vnsel vm14, $0x0, v57;
	v2 =	vadd.f32 v2, v0  }
0x75: {  	v10 =	vadd.f32 v12, v10;
	[tilespmem:$0x1FBF0] =	vst v1;
	v1 =	vnsel vm7, $0x0, v3;
	v3 =	vnsel vm8, $0x0, v17  }
0x76: {  	vm8 =	veq.s32 v18, $0x0;
	v17 =	vnsel vm10, $0x0, v37;
	v3 =	vadd.f32 v3, v1  }
0x77: {  	[tilespmem:$0x1FC00] =	vst v8;
	v1 =	vsel vm3, $0x0, v14;
	v8 =	vsel vm6, $0x0, v14;
	v20 =	vsel vm8, $0x0, v21  }
0x78: {  	v21 =	vnsel vm10, $0x0, v27;
	v27 =	vsel vm15, $0x0, v25;
	v8 =	vadd.f32 v8, v1;
	[tilespmem:$0x1FAE0] =	vst v53;
	v53 =	vld [tilespmem:$0x780]  }
0x79: {  	v0 =	vld [tilespmem:$0x7E0];
	v63 =	vsel vm8, $0x0, v62;
	v5 =	vadd.f32 v20, v5;
	v6 =	vadd.f32 v21, v6  }
0x7a: {  	vm15 =	veq.s32 v50, $0x0;
	v7 =	vadd.f32 v27, v7;
	v2 =	vadd.f32 v63, v2  }
0x7b: {  	v20 =	vsel vm8, $0x0, v14;
	v21 =	vnsel vm9, $0x0, v13;
	v27 =	vsel vm11, $0x0, v59  }
0x7c: {  	v25 =	vld [tilespmem:$0xE60];
	v63 =	vsel vm13, $0x0, v31;
	v31 =	vnsel vm12, $0x0, v13;
	vm8 =	veq.s32 v54, $0x0  }
0x7d: {  	vm9 =	vne.s32 v55, $0x0;
	v54 =	vsel vm15, $0x0, v45;
	v3 =	vadd.f32 v17, v3;
	[tilespmem:$0x1FAF0] =	vst v53;
	v53 =	vld [tilespmem:$0x790]  }
0x7e: {  	[tilespmem:$0x1FC10] =	vst v0;
	v0 =	vld [tilespmem:$0x7E8];
	vm12 =	vne.s32 v38, $0x0;
	v9 =	vadd.f32 v20, v9;
	v10 =	vadd.f32 v21, v10  }
0x7f: {  	v62 =	vld [tilespmem:$0x1F0];
	v4 =	vadd.f32 v27, v4;
	v20 =	vnsel vm14, $0x0, v39;
	v27 =	vsel vm13, $0x0, v14  }
0x80: {  	v21 =	vld [tilespmem:$0x1F8];
	vm10 =	vmand vm9, vm1;
	v55 =	vsel vm8, $0x0, v49;
	v8 =	vadd.f32 v19, v8  }
0x81: {  	vm13 =	veq.s32 v32, $0x0;
	v32 =	vld [tilespmem:$0x1FA10];
	v5 =	vadd.f32 v56, v5;
	v6 =	vadd.f32 v57, v6  }
0x82: {  	v7 =	vadd.f32 v61, v7;
	v57 =	vnsel vm10, $0x0, v44;
	v9 =	vadd.f32 v27, v9;
	[tilespmem:$0x1FB00] =	vst v53;
	v53 =	vld [tilespmem:$0x798]  }
0x83: {  	v61 =	vsel vm15, $0x0, v42;
	v10 =	vadd.f32 v31, v10;
	v27 =	vsel vm8, $0x0, v14;
	[tilespmem:$0x1FC20] =	vst v0;
	v0 =	vld [tilespmem:$0xE50]  }
0x84: {  	v3 =	vadd.f32 v20, v3;
	v31 =	vnsel vm9, $0x0, v13;
	v9 =	vadd.f32 v27, v9;
	v27 =	vld [tilespmem:$0xEE8]  }
0x85: {  	vm9 =	vne.s32 v24, $0x0;
	[tilespmem:$0x1FC70] =	vst v25;
	v25 =	vsel vm11, $0x0, v14;
	v10 =	vadd.f32 v31, v10;
	v31 =	vld [tilespmem:$0x1FA00]  }
0x86: {  	v8 =	vadd.f32 v25, v8;
	v25 =	vsel vm15, $0x0, v14;
	vm15 =	veq.s32 v35, $0x0;
	v35 =	vld [tilespmem:$0x1FA40]  }
0x87: {  	v4 =	vadd.f32 v54, v4;
	v20 =	vnsel vm10, $0x0, v41;
	vm10 =	vmand vm9, vm1;
	[tilespmem:$0x1FB10] =	vst v53;
	v53 =	vld [tilespmem:$0xDE8]  }
0x88: {  	v54 =	vsel vm13, $0x0, v22;
	vm11 =	veq.s32 v34, $0x0;
	v22 =	vnsel vm10, $0x0, v46;
	v46 =	vld [tilespmem:$0x1FA80]  }
0x89: {  	vm14 =	vmand vm12, vm1;
	v5 =	vadd.f32 v55, v5;
	v33 =	vsel vm11, $0x0, v33;
	[tilespmem:$0x1FCA0] =	vst v21;
	v21 =	vld [tilespmem:$0x218]  }
0x8a: {  	v2 =	vadd.f32 v63, v2;
	v34 =	vsel vm13, $0x0, v29;
	v4 =	vadd.f32 v33, v4;
	v33 =	vld [tilespmem:$0x1FA20]  }
0x8b: {  	v38 =	vnsel vm14, $0x0, v30;
	[tilespmem:$0x1FC90] =	vst v62;
	v6 =	vadd.f32 v57, v6;
	v5 =	vadd.f32 v34, v5;
	v34 =	vld [tilespmem:$0x1FA30]  }
0x8c: {  	v62 =	vsel vm8, $0x0, v43;
	v7 =	vadd.f32 v61, v7;
	v3 =	vadd.f32 v20, v3;
	[tilespmem:$0x1FB20] =	vst v53;
	v53 =	vld [tilespmem:$0xDF8]  }
0x8d: {  	v44 =	vsel vm11, $0x0, v28;
	v6 =	vadd.f32 v38, v6;
	v20 =	vsel vm15, $0x0, v36;
	v36 =	vld [tilespmem:$0x1FA50]  }
0x8e: {  	v2 =	vadd.f32 v62, v2;
	v7 =	vadd.f32 v44, v7;
	v38 =	vld [tilespmem:$0x1FA60]  }
0x8f: {  	vm8 =	veq.s32 v23, $0x0;
	v23 =	vsel vm15, $0x0, v47;
	v6 =	vadd.f32 v22, v6;
	v22 =	vld [tilespmem:$0x1FA90]  }
0x90: {  	v55 =	vnsel vm14, $0x0, v26;
	v2 =	vadd.f32 v54, v2;
	v7 =	vadd.f32 v23, v7;
	v23 =	vld [tilespmem:$0x1FAA0]  }
0x91: {  	v24 =	vsel vm8, $0x0, v51;
	v3 =	vadd.f32 v55, v3;
	[tilespmem:$0x1FB40] =	vst v53;
	v53 =	vld [tilespmem:$0xE00]  }
0x92: {  	v26 =	vnsel vm10, $0x0, v52;
	v2 =	vadd.f32 v24, v2;
	v24 =	vld [tilespmem:$0x1FAB0]  }
0x93: {  	v17 =	vsel vm13, $0x0, v14;
	v3 =	vadd.f32 v26, v3;
	v26 =	vld [tilespmem:$0x1FAC0]  }
0x94: {  	v19 =	vnsel vm12, $0x0, v13;
	v62 =	vsel vm11, $0x0, v14;
	v8 =	vadd.f32 v25, v8;
	[tilespmem:$0x1FC30] =	vst v0;
	v0 =	vld [tilespmem:$0x1B8]  }
0x95: {  	v29 =	vsel vm8, $0x0, v14;
	vm12 =	vne.s32 v32, $0x0;
	v9 =	vadd.f32 v17, v9;
	[tilespmem:$0x1FD30] =	vst v27;
	v27 =	vld [tilespmem:$0x1FAD0]  }
0x96: {  	v28 =	vsel vm15, $0x0, v14;
	vm14 =	vmand vm12, vm1;
	v8 =	vadd.f32 v62, v8;
	[tilespmem:$0x1FB30] =	vst v53;
	v53 =	vld [tilespmem:$0x168]  }
0x97: {  	v4 =	vadd.f32 v20, v4;
	v9 =	vadd.f32 v29, v9;
	[tilespmem:$0x1FCF0] =	vst v21;
	v21 =	vsel vm8, $0x0, v40;
	v40 =	vld [tilespmem:$0x1FA70]  }
0x98: {  	vm11 =	veq.s32 v31, $0x0;
	v8 =	vadd.f32 v28, v8;
	v5 =	vadd.f32 v21, v5;
	v21 =	vld [tilespmem:$0xF10]  }
0x99: {  	vm13 =	veq.s32 v33, $0x0;
	v11 =	vsel vm11, $0x0, v34;
	v12 =	vnsel vm14, $0x0, v36;
	v31 =	vld [tilespmem:$0x1FB00]  }
0x9a: {  	v4 =	vadd.f32 v11, v4;
	v11 =	vsel vm13, $0x0, v35;
	v6 =	vadd.f32 v12, v6;
	v28 =	vld [tilespmem:$0x1FAE0]  }
0x9b: {  	v12 =	vnsel vm14, $0x0, v46;
	v5 =	vadd.f32 v11, v5;
	v11 =	vsel vm11, $0x0, v38;
	[tilespmem:$0x1FB50] =	vst v53;
	v53 =	vld [tilespmem:$0x178]  }
0x9c: {  	vm8 =	veq.s32 v23, $0x0;
	v7 =	vadd.f32 v11, v7;
	v11 =	vsel vm13, $0x0, v40;
	v29 =	vld [tilespmem:$0x1FAF0]  }
0x9d: {  	v3 =	vadd.f32 v12, v3;
	v12 =	vsel vm8, $0x0, v27;
	v2 =	vadd.f32 v11, v2;
	v32 =	vld [tilespmem:$0x1FB10]  }
0x9e: {  	v10 =	vadd.f32 v19, v10;
	v5 =	vadd.f32 v12, v5;
	v12 =	vsel vm8, $0x0, v31;
	v19 =	vld [tilespmem:$0x1FB30]  }
0x9f: {  	v30 =	vnsel vm9, $0x0, v13;
	v20 =	vnsel vm12, $0x0, v13;
	v2 =	vadd.f32 v12, v2;
	v12 =	vld [tilespmem:$0x1FB20]  }
0xa0: {  	v10 =	vadd.f32 v30, v10;
	v47 =	vsel vm11, $0x0, v14;
	v52 =	vsel vm13, $0x0, v14;
	[tilespmem:$0x1FB60] =	vst v53;
	v53 =	vld [tilespmem:$0x180]  }
0xa1: {  	v9 =	vadd.f32 v52, v9;
	vm15 =	veq.s32 v22, $0x0;
	vm9 =	vne.s32 v24, $0x0;
	[tilespmem:$0x1FD50] =	vst v21;
	v21 =	vld [tilespmem:$0x1FB40]  }
0xa2: {  	v38 =	vsel vm8, $0x0, v14;
	vm10 =	vmand vm9, vm1;
	v11 =	vsel vm15, $0x0, v26;
	v22 =	vld [tilespmem:$0x1FB50]  }
0xa3: {  	v4 =	vadd.f32 v11, v4;
	v11 =	vnsel vm10, $0x0, v28;
	vm12 =	vne.s32 v19, $0x0;
	v23 =	vld [tilespmem:$0x1FB60]  }
0xa4: {  	v26 =	vld [tilespmem:$0x1FB70];
	v6 =	vadd.f32 v11, v6;
	v11 =	vsel vm15, $0x0, v29;
	vm14 =	vmand vm12, vm1  }
0xa5: {  	v9 =	vadd.f32 v38, v9;
	v27 =	vld [tilespmem:$0x1FB80];
	v7 =	vadd.f32 v11, v7;
	v24 =	vnsel vm14, $0x0, v53  }
0xa6: {  	v11 =	vnsel vm10, $0x0, v32;
	vm11 =	veq.s32 v12, $0x0;
	v6 =	vadd.f32 v24, v6;
	v24 =	vld [tilespmem:$0x1FBB0]  }
0xa7: {  	[tilespmem:$0x1FC40] =	vst v0;
	v0 =	vld [tilespmem:$0x1C8];
	v3 =	vadd.f32 v11, v3;
	vm13 =	veq.s32 v21, $0x0;
	v11 =	vsel vm11, $0x0, v22  }
0xa8: {  	v29 =	vld [tilespmem:$0x1FB90];
	v32 =	vsel vm13, $0x0, v14;
	v4 =	vadd.f32 v11, v4;
	v11 =	vsel vm13, $0x0, v23  }
0xa9: {  	v9 =	vadd.f32 v32, v9;
	v32 =	vld [tilespmem:$0x1FBE0];
	v5 =	vadd.f32 v11, v5;
	v11 =	vsel vm11, $0x0, v26  }
0xaa: {  	v8 =	vadd.f32 v47, v8;
	v7 =	vadd.f32 v11, v7;
	v11 =	vsel vm13, $0x0, v27;
	v27 =	vld [tilespmem:$0x1FBC0]  }
0xab: {  	v10 =	vadd.f32 v20, v10;
	v34 =	vsel vm15, $0x0, v14;
	vm8 =	veq.s32 v24, $0x0;
	v24 =	vld [tilespmem:$0x1FC10]  }
0xac: {  	v15 =	vld [tilespmem:$0xE38];
	v8 =	vadd.f32 v34, v8;
	v52 =	vnsel vm9, $0x0, v13  }
0xad: {  	v10 =	vadd.f32 v52, v10;
	[tilespmem:$0x1FC50] =	vst v0;
	v0 =	vld [tilespmem:$0x7F8];
	v31 =	vsel vm11, $0x0, v14;
	v12 =	vnsel vm14, $0x0, v29  }
0xae: {  	v16 =	vld [tilespmem:$0xE48];
	v8 =	vadd.f32 v31, v8;
	v3 =	vadd.f32 v12, v3;
	v53 =	vnsel vm12, $0x0, v13  }
0xaf: {  	v18 =	vld [tilespmem:$0x808];
	v10 =	vadd.f32 v53, v10;
	v2 =	vadd.f32 v11, v2;
	v12 =	vsel vm8, $0x0, v32  }
0xb0: {  	v23 =	vld [tilespmem:$0x1FBA0];
	vm9 =	vne.s32 v27, $0x0;
	v5 =	vadd.f32 v12, v5;
	v12 =	vsel vm8, $0x0, v24  }
0xb1: {  	v31 =	vld [tilespmem:$0x1FBD0];
	vm11 =	veq.s32 v15, $0x0;
	v2 =	vadd.f32 v12, v2;
	v12 =	vnsel vm9, $0x0, v13  }
0xb2: {  	v10 =	vadd.f32 v12, v10;
	v12 =	vsel vm11, $0x0, v0;
	v0 =	vld [tilespmem:$0xF88]  }
0xb3: {  	v22 =	vld [tilespmem:$0x1FBF0]  }
0xb4: {  	vm13 =	veq.s32 v16, $0x0;
	v16 =	vld [tilespmem:$0x1FC40]  }
0xb5: {  	vm15 =	veq.s32 v23, $0x0;
	v23 =	vld [tilespmem:$0x1FC00]  }
0xb6: {  	[tilespmem:$0x1FC60] =	vst v18;
	v27 =	vld [tilespmem:$0x1FC20]  }
0xb7: {  	[tilespmem:$0x1FDB0] =	vst v0;
	v0 =	vld [tilespmem:$0x1FC60]  }
0xb8: {  	v11 =	vsel vm15, $0x0, v31;
	vm10 =	vmand vm9, vm1  }
0xb9: {  	v4 =	vadd.f32 v11, v4;
	v11 =	vnsel vm10, $0x0, v22  }
0xba: {  	v6 =	vadd.f32 v11, v6;
	v11 =	vsel vm15, $0x0, v23  }
0xbb: {  	v7 =	vadd.f32 v11, v7;
	v11 =	vnsel vm10, $0x0, v27  }
0xbc: {  	v3 =	vadd.f32 v11, v3;
	v11 =	vsel vm11, $0x0, v16;
	v16 =	vsel vm13, $0x0, v0;
	v0 =	vld [tilespmem:$0xF90];
	_ =	sdelay $0x4  }
0xbd: {  	[tilespmem:$0x1FDA0] =	vst v0;
	v0 =	vld [tilespmem:$0x308];
	_ =	sdelay $0x1  }
0xbe: {  	v59 =	vld [tilespmem:$0x1E0]  }
0xbf: {  	v29 =	vld [tilespmem:$0xF50]  }
0xc0: {  	v53 =	vld [tilespmem:$0xF60]  }
0xc1: {  	[tilespmem:$0x1FDC0] =	vst v0;
	v0 =	vld [tilespmem:$0x1FC70]  }
0xc2: {  	v15 =	vld [tilespmem:$0x1FC30]  }
0xc3: {  	v37 =	vld [tilespmem:$0x810]  }
0xc4: {  	v31 =	vld [tilespmem:$0x1FC50]  }
0xc5: {  	[tilespmem:$0x1FC80] =	vst v59  }
0xc6: {  	[tilespmem:$0x1FD70] =	vst v29;
	v29 =	vsel vm15, $0x0, v14;
	vm15 =	veq.s32 v0, $0x0;
	v0 =	vld [tilespmem:$0x1FC80]  }
0xc7: {  	[tilespmem:$0x1FD80] =	vst v53;
	v53 =	vsel vm8, $0x0, v14;
	vm12 =	vne.s32 v15, $0x0;
	v8 =	vadd.f32 v29, v8  }
0xc8: {  	v9 =	vadd.f32 v53, v9;
	vm14 =	vmand vm12, vm1;
	v4 =	vadd.f32 v11, v4  }
0xc9: {  	v11 =	vsel vm13, $0x0, v31;
	v31 =	vnsel vm14, $0x0, v37;
	v37 =	vsel vm11, $0x0, v14  }
0xca: {  	v60 =	vld [tilespmem:$0xE70];
	v7 =	vadd.f32 v12, v7;
	v12 =	vadd.f32 v37, v8;
	v8 =	vsel vm13, $0x0, v14  }
0xcb: {  	v9 =	vadd.f32 v8, v9;
	v8 =	vsel vm15, $0x0, v0;
	v0 =	vld [tilespmem:$0x1FC90];
	_ =	sdelay $0x3  }
0xcc: {  	v58 =	vld [tilespmem:$0xE78];
	vm8 =	veq.s32 v60, $0x0;
	v5 =	vadd.f32 v11, v5  }
0xcd: {  	v0 =	vsel vm8, $0x0, v0  }
0xce: {  	v4 =	vadd.f32 v8, v4;
	v8 =	vadd.f32 v0, v5;
	v0 =	vld [tilespmem:$0x1FCA0];
	_ =	sdelay $0x2  }
0xcf: {  	vm9 =	vne.s32 v58, $0x0  }
0xd0: {  	vm10 =	vmand vm9, vm1  }
0xd1: {  	v5 =	vnsel vm10, $0x0, v0;
	v0 =	vld [tilespmem:$0xFA0];
	_ =	sdelay $0x4  }
0xd2: {  	[tilespmem:$0x1FDD0] =	vst v0;
	v0 =	vld [tilespmem:$0xFB0];
	_ =	sdelay $0x4  }
0xd3: {  	[tilespmem:$0x1FDE0] =	vst v0;
	v0 =	vld [tilespmem:$0xFB8];
	_ =	sdelay $0x3  }
0xd4: {  	v50 =	vld [tilespmem:$0xE88]  }
0xd5: {  	[tilespmem:$0x1FDF0] =	vst v0;
	v0 =	vld [tilespmem:$0x320];
	_ =	sdelay $0x3  }
0xd6: {  	[tilespmem:$0x1FCB0] =	vst v50;
	v59 =	vld [tilespmem:$0xEA0]  }
0xd7: {  	[tilespmem:$0x1FE00] =	vst v0;
	v0 =	vld [tilespmem:$0x1FCB0];
	_ =	sdelay $0x1  }
0xd8: {  	v1 =	vld [tilespmem:$0x1D0]  }
0xd9: {  	v39 =	vld [tilespmem:$0x820]  }
0xda: {  	v56 =	vld [tilespmem:$0xE98];
	[tilespmem:$0x1FCC0] =	vst v59  }
0xdb: {  	vm11 =	veq.s32 v0, $0x0;
	v0 =	vld [tilespmem:$0x1FCC0]  }
0xdc: {  	v18 =	vld [tilespmem:$0x838]  }
0xdd: {  	v53 =	vnsel vm14, $0x0, v1;
	v1 =	vld [tilespmem:$0xF78];
	_ =	sdelay $0x1  }
0xde: {  	v63 =	vld [tilespmem:$0x208];
	[tilespmem:$0x1FCD0] =	vst v56;
	v6 =	vadd.f32 v53, v6  }
0xdf: {  	v53 =	vnsel vm12, $0x0, v13;
	vm12 =	vne.s32 v0, $0x0;
	v0 =	vld [tilespmem:$0x1FCD0]  }
0xe0: {  	v3 =	vadd.f32 v31, v3;
	v5 =	vadd.f32 v5, v6;
	v6 =	vsel vm15, $0x0, v39  }
0xe1: {  	[tilespmem:$0x1FD90] =	vst v1;
	v1 =	vadd.f32 v6, v7;
	v6 =	vnsel vm10, $0x0, v18  }
0xe2: {  	v3 =	vadd.f32 v6, v3;
	v6 =	vsel vm15, $0x0, v14  }
0xe3: {  	[tilespmem:$0x1FCE0] =	vst v63;
	v10 =	vadd.f32 v53, v10;
	v7 =	vsel vm8, $0x0, v14;
	v12 =	vadd.f32 v6, v12  }
0xe4: {  	v6 =	vadd.f32 v7, v9;
	v7 =	vnsel vm9, $0x0, v13;
	vm13 =	veq.s32 v0, $0x0;
	v0 =	vld [tilespmem:$0x1FCE0]  }
0xe5: {  	v10 =	vadd.f32 v7, v10;
	v7 =	vld [tilespmem:$0x338];
	_ =	sdelay $0x3  }
0xe6: {  	v45 =	vld [tilespmem:$0x220];
	v0 =	vsel vm11, $0x0, v0  }
0xe7: {  	[tilespmem:$0x1FE10] =	vst v7;
	v7 =	vadd.f32 v0, v4;
	v0 =	vld [tilespmem:$0x1FCF0];
	_ =	sdelay $0x3  }
0xe8: {  	vm14 =	vmand vm12, vm1  }
0xe9: {  	v4 =	vsel vm13, $0x0, v0;
	v0 =	vnsel vm14, $0x0, v45  }
0xea: {  	v8 =	vadd.f32 v4, v8;
	v4 =	vadd.f32 v0, v5;
	v0 =	vld [tilespmem:$0xFC8];
	_ =	sdelay $0x4  }
0xeb: {  	v50 =	vld [tilespmem:$0xEC0];
	[tilespmem:$0x1FE20] =	vst v0;
	v0 =	vnsel vm12, $0x0, v13  }
0xec: {  	v10 =	vadd.f32 v0, v10;
	v0 =	vld [tilespmem:$0xFE0];
	_ =	sdelay $0x2  }
0xed: {  	v48 =	vld [tilespmem:$0x830]  }
0xee: {  	v63 =	vld [tilespmem:$0x230];
	[tilespmem:$0x1FD00] =	vst v50  }
0xef: {  	[tilespmem:$0x1FE30] =	vst v0;
	v0 =	vld [tilespmem:$0x1FD00];
	_ =	sdelay $0x1  }
0xf0: {  	v49 =	vld [tilespmem:$0x848]  }
0xf1: {  	v43 =	vld [tilespmem:$0xEB0]  }
0xf2: {  	v57 =	vld [tilespmem:$0xEC8];
	[tilespmem:$0x1FD10] =	vst v63  }
0xf3: {  	v48 =	vsel vm8, $0x0, v48;
	vm8 =	veq.s32 v0, $0x0;
	v0 =	vld [tilespmem:$0x1FD10]  }
0xf4: {  	v62 =	vld [tilespmem:$0x248]  }
0xf5: {  	v59 =	vld [tilespmem:$0x870];
	_ =	sdelay $0x1  }
0xf6: {  	vm15 =	veq.s32 v43, $0x0;
	vm9 =	vne.s32 v57, $0x0  }
0xf7: {  	vm10 =	vmand vm9, vm1;
	v5 =	vsel vm11, $0x0, v49;
	v0 =	vsel vm15, $0x0, v0  }
0xf8: {  	v5 =	vadd.f32 v5, v1;
	v7 =	vadd.f32 v0, v7;
	v0 =	vnsel vm10, $0x0, v62  }
0xf9: {  	v25 =	vld [tilespmem:$0xED8];
	v4 =	vadd.f32 v0, v4;
	v0 =	vsel vm15, $0x0, v59  }
0xfa: {  	v5 =	vadd.f32 v0, v5;
	v0 =	vld [tilespmem:$0xFF0];
	_ =	sdelay $0x3  }
0xfb: {  	v61 =	vld [tilespmem:$0x860];
	[tilespmem:$0x1FD20] =	vst v25  }
0xfc: {  	[tilespmem:$0x1FE50] =	vst v0;
	v0 =	vld [tilespmem:$0x1FD20];
	_ =	sdelay $0x1  }
0xfd: {  	v51 =	vld [tilespmem:$0xF00]  }
0xfe: {  	v44 =	vld [tilespmem:$0x880]  }
0xff: {  	v56 =	vld [tilespmem:$0x858]  }
0x100: {  	v18 =	vnsel vm14, $0x0, v61;
	v61 =	vsel vm11, $0x0, v14;
	vm11 =	veq.s32 v0, $0x0;
	v0 =	vld [tilespmem:$0x1000]  }
0x101: {  	v50 =	vld [tilespmem:$0x888]  }
0x102: {  	v63 =	vld [tilespmem:$0x240]  }
0x103: {  	v1 =	vld [tilespmem:$0xFD8]  }
0x104: {  	v25 =	vld [tilespmem:$0xEF0];
	v2 =	vadd.f32 v16, v2  }
0x105: {  	[tilespmem:$0x1FE60] =	vst v0;
	v0 =	vld [tilespmem:$0x1FD30]  }
0x106: {  	v33 =	vld [tilespmem:$0x8A8];
	v2 =	vadd.f32 v48, v2  }
0x107: {  	v42 =	vld [tilespmem:$0x898];
	v3 =	vadd.f32 v18, v3;
	v12 =	vadd.f32 v61, v12;
	v9 =	vsel vm13, $0x0, v56  }
0x108: {  	v41 =	vld [tilespmem:$0x270];
	v2 =	vadd.f32 v9, v2;
	v9 =	vsel vm13, $0x0, v14;
	[tilespmem:$0x1FE40] =	vst v1;
	v1 =	vsel vm8, $0x0, v63  }
0x109: {  	v55 =	vld [tilespmem:$0x258];
	vm12 =	vne.s32 v25, $0x0;
	v1 =	vadd.f32 v1, v8;
	v8 =	vsel vm8, $0x0, v44  }
0x10a: {  	v54 =	vld [tilespmem:$0x268];
	v2 =	vadd.f32 v8, v2;
	v8 =	vnsel vm10, $0x0, v50;
	vm13 =	veq.s32 v0, $0x0  }
0x10b: {  	v17 =	vld [tilespmem:$0xF18];
	[tilespmem:$0x1FD40] =	vst v51;
	v3 =	vadd.f32 v8, v3;
	v8 =	vsel vm15, $0x0, v14;
	v25 =	vsel vm13, $0x0, v33  }
0x10c: {  	v8 =	vadd.f32 v8, v12;
	v12 =	vadd.f32 v25, v2;
	v2 =	vld [tilespmem:$0x1FD40]  }
0x10d: {  	v51 =	vld [tilespmem:$0x280]  }
0x10e: {  	v40 =	vld [tilespmem:$0x298]  }
0x10f: {  	v20 =	vld [tilespmem:$0xF38];
	v58 =	vnsel vm9, $0x0, v13  }
0x110: {  	v46 =	vld [tilespmem:$0x290];
	vm9 =	vne.s32 v17, $0x0;
	v6 =	vadd.f32 v9, v6;
	vm14 =	vmand vm12, vm1  }
0x111: {  	v9 =	vnsel vm14, $0x0, v41;
	v10 =	vadd.f32 v58, v10;
	vm15 =	veq.s32 v2, $0x0;
	v2 =	vld [tilespmem:$0x1FD50]  }
0x112: {  	v38 =	vld [tilespmem:$0xF28];
	v18 =	vsel vm8, $0x0, v14;
	vm10 =	vmand vm9, vm1;
	v4 =	vadd.f32 v9, v4  }
0x113: {  	v34 =	vld [tilespmem:$0x2A8];
	v6 =	vadd.f32 v18, v6;
	v17 =	vnsel vm10, $0x0, v40;
	v62 =	vsel vm11, $0x0, v55  }
0x114: {  	v52 =	vld [tilespmem:$0xF40];
	v4 =	vadd.f32 v17, v4;
	v18 =	vsel vm11, $0x0, v42;
	v7 =	vadd.f32 v62, v7  }
0x115: {  	[tilespmem:$0x1FD60] =	vst v20;
	v0 =	vnsel vm12, $0x0, v13;
	v63 =	vsel vm13, $0x0, v54;
	v33 =	vsel vm11, $0x0, v14  }
0x116: {  	v0 =	vadd.f32 v0, v10;
	v1 =	vadd.f32 v63, v1;
	vm8 =	veq.s32 v2, $0x0;
	v2 =	vld [tilespmem:$0x1FD60]  }
0x117: {  	vm11 =	veq.s32 v38, $0x0;
	v58 =	vsel vm15, $0x0, v51;
	v9 =	vsel vm8, $0x0, v46  }
0x118: {  	v30 =	vld [tilespmem:$0x8B0];
	v7 =	vadd.f32 v58, v7;
	v1 =	vadd.f32 v9, v1;
	v9 =	vnsel vm9, $0x0, v13  }
0x119: {  	v36 =	vld [tilespmem:$0x8D0];
	vm12 =	vne.s32 v52, $0x0;
	v17 =	vsel vm11, $0x0, v34;
	v0 =	vadd.f32 v9, v0  }
0x11a: {  	v35 =	vld [tilespmem:$0x8C0];
	v7 =	vadd.f32 v17, v7;
	v17 =	vnsel vm12, $0x0, v13  }
0x11b: {  	v43 =	vsel vm13, $0x0, v14;
	vm13 =	veq.s32 v2, $0x0;
	v2 =	vadd.f32 v17, v0;
	v0 =	vld [tilespmem:$0x1FD70]  }
0x11c: {  	v47 =	vld [tilespmem:$0x8D8]  }
0x11d: {  	v20 =	vld [tilespmem:$0x8F8]  }
0x11e: {  	v28 =	vld [tilespmem:$0x2B8]  }
0x11f: {  	v21 =	vld [tilespmem:$0x8E8];
	v5 =	vadd.f32 v18, v5;
	v18 =	vsel vm15, $0x0, v35;
	v36 =	vsel vm8, $0x0, v36  }
0x120: {  	v10 =	vadd.f32 v36, v12;
	v36 =	vsel vm15, $0x0, v14;
	vm15 =	veq.s32 v0, $0x0;
	v0 =	vld [tilespmem:$0x1FD80]  }
0x121: {  	v19 =	vld [tilespmem:$0x900]  }
0x122: {  	v26 =	vld [tilespmem:$0x2C0]  }
0x123: {  	v32 =	vld [tilespmem:$0x2E8]  }
0x124: {  	v15 =	vld [tilespmem:$0x928]  }
0x125: {  	v58 =	vsel vm8, $0x0, v14;
	vm8 =	veq.s32 v0, $0x0;
	v0 =	vld [tilespmem:$0x1FD90]  }
0x126: {  	v29 =	vld [tilespmem:$0x910];
	v30 =	vnsel vm14, $0x0, v30  }
0x127: {  	v22 =	vld [tilespmem:$0xF68];
	v3 =	vadd.f32 v30, v3  }
0x128: {  	v23 =	vld [tilespmem:$0x2D0];
	v25 =	vnsel vm10, $0x0, v47  }
0x129: {  	v24 =	vld [tilespmem:$0x2E0];
	vm14 =	vmand vm12, vm1;
	v52 =	vsel vm11, $0x0, v14;
	v3 =	vadd.f32 v25, v3  }
0x12a: {  	v25 =	vnsel vm14, $0x0, v26;
	v26 =	vsel vm11, $0x0, v21;
	vm11 =	veq.s32 v0, $0x0;
	v0 =	vld [tilespmem:$0x1FDA0]  }
0x12b: {  	v60 =	vld [tilespmem:$0x960]  }
0x12c: {  	v27 =	vld [tilespmem:$0x920]  }
0x12d: {  	v53 =	vld [tilespmem:$0x938]  }
0x12e: {  	v37 =	vld [tilespmem:$0x310]  }
0x12f: {  	vm12 =	vne.s32 v0, $0x0;
	v0 =	vld [tilespmem:$0x1FDB0]  }
0x130: {  	v31 =	vld [tilespmem:$0x948]  }
0x131: {  	v11 =	vld [tilespmem:$0x950]  }
0x132: {  	v16 =	vld [tilespmem:$0x2F8];
	v8 =	vadd.f32 v33, v8  }
0x133: {  	v48 =	vld [tilespmem:$0x978];
	v6 =	vadd.f32 v43, v6;
	v5 =	vadd.f32 v18, v5;
	v18 =	vsel vm13, $0x0, v28  }
0x134: {  	v28 =	vsel vm13, $0x0, v20;
	v9 =	vsel vm13, $0x0, v14;
	vm13 =	veq.s32 v0, $0x0;
	v0 =	vld [tilespmem:$0x1FDC0]  }
0x135: {  	v39 =	vld [tilespmem:$0x330];
	v6 =	vadd.f32 v58, v6  }
0x136: {  	v57 =	vld [tilespmem:$0x988];
	v8 =	vadd.f32 v36, v8;
	v36 =	vnsel vm14, $0x0, v19;
	v1 =	vadd.f32 v18, v1  }
0x137: {  	v61 =	vld [tilespmem:$0x358];
	vm9 =	vne.s32 v22, $0x0;
	v3 =	vadd.f32 v36, v3;
	v24 =	vsel vm8, $0x0, v24  }
0x138: {  	v56 =	vld [tilespmem:$0x360];
	vm10 =	vmand vm9, vm1;
	v6 =	vadd.f32 v9, v6;
	v9 =	vadd.f32 v24, v1  }
0x139: {  	v45 =	vld [tilespmem:$0x970];
	v19 =	vnsel vm10, $0x0, v32;
	v32 =	vnsel vm10, $0x0, v15;
	v0 =	vsel vm13, $0x0, v0  }
0x13a: {  	v15 =	vadd.f32 v32, v3;
	v3 =	vadd.f32 v0, v9;
	v0 =	vld [tilespmem:$0x1FDD0]  }
0x13b: {  	v49 =	vld [tilespmem:$0x348]  }
0x13c: {  	v41 =	vld [tilespmem:$0x370]  }
0x13d: {  	v44 =	vld [tilespmem:$0x1008]  }
0x13e: {  	v50 =	vld [tilespmem:$0x9A0];
	v18 =	vsel vm15, $0x0, v23  }
0x13f: {  	v20 =	vsel vm15, $0x0, v29;
	v17 =	vsel vm15, $0x0, v14;
	vm15 =	veq.s32 v0, $0x0;
	v0 =	vld [tilespmem:$0x1FDE0]  }
0x140: {  	v30 =	vld [tilespmem:$0x9C8]  }
0x141: {  	v59 =	vld [tilespmem:$0x998]  }
0x142: {  	v40 =	vld [tilespmem:$0x1030]  }
0x143: {  	v42 =	vld [tilespmem:$0x380];
	v7 =	vadd.f32 v18, v7  }
0x144: {  	v27 =	vsel vm8, $0x0, v27;
	v18 =	vsel vm8, $0x0, v14;
	vm8 =	veq.s32 v0, $0x0;
	v0 =	vld [tilespmem:$0x1FDF0]  }
0x145: {  	v55 =	vld [tilespmem:$0x388];
	v4 =	vadd.f32 v25, v4;
	v5 =	vadd.f32 v26, v5  }
0x146: {  	v62 =	vld [tilespmem:$0x1028];
	v8 =	vadd.f32 v52, v8;
	v10 =	vadd.f32 v28, v10  }
0x147: {  	v54 =	vld [tilespmem:$0x9B0];
	v5 =	vadd.f32 v20, v5;
	v1 =	vadd.f32 v19, v4  }
0x148: {  	v38 =	vld [tilespmem:$0x9E8];
	v10 =	vadd.f32 v27, v10;
	v6 =	vadd.f32 v18, v6  }
0x149: {  	v19 =	vnsel vm9, $0x0, v13;
	vm14 =	vmand vm12, vm1;
	vm9 =	vne.s32 v0, $0x0;
	v0 =	vld [tilespmem:$0x1FE00]  }
0x14a: {  	v33 =	vld [tilespmem:$0x9C0];
	v4 =	vadd.f32 v19, v2;
	v20 =	vsel vm11, $0x0, v16;
	v37 =	vnsel vm14, $0x0, v37  }
0x14b: {  	v63 =	vld [tilespmem:$0x1018];
	v7 =	vadd.f32 v20, v7;
	v9 =	vadd.f32 v37, v1;
	v1 =	vsel vm11, $0x0, v53  }
0x14c: {  	v43 =	vld [tilespmem:$0x3A8];
	v11 =	vnsel vm14, $0x0, v11;
	v12 =	vadd.f32 v1, v5;
	v1 =	vsel vm13, $0x0, v31  }
0x14d: {  	v47 =	vld [tilespmem:$0x3B0];
	v5 =	vadd.f32 v11, v15;
	v15 =	vsel vm13, $0x0, v14;
	v1 =	vadd.f32 v1, v10  }
0x14e: {  	v34 =	vld [tilespmem:$0x9F0];
	v10 =	vnsel vm12, $0x0, v13;
	v2 =	vadd.f32 v15, v6;
	v0 =	vsel vm15, $0x0, v0  }
0x14f: {  	v6 =	vadd.f32 v10, v4;
	v4 =	vadd.f32 v0, v7;
	v0 =	vld [tilespmem:$0x1FE10]  }
0x150: {  	v21 =	vld [tilespmem:$0x3C0];
	v8 =	vadd.f32 v17, v8  }
0x151: {  	v25 =	vld [tilespmem:$0x1058];
	v31 =	vsel vm11, $0x0, v14;
	v15 =	vsel vm15, $0x0, v60  }
0x152: {  	v35 =	vld [tilespmem:$0x398];
	v8 =	vadd.f32 v31, v8;
	v12 =	vadd.f32 v15, v12  }
0x153: {  	v51 =	vld [tilespmem:$0x9D8];
	v15 =	vsel vm15, $0x0, v14;
	v10 =	vsel vm8, $0x0, v45;
	vm10 =	vmand vm9, vm1  }
0x154: {  	v26 =	vld [tilespmem:$0x1068];
	v60 =	vadd.f32 v10, v1;
	v7 =	vnsel vm10, $0x0, v0;
	v0 =	vsel vm8, $0x0, v14  }
0x155: {  	v1 =	vadd.f32 v15, v8;
	v8 =	vadd.f32 v0, v2;
	v0 =	vld [tilespmem:$0x1FE20]  }
0x156: {  	v46 =	vld [tilespmem:$0x1050]  }
0x157: {  	v58 =	vld [tilespmem:$0x1040]  }
0x158: {  	v22 =	vld [tilespmem:$0xA00]  }
0x159: {  	v36 =	vld [tilespmem:$0x1078]  }
0x15a: {  	vm11 =	veq.s32 v0, $0x0;
	v0 =	vld [tilespmem:$0x1FE30]  }
0x15b: {  	v52 =	vld [tilespmem:$0x3D0]  }
0x15c: {  	v32 =	vld [tilespmem:$0x3E8]  }
0x15d: {  	v28 =	vld [tilespmem:$0x3D8]  }
0x15e: {  	v23 =	vld [tilespmem:$0xA10]  }
0x15f: {  	vm12 =	vne.s32 v0, $0x0;
	v0 =	vld [tilespmem:$0x1FE40]  }
0x160: {  	v29 =	vld [tilespmem:$0x1080]  }
0x161: {  	v17 =	vld [tilespmem:$0xA28]  }
0x162: {  	v2 =	vnsel vm9, $0x0, v13;
	vm9 =	vne.s32 v44, $0x0;
	v44 =	vld [tilespmem:$0x10E0]  }
0x163: {  	v24 =	vld [tilespmem:$0xA18];
	v2 =	vadd.f32 v2, v6  }
0x164: {  	v27 =	vld [tilespmem:$0x3F8];
	v39 =	vsel vm8, $0x0, v39;
	vm13 =	veq.s32 v0, $0x0;
	v0 =	vnsel vm12, $0x0, v13  }
0x165: {  	v3 =	vadd.f32 v39, v3;
	v48 =	vnsel vm10, $0x0, v48;
	v0 =	vadd.f32 v0, v2;
	v2 =	vld [tilespmem:$0x1FE50]  }
0x166: {  	v18 =	vld [tilespmem:$0x10A8];
	v5 =	vadd.f32 v48, v5;
	v7 =	vadd.f32 v7, v9  }
0x167: {  	v19 =	vld [tilespmem:$0x10A0];
	vm10 =	vmand vm9, vm1;
	vm0 =	veq.s32 v44, $0x0;
	v6 =	vsel vm11, $0x0, v49  }
0x168: {  	v16 =	vld [tilespmem:$0x400];
	v44 =	vimm.s32 $0x0;
	v4 =	vadd.f32 v6, v4;
	vm14 =	vmand vm12, vm1  }
0x169: {  	v20 =	vld [tilespmem:$0x1090];
	vm12 =	vne.s32 v40, $0x0;
	v6 =	vsel vm13, $0x0, v61;
	v61 =	vnsel vm14, $0x0, v56  }
0x16a: {  	v3 =	vadd.f32 v6, v3;
	v6 =	vadd.f32 v61, v7;
	vm15 =	veq.s32 v2, $0x0;
	v2 =	vld [tilespmem:$0x1FE60]  }
0x16b: {  	v37 =	vld [tilespmem:$0xA38];
	v7 =	vsel vm11, $0x0, v57;
	v61 =	vnsel vm14, $0x0, v50;
	vm14 =	vmand vm12, vm1  }
0x16c: {  	v53 =	vld [tilespmem:$0xA40];
	v7 =	vadd.f32 v7, v12;
	v12 =	vsel vm13, $0x0, v59;
	v5 =	vadd.f32 v61, v5  }
0x16d: {  	v11 =	vld [tilespmem:$0x420];
	v61 =	vsel vm13, $0x0, v14;
	vm13 =	veq.s32 v62, $0x0;
	v12 =	vadd.f32 v12, v60  }
0x16e: {  	v31 =	vld [tilespmem:$0x410];
	v60 =	vsel vm11, $0x0, v14;
	v8 =	vadd.f32 v61, v8;
	vm11 =	veq.s32 v63, $0x0  }
0x16f: {  	v45 =	vld [tilespmem:$0xA50];
	v1 =	vadd.f32 v60, v1;
	vm8 =	veq.s32 v2, $0x0;
	v2 =	vsel vm15, $0x0, v41  }
0x170: {  	v39 =	vld [tilespmem:$0x428];
	v42 =	vsel vm8, $0x0, v42;
	v2 =	vadd.f32 v2, v4;
	v4 =	vnsel vm10, $0x0, v55  }
0x171: {  	v10 =	vld [tilespmem:$0xA60];
	v55 =	vnsel vm10, $0x0, v30;
	v3 =	vadd.f32 v42, v3;
	v4 =	vadd.f32 v4, v6  }
0x172: {  	v15 =	vld [tilespmem:$0x10B8];
	v6 =	vsel vm15, $0x0, v54;
	v54 =	vsel vm8, $0x0, v33;
	v5 =	vadd.f32 v55, v5  }
0x173: {  	v48 =	vld [tilespmem:$0xA68];
	v55 =	vsel vm8, $0x0, v14;
	vm8 =	veq.s32 v46, $0x0;
	v6 =	vadd.f32 v6, v7  }
0x174: {  	v9 =	vld [tilespmem:$0x10C8];
	v7 =	vadd.f32 v54, v12;
	v12 =	vsel vm15, $0x0, v14;
	v8 =	vadd.f32 v55, v8  }
0x175: {  	v49 =	vld [tilespmem:$0x10D0];
	vm15 =	veq.s32 v58, $0x0;
	v58 =	vsel vm8, $0x0, v52;
	v23 =	vsel vm8, $0x0, v23  }
0x176: {  	v40 =	vld [tilespmem:$0xAB0];
	v1 =	vadd.f32 v12, v1;
	v12 =	vnsel vm9, $0x0, v13;
	vm9 =	vne.s32 v25, $0x0  }
0x177: {  	v42 =	vld [tilespmem:$0x10F8];
	v21 =	vsel vm15, $0x0, v21;
	v12 =	vadd.f32 v12, v0;
	v0 =	vsel vm11, $0x0, v35  }
0x178: {  	v56 =	vld [tilespmem:$0x438];
	v22 =	vsel vm15, $0x0, v22;
	vm10 =	vmand vm9, vm1;
	v2 =	vadd.f32 v0, v2  }
0x179: {  	v57 =	vld [tilespmem:$0x448];
	v0 =	vsel vm13, $0x0, v43;
	v43 =	vnsel vm14, $0x0, v47;
	v25 =	vnsel vm10, $0x0, v24  }
0x17a: {  	v50 =	vld [tilespmem:$0x450];
	v63 =	vadd.f32 v0, v3;
	v0 =	vadd.f32 v43, v4;
	v3 =	vsel vm11, $0x0, v51  }
0x17b: {  	v59 =	vld [tilespmem:$0xA78];
	v4 =	vnsel vm14, $0x0, v34;
	v51 =	vnsel vm12, $0x0, v13;
	vm12 =	vne.s32 v29, $0x0  }
0x17c: {  	v62 =	vld [tilespmem:$0x1118];
	vm7 =	vne.s32 v42, $0x0;
	v6 =	vadd.f32 v3, v6;
	v3 =	vsel vm13, $0x0, v38  }
0x17d: {  	v61 =	vld [tilespmem:$0xA90];
	v34 =	vadd.f32 v4, v5;
	v4 =	vsel vm13, $0x0, v14;
	v12 =	vadd.f32 v51, v12  }
0x17e: {  	v60 =	vld [tilespmem:$0xA88];
	v2 =	vadd.f32 v21, v2;
	vm13 =	veq.s32 v36, $0x0;
	vm14 =	vmand vm12, vm1  }
0x17f: {  	v41 =	vld [tilespmem:$0x10F0];
	vm2 =	vmand vm7, vm1;
	v7 =	vadd.f32 v3, v7;
	v3 =	vsel vm11, $0x0, v14  }
0x180: {  	v35 =	vld [tilespmem:$0xAB8];
	v8 =	vadd.f32 v4, v8;
	v46 =	vadd.f32 v58, v63;
	v63 =	vnsel vm10, $0x0, v28  }
0x181: {  	v30 =	vld [tilespmem:$0x470];
	v28 =	vsel vm15, $0x0, v14;
	vm11 =	veq.s32 v26, $0x0;
	v16 =	vnsel vm14, $0x0, v16  }
0x182: {  	v33 =	vld [tilespmem:$0x460];
	v36 =	vnsel vm14, $0x0, v53;
	v53 =	vsel vm13, $0x0, v14;
	v1 =	vadd.f32 v3, v1  }
0x183: {  	v54 =	vld [tilespmem:$0x478];
	vm15 =	veq.s32 v20, $0x0;
	v0 =	vadd.f32 v63, v0;
	v6 =	vadd.f32 v22, v6  }
0x184: {  	v55 =	vld [tilespmem:$0xAA0];
	v63 =	vnsel vm9, $0x0, v13;
	v29 =	vsel vm11, $0x0, v17;
	vm9 =	vne.s32 v18, $0x0  }
0x185: {  	v52 =	vld [tilespmem:$0xAE0];
	v35 =	vnsel vm2, $0x0, v35;
	v7 =	vadd.f32 v23, v7;
	v23 =	vadd.f32 v25, v34  }
0x186: {  	v47 =	vld [tilespmem:$0x1108];
	v34 =	vsel vm8, $0x0, v14;
	v12 =	vadd.f32 v63, v12;
	vm8 =	veq.s32 v19, $0x0  }
0x187: {  	v43 =	vld [tilespmem:$0x4A0];
	vm10 =	vmand vm9, vm1;
	v1 =	vadd.f32 v28, v1;
	v8 =	vadd.f32 v34, v8  }
0x188: {  	v38 =	vld [tilespmem:$0x1120];
	v28 =	vsel vm11, $0x0, v32;
	v0 =	vadd.f32 v16, v0;
	v6 =	vadd.f32 v29, v6  }
0x189: {  	v5 =	vld [tilespmem:$0x488];
	v32 =	vsel vm13, $0x0, v37;
	v37 =	vsel vm11, $0x0, v14;
	v11 =	vsel vm8, $0x0, v11  }
0x18a: {  	v51 =	vld [tilespmem:$0xAD8];
	v10 =	vsel vm8, $0x0, v10;
	vm11 =	veq.s32 v15, $0x0;
	v24 =	vadd.f32 v28, v2  }
0x18b: {  	v21 =	vld [tilespmem:$0x1130];
	v2 =	vsel vm13, $0x0, v27;
	v7 =	vadd.f32 v32, v7;
	v16 =	vadd.f32 v36, v23  }
0x18c: {  	v4 =	vld [tilespmem:$0xAC8];
	v32 =	vnsel vm12, $0x0, v13;
	v36 =	vsel vm15, $0x0, v31;
	vm12 =	vne.s32 v49, $0x0  }
0x18d: {  	v58 =	vld [tilespmem:$0x1148];
	vm13 =	veq.s32 v9, $0x0;
	v34 =	vadd.f32 v2, v46;
	v1 =	vadd.f32 v37, v1  }
0x18e: {  	v26 =	vld [tilespmem:$0x4C0];
	v8 =	vadd.f32 v53, v8;
	v12 =	vadd.f32 v32, v12;
	v37 =	vnsel vm10, $0x0, v39  }
0x18f: {  	v20 =	vld [tilespmem:$0xB30];
	v39 =	vsel vm15, $0x0, v45;
	v53 =	vsel vm8, $0x0, v14;
	vm14 =	vmand vm12, vm1  }
0x190: {  	v3 =	vld [tilespmem:$0x498];
	v9 =	vnsel vm12, $0x0, v13;
	v18 =	vadd.f32 v36, v24;
	v0 =	vadd.f32 v37, v0  }
0x191: {  	v22 =	vld [tilespmem:$0x1140];
	vm8 =	vne.s32 v38, $0x0;
	v45 =	vadd.f32 v39, v6;
	v7 =	vadd.f32 v10, v7  }
0x192: {  	v25 =	vld [tilespmem:$0x4B0];
	v6 =	vnsel vm10, $0x0, v48;
	v24 =	vnsel vm14, $0x0, v61;
	vm10 =	vne.s32 v58, $0x0  }
0x193: {  	v63 =	vld [tilespmem:$0x4C8];
	v58 =	vimm.s32 $0x0;
	v10 =	vadd.f32 v6, v16;
	v6 =	vsel vm15, $0x0, v14  }
0x194: {  	v23 =	vld [tilespmem:$0x1170];
	v11 =	vadd.f32 v11, v34;
	vm15 =	veq.s32 v41, $0x0;
	v1 =	vadd.f32 v6, v1  }
0x195: {  	v19 =	vld [tilespmem:$0x4F0];
	v6 =	vadd.f32 v53, v8;
	v8 =	vnsel vm9, $0x0, v13;
	v53 =	vsel vm0, $0x0, v33  }
0x196: {  	v27 =	vld [tilespmem:$0xAF0];
	v30 =	vsel vm15, $0x0, v30;
	v38 =	vsel vm15, $0x0, v40;
	vm9 =	vmand vm8, vm1  }
0x197: {  	v28 =	vld [tilespmem:$0x1158];
	v17 =	vadd.f32 v8, v12;
	v8 =	vsel vm11, $0x0, v56;
	v49 =	vadd.f32 v24, v10  }
0x198: {  	v39 =	vld [tilespmem:$0x11C0];
	v10 =	vsel vm13, $0x0, v14;
	v24 =	vsel vm7, $0xFFFFFFFF, v44;
	v56 =	vimm.s32 $0x0  }
0x199: {  	v46 =	vld [tilespmem:$0xB08];
	v43 =	vnsel vm9, $0x0, v43;
	v52 =	vnsel vm9, $0x0, v52;
	vm12 =	vne.s32 v23, $0x0  }
0x19a: {  	v32 =	vld [tilespmem:$0x4D8];
	v15 =	vadd.f32 v8, v18;
	v8 =	vsel vm13, $0x0, v57;
	v57 =	vnsel vm14, $0x0, v50  }
0x19b: {  	v16 =	vld [tilespmem:$0x1198];
	v33 =	vsel vm15, $0xFFFFFFFF, v56;
	v6 =	vadd.f32 v10, v6;
	v11 =	vadd.f32 v8, v11  }
0x19c: {  	v36 =	vld [tilespmem:$0x1190];
	v0 =	vadd.f32 v57, v0;
	v8 =	vsel vm11, $0x0, v59;
	v57 =	vnsel vm2, $0x0, v54  }
0x19d: {  	v48 =	vld [tilespmem:$0x540];
	v59 =	vimm.s32 $0x0;
	vm15 =	vne.s32 v39, $0x0;
	v35 =	vadd.f32 v35, v49  }
0x19e: {  	v61 =	vld [tilespmem:$0x1238];
	vm2 =	veq.s32 v28, $0x0;
	v45 =	vadd.f32 v8, v45;
	v8 =	vsel vm13, $0x0, v60  }
0x19f: {  	v41 =	vld [tilespmem:$0x568];
	v42 =	vadd.f32 v53, v15;
	v53 =	vsel vm0, $0x0, v55;
	v60 =	vimm.s32 $0x0  }
0x1a0: {  	v12 =	vld [tilespmem:$0x518];
	vm13 =	vmand vm12, vm1;
	vm14 =	vne.s32 v16, $0x0;
	vm7 =	vmand vm15, vm1  }
0x1a1: {  	v44 =	vld [tilespmem:$0x1210];
	v7 =	vadd.f32 v8, v7;
	v8 =	vsel vm11, $0x0, v14;
	v30 =	vadd.f32 v30, v11  }
0x1a2: {  	v18 =	vld [tilespmem:$0xB58];
	v0 =	vadd.f32 v57, v0;
	v11 =	vsel vm8, $0xFFFFFFFF, v59;
	v15 =	vsel vm10, $0xFFFFFFFF, v60  }
0x1a3: {  	v50 =	vld [tilespmem:$0xB80];
	vm11 =	vmand vm10, vm1;
	v57 =	vimm.s32 $0x0;
	v19 =	vnsel vm13, $0x0, v19  }
0x1a4: {  	v39 =	vld [tilespmem:$0x1260];
	vm3 =	vmand vm14, vm1;
	v59 =	vimm.s32 $0x0;
	v23 =	vnsel vm13, $0x0, v20  }
0x1a5: {  	v49 =	vld [tilespmem:$0x11D0];
	v8 =	vadd.f32 v8, v1;
	[tilespmem:$0x1FF30] =	vst v15;
	v55 =	vnsel vm11, $0x0, v63;
	v15 =	vsel vm12, $0xFFFFFFFF, v57  }
0x1a6: {  	[tilespmem:$0x1FED0] =	vst v24;
	v54 =	vld [tilespmem:$0x550];
	v24 =	vnsel vm11, $0x0, v46;
	v57 =	vnsel vm3, $0x0, v12;
	vm10 =	vne.s32 v44, $0x0  }
0x1a7: {  	v1 =	vld [tilespmem:$0x11E8];
	vm11 =	vne.s32 v61, $0x0;
	[tilespmem:$0x1FF50] =	vst v15;
	v15 =	vsel vm14, $0xFFFFFFFF, v58;
	v20 =	vnsel vm3, $0x0, v18  }
0x1a8: {  	v46 =	vld [tilespmem:$0xBF8];
	v18 =	vnsel vm7, $0x0, v48;
	vm3 =	vmand vm10, vm1;
	vm12 =	vmand vm11, vm1  }
0x1a9: {  	v58 =	vld [tilespmem:$0x5E0];
	v38 =	vadd.f32 v38, v7;
	[tilespmem:$0x1FF70] =	vst v15;
	v15 =	vsel vm15, $0xFFFFFFFF, v59;
	vm13 =	vne.s32 v39, $0x0  }
0x1aa: {  	v48 =	vld [tilespmem:$0x1288];
	v39 =	vimm.s32 $0x0;
	vm4 =	veq.s32 v49, $0x0;
	[tilespmem:$0x1FF80] =	vst v15;
	v15 =	vnsel vm7, $0x0, v50  }
0x1ab: {  	[tilespmem:$0x1FEC0] =	vst v33;
	v33 =	vld [tilespmem:$0xBA8];
	vm14 =	vmand vm13, vm1;
	vm7 =	veq.s32 v47, $0x0;
	v54 =	vsel vm4, $0x0, v54  }
0x1ac: {  	[tilespmem:$0x1FF00] =	vst v11;
	v11 =	vld [tilespmem:$0x590];
	v5 =	vsel vm7, $0x0, v5;
	v4 =	vsel vm7, $0x0, v4;
	vm8 =	vne.s32 v1, $0x0  }
0x1ad: {  	v37 =	vld [tilespmem:$0x500];
	v1 =	vimm.s32 $0x0;
	v12 =	vnsel vm12, $0x0, v46;
	v5 =	vadd.f32 v5, v42  }
0x1ae: {  	v61 =	vld [tilespmem:$0x608];
	v42 =	vimm.s32 $0x0;
	v1 =	vsel vm8, $0xFFFFFFFF, v1;
	vm9 =	vmand vm8, vm1  }
0x1af: {  	v63 =	vld [tilespmem:$0xC48];
	vm15 =	vne.s32 v48, $0x0;
	v48 =	vnsel vm14, $0x0, v58;
	vm8 =	veq.s32 v62, $0x0  }
0x1b0: {  	v34 =	vld [tilespmem:$0x1180];
	v62 =	vsel vm2, $0x0, v32;
	[tilespmem:$0x1FFA0] =	vst v1;
	v1 =	vimm.s32 $0x0;
	v41 =	vnsel vm9, $0x0, v41  }
0x1b1: {  	v40 =	vld [tilespmem:$0xBD0];
	v16 =	vnsel vm9, $0x0, v33;
	v33 =	vnsel vm3, $0x0, v11;
	v11 =	vsel vm13, $0xFFFFFFFF, v39  }
0x1b2: {  	v59 =	vld [tilespmem:$0x510];
	vm6 =	vmand vm15, vm1;
	v3 =	vsel vm8, $0x0, v3;
	vm9 =	veq.s32 v21, $0x0  }
0x1b3: {  	v46 =	vld [tilespmem:$0x11B8];
	v21 =	vadd.f32 v52, v35;
	v1 =	vsel vm10, $0xFFFFFFFF, v1;
	v50 =	vnsel vm6, $0x0, v61  }
0x1b4: {  	v56 =	vld [tilespmem:$0x5B8];
	v7 =	vnsel vm6, $0x0, v63;
	v61 =	vimm.s32 $0x0;
	v63 =	vimm.s32 $0x0  }
0x1b5: {  	v2 =	vld [tilespmem:$0xB00];
	v3 =	vadd.f32 v3, v30;
	v27 =	vsel vm9, $0x0, v27;
	vm6 =	veq.s32 v36, $0x0  }
0x1b6: {  	v39 =	vld [tilespmem:$0x11A8];
	[tilespmem:$0x1FFB0] =	vst v1;
	v1 =	vimm.s32 $0x0;
	v47 =	vsel vm7, $0xFFFFFFFF, v61;
	vm7 =	veq.s32 v34, $0x0  }
0x1b7: {  	v60 =	vld [tilespmem:$0xC20];
	v36 =	vsel vm6, $0x0, v59;
	v21 =	vadd.f32 v24, v21;
	v1 =	vsel vm11, $0xFFFFFFFF, v1  }
0x1b8: {  	v29 =	vld [tilespmem:$0x1168];
	v34 =	vsel vm7, $0x0, v37;
	v37 =	vimm.s32 $0x0;
	vm10 =	veq.s32 v46, $0x0  }
0x1b9: {  	v30 =	vld [tilespmem:$0x11E0];
	[tilespmem:$0x1FFC0] =	vst v1;
	v1 =	vnsel vm3, $0x0, v40;
	v40 =	vnsel vm12, $0x0, v56;
	v56 =	vimm.s32 $0x0  }
0x1ba: {  	v31 =	vld [tilespmem:$0x4E8];
	[tilespmem:$0x1FFD0] =	vst v11;
	vm3 =	veq.s32 v22, $0x0;
	v21 =	vadd.f32 v23, v21;
	v11 =	vsel vm15, $0xFFFFFFFF, v56  }
0x1bb: {  	v44 =	vld [tilespmem:$0x560];
	v56 =	vsel vm9, $0x0, v25;
	v58 =	vsel vm3, $0x0, v26;
	vm5 =	veq.s32 v39, $0x0  }
0x1bc: {  	v49 =	vld [tilespmem:$0x628];
	v39 =	vimm.s32 $0x0;
	v2 =	vsel vm3, $0x0, v2;
	[tilespmem:$0x1FFE0] =	vst v11;
	v11 =	vnsel vm14, $0x0, v60  }
0x1bd: {  	v52 =	vld [tilespmem:$0x1248];
	v60 =	vadd.f32 v53, v45;
	v53 =	vsel vm8, $0xFFFFFFFF, v63;
	v5 =	vadd.f32 v56, v5  }
0x1be: {  	[tilespmem:$0x1FEE0] =	vst v47;
	v47 =	vld [tilespmem:$0x538];
	v3 =	vadd.f32 v58, v3;
	v63 =	vimm.s32 $0x0;
	vm11 =	veq.s32 v30, $0x0  }
0x1bf: {  	v35 =	vld [tilespmem:$0x1280];
	v20 =	vadd.f32 v20, v21;
	[tilespmem:$0x1FEF0] =	vst v53;
	v53 =	vadd.f32 v43, v0;
	v0 =	vsel vm8, $0x0, v51  }
0x1c0: {  	v22 =	vld [tilespmem:$0x1208];
	v28 =	vsel vm2, $0xFFFFFFFF, v63;
	vm8 =	veq.s32 v29, $0x0;
	v58 =	vsel vm11, $0x0, v44  }
0x1c1: {  	v61 =	vld [tilespmem:$0x578];
	v63 =	vimm.s32 $0x0;
	v4 =	vadd.f32 v4, v60;
	v38 =	vadd.f32 v0, v38  }
0x1c2: {  	v26 =	vld [tilespmem:$0x11F8];
	v0 =	vimm.s32 $0x0;
	v5 =	vadd.f32 v62, v5;
	v32 =	vsel vm8, $0x0, v31  }
0x1c3: {  	v59 =	vld [tilespmem:$0x5D8];
	v51 =	vsel vm10, $0x0, v47;
	v15 =	vadd.f32 v15, v20;
	v0 =	vsel vm9, $0xFFFFFFFF, v0  }
0x1c4: {  	v45 =	vld [tilespmem:$0x528];
	v60 =	vadd.f32 v55, v53;
	v3 =	vadd.f32 v32, v3;
	v32 =	vsel vm10, $0xFFFFFFFF, v42  }
0x1c5: {  	v25 =	vld [tilespmem:$0x5B0];
	v55 =	vimm.s32 $0x0;
	vm13 =	veq.s32 v22, $0x0;
	[tilespmem:$0x1FF10] =	vst v0;
	v0 =	vimm.s32 $0x0  }
0x1c6: {  	v29 =	vld [tilespmem:$0x1220];
	v4 =	vadd.f32 v27, v4;
	v5 =	vadd.f32 v34, v5;
	v27 =	vsel vm6, $0xFFFFFFFF, v37  }
0x1c7: {  	v44 =	vld [tilespmem:$0x12A8];
	v34 =	vsel vm4, $0xFFFFFFFF, v55;
	vm12 =	veq.s32 v26, $0x0;
	v22 =	vsel vm13, $0xFFFFFFFF, v63  }
0x1c8: {  	[tilespmem:$0x1FF40] =	vst v28;
	v28 =	vld [tilespmem:$0x588];
	v63 =	vimm.s32 $0x32107654;
	v15 =	vadd.f32 v16, v15;
	v0 =	vsel vm3, $0xFFFFFFFF, v0  }
0x1c9: {  	v31 =	vld [tilespmem:$0x1230];
	v19 =	vadd.f32 v19, v60;
	v3 =	vadd.f32 v36, v3;
	v46 =	vsel vm5, $0x0, v45  }
0x1ca: {  	v47 =	vld [tilespmem:$0x12B0];
	v60 =	vimm.s32 $0x0;
	v61 =	vsel vm12, $0x0, v61;
	[tilespmem:$0x1FF20] =	vst v0;
	v0 =	vsel vm0, $0x0, v14  }
0x1cb: {  	v62 =	vld [tilespmem:$0x1270];
	v5 =	vadd.f32 v46, v5;
	v26 =	vsel vm12, $0xFFFFFFFF, v60;
	vm15 =	veq.s32 v29, $0x0  }
0x1cc: {  	v53 =	vld [tilespmem:$0x1258];
	vm12 =	veq.s32 v35, $0x0;
	vm9 =	veq.s32 v44, $0x0;
	v1 =	vadd.f32 v1, v15  }
0x1cd: {  	v42 =	vld [tilespmem:$0x1298];
	v44 =	vimm.s32 $0xDCFE98BA;
	v19 =	vadd.f32 v57, v19;
	v3 =	vadd.f32 v51, v3  }
0x1ce: {  	v56 =	vld [tilespmem:$0x5C8];
	v57 =	vimm.s32 $0x0;
	v28 =	vsel vm13, $0x0, v28;
	vm14 =	veq.s32 v31, $0x0  }
0x1cf: {  	v37 =	vld [tilespmem:$0x5F0];
	[tilespmem:$0x1FE90] =	vst v26;
	v51 =	vimm.s32 $0xFEDCBA98;
	v26 =	vsel vm9, $0x0, v49;
	vm0 =	vne.s32 v47, $0x0  }
0x1d0: {  	[tilespmem:$0x1FF60] =	vst v27;
	v27 =	vld [tilespmem:$0x5A0];
	v0 =	vadd.f32 v0, v8;
	v30 =	vsel vm11, $0xFFFFFFFF, v57;
	v5 =	vadd.f32 v54, v5  }
0x1d1: {  	v55 =	vld [tilespmem:$0xB18];
	v25 =	vsel vm14, $0x0, v25;
	vm13 =	veq.s32 v53, $0x0;
	vm11 =	veq.s32 v62, $0x0  }
0x1d2: {  	v46 =	vld [tilespmem:$0x618];
	v53 =	vimm.s32 $0x76543210;
	vm10 =	veq.s32 v42, $0x0;
	vm1 =	vmand vm0, vm1  }
0x1d3: {  	v60 =	vld [tilespmem:$0xB50];
	v62 =	vimm.s32 $0xBA98FEDC;
	v18 =	vadd.f32 v18, v19;
	v3 =	vadd.f32 v58, v3  }
0x1d4: {  	v54 =	vld [tilespmem:$0xC70];
	v1 =	vadd.f32 v12, v1;
	v45 =	vsel vm13, $0x0, v59;
	v5 =	vadd.f32 v61, v5  }
0x1d5: {  	v27 =	vsel vm15, $0x0, v27;
	v18 =	vadd.f32 v41, v18;
	v3 =	vadd.f32 v28, v3;
	v41 =	vld [tilespmem:$0x600]  }
0x1d6: {  	v57 =	vld [tilespmem:$0xB28];
	v28 =	vsel vm14, $0xFFFFFFFF, v39;
	vm14 =	veq.s32 v52, $0x0;
	v5 =	vadd.f32 v27, v5  }
0x1d7: {  	v42 =	vld [tilespmem:$0xBC8];
	v43 =	vsel vm14, $0x0, v56;
	v18 =	vadd.f32 v33, v18;
	v3 =	vadd.f32 v25, v3  }
0x1d8: {  	v19 =	vsel vm11, $0x0, v37;
	v58 =	vadd.f32 v2, v38;
	v59 =	vld [tilespmem:$0xB40];
	v5 =	vadd.f32 v43, v5  }
0x1d9: {  	[tilespmem:$0x1FE80] =	vst v30;
	v30 =	vunpack.c.l.s4.s8 v63;
	v52 =	vld [tilespmem:$0x630];
	v18 =	vadd.f32 v40, v18;
	v3 =	vadd.f32 v45, v3  }
0x1da: {  	[tilespmem:$0x1FEA0] =	vst v22;
	v38 =	vld [tilespmem:$0xBA0];
	v1 =	vadd.f32 v11, v1;
	v22 =	vsel vm12, $0x0, v41;
	v5 =	vadd.f32 v19, v5  }
0x1db: {  	v61 =	vld [tilespmem:$0xB68];
	v25 =	vsel vm10, $0x0, v46;
	v18 =	vadd.f32 v48, v18;
	v3 =	vadd.f32 v22, v3  }
0x1dc: {  	[tilespmem:$0x1FF90] =	vst v34;
	v47 =	vld [tilespmem:$0x1FE80];
	v34 =	vunpack.c.0.s8.s32 v30;
	v36 =	vsel vm6, $0x0, v60;
	v5 =	vadd.f32 v25, v5  }
0x1dd: {  	v60 =	vld [tilespmem:$0xC58];
	[tilespmem:$0x1FEB0] =	vst v28;
	v28 =	vunpack.c.l.s4.s8 v53;
	v18 =	vadd.f32 v50, v18;
	v3 =	vadd.f32 v26, v3  }
0x1de: {  	[tilespmem:$0x1FE70] =	vst v32;
	v56 =	vimm.s32 $0x0;
	v1 =	vadd.f32 v7, v1;
	v33 =	vld [tilespmem:$0xB90];
	v22 =	vnsel vm1, $0x0, v52  }
0x1df: {  	v27 =	vsel vm0, $0xFFFFFFFF, v56;
	v40 =	vld [tilespmem:$0x1FE70];
	v18 =	vadd.f32 v22, v18;
	v3 =	vadd.f32 v3, v5  }
0x1e0: {  	v46 =	vld [tilespmem:$0xBF0];
	v28 =	vunpack.c.0.s8.s32 v28;
	v35 =	vsel vm7, $0x0, v59;
	v19 =	vunpack.c.l.s4.s8 v51  }
0x1e1: {  	v45 =	vimm.s32 $0x54761032;
	v5 =	vsel vm2, $0x0, v55;
	v18 =	vadd.f32 v18, v3;
	v3 =	vld [tilespmem:$0xB78]  }
0x1e2: {  	v43 =	vld [tilespmem:$0xBE0];
	v19 =	vunpack.c.0.s8.s32 v19;
	v4 =	vadd.f32 v5, v4;
	v5 =	vsel vm8, $0x0, v57  }
0x1e3: {  	[tilespmem:$0x1FFF0] =	vst v27;
	v39 =	vsel vm5, $0x0, v61;
	v27 =	vunpack.c.l.s4.s8 v45;
	v51 =	vld [tilespmem:$0x1FE90];
	v5 =	vadd.f32 v5, v58  }
0x1e4: {  	v7 =	vsel vm10, $0x0, v60;
	v52 =	vld [tilespmem:$0x1FEA0];
	v19 =	vand.u32 $0xF, v19;
	vm6 =	vnez.u8 v40  }
0x1e5: {  	v41 =	vld [tilespmem:$0xBB8];
	v2 =	vcombine.low v19, v28;
	v4 =	vadd.f32 v35, v4;
	v5 =	vadd.f32 v36, v5  }
0x1e6: {  	v25 =	vunpack.c.l.s4.s8 v62;
	v24 =	vsel vm4, $0x0, v33;
	v57 =	vld [tilespmem:$0x1FEB0];
	v3 =	vsel vm6, $0x0, v3  }
0x1e7: {  	v59 =	vld [tilespmem:$0xC40];
	vm4 =	vnez.u8 v47;
	v4 =	vadd.f32 v39, v4;
	v5 =	vadd.f32 v3, v5  }
0x1e8: {  	v48 =	vld [tilespmem:$0xC08];
	v20 =	vsel vm4, $0x0, v38;
	v19 =	vnsel vm1, $0x0, v54;
	vm2 =	vnez.u8 v51  }
0x1e9: {  	v54 =	vld [tilespmem:$0xC18];
	vm3 =	vnez.u8 v52;
	v4 =	vadd.f32 v24, v4;
	v5 =	vadd.f32 v20, v5  }
0x1ea: {  	s6 =	simm.s32 $0x12C0;
	v25 =	vunpack.c.0.s8.s32 v25;
	v16 =	vsel vm2, $0x0, v41;
	v21 =	vsel vm3, $0x0, v42;
	v58 =	vld [tilespmem:$0xC30];
	[tilespmem:$0x12C0] =	vst v18  }
0x1eb: {  	v37 =	vld.idx.msk [tilespmem:v2+s6+$0x0], $0xffff;
	vm0 =	vnez.u8 v57;
	v4 =	vadd.f32 v16, v4;
	v5 =	vadd.f32 v21, v5  }
0x1ec: {  	v26 =	vunpack.c.l.s4.s8 v44;
	v56 =	vsel vm15, $0x0, v43;
	v23 =	vsel vm0, $0x0, v46  }
0x1ed: {  	v63 =	vld [tilespmem:$0xC68];
	v25 =	vcombine.low v34, v25;
	v15 =	vadd.f32 v56, v4;
	v5 =	vadd.f32 v23, v5  }
0x1ee: {  	v50 =	vunpack.c.0.s8.s32 v27;
	v28 =	vsel vm13, $0x0, v54;
	v20 =	vsel vm14, $0x0, v48  }
0x1ef: {  	v3 =	vand.u32 $0xF, v25;
	v27 =	vadd.f32 v20, v15;
	v5 =	vadd.f32 v28, v5  }
0x1f0: {  	v32 =	vsel vm12, $0x0, v59;
	v36 =	vld [tilespmem:$0x1FEC0];
	v31 =	vsel vm11, $0x0, v58;
	v18 =	vadd.f32 v37, v18  }
0x1f1: {  	v62 =	vimm.s32 $0x67452301;
	v37 =	vld [tilespmem:$0x1FED0];
	v11 =	vadd.f32 v31, v27;
	v5 =	vadd.f32 v32, v5  }
0x1f2: {  	v49 =	vunpack.c.0.s8.s32 v26;
	v26 =	vunpack.c.l.s4.s8 v62;
	v35 =	vsel vm9, $0x0, v63;
	v39 =	vld [tilespmem:$0x1FEE0]  }
0x1f3: {  	v8 =	vld [tilespmem:$0x1FEF0];
	v61 =	vimm.s32 $0xEFCDAB89;
	[tilespmem:$0x12C0] =	vst v18;
	v11 =	vadd.f32 v7, v11;
	v5 =	vadd.f32 v35, v5  }
0x1f4: {  	v1 =	vadd.f32 v19, v1;
	v55 =	vcombine.low v50, v49;
	v30 =	vunpack.c.0.s8.s32 v26;
	v53 =	vld.idx.msk [tilespmem:v3+s6+$0x0], $0xffff  }
0x1f5: {  	v25 =	vunpack.c.l.s4.s8 v61;
	vm1 =	vnez.u8 v36;
	v5 =	vadd.f32 v5, v11  }
0x1f6: {  	v12 =	vsel vm1, $0x0, v14;
	v4 =	vand.u32 $0xF, v55;
	vm1 =	vnez.u8 v37  }
0x1f7: {  	v10 =	vnsel vm1, $0x0, v13;
	vm1 =	vnez.u8 v39;
	v1 =	vadd.f32 v1, v5;
	v5 =	vld [tilespmem:$0x1FF00]  }
0x1f8: {  	v41 =	vld [tilespmem:$0x1FF10];
	v6 =	vadd.f32 v12, v6;
	v11 =	vsel vm1, $0x0, v14;
	vm1 =	vnez.u8 v8  }
0x1f9: {  	v42 =	vld [tilespmem:$0x1FF20];
	v29 =	vunpack.c.0.s8.s32 v25;
	v18 =	vadd.f32 v53, v18;
	v8 =	vsel vm1, $0x0, v14  }
0x1fa: {  	v6 =	vadd.f32 v8, v6;
	v8 =	vld [tilespmem:$0x1FF30]  }
0x1fb: {  	v44 =	vld [tilespmem:$0x1FF40];
	v34 =	vcombine.low v30, v29;
	[tilespmem:$0x12C0] =	vst v18  }
0x1fc: {  	v9 =	vadd.f32 v9, v17;
	v33 =	vld.idx.msk [tilespmem:v4+s6+$0x0], $0xffff;
	vm1 =	vnez.u8 v5  }
0x1fd: {  	v7 =	vand.u32 $0xF, v34;
	v5 =	vnsel vm1, $0x0, v13;
	vm1 =	vnez.u8 v41  }
0x1fe: {  	v0 =	vadd.f32 v11, v0;
	v11 =	vsel vm1, $0x0, v14;
	vm1 =	vnez.u8 v42  }
0x1ff: {  	v9 =	vadd.f32 v10, v9;
	v12 =	vsel vm1, $0x0, v14;
	vm1 =	vnez.u8 v8  }
0x200: {  	v47 =	vld [tilespmem:$0x1FF60];
	v0 =	vadd.f32 v11, v0;
	v8 =	vnsel vm1, $0x0, v13;
	vm1 =	vnez.u8 v44  }
0x201: {  	v50 =	vld [tilespmem:$0x1FF90];
	v38 =	vadd.f32 v33, v18;
	v5 =	vadd.f32 v5, v9;
	v11 =	vsel vm1, $0x0, v14  }
0x202: {  	v46 =	vld [tilespmem:$0x1FF50];
	v0 =	vadd.f32 v11, v0  }
0x203: {  	v48 =	vld [tilespmem:$0x1FF70];
	[tilespmem:$0x12C0] =	vst v38;
	v5 =	vadd.f32 v8, v5;
	v8 =	vsel vm7, $0x0, v14  }
0x204: {  	v40 =	vld.idx.msk [tilespmem:v7+s6+$0x0], $0xffff;
	[tilespmem:$0x12C0] =	vst v1;
	v0 =	vadd.f32 v8, v0  }
0x205: {  	v43 =	vld.idx.msk [tilespmem:v2+s6+$0x0], $0xffff;
	v8 =	vsel vm5, $0x0, v14  }
0x206: {  	v0 =	vadd.f32 v8, v0;
	v8 =	vld [tilespmem:$0x1FF80]  }
0x207: {  	v45 =	vsel vm8, $0x0, v14;
	vm8 =	vnez.u8 v46  }
0x208: {  	v6 =	vadd.f32 v12, v6;
	v12 =	vnsel vm8, $0x0, v13;
	vm8 =	vnez.u8 v48  }
0x209: {  	vm7 =	vnez.u8 v47;
	v16 =	vnsel vm8, $0x0, v13;
	v5 =	vadd.f32 v12, v5  }
0x20a: {  	vm8 =	vnez.u8 v50;
	v6 =	vadd.f32 v45, v6;
	v1 =	vadd.f32 v43, v1  }
0x20b: {  	v11 =	vsel vm7, $0x0, v14;
	v5 =	vadd.f32 v16, v5;
	vm7 =	vnez.u8 v8  }
0x20c: {  	v52 =	vld [tilespmem:$0x1FFA0];
	v6 =	vadd.f32 v11, v6;
	v11 =	vsel vm8, $0x0, v14;
	[tilespmem:$0x12C0] =	vst v1;
	v8 =	vnsel vm7, $0x0, v13  }
0x20d: {  	v0 =	vadd.f32 v11, v0;
	v5 =	vadd.f32 v8, v5;
	v8 =	vld.idx.msk [tilespmem:v3+s6+$0x0], $0xffff  }
0x20e: {  	v53 =	vsel vm2, $0x0, v14  }
0x20f: {  	v55 =	vld [tilespmem:$0x1FFB0];
	v0 =	vadd.f32 v53, v0  }
0x210: {  	v56 =	vsel vm15, $0x0, v14  }
0x211: {  	v58 =	vld [tilespmem:$0x1FFC0];
	v0 =	vadd.f32 v56, v0  }
0x212: {  	vm5 =	vnez.u8 v52;
	v1 =	vadd.f32 v8, v1;
	v8 =	vsel vm14, $0x0, v14  }
0x213: {  	v11 =	vnsel vm5, $0x0, v13;
	v0 =	vadd.f32 v8, v0;
	v8 =	vld [tilespmem:$0x1FFD0]  }
0x214: {  	v49 =	vsel vm6, $0x0, v14;
	vm6 =	vnez.u8 v55;
	v5 =	vadd.f32 v11, v5  }
0x215: {  	v11 =	vnsel vm6, $0x0, v13  }
0x216: {  	vm7 =	vnez.u8 v58;
	v5 =	vadd.f32 v11, v5  }
0x217: {  	v11 =	vnsel vm7, $0x0, v13  }
0x218: {  	v5 =	vadd.f32 v11, v5;
	vm8 =	vnez.u8 v8  }
0x219: {  	v8 =	vnsel vm8, $0x0, v13  }
0x21a: {  	v5 =	vadd.f32 v8, v5;
	v8 =	vsel vm11, $0x0, v14  }
0x21b: {  	v0 =	vadd.f32 v8, v0;
	v8 =	vld [tilespmem:$0x1FFE0]  }
0x21c: {  	v6 =	vadd.f32 v49, v6  }
0x21d: {  	v51 =	vsel vm4, $0x0, v14  }
0x21e: {  	v6 =	vadd.f32 v51, v6  }
0x21f: {  	v54 =	vsel vm3, $0x0, v14  }
0x220: {  	v60 =	vsel vm12, $0x0, v14;
	v6 =	vadd.f32 v54, v6;
	vm12 =	vnez.u8 v8  }
0x221: {  	v57 =	vsel vm0, $0x0, v14;
	v8 =	vnsel vm12, $0x0, v13  }
0x222: {  	v6 =	vadd.f32 v57, v6;
	v5 =	vadd.f32 v8, v5;
	v8 =	vsel vm10, $0x0, v14  }
0x223: {  	v59 =	vsel vm13, $0x0, v14;
	v0 =	vadd.f32 v8, v0;
	v8 =	vld [tilespmem:$0x1FFF0]  }
0x224: {  	v6 =	vadd.f32 v59, v6  }
0x225: {  	[tilespmem:$0x12C0] =	vst v1  }
0x226: {  	v6 =	vadd.f32 v60, v6;
	v61 =	vld.idx.msk [tilespmem:v4+s6+$0x0], $0xffff  }
0x227: {  	v62 =	vsel vm9, $0x0, v14  }
0x228: {  	v6 =	vadd.f32 v62, v6;
	vm13 =	vnez.u8 v8  }
0x229: {  	v8 =	vnsel vm13, $0x0, v13  }
0x22a: {  	v0 =	vadd.f32 v6, v0;
	v5 =	vadd.f32 v8, v5  }
0x22b: {  	v1 =	vadd.f32 v61, v1  }
0x22c: {  	v0 =	vadd.f32 v5, v0  }
0x22d: {  	[tilespmem:$0x12C0] =	vst v1  }
0x22e: {  	v5 =	vld.idx.msk [tilespmem:v7+s6+$0x0], $0xffff;
	[tilespmem:$0x12C0] =	vst v0  }
0x22f: {  	v6 =	vld.idx.msk [tilespmem:v2+s6+$0x0], $0xffff;
	_ =	sdelay $0x4  }
0x230: {  	v0 =	vadd.f32 v6, v0;
	_ =	sdelay $0x1  }
0x231: {  	[tilespmem:$0x12C0] =	vst v0  }
0x232: {  	v6 =	vld.idx.msk [tilespmem:v3+s6+$0x0], $0xffff;
	_ =	sdelay $0x4  }
0x233: {  	v0 =	vadd.f32 v6, v0;
	_ =	sdelay $0x1  }
0x234: {  	[tilespmem:$0x12C0] =	vst v0  }
0x235: {  	v6 =	vld.idx.msk [tilespmem:v4+s6+$0x0], $0xffff;
	_ =	sdelay $0x4  }
0x236: {  	v0 =	vadd.f32 v6, v0;
	_ =	sdelay $0x1  }
0x237: {  	[tilespmem:$0x12C0] =	vst v0  }
0x238: {  	v6 =	vld.idx.msk [tilespmem:v7+s6+$0x0], $0xffff;
	_ =	sdelay $0x2  }
0x239: {  	v8 =	vadd.f32 v40, v38;
	v1 =	vadd.f32 v5, v1  }
0x23a: {  	s30 =	sshrl.u32 s3, $0x1  }
0x23b: {  	s7 =	sor.u32 $0x8, s30;
	v5 =	vmul.f32 v8, v8;
	v0 =	vadd.f32 v6, v0;
	v6 =	vmul.f32 v1, v1  }
0x23c: {  	v63 =	vmov s7;
	v8 =	vmov s30  }
0x23d: {  	v1 =	vlaneseq.u32;
	v5 =	vadd.f32 v6, v5;
	v0 =	vmul.f32 $5.000000000e-01, v0  }
0x23e: {  	vm14 =	veq.s32 v8, v1;
	vm15 =	veq.s32 v63, v1  }
0x23f: {  	v5 =	vnsel vm14, $0x0, v5;
	v0 =	vnsel vm15, $0x0, v0  }
0x240: {  	v0 =	vadd.f32 v0, v5  }
0x241: {  	s31 =	sshll.u32 s3, $0x1;
	s8 =	sadd.s32 $0x28800, s4  }
0x242: {  	s4 =	sadd.s32 s8, s31;
	s7 =	simm.s32 $0x12D0;
	[tilespmem:$0x12D0] =	vst v0  }
0x243: {  	[hbm4b:s4+s2] =	stream.linear.scatter [tilespmem:s7], [sflag:$0x2], $0x10, $0x38;
	[tilespmem:$0x1400] =	vst v63  }
0x244: {  	s4 =	simm.s32 $0x2  }
0x245: {  	_ =	swait.ge [sflag:s4], $0x10  }
0x246: {  	[sflag:s4] =	ssyncset.done $0x0  }
0x247: {  	[sflag:s4] =	ssyncadd.s32 $0xFFFFFFF0  }
0x248: {  	p0 =	sne.s32 s3, $0x0;
	[bflag:$0x0] =	sbarrier.arrive $0xFFFF  }
0x249: {  	_ =	sfence.sel @p0 $0x180000  }
0x24a: {  	[bflag:$0x0] =	sbarrier.arrive @p0 $0xFFFF  }
0x24b: {  	_ =	strace @p0 $0x90000047  }
0x24c: {  	[bflag:$0x2] =	sbarrier.arrive @p0 $0xFFFF  }
0x24d: {  	_ =	shalt @p0  }
.LBB2_1:
0x24e: {  	v0 =	vimm.f32 $9.000000000e+00  }
0x24f: {  	(erf) = vrcp.f32 v0;
	_ =	sdelay $0x7  }
0x250: {  	s3 =	simm.s32 $0x12E0  }
0x251: {  	[tilespmem:s3], [sflag:$0x1] =	stream.linear.gather [hbm4b:s8+s2], $0x100, $0x38;
	v0 =	vpop (erf);
	[tilespmem:$0x1400] =	vst v63  }
0x252: {  	_ =	swait.ge [sflag:s5], $0x100  }
0x253: {  	[sflag:s5] =	ssyncset.done $0x0  }
0x254: {  	[sflag:s5] =	ssyncadd.s32 $0xFFFFFF00  }
0x255: {  	v5 =	vld [tilespmem:$0x12E0]  }
0x256: {  	v6 =	vld [tilespmem:$0x12F0];
	_ =	sdelay $0x1  }
0x257: {  	v8 =	vld [tilespmem:$0x1300];
	_ =	sdelay $0x1  }
0x258: {  	v9 =	vld [tilespmem:$0x1310]  }
0x259: {  	v5 =	vadd.f32 v6, v5  }
0x25a: {  	v23 =	vld [tilespmem:$0x1320]  }
0x25b: {  	v5 =	vadd.f32 v8, v5  }
0x25c: {  	v24 =	vld [tilespmem:$0x1330]  }
0x25d: {  	v5 =	vadd.f32 v9, v5  }
0x25e: {  	v25 =	vld [tilespmem:$0x1340]  }
0x25f: {  	v5 =	vadd.f32 v23, v5  }
0x260: {  	v26 =	vld [tilespmem:$0x1350]  }
0x261: {  	v5 =	vadd.f32 v24, v5  }
0x262: {  	v27 =	vld [tilespmem:$0x1360]  }
0x263: {  	v5 =	vadd.f32 v25, v5  }
0x264: {  	v28 =	vld [tilespmem:$0x1370]  }
0x265: {  	v5 =	vadd.f32 v26, v5  }
0x266: {  	v29 =	vld [tilespmem:$0x1380]  }
0x267: {  	v5 =	vadd.f32 v27, v5  }
0x268: {  	v30 =	vld [tilespmem:$0x1390]  }
0x269: {  	v5 =	vadd.f32 v28, v5  }
0x26a: {  	v31 =	vld [tilespmem:$0x13A0]  }
0x26b: {  	v5 =	vadd.f32 v29, v5  }
0x26c: {  	v32 =	vld [tilespmem:$0x13B0]  }
0x26d: {  	v5 =	vadd.f32 v30, v5  }
0x26e: {  	v33 =	vld [tilespmem:$0x13C0]  }
0x26f: {  	v5 =	vadd.f32 v31, v5  }
0x270: {  	v34 =	vld [tilespmem:$0x13D0]  }
0x271: {  	v5 =	vadd.f32 v32, v5;
	_ =	sdelay $0x1  }
0x272: {  	v1 =	vor.u32 $0x8, v1;
	v5 =	vadd.f32 v33, v5  }
0x273: {  	v35 =	vimm.s32 $0x2;
	v36 =	vimm.s32 $0x54376543  }
0x274: {  	vm0 =	vcmask $0x1B00;
	v37 =	vimm.s32 $0x27654321;
	v5 =	vadd.f32 v34, v5  }
0x275: {  	vm11 =	vcmask $0x331C;
	v10 =	vimm.s32 $0x44333322;
	v11 =	vimm.s32 $0x65765476  }
0x276: {  	s30 =	simm.s32 $0x13E0;
	v39 =	vimm.s32 $0x6050504;
	v8 =	vunpack.c.l.s4.s8 v36;
	v9 =	vunpack.c.l.s4.s8 v37;
	[tilespmem:$0x13E0] =	vst v5  }
0x277: {  	v12 =	vimm.s32 $0x7070607;
	vm1 =	vcmask $0x1F00;
	v10 =	vunpack.c.l.s4.s8 v10;
	v1 =	vld.idx.msk [tilespmem:v1+s30+$0x0], $0xffff  }
0x278: {  	v11 =	vunpack.c.l.s4.s8 v11;
	v8 =	vunpack.c.0.s8.s32 v8;
	v9 =	vunpack.c.0.s8.s32 v9  }
0x279: {  	v38 =	vunpack.c.0.s8.s32 v10;
	v10 =	vunpack.c.0.s8.s32 v39;
	v6 =	vsel vm0, $0x0, v35  }
0x27a: {  	v11 =	vunpack.c.0.s8.s32 v11;
	v6 =	vsel vm11, $0x1, v6;
	v8 =	vcombine.low v9, v8  }
0x27b: {  	vm12 =	vcmask $0x2F20;
	v12 =	vunpack.c.0.s8.s32 v12;
	v9 =	vnsel vm1, $0x0, v38  }
0x27c: {  	v41 =	vnsel vm1, $0x0, v11;
	v40 =	vsel vm12, v10, v9;
	v1 =	vmul.f32 v1, v5  }
0x27d: {  	v9 =	vsel vm12, v12, v41  }
0x27e: {  	s31 =	simm.s32 $0x13F0;
	[tilespmem:$0x13F0] =	vst v1  }
0x27f: {  	v1 =	vld.idx.msk [tilespmem:v6+s31+$0x0], $0xffff  }
0x280: {  	v42 =	vld.idx.msk [tilespmem:v8+s31+$0x0], $0xffff  }
0x281: {  	v5 =	vld.idx.msk [tilespmem:v40+s31+$0x0], $0xffff  }
0x282: {  	v43 =	vld.idx.msk [tilespmem:v9+s31+$0x0], $0xffff;
	_ =	sdelay $0x3  }
0x283: {  	v1 =	vadd.f32 v42, v1  }
0x284: {  	v5 =	vadd.f32 v43, v5  }
0x285: {  	v6 =	vshra.s32 v1, $0x1;
	v44 =	vmul.f32 $5.000000000e-01, v1  }
0x286: {  	v45 =	vshra.s32 v5, $0x1;
	v46 =	vmul.f32 $5.000000000e-01, v5;
	v6 =	vsub.s32 $0x5F3759DF, v6  }
0x287: {  	v9 =	vsub.s32 $0x5F3759DF, v45;
	v47 =	vmul.f32 v6, v44  }
0x288: {  	v48 =	vmul.f32 v9, v46  }
0x289: {  	v11 =	vmul.f32 v6, v47  }
0x28a: {  	v12 =	vmul.f32 v9, v48  }
0x28b: {  	v11 =	vsub.f32 $1.500000000e+00, v11  }
0x28c: {  	v12 =	vsub.f32 $1.500000000e+00, v12  }
0x28d: {  	v6 =	vmul.f32 v6, v11  }
0x28e: {  	v9 =	vmul.f32 v9, v12  }
0x28f: {  	v11 =	vmul.f32 v6, v44  }
0x290: {  	v12 =	vmul.f32 v9, v46  }
0x291: {  	v11 =	vmul.f32 v11, v6  }
0x292: {  	v12 =	vmul.f32 v12, v9  }
0x293: {  	v11 =	vsub.f32 $1.500000000e+00, v11  }
0x294: {  	v12 =	vsub.f32 $1.500000000e+00, v12  }
0x295: {  	v6 =	vmul.f32 v11, v6  }
0x296: {  	v9 =	vmul.f32 v12, v9  }
0x297: {  	v8 =	vmul.f32 v6, v44  }
0x298: {  	v10 =	vmul.f32 v9, v46  }
0x299: {  	v8 =	vmul.f32 v8, v6  }
0x29a: {  	v10 =	vmul.f32 v10, v9  }
0x29b: {  	v8 =	vsub.f32 $1.500000000e+00, v8  }
0x29c: {  	v10 =	vsub.f32 $1.500000000e+00, v10  }
0x29d: {  	v6 =	vmul.f32 v8, v6  }
0x29e: {  	v49 =	vmul.f32 v10, v9  }
0x29f: {  	v1 =	vmul.f32 v6, v1  }
0x2a0: {  	v5 =	vmul.f32 v49, v5  }
0x2a1: {  	v1 =	vsub.f32 $3.000000000e+00, v1  }
0x2a2: {  	v5 =	vsub.f32 $3.000000000e+00, v5  }
0x2a3: {  	v1 =	vmax.f32 v1, $0.0e+00  }
0x2a4: {  	v5 =	vmax.f32 v5, $0.0e+00;
	v1 =	vmul.f32 v1, v1  }
0x2a5: {  	v5 =	vmul.f32 v5, v5  }
0x2a6: {  	v1 =	vadd.f32 $1.000000000e+00, v1  }
0x2a7: {  	v5 =	vadd.f32 $1.000000000e+00, v5  }
0x2a8: {  	v50 =	vand.u32 $0x7FFFFF, v1  }
0x2a9: {  	v51 =	vand.u32 $0x7FFFFF, v5;
	v6 =	vor.u32 $0x3F800000, v50  }
0x2aa: {  	v8 =	vor.u32 $0x3F800000, v51;
	v52 =	vmul.f32 $5.000000000e-01, v6  }
0x2ab: {  	vm13 =	vgt.f32 v6, $1.414213540e+00;
	v53 =	vmul.f32 $5.000000000e-01, v8  }
0x2ac: {  	vm14 =	vgt.f32 v8, $1.414213540e+00;
	v6 =	vsel vm13, v52, v6  }
0x2ad: {  	v8 =	vsel vm14, v53, v8;
	v9 =	vadd.f32 $1.000000000e+00, v6  }
0x2ae: {  	v10 =	vadd.f32 $1.000000000e+00, v8  }
0x2af: {  	(erf) = vrcp.f32 v9  }
0x2b0: {  	(erf) = vrcp.f32 v10;
	_ =	sdelay $0x7  }
0x2b1: {  	v8 =	vadd.f32 $-1.000000000e+00, v8;
	v9 =	vpop (erf)  }
0x2b2: {  	v6 =	vadd.f32 $-1.000000000e+00, v6;
	v10 =	vpop (erf)  }
0x2b3: {  	v8 =	vmul.f32 v10, v8  }
0x2b4: {  	v6 =	vmul.f32 v9, v6  }
0x2b5: {  	v54 =	vmul.f32 v8, v8  }
0x2b6: {  	v55 =	vmul.f32 v6, v6  }
0x2b7: {  	v56 =	vmul.f32 v54, v0  }
0x2b8: {  	v0 =	vmul.f32 v55, v0  }
0x2b9: {  	v11 =	vadd.f32 $1.428571490e-01, v56  }
0x2ba: {  	v0 =	vadd.f32 $1.428571490e-01, v0  }
0x2bb: {  	v11 =	vmul.f32 v11, v54  }
0x2bc: {  	v0 =	vmul.f32 v0, v55  }
0x2bd: {  	v11 =	vadd.f32 $2.000000030e-01, v11  }
0x2be: {  	v0 =	vadd.f32 $2.000000030e-01, v0  }
0x2bf: {  	v57 =	vimm.f32 $0.0e+00;
	v11 =	vmul.f32 v11, v54  }
0x2c0: {  	v1 =	vshra.s32 v1, $0x17;
	v5 =	vshra.s32 v5, $0x17;
	v0 =	vmul.f32 v0, v55  }
0x2c1: {  	v1 =	vadd.s32 $0xFFFFFF81, v1;
	v5 =	vadd.s32 $0xFFFFFF81, v5;
	v11 =	vadd.f32 $3.333333430e-01, v11  }
0x2c2: {  	v1 =	vcvt.s32.f32 v1;
	v5 =	vcvt.s32.f32 v5;
	v0 =	vadd.f32 $3.333333430e-01, v0  }
0x2c3: {  	v58 =	vsel vm13, $0x3F800000, v57;
	v12 =	vsel vm14, $0x3F800000, v57;
	v9 =	vmul.f32 v11, v54  }
0x2c4: {  	v1 =	vadd.f32 v1, v58;
	v5 =	vadd.f32 v5, v12;
	v0 =	vmul.f32 v0, v55  }
0x2c5: {  	v8 =	vadd.f32 v8, v8;
	v9 =	vadd.f32 $1.000000000e+00, v9  }
0x2c6: {  	v6 =	vadd.f32 v6, v6;
	v0 =	vadd.f32 $1.000000000e+00, v0  }
0x2c7: {  	v5 =	vmul.f32 $6.931471820e-01, v5;
	v8 =	vmul.f32 v9, v8  }
0x2c8: {  	v1 =	vmul.f32 $6.931471820e-01, v1;
	v0 =	vmul.f32 v0, v6  }
0x2c9: {  	v5 =	vadd.f32 v8, v5  }
0x2ca: {  	vm15 =	vmmov $0xfff;
	v0 =	vadd.f32 v0, v1  }
0x2cb: {  	v59 =	vnsel vm15, $0x0, v5  }
0x2cc: {  	v0 =	vadd.f32 v59, v0;
	_ =	sdelay $0x1  }
0x2cd: {  	[tilespmem:$0x12C0] =	vst v0  }
0x2ce: {  	v60 =	vld.idx.msk [tilespmem:v2+s6+$0x0], $0xffff;
	_ =	sdelay $0x4  }
0x2cf: {  	v0 =	vadd.f32 v0, v60;
	_ =	sdelay $0x1  }
0x2d0: {  	[tilespmem:$0x12C0] =	vst v0  }
0x2d1: {  	v61 =	vld.idx.msk [tilespmem:v3+s6+$0x0], $0xffff;
	_ =	sdelay $0x4  }
0x2d2: {  	v0 =	vadd.f32 v0, v61;
	_ =	sdelay $0x1  }
0x2d3: {  	[tilespmem:$0x12C0] =	vst v0  }
0x2d4: {  	v62 =	vld.idx.msk [tilespmem:v4+s6+$0x0], $0xffff;
	_ =	sdelay $0x4  }
0x2d5: {  	v0 =	vadd.f32 v0, v62;
	_ =	sdelay $0x1  }
0x2d6: {  	[tilespmem:$0x12C0] =	vst v0  }
0x2d7: {  	v63 =	vld.idx.msk [tilespmem:v7+s6+$0x0], $0xffff;
	_ =	sdelay $0x4  }
0x2d8: {  	v0 =	vadd.f32 v0, v63;
	_ =	sdelay $0x1  }
0x2d9: {  	v0 =	vmul.f32 $8.750000000e-01, v0;
	_ =	sdelay $0x1  }
0x2da: {  	[tilespmem:$0x12D0] =	vst v0  }
0x2db: {  	[hbm4b:s1+s2] =	stream.linear.scatter [tilespmem:s7], [sflag:$0x2], $0x10, $0x38;
	[tilespmem:$0x1400] =	vst v63  }
0x2dc: {  	_ =	swait.ge [sflag:s4], $0x10  }
0x2dd: {  	[sflag:s4] =	ssyncset.done $0x0  }
0x2de: {  	[sflag:s4] =	ssyncadd.s32 $0xFFFFFFF0  }
0x2df: {  	_ =	sfence.sel $0x180000  }
0x2e0: {  	[bflag:$0x0] =	sbarrier.arrive $0xFFFF  }
0x2e1: {  	_ =	strace $0x90000047  }
0x2e2: {  	s0 =	sadd.s32 $0x100000, s0;
	[bflag:$0x2] =	sbarrier.arrive $0xFFFF  }
0x2e3: {  	[sflag:s0] =	ssyncadd.tile.s32 $0x1;
	_ =	shalt  }
.Lfunc_end2:
_tile_overlayer_lowered:
.L_overlay_start_2:
0x2e4: {  	(tag) =	ssettag $0x2  }
0x2e5: {  	s0 =	rddreg [dreg:$0x0];
	s2 =	stileid.u32  }
0x2e6: {  	s1 =	rddreg [dreg:$0x1];
	p0 =	sne.s32 s2, $0x0  }
0x2e7: {  	s3 =	rddreg [dreg:$0x2];
	[bflag:$0x3] =	sbarrier.arrive $0xFFFF;
	s2 =	simm.s32 @!p0 $0x1C02  }
0x2e8: {  	[timem:s3], [sflag:s2] =	dma.local @!p0 [hbm:s0], s1  }
0x2e9: {  	s0 =	simm.s32 @!p0 $0x2  }
0x2ea: {  	_ =	swait.ge @!p0 [sflag:s0], s1  }
0x2eb: {  	s1 =	ssub.s32 @!p0 $0x0, s1;
	[sflag:s0] =	ssyncset.done @!p0 $0x0  }
0x2ec: {  	[sflag:s0] =	ssyncadd.s32 @!p0 s1  }
0x2ed: {  	[bflag:$0x3] =	sbarrier.arrive $0xFFFF  }
0x2ee: {  	_ =	shalt  }

</sc_bundles>
